<compile_context>
chip_gen: v7x
topology: tpu7x:2x2x1
jax: 0.10.2.dev20260603
libtpu: 0.0.44.dev20260713+nightly
codegen_flags: <defaults>
</compile_context>

<pallas_src>
import functools

import jax
import jax.numpy as jnp
from jax import lax
from jax.experimental import pallas as pl
from jax.experimental.pallas import tpu as pltpu
from jax.experimental.pallas import tpu_sc as plsc

N = 50000
E = 800000
DA = 128
DE = 64
H = 4

EROWS = E // 128
ROWPAD = 6283
NW = 32
UNITS = 782
GUPW, GREM = divmod(UNITS, NW)
SUPW, SREM = divmod(UNITS, 16)
QTR = 12512
NPAD = 4 * QTR
FCH = 32
FCHUNKS = QTR // FCH
FPW, FREM = divmod(FCHUNKS, 16)
SSEG = 56
NSEG = -(-(SUPW + 1) * 8 // SSEG)


def _silu(z):
    return z * (1.0 / (1.0 + jnp.exp(-z)))


def _down_body(x_ref, wht_ref, bh_ref, o_ref):
    z = jnp.dot(x_ref[...], wht_ref[...], preferred_element_type=jnp.float32)
    o_ref[...] = _silu(z + bh_ref[...])


def _node_down(x, WhT, bh2):
    return pl.pallas_call(
        _down_body,
        grid=(25,),
        in_specs=[
            pl.BlockSpec((2000, DA), lambda i: (i, 0)),
            pl.BlockSpec((DA, DE), lambda i: (0, 0)),
            pl.BlockSpec((1, DE), lambda i: (0, 0)),
        ],
        out_specs=pl.BlockSpec((2000, DE), lambda i: (i, 0)),
        out_shape=jax.ShapeDtypeStruct((N, DE), jnp.float32),
    )(x, WhT, bh2)


def _sc_gather(x_down, src2d, dst2d):
    mesh = plsc.VectorSubcoreMesh(core_axis_name="c", subcore_axis_name="s")

    @functools.partial(
        pl.kernel,
        mesh=mesh,
        compiler_params=pltpu.CompilerParams(use_tc_tiling_on_sc=False),
        out_type=[
            jax.ShapeDtypeStruct((E, DE), jnp.float32),
            jax.ShapeDtypeStruct((E, DE), jnp.float32),
        ],
        scratch_types=[
            pltpu.VMEM(((GUPW + 1) * 8, 128), jnp.int32),
            pltpu.VMEM(((GUPW + 1) * 8, 128), jnp.int32),
            pltpu.VMEM((128, DE), jnp.float32),
            pltpu.VMEM((128, DE), jnp.float32),
            pltpu.VMEM((128, DE), jnp.float32),
            pltpu.VMEM((128, DE), jnp.float32),
            pltpu.SemaphoreType.DMA,
            pltpu.SemaphoreType.DMA,
            pltpu.SemaphoreType.DMA,
            pltpu.SemaphoreType.DMA,
        ],
    )
    def k(xdn, srcr, dstr, xj_out, xi_out, sidx, didx,
          s0, d0, s1, d1, ss0, sd0, ss1, sd1):
        c = lax.axis_index("c")
        s = lax.axis_index("s")
        wid = c * 16 + s
        base = (wid * GUPW + jnp.minimum(wid, GREM)) * 8
        nrows = (GUPW + jnp.where(wid < GREM, 1, 0)) * 8
        nrows = jnp.maximum(jnp.minimum(base + nrows, EROWS) - base, 0)
        pltpu.sync_copy(srcr.at[pl.ds(base, (GUPW + 1) * 8), :], sidx)
        pltpu.sync_copy(dstr.at[pl.ds(base, (GUPW + 1) * 8), :], didx)

        def fire0(j):
            pltpu.async_copy(xdn.at[sidx.at[j]], s0, ss0)
            pltpu.async_copy(xdn.at[didx.at[j]], d0, sd0)

        def fire1(j):
            pltpu.async_copy(xdn.at[sidx.at[j]], s1, ss1)
            pltpu.async_copy(xdn.at[didx.at[j]], d1, sd1)

        @pl.when(nrows > 0)
        def _():
            fire0(0)

        def body(jj, carry):
            j0 = 2 * jj
            j1 = 2 * jj + 1

            @pl.when(j0 < nrows)
            def _():
                pltpu.make_async_copy(xdn.at[sidx.at[0]], s0, ss0).wait()
                pltpu.make_async_copy(xdn.at[didx.at[0]], d0, sd0).wait()

                @pl.when(j1 < nrows)
                def _():
                    fire1(j1)

                erow = (base + j0) * 128
                pltpu.sync_copy(s0, xj_out.at[pl.ds(erow, 128), :])
                pltpu.sync_copy(d0, xi_out.at[pl.ds(erow, 128), :])

            @pl.when(j1 < nrows)
            def _():
                pltpu.make_async_copy(xdn.at[sidx.at[0]], s1, ss1).wait()
                pltpu.make_async_copy(xdn.at[didx.at[0]], d1, sd1).wait()

                @pl.when(j1 + 1 < nrows)
                def _():
                    fire0(j1 + 1)

                erow = (base + j1) * 128
                pltpu.sync_copy(s1, xj_out.at[pl.ds(erow, 128), :])
                pltpu.sync_copy(d1, xi_out.at[pl.ds(erow, 128), :])

            return carry

        lax.fori_loop(0, (nrows + 1) // 2, body, 0)

    return k(x_down, src2d, dst2d)


def _edgeA_body(xi_ref, xj_ref, ea_ref, ex_ref, wmt_ref, watt_ref,
                y_ref, alpha_ref, stats_ref):
    xi = xi_ref[...]
    xj = xj_ref[...]
    ea = ea_ref[...]
    mpre = xi * xj * ea
    y = jnp.dot(mpre, wmt_ref[...], preferred_element_type=jnp.float32)
    y_ref[...] = y
    s1 = jnp.sum(y, axis=0, keepdims=True)
    s2 = jnp.sum(y * y, axis=0, keepdims=True)
    upd = jnp.concatenate([s1, s2, jnp.zeros((6, DE), jnp.float32)], axis=0)

    @pl.when(pl.program_id(0) == 0)
    def _():
        stats_ref[...] = jnp.zeros_like(stats_ref)

    stats_ref[...] += upd

    w = ea * ex_ref[...]
    vs = []
    for h in range(H):
        ai = jnp.dot(xi, watt_ref[h], preferred_element_type=jnp.float32)
        aj = jnp.dot(xj, watt_ref[h], preferred_element_type=jnp.float32)
        vs.append(jnp.mean(ai * aj * w, axis=1, keepdims=True))
    v = jnp.concatenate(vs, axis=1)
    alpha_ref[...] = v - jnp.tanh(v)


def _edge_a(xi, xj, ea, ex, WmT, WattT):
    R = 3200
    return pl.pallas_call(
        _edgeA_body,
        grid=(E // R,),
        in_specs=[
            pl.BlockSpec((R, DE), lambda i: (i, 0)),
            pl.BlockSpec((R, DE), lambda i: (i, 0)),
            pl.BlockSpec((R, DE), lambda i: (i, 0)),
            pl.BlockSpec((R, DE), lambda i: (i, 0)),
            pl.BlockSpec((DE, DE), lambda i: (0, 0)),
            pl.BlockSpec((H, DE, DE), lambda i: (0, 0, 0)),
        ],
        out_specs=[
            pl.BlockSpec((R, DE), lambda i: (i, 0)),
            pl.BlockSpec((R, H), lambda i: (i, 0)),
            pl.BlockSpec((8, DE), lambda i: (0, 0)),
        ],
        out_shape=[
            jax.ShapeDtypeStruct((E, DE), jnp.float32),
            jax.ShapeDtypeStruct((E, H), jnp.float32),
            jax.ShapeDtypeStruct((8, DE), jnp.float32),
        ],
    )(xi, xj, ea, ex, WmT, WattT)


def _edgeB_body(y_ref, alpha_ref, wdet_ref, wdht_ref, smtm_ref,
                epre_ref, q_ref, estats_ref):
    y = y_ref[...]
    m = _silu(smtm_ref[0:1, :] * y + smtm_ref[1:2, :])
    epre = jnp.dot(m, wdet_ref[...], preferred_element_type=jnp.float32)
    epre_ref[...] = epre
    s1 = jnp.sum(epre, axis=0, keepdims=True)
    s2 = jnp.sum(epre * epre, axis=0, keepdims=True)
    upd = jnp.concatenate([s1, s2, jnp.zeros((6, DE), jnp.float32)], axis=0)

    @pl.when(pl.program_id(0) == 0)
    def _():
        estats_ref[...] = jnp.zeros_like(estats_ref)

    estats_ref[...] += upd

    alpha = alpha_ref[...]
    u = jnp.concatenate([alpha[:, h:h + 1] * m for h in range(H)], axis=1)
    q_ref[...] = jnp.dot(u, wdht_ref[...], preferred_element_type=jnp.float32)


def _edge_b(y, alpha, WdeT, WdhT, smtm):
    R = 3200
    return pl.pallas_call(
        _edgeB_body,
        grid=(E // R,),
        in_specs=[
            pl.BlockSpec((R, DE), lambda i: (i, 0)),
            pl.BlockSpec((R, H), lambda i: (i, 0)),
            pl.BlockSpec((DE, DE), lambda i: (0, 0)),
            pl.BlockSpec((H * DE, DA), lambda i: (0, 0)),
            pl.BlockSpec((2, DE), lambda i: (0, 0)),
        ],
        out_specs=[
            pl.BlockSpec((R, DE), lambda i: (i, 0)),
            pl.BlockSpec((R, DA), lambda i: (i, 0)),
            pl.BlockSpec((8, DE), lambda i: (0, 0)),
        ],
        out_shape=[
            jax.ShapeDtypeStruct((E, DE), jnp.float32),
            jax.ShapeDtypeStruct((E, DA), jnp.float32),
            jax.ShapeDtypeStruct((8, DE), jnp.float32),
        ],
    )(y, alpha, WdeT, WdhT, smtm)


def _sc_scatter(q, dst2d):
    mesh = plsc.VectorSubcoreMesh(core_axis_name="c", subcore_axis_name="s")

    @functools.partial(
        pl.kernel,
        mesh=mesh,
        compiler_params=pltpu.CompilerParams(needs_layout_passes=False),
        out_type=jax.ShapeDtypeStruct((NPAD, DA), jnp.float32),
        scratch_types=[
            pltpu.VMEM_SHARED((QTR + 8, DA), jnp.float32),
            pltpu.VMEM((SSEG, 128), jnp.int32),
            pltpu.VMEM((64, DA), jnp.float32),
            pltpu.VMEM((2, 64), jnp.int32),
            pltpu.VMEM((2, 64), jnp.int32),
            pltpu.VMEM((FCH, DA), jnp.float32),
            pltpu.SemaphoreType.DMA,
        ],
    )
    def k(q_hbm, dstr, outp, acc, dstrows, qbuf, ebuf, lbuf, fbuf, gsem):
        c = lax.axis_index("c")
        s = lax.axis_index("s")
        base = (s * SUPW + jnp.minimum(s, SREM)) * 8
        nrows = (SUPW + jnp.where(s < SREM, 1, 0)) * 8
        nrows = jnp.maximum(jnp.minimum(base + nrows, EROWS) - base, 0)
        cbase = s * FPW + jnp.minimum(s, FREM)
        nch = FPW + jnp.where(s < FREM, 1, 0)

        z16 = jnp.zeros((16,), jnp.float32)
        zi16 = jnp.zeros((16,), jnp.int32)
        iota = lax.iota(jnp.int32, 16)

        def zrow(i, carry):
            for t in range(8):
                fbuf[i, pl.ds(t * 16, 16)] = z16
            return carry

        def flush(slot):
            pltpu.async_copy(q_hbm.at[ebuf.at[slot]], qbuf, gsem).wait()
            pltpu.sync_copy(qbuf, acc.at[lbuf.at[slot]], add=True)

        for r in range(2):
            qtr = 2 * c + r
            lo = qtr * QTR
            lax.fori_loop(0, FCH, zrow, 0)

            def zch(i, carry):
                pltpu.sync_copy(
                    fbuf, acc.at[pl.ds((cbase + i) * FCH, FCH), :])
                return carry

            lax.fori_loop(0, nch, zch, 0)
            for sl in range(2):
                for t in range(4):
                    ebuf[sl, pl.ds(t * 16, 16)] = zi16
                    lbuf[sl, pl.ds(t * 16, 16)] = zi16 + QTR

            plsc.subcore_barrier()

            def seg(g, carry):
                pltpu.sync_copy(
                    dstr.at[pl.ds(base + g * SSEG, SSEG), :], dstrows)
                nj = jnp.maximum(jnp.minimum(nrows - g * SSEG, SSEG), 0)

                def body(j, cn):
                    cnt, nfl = cn
                    ebase = (base + g * SSEG + j) * 128
                    for t in range(8):
                        d = dstrows[j, pl.ds(t * 16, 16)]
                        msk = (d >= lo) & (d < lo + QTR)
                        inc = jnp.where(msk, 1, 0).astype(jnp.int32)
                        pos = cnt + jnp.cumsum(inc) - 1
                        pr = lax.rem(pos, 128)
                        row = lax.shift_right_logical(pr, 6)
                        col = lax.rem(pr, 64)
                        eid = ebase + t * 16 + iota
                        plsc.store_scatter(ebuf, [row, col], eid, mask=msk)
                        plsc.store_scatter(
                            lbuf, [row, col], d - lo, mask=msk)
                        cnt = cnt + jnp.sum(inc)
                        do_flush = cnt - nfl >= 64
                        slot = lax.rem(lax.shift_right_logical(nfl, 6), 2)

                        @pl.when(do_flush)
                        def _():
                            flush(slot)

                        nfl = nfl + jnp.where(do_flush, 64, 0)
                    return (cnt, nfl)

                return lax.fori_loop(0, nj, body, carry)

            cnt, nfl = lax.fori_loop(
                0, NSEG, seg, (jnp.int32(0), jnp.int32(0)))
            rem = cnt - nfl

            @pl.when(rem > 0)
            def _():
                slot = lax.rem(lax.shift_right_logical(nfl, 6), 2)
                for t in range(4):
                    lane = t * 16 + iota
                    cur = lbuf[slot, pl.ds(t * 16, 16)]
                    lbuf[slot, pl.ds(t * 16, 16)] = jnp.where(
                        lane < rem, cur, QTR)
                flush(slot)

            plsc.subcore_barrier()

            def fch(i, carry):
                off = (cbase + i) * FCH
                pltpu.sync_copy(acc.at[pl.ds(off, FCH), :], fbuf)
                pltpu.sync_copy(fbuf, outp.at[pl.ds(lo + off, FCH), :])
                return carry

            lax.fori_loop(0, nch, fch, 0)
            plsc.subcore_barrier()

    return k(q, dst2d)


def _ostats_body(op_ref, stats_ref):
    op = op_ref[...]
    s1 = jnp.sum(op, axis=0, keepdims=True)
    s2 = jnp.sum(op * op, axis=0, keepdims=True)
    upd = jnp.concatenate([s1, s2, jnp.zeros((6, DA), jnp.float32)], axis=0)

    @pl.when(pl.program_id(0) == 0)
    def _():
        stats_ref[...] = jnp.zeros_like(stats_ref)

    stats_ref[...] += upd


def _out_stats(outp):
    return pl.pallas_call(
        _ostats_body,
        grid=(16,),
        in_specs=[pl.BlockSpec((NPAD // 16, DA), lambda i: (i, 0))],
        out_specs=pl.BlockSpec((8, DA), lambda i: (0, 0)),
        out_shape=jax.ShapeDtypeStruct((8, DA), jnp.float32),
    )(outp)


def _final_body(op_ref, x_ref, soto_ref, o_ref):
    o = _silu(soto_ref[0:1, :] * op_ref[...] + soto_ref[1:2, :])
    o_ref[...] = x_ref[...] + o


def _final_x(outp, x, soto):
    return pl.pallas_call(
        _final_body,
        grid=(25,),
        in_specs=[
            pl.BlockSpec((2000, DA), lambda i: (i, 0)),
            pl.BlockSpec((2000, DA), lambda i: (i, 0)),
            pl.BlockSpec((2, DA), lambda i: (0, 0)),
        ],
        out_specs=pl.BlockSpec((2000, DA), lambda i: (i, 0)),
        out_shape=jax.ShapeDtypeStruct((N, DA), jnp.float32),
    )(outp, x, soto)


def _e_body(ep_ref, sete_ref, e_ref):
    e_ref[...] = _silu(sete_ref[0:1, :] * ep_ref[...] + sete_ref[1:2, :])


def _final_e(epre, sete):
    return pl.pallas_call(
        _e_body,
        grid=(100,),
        in_specs=[
            pl.BlockSpec((8000, DE), lambda i: (i, 0)),
            pl.BlockSpec((2, DE), lambda i: (0, 0)),
        ],
        out_specs=pl.BlockSpec((8000, DE), lambda i: (i, 0)),
        out_shape=jax.ShapeDtypeStruct((E, DE), jnp.float32),
    )(epre, sete)


def _bn_coeffs(s1, s2, count, g, beta):
    mu = s1 / count
    var = s2 / count - mu * mu
    s = g / jnp.sqrt(var + 1e-5)
    return s, beta - mu * s


def kernel(x, edge_attr, edge_aux, edge_index, Wh, bh, Wm, bm, gm, betam,
           Watt, Wdh, bdh, gdh, betadh, Wde, bde, gde, betade):
    ei = edge_index.astype(jnp.int32)
    src2d = jnp.pad(ei[0].reshape(EROWS, 128), ((0, NW + 1), (0, 0)))
    dst2d = jnp.pad(ei[1].reshape(EROWS, 128), ((0, NW + 1), (0, 0)))

    x_down = _node_down(x, Wh.T, bh.reshape(1, DE))
    xj, xi = _sc_gather(x_down, src2d, dst2d)

    y, alpha, mstats = _edge_a(xi, xj, edge_attr, edge_aux, Wm.T,
                               jnp.transpose(Watt, (0, 2, 1)))
    sm, tm = _bn_coeffs(mstats[0], mstats[1], E, gm, betam)
    smtm = jnp.stack([sm, tm])

    epre, q, estats = _edge_b(y, alpha, Wde.T, Wdh.T, smtm)
    se, te = _bn_coeffs(estats[0], estats[1], E, gde, betade)
    e = _final_e(epre, jnp.stack([se, te]))

    outp = _sc_scatter(q, dst2d)
    ostats = _out_stats(outp)
    so, to = _bn_coeffs(ostats[0], ostats[1], N, gdh, betadh)
    x_out = _final_x(outp, x, jnp.stack([so, to]))
    return (x_out, e)

# --- scband reference (transcript-rebuilt; emitter-appended) ---
"""Pipeline reference for scband-interaction-block-9131100471465 (READ-ONLY COPY).

The authoritative reference and input builder live on the scoring server;
editing this copy changes nothing except your own understanding.
"""

import jax, jax.numpy as jnp
import numpy as np

N = 50000
E = 800000
DA = 128
DE = 64
H = 4


def _dense_bn_silu(x, W, b, g, beta):
    y = x @ W.T + b
    mu = jnp.mean(y, axis=0)
    var = jnp.var(y, axis=0)
    y = (y - mu) / jnp.sqrt(var + 1e-5)
    return jax.nn.silu(g * y + beta)


def _tanhshrink(v):
    return v - jnp.tanh(v)


def setup_inputs(seed: int = 0):
    key = jax.random.key(seed)
    ks = jax.random.split(key, 16)
    inp = {}
    inp["x"] = jax.random.normal(ks[0], (N, DA), dtype=jnp.float32)
    inp["edge_attr"] = jax.random.normal(ks[1], (E, DE), dtype=jnp.float32) * 0.1
    inp["edge_aux"] = jax.random.normal(ks[2], (E, DE), dtype=jnp.float32) * 0.1
    inp["edge_index"] = jax.random.randint(ks[3], (2, E), 0, N)
    inp["Wh"] = jax.random.normal(ks[4], (DE, DA), dtype=jnp.float32) / np.sqrt(DA)
    inp["bh"] = jnp.zeros((DE,), dtype=jnp.float32)
    inp["Wm"] = jax.random.normal(ks[5], (DE, DE), dtype=jnp.float32) / np.sqrt(DE)
    inp["bm"] = jnp.zeros((DE,), dtype=jnp.float32)
    inp["gm"] = jnp.ones((DE,), dtype=jnp.float32)
    inp["betam"] = jnp.zeros((DE,), dtype=jnp.float32)
    inp["Watt"] = jax.random.normal(ks[6], (H, DE, DE), dtype=jnp.float32) / np.sqrt(DE)
    inp["Wdh"] = jax.random.normal(ks[7], (DA, DE * H), dtype=jnp.float32) / np.sqrt(DE * H)
    inp["bdh"] = jnp.zeros((DA,), dtype=jnp.float32)
    inp["gdh"] = jnp.ones((DA,), dtype=jnp.float32)
    inp["betadh"] = jnp.zeros((DA,), dtype=jnp.float32)
    inp["Wde"] = jax.random.normal(ks[8], (DE, DE), dtype=jnp.float32) / np.sqrt(DE)
    inp["bde"] = jnp.zeros((DE,), dtype=jnp.float32)
    inp["gde"] = jnp.ones((DE,), dtype=jnp.float32)
    inp["betade"] = jnp.zeros((DE,), dtype=jnp.float32)
    return inp


def reference(x, edge_attr, edge_aux, edge_index, Wh, bh, Wm, bm, gm, betam, Watt, Wdh, bdh, gdh, betadh, Wde, bde, gde, betade):
    src = edge_index[0]
    dst = edge_index[1]
    # h_down: DenseLayer(emb_size_atom, emb_size_edge, act=SiLU), no batch norm
    x_down = jax.nn.silu(x @ Wh.T + bh)
    x_j = x_down[src]
    x_i = x_down[dst]
    # m_dense: DenseLayer with batch norm + SiLU
    m = _dense_bn_silu(x_i * x_j * edge_attr, Wm, bm, gm, betam)
    outs = []
    for h in range(H):
        ai = x_i @ Watt[h].T
        aj = x_j @ Watt[h].T
        alpha = _tanhshrink(jnp.mean(ai * aj * edge_attr * edge_aux, axis=-1, keepdims=True))
        outs.append(jax.ops.segment_sum(alpha * m, dst, num_segments=x.shape[0]))
    m_att = jnp.concatenate(outs, axis=-1)
    out = _dense_bn_silu(m_att, Wdh, bdh, gdh, betadh)
    e = _dense_bn_silu(m, Wde, bde, gde, betade)
    return (x + out, e)

if __name__ == "__main__":
    import jax
    _d = setup_inputs()
    print(jax.jit(kernel)(*tuple(_d.values())))

</pallas_src>

<mosaic_0001>
#map = affine_map<(d0, d1) -> (0, 0)>
module attributes {stable_mosaic.version = 14 : i64} {
  func.func @k(%arg0: i32, %arg1: i32, %arg2: memref<800000x128xf32, #tpu.memory_space<hbm>>, %arg3: memref<6283x128xi32, #tpu.memory_space<hbm>>, %arg4: memref<50048x128xf32, #tpu.memory_space<hbm>>, %arg5: memref<12520x128xf32, #tpu.memory_space<vmem_shared>>, %arg6: memref<56x128xi32, #tpu.memory_space<vmem>>, %arg7: memref<64x128xf32, #tpu.memory_space<vmem>>, %arg8: memref<2x64xi32, #tpu.memory_space<vmem>>, %arg9: memref<2x64xi32, #tpu.memory_space<vmem>>, %arg10: memref<32x128xf32, #tpu.memory_space<vmem>>, %arg11: memref<!tpu.dma_semaphore, #tpu.memory_space<semaphore_mem>>) attributes {dimension_semantics = [#tpu.dimension_semantics<core_parallel>, #tpu.dimension_semantics<subcore_parallel>], iteration_bounds = array<i64: 2, 16>, scalar_prefetch = 0 : i64, scratch_operands = 7 : i64, tpu.core_type = #tpu.core_type<sc_vector_subcore>, window_params = [{transform_indices = #map}, {transform_indices = #map}, {transform_indices = #map}]} {
    %mul3A = arith.constant 48 : i32
    %mul3A_0 = arith.muli %arg1, %mul3A : i32
    %min3A = arith.constant 14 : i32
    %min3A_1 = arith.minsi %arg1, %min3A : i32
    %add3A = arith.addi %mul3A_0, %min3A_1 : i32
    %mul3A_2 = arith.constant 8 : i32
    %mul3A_3 = arith.muli %add3A, %mul3A_2 : i32
    %lt3A = arith.constant 14 : i32
    %lt3A_4 = arith.cmpi slt, %arg1, %lt3A : i32
    %jit3A = arith.constant 1 : i32
    %jit3A_5 = arith.constant 0 : i32
    %select_n3A = arith.select %lt3A_4, %jit3A, %jit3A_5 : i32
    %add3A_6 = arith.constant 48 : i32
    %add3A_7 = arith.addi %add3A_6, %select_n3A : i32
    %mul3A_8 = arith.constant 8 : i32
    %mul3A_9 = arith.muli %add3A_7, %mul3A_8 : i32
    %add3A_10 = arith.addi %mul3A_3, %mul3A_9 : i32
    %min3A_11 = arith.constant 6250 : i32
    %min3A_12 = arith.minsi %add3A_10, %min3A_11 : i32
    %sub3A = arith.subi %min3A_12, %mul3A_3 : i32
    %max3A = arith.constant 0 : i32
    %max3A_13 = arith.maxsi %sub3A, %max3A : i32
    %mul3A_14 = arith.constant 24 : i32
    %mul3A_15 = arith.muli %arg1, %mul3A_14 : i32
    %min3A_16 = arith.constant 7 : i32
    %min3A_17 = arith.minsi %arg1, %min3A_16 : i32
    %add3A_18 = arith.addi %mul3A_15, %min3A_17 : i32
    %lt3A_19 = arith.constant 7 : i32
    %lt3A_20 = arith.cmpi slt, %arg1, %lt3A_19 : i32
    %jit3A_21 = arith.constant 1 : i32
    %jit3A_22 = arith.constant 0 : i32
    %select_n3A_23 = arith.select %lt3A_20, %jit3A_21, %jit3A_22 : i32
    %add3A_24 = arith.constant 24 : i32
    %add3A_25 = arith.addi %add3A_24, %select_n3A_23 : i32
    %broadcast_in_dim3A = arith.constant 0.000000e+00 : f32
    %broadcast_in_dim3A_26 = vector.broadcast %broadcast_in_dim3A : f32 to vector<16xf32>
    %broadcast_in_dim3A_27 = arith.constant 0 : i32
    %broadcast_in_dim3A_28 = vector.broadcast %broadcast_in_dim3A_27 : i32 to vector<16xi32>
    %iota3A = tpu.iota {dimensions = array<i32: 0>} : vector<16xi32>
    %mul3A_29 = arith.constant 2 : i32
    %mul3A_30 = arith.muli %mul3A_29, %arg0 : i32
    %add3A_31 = arith.constant 0 : i32
    %add3A_32 = arith.addi %mul3A_30, %add3A_31 : i32
    %mul3A_33 = arith.constant 12512 : i32
    %mul3A_34 = arith.muli %add3A_32, %mul3A_33 : i32
    %scan3A = arith.constant 0 : i32
    %scan3A_35 = arith.constant 0 : i32
    %scan3A_36 = arith.constant 32 : i32
    %scan3A_37 = arith.addi %scan3A_35, %scan3A_36 : i32
    %scan3A_38 = arith.constant 1 : i32
    scf.for %scan3A_296 = %scan3A_35 to %scan3A_37 step %scan3A_38  : i32 {
      %swap3A_297 = arith.index_cast %scan3A_296 : i32 to index
      %swap3A_298 = arith.constant 0 : index
      %swap3A_299 = tpu.vector_load %arg10[%swap3A_297, %swap3A_298] {strides = array<i32>} : memref<32x128xf32, #tpu.memory_space<vmem>>, vector<16xf32>,
      tpu.vector_store %arg10[%swap3A_297, %swap3A_298], %broadcast_in_dim3A_26 {strides = array<i32>} : memref<32x128xf32, #tpu.memory_space<vmem>>, vector<16xf32>,
      %swap3A_300 = arith.index_cast %scan3A_296 : i32 to index
      %swap3A_301 = arith.constant 16 : index
      %swap3A_302 = tpu.vector_load %arg10[%swap3A_300, %swap3A_301] {strides = array<i32>} : memref<32x128xf32, #tpu.memory_space<vmem>>, vector<16xf32>,
      tpu.vector_store %arg10[%swap3A_300, %swap3A_301], %broadcast_in_dim3A_26 {strides = array<i32>} : memref<32x128xf32, #tpu.memory_space<vmem>>, vector<16xf32>,
      %swap3A_303 = arith.index_cast %scan3A_296 : i32 to index
      %swap3A_304 = arith.constant 32 : index
      %swap3A_305 = tpu.vector_load %arg10[%swap3A_303, %swap3A_304] {strides = array<i32>} : memref<32x128xf32, #tpu.memory_space<vmem>>, vector<16xf32>,
      tpu.vector_store %arg10[%swap3A_303, %swap3A_304], %broadcast_in_dim3A_26 {strides = array<i32>} : memref<32x128xf32, #tpu.memory_space<vmem>>, vector<16xf32>,
      %swap3A_306 = arith.index_cast %scan3A_296 : i32 to index
      %swap3A_307 = arith.constant 48 : index
      %swap3A_308 = tpu.vector_load %arg10[%swap3A_306, %swap3A_307] {strides = array<i32>} : memref<32x128xf32, #tpu.memory_space<vmem>>, vector<16xf32>,
      tpu.vector_store %arg10[%swap3A_306, %swap3A_307], %broadcast_in_dim3A_26 {strides = array<i32>} : memref<32x128xf32, #tpu.memory_space<vmem>>, vector<16xf32>,
      %swap3A_309 = arith.index_cast %scan3A_296 : i32 to index
      %swap3A_310 = arith.constant 64 : index
      %swap3A_311 = tpu.vector_load %arg10[%swap3A_309, %swap3A_310] {strides = array<i32>} : memref<32x128xf32, #tpu.memory_space<vmem>>, vector<16xf32>,
      tpu.vector_store %arg10[%swap3A_309, %swap3A_310], %broadcast_in_dim3A_26 {strides = array<i32>} : memref<32x128xf32, #tpu.memory_space<vmem>>, vector<16xf32>,
      %swap3A_312 = arith.index_cast %scan3A_296 : i32 to index
      %swap3A_313 = arith.constant 80 : index
      %swap3A_314 = tpu.vector_load %arg10[%swap3A_312, %swap3A_313] {strides = array<i32>} : memref<32x128xf32, #tpu.memory_space<vmem>>, vector<16xf32>,
      tpu.vector_store %arg10[%swap3A_312, %swap3A_313], %broadcast_in_dim3A_26 {strides = array<i32>} : memref<32x128xf32, #tpu.memory_space<vmem>>, vector<16xf32>,
      %swap3A_315 = arith.index_cast %scan3A_296 : i32 to index
      %swap3A_316 = arith.constant 96 : index
      %swap3A_317 = tpu.vector_load %arg10[%swap3A_315, %swap3A_316] {strides = array<i32>} : memref<32x128xf32, #tpu.memory_space<vmem>>, vector<16xf32>,
      tpu.vector_store %arg10[%swap3A_315, %swap3A_316], %broadcast_in_dim3A_26 {strides = array<i32>} : memref<32x128xf32, #tpu.memory_space<vmem>>, vector<16xf32>,
      %swap3A_318 = arith.index_cast %scan3A_296 : i32 to index
      %swap3A_319 = arith.constant 112 : index
      %swap3A_320 = tpu.vector_load %arg10[%swap3A_318, %swap3A_319] {strides = array<i32>} : memref<32x128xf32, #tpu.memory_space<vmem>>, vector<16xf32>,
      tpu.vector_store %arg10[%swap3A_318, %swap3A_319], %broadcast_in_dim3A_26 {strides = array<i32>} : memref<32x128xf32, #tpu.memory_space<vmem>>, vector<16xf32>,
    }
    %scan3A_39 = arith.constant 32 : i32
    %while3A = arith.constant 0 : i32
    %while3A_40 = arith.constant 0 : i32
    %while3A_41 = arith.subi %add3A_25, %while3A_40 : i32
    %while3A_42 = arith.addi %while3A_40, %while3A_41 : i32
    %while3A_43 = arith.constant 1 : i32
    %while3A_44 = arith.divsi %while3A_41, %while3A_43 : i32
    %while3A_45 = arith.muli %while3A_44, %while3A_43 : i32
    %while3A_46 = arith.addi %while3A_40, %while3A_45 : i32
    %while3A_47 = arith.constant 1 : i32
    scf.for %while3A_296 = %while3A_40 to %while3A_46 step %while3A_47  : i32 {
      %add3A_297 = arith.addi %add3A_18, %while3A_296 : i32
      %mul3A_298 = arith.constant 32 : i32
      %mul3A_299 = arith.muli %add3A_297, %mul3A_298 : i32
      "tpu.region"() ({
        %run_scoped3A = tpu.sem_alloc : memref<!tpu.dma_semaphore, #tpu.memory_space<semaphore_mem>>
        %dma_start3A = arith.constant 0 : i32
        %dma_start3A_300 = tpu.memref_slice %arg5[%mul3A_299, %dma_start3A] : memref<12520x128xf32, #tpu.memory_space<vmem_shared>> -> memref<32x128xf32, #tpu.memory_space<vmem_shared>>
        %dma_start3A_301 = arith.constant 0 : i32
        %dma_start3A_302 = tpu.memref_slice %arg5[%mul3A_299, %dma_start3A_301] : memref<12520x128xf32, #tpu.memory_space<vmem_shared>> -> memref<32x128xf32, #tpu.memory_space<vmem_shared>>
        tpu.enqueue_dma source(%arg10 : memref<32x128xf32, #tpu.memory_space<vmem>>) target(%dma_start3A_302 : memref<32x128xf32, #tpu.memory_space<vmem_shared>>) target_semaphore(%run_scoped3A : memref<!tpu.dma_semaphore, #tpu.memory_space<semaphore_mem>>)
        %dma_wait3A = arith.constant 0 : i32
        %dma_wait3A_303 = tpu.memref_slice %arg5[%mul3A_299, %dma_wait3A] : memref<12520x128xf32, #tpu.memory_space<vmem_shared>> -> memref<32x128xf32, #tpu.memory_space<vmem_shared>>
        %dma_wait3A_304 = arith.constant 0 : i32
        %dma_wait3A_305 = tpu.memref_slice %arg5[%mul3A_299, %dma_wait3A_304] : memref<12520x128xf32, #tpu.memory_space<vmem_shared>> -> memref<32x128xf32, #tpu.memory_space<vmem_shared>>
        tpu.wait_dma2 semaphore(%run_scoped3A : memref<!tpu.dma_semaphore, #tpu.memory_space<semaphore_mem>>) src(%arg10 : memref<32x128xf32, #tpu.memory_space<vmem>>) dst(%dma_wait3A_305 : memref<32x128xf32, #tpu.memory_space<vmem_shared>>)
        tpu.yield
      }) : () -> ()
    }
    %while3A_48 = arith.constant 1 : i32
    scf.for %while3A_296 = %while3A_46 to %while3A_42 step %while3A_48  : i32 {
      %add3A_297 = arith.addi %add3A_18, %while3A_296 : i32
      %mul3A_298 = arith.constant 32 : i32
      %mul3A_299 = arith.muli %add3A_297, %mul3A_298 : i32
      "tpu.region"() ({
        %run_scoped3A = tpu.sem_alloc : memref<!tpu.dma_semaphore, #tpu.memory_space<semaphore_mem>>
        %dma_start3A = arith.constant 0 : i32
        %dma_start3A_300 = tpu.memref_slice %arg5[%mul3A_299, %dma_start3A] : memref<12520x128xf32, #tpu.memory_space<vmem_shared>> -> memref<32x128xf32, #tpu.memory_space<vmem_shared>>
        %dma_start3A_301 = arith.constant 0 : i32
        %dma_start3A_302 = tpu.memref_slice %arg5[%mul3A_299, %dma_start3A_301] : memref<12520x128xf32, #tpu.memory_space<vmem_shared>> -> memref<32x128xf32, #tpu.memory_space<vmem_shared>>
        tpu.enqueue_dma source(%arg10 : memref<32x128xf32, #tpu.memory_space<vmem>>) target(%dma_start3A_302 : memref<32x128xf32, #tpu.memory_space<vmem_shared>>) target_semaphore(%run_scoped3A : memref<!tpu.dma_semaphore, #tpu.memory_space<semaphore_mem>>)
        %dma_wait3A = arith.constant 0 : i32
        %dma_wait3A_303 = tpu.memref_slice %arg5[%mul3A_299, %dma_wait3A] : memref<12520x128xf32, #tpu.memory_space<vmem_shared>> -> memref<32x128xf32, #tpu.memory_space<vmem_shared>>
        %dma_wait3A_304 = arith.constant 0 : i32
        %dma_wait3A_305 = tpu.memref_slice %arg5[%mul3A_299, %dma_wait3A_304] : memref<12520x128xf32, #tpu.memory_space<vmem_shared>> -> memref<32x128xf32, #tpu.memory_space<vmem_shared>>
        tpu.wait_dma2 semaphore(%run_scoped3A : memref<!tpu.dma_semaphore, #tpu.memory_space<semaphore_mem>>) src(%arg10 : memref<32x128xf32, #tpu.memory_space<vmem>>) dst(%dma_wait3A_305 : memref<32x128xf32, #tpu.memory_space<vmem_shared>>)
        tpu.yield
      }) : () -> ()
    }
    %swap3A = arith.constant 0 : i32
    %swap3A_49 = arith.index_cast %swap3A : i32 to index
    %swap3A_50 = arith.constant 0 : index
    %swap3A_51 = tpu.vector_load %arg8[%swap3A_49, %swap3A_50] {strides = array<i32>} : memref<2x64xi32, #tpu.memory_space<vmem>>, vector<16xi32>,
    tpu.vector_store %arg8[%swap3A_49, %swap3A_50], %broadcast_in_dim3A_28 {strides = array<i32>} : memref<2x64xi32, #tpu.memory_space<vmem>>, vector<16xi32>,
    %add3A_52 = arith.constant 12512 : i32
    %add3A_53 = vector.broadcast %add3A_52 : i32 to vector<16xi32>
    %add3A_54 = arith.addi %broadcast_in_dim3A_28, %add3A_53 : vector<16xi32>
    %swap3A_55 = arith.constant 0 : i32
    %swap3A_56 = arith.index_cast %swap3A_55 : i32 to index
    %swap3A_57 = arith.constant 0 : index
    %swap3A_58 = tpu.vector_load %arg9[%swap3A_56, %swap3A_57] {strides = array<i32>} : memref<2x64xi32, #tpu.memory_space<vmem>>, vector<16xi32>,
    tpu.vector_store %arg9[%swap3A_56, %swap3A_57], %add3A_54 {strides = array<i32>} : memref<2x64xi32, #tpu.memory_space<vmem>>, vector<16xi32>,
    %swap3A_59 = arith.constant 0 : i32
    %swap3A_60 = arith.index_cast %swap3A_59 : i32 to index
    %swap3A_61 = arith.constant 16 : index
    %swap3A_62 = tpu.vector_load %arg8[%swap3A_60, %swap3A_61] {strides = array<i32>} : memref<2x64xi32, #tpu.memory_space<vmem>>, vector<16xi32>,
    tpu.vector_store %arg8[%swap3A_60, %swap3A_61], %broadcast_in_dim3A_28 {strides = array<i32>} : memref<2x64xi32, #tpu.memory_space<vmem>>, vector<16xi32>,
    %add3A_63 = arith.constant 12512 : i32
    %add3A_64 = vector.broadcast %add3A_63 : i32 to vector<16xi32>
    %add3A_65 = arith.addi %broadcast_in_dim3A_28, %add3A_64 : vector<16xi32>
    %swap3A_66 = arith.constant 0 : i32
    %swap3A_67 = arith.index_cast %swap3A_66 : i32 to index
    %swap3A_68 = arith.constant 16 : index
    %swap3A_69 = tpu.vector_load %arg9[%swap3A_67, %swap3A_68] {strides = array<i32>} : memref<2x64xi32, #tpu.memory_space<vmem>>, vector<16xi32>,
    tpu.vector_store %arg9[%swap3A_67, %swap3A_68], %add3A_65 {strides = array<i32>} : memref<2x64xi32, #tpu.memory_space<vmem>>, vector<16xi32>,
    %swap3A_70 = arith.constant 0 : i32
    %swap3A_71 = arith.index_cast %swap3A_70 : i32 to index
    %swap3A_72 = arith.constant 32 : index
    %swap3A_73 = tpu.vector_load %arg8[%swap3A_71, %swap3A_72] {strides = array<i32>} : memref<2x64xi32, #tpu.memory_space<vmem>>, vector<16xi32>,
    tpu.vector_store %arg8[%swap3A_71, %swap3A_72], %broadcast_in_dim3A_28 {strides = array<i32>} : memref<2x64xi32, #tpu.memory_space<vmem>>, vector<16xi32>,
    %add3A_74 = arith.constant 12512 : i32
    %add3A_75 = vector.broadcast %add3A_74 : i32 to vector<16xi32>
    %add3A_76 = arith.addi %broadcast_in_dim3A_28, %add3A_75 : vector<16xi32>
    %swap3A_77 = arith.constant 0 : i32
    %swap3A_78 = arith.index_cast %swap3A_77 : i32 to index
    %swap3A_79 = arith.constant 32 : index
    %swap3A_80 = tpu.vector_load %arg9[%swap3A_78, %swap3A_79] {strides = array<i32>} : memref<2x64xi32, #tpu.memory_space<vmem>>, vector<16xi32>,
    tpu.vector_store %arg9[%swap3A_78, %swap3A_79], %add3A_76 {strides = array<i32>} : memref<2x64xi32, #tpu.memory_space<vmem>>, vector<16xi32>,
    %swap3A_81 = arith.constant 0 : i32
    %swap3A_82 = arith.index_cast %swap3A_81 : i32 to index
    %swap3A_83 = arith.constant 48 : index
    %swap3A_84 = tpu.vector_load %arg8[%swap3A_82, %swap3A_83] {strides = array<i32>} : memref<2x64xi32, #tpu.memory_space<vmem>>, vector<16xi32>,
    tpu.vector_store %arg8[%swap3A_82, %swap3A_83], %broadcast_in_dim3A_28 {strides = array<i32>} : memref<2x64xi32, #tpu.memory_space<vmem>>, vector<16xi32>,
    %add3A_85 = arith.constant 12512 : i32
    %add3A_86 = vector.broadcast %add3A_85 : i32 to vector<16xi32>
    %add3A_87 = arith.addi %broadcast_in_dim3A_28, %add3A_86 : vector<16xi32>
    %swap3A_88 = arith.constant 0 : i32
    %swap3A_89 = arith.index_cast %swap3A_88 : i32 to index
    %swap3A_90 = arith.constant 48 : index
    %swap3A_91 = tpu.vector_load %arg9[%swap3A_89, %swap3A_90] {strides = array<i32>} : memref<2x64xi32, #tpu.memory_space<vmem>>, vector<16xi32>,
    tpu.vector_store %arg9[%swap3A_89, %swap3A_90], %add3A_87 {strides = array<i32>} : memref<2x64xi32, #tpu.memory_space<vmem>>, vector<16xi32>,
    %swap3A_92 = arith.constant 1 : i32
    %swap3A_93 = arith.index_cast %swap3A_92 : i32 to index
    %swap3A_94 = arith.constant 0 : index
    %swap3A_95 = tpu.vector_load %arg8[%swap3A_93, %swap3A_94] {strides = array<i32>} : memref<2x64xi32, #tpu.memory_space<vmem>>, vector<16xi32>,
    tpu.vector_store %arg8[%swap3A_93, %swap3A_94], %broadcast_in_dim3A_28 {strides = array<i32>} : memref<2x64xi32, #tpu.memory_space<vmem>>, vector<16xi32>,
    %add3A_96 = arith.constant 12512 : i32
    %add3A_97 = vector.broadcast %add3A_96 : i32 to vector<16xi32>
    %add3A_98 = arith.addi %broadcast_in_dim3A_28, %add3A_97 : vector<16xi32>
    %swap3A_99 = arith.constant 1 : i32
    %swap3A_100 = arith.index_cast %swap3A_99 : i32 to index
    %swap3A_101 = arith.constant 0 : index
    %swap3A_102 = tpu.vector_load %arg9[%swap3A_100, %swap3A_101] {strides = array<i32>} : memref<2x64xi32, #tpu.memory_space<vmem>>, vector<16xi32>,
    tpu.vector_store %arg9[%swap3A_100, %swap3A_101], %add3A_98 {strides = array<i32>} : memref<2x64xi32, #tpu.memory_space<vmem>>, vector<16xi32>,
    %swap3A_103 = arith.constant 1 : i32
    %swap3A_104 = arith.index_cast %swap3A_103 : i32 to index
    %swap3A_105 = arith.constant 16 : index
    %swap3A_106 = tpu.vector_load %arg8[%swap3A_104, %swap3A_105] {strides = array<i32>} : memref<2x64xi32, #tpu.memory_space<vmem>>, vector<16xi32>,
    tpu.vector_store %arg8[%swap3A_104, %swap3A_105], %broadcast_in_dim3A_28 {strides = array<i32>} : memref<2x64xi32, #tpu.memory_space<vmem>>, vector<16xi32>,
    %add3A_107 = arith.constant 12512 : i32
    %add3A_108 = vector.broadcast %add3A_107 : i32 to vector<16xi32>
    %add3A_109 = arith.addi %broadcast_in_dim3A_28, %add3A_108 : vector<16xi32>
    %swap3A_110 = arith.constant 1 : i32
    %swap3A_111 = arith.index_cast %swap3A_110 : i32 to index
    %swap3A_112 = arith.constant 16 : index
    %swap3A_113 = tpu.vector_load %arg9[%swap3A_111, %swap3A_112] {strides = array<i32>} : memref<2x64xi32, #tpu.memory_space<vmem>>, vector<16xi32>,
    tpu.vector_store %arg9[%swap3A_111, %swap3A_112], %add3A_109 {strides = array<i32>} : memref<2x64xi32, #tpu.memory_space<vmem>>, vector<16xi32>,
    %swap3A_114 = arith.constant 1 : i32
    %swap3A_115 = arith.index_cast %swap3A_114 : i32 to index
    %swap3A_116 = arith.constant 32 : index
    %swap3A_117 = tpu.vector_load %arg8[%swap3A_115, %swap3A_116] {strides = array<i32>} : memref<2x64xi32, #tpu.memory_space<vmem>>, vector<16xi32>,
    tpu.vector_store %arg8[%swap3A_115, %swap3A_116], %broadcast_in_dim3A_28 {strides = array<i32>} : memref<2x64xi32, #tpu.memory_space<vmem>>, vector<16xi32>,
    %add3A_118 = arith.constant 12512 : i32
    %add3A_119 = vector.broadcast %add3A_118 : i32 to vector<16xi32>
    %add3A_120 = arith.addi %broadcast_in_dim3A_28, %add3A_119 : vector<16xi32>
    %swap3A_121 = arith.constant 1 : i32
    %swap3A_122 = arith.index_cast %swap3A_121 : i32 to index
    %swap3A_123 = arith.constant 32 : index
    %swap3A_124 = tpu.vector_load %arg9[%swap3A_122, %swap3A_123] {strides = array<i32>} : memref<2x64xi32, #tpu.memory_space<vmem>>, vector<16xi32>,
    tpu.vector_store %arg9[%swap3A_122, %swap3A_123], %add3A_120 {strides = array<i32>} : memref<2x64xi32, #tpu.memory_space<vmem>>, vector<16xi32>,
    %swap3A_125 = arith.constant 1 : i32
    %swap3A_126 = arith.index_cast %swap3A_125 : i32 to index
    %swap3A_127 = arith.constant 48 : index
    %swap3A_128 = tpu.vector_load %arg8[%swap3A_126, %swap3A_127] {strides = array<i32>} : memref<2x64xi32, #tpu.memory_space<vmem>>, vector<16xi32>,
    tpu.vector_store %arg8[%swap3A_126, %swap3A_127], %broadcast_in_dim3A_28 {strides = array<i32>} : memref<2x64xi32, #tpu.memory_space<vmem>>, vector<16xi32>,
    %add3A_129 = arith.constant 12512 : i32
    %add3A_130 = vector.broadcast %add3A_129 : i32 to vector<16xi32>
    %add3A_131 = arith.addi %broadcast_in_dim3A_28, %add3A_130 : vector<16xi32>
    %swap3A_132 = arith.constant 1 : i32
    %swap3A_133 = arith.index_cast %swap3A_132 : i32 to index
    %swap3A_134 = arith.constant 48 : index
    %swap3A_135 = tpu.vector_load %arg9[%swap3A_133, %swap3A_134] {strides = array<i32>} : memref<2x64xi32, #tpu.memory_space<vmem>>, vector<16xi32>,
    tpu.vector_store %arg9[%swap3A_133, %swap3A_134], %add3A_131 {strides = array<i32>} : memref<2x64xi32, #tpu.memory_space<vmem>>, vector<16xi32>,
    %barrier3A = arith.constant 0 : index
    tpu.barrier barrier_id(%barrier3A)
    %scan3A_136 = arith.constant 0 : i32
    %scan3A_137 = arith.constant 0 : i32
    %scan3A_138 = arith.constant 0 : i32
    %scan3A_139 = arith.constant 7 : i32
    %scan3A_140 = arith.addi %scan3A_138, %scan3A_139 : i32
    %scan3A_141 = arith.constant 1 : i32
    %scan3A_142:2 = scf.for %scan3A_296 = %scan3A_138 to %scan3A_140 step %scan3A_141 iter_args(%scan3A_297 = %scan3A_136, %scan3A_298 = %scan3A_137) -> (i32, i32)  : i32 {
      %mul3A_299 = arith.constant 56 : i32
      %mul3A_300 = arith.muli %scan3A_296, %mul3A_299 : i32
      %add3A_301 = arith.addi %mul3A_3, %mul3A_300 : i32
      "tpu.region"() ({
        %run_scoped3A = tpu.sem_alloc : memref<!tpu.dma_semaphore, #tpu.memory_space<semaphore_mem>>
        %dma_start3A = arith.constant 0 : i32
        %dma_start3A_320 = tpu.memref_slice %arg3[%add3A_301, %dma_start3A] : memref<6283x128xi32, #tpu.memory_space<hbm>> -> memref<56x128xi32, #tpu.memory_space<hbm>>
        %dma_start3A_321 = arith.constant 0 : i32
        %dma_start3A_322 = tpu.memref_slice %arg3[%add3A_301, %dma_start3A_321] : memref<6283x128xi32, #tpu.memory_space<hbm>> -> memref<56x128xi32, #tpu.memory_space<hbm>>
        tpu.enqueue_dma source(%dma_start3A_322 : memref<56x128xi32, #tpu.memory_space<hbm>>) target(%arg6 : memref<56x128xi32, #tpu.memory_space<vmem>>) target_semaphore(%run_scoped3A : memref<!tpu.dma_semaphore, #tpu.memory_space<semaphore_mem>>)
        %dma_wait3A = arith.constant 0 : i32
        %dma_wait3A_323 = tpu.memref_slice %arg3[%add3A_301, %dma_wait3A] : memref<6283x128xi32, #tpu.memory_space<hbm>> -> memref<56x128xi32, #tpu.memory_space<hbm>>
        %dma_wait3A_324 = arith.constant 0 : i32
        %dma_wait3A_325 = tpu.memref_slice %arg3[%add3A_301, %dma_wait3A_324] : memref<6283x128xi32, #tpu.memory_space<hbm>> -> memref<56x128xi32, #tpu.memory_space<hbm>>
        tpu.wait_dma2 semaphore(%run_scoped3A : memref<!tpu.dma_semaphore, #tpu.memory_space<semaphore_mem>>) src(%dma_wait3A_325 : memref<56x128xi32, #tpu.memory_space<hbm>>) dst(%arg6 : memref<56x128xi32, #tpu.memory_space<vmem>>)
        tpu.yield
      }) : () -> ()
      %mul3A_302 = arith.constant 56 : i32
      %mul3A_303 = arith.muli %scan3A_296, %mul3A_302 : i32
      %sub3A_304 = arith.subi %max3A_13, %mul3A_303 : i32
      %min3A_305 = arith.constant 56 : i32
      %min3A_306 = arith.minsi %sub3A_304, %min3A_305 : i32
      %max3A_307 = arith.constant 0 : i32
      %max3A_308 = arith.maxsi %min3A_306, %max3A_307 : i32
      %while3A_309 = arith.constant 0 : i32
      %while3A_310 = arith.subi %max3A_308, %while3A_309 : i32
      %while3A_311 = arith.addi %while3A_309, %while3A_310 : i32
      %while3A_312 = arith.constant 1 : i32
      %while3A_313 = arith.divsi %while3A_310, %while3A_312 : i32
      %while3A_314 = arith.muli %while3A_313, %while3A_312 : i32
      %while3A_315 = arith.addi %while3A_309, %while3A_314 : i32
      %while3A_316 = arith.constant 1 : i32
      %while3A_317:2 = scf.for %while3A_320 = %while3A_309 to %while3A_315 step %while3A_316 iter_args(%while3A_321 = %scan3A_297, %while3A_322 = %scan3A_298) -> (i32, i32)  : i32 {
        %mul3A_323 = arith.constant 56 : i32
        %mul3A_324 = arith.muli %scan3A_296, %mul3A_323 : i32
        %add3A_325 = arith.addi %mul3A_3, %mul3A_324 : i32
        %add3A_326 = arith.addi %add3A_325, %while3A_320 : i32
        %mul3A_327 = arith.constant 128 : i32
        %mul3A_328 = arith.muli %add3A_326, %mul3A_327 : i32
        %get3A = arith.index_cast %while3A_320 : i32 to index
        %get3A_329 = arith.constant 0 : index
        %get3A_330 = tpu.vector_load %arg6[%get3A, %get3A_329] {strides = array<i32>} : memref<56x128xi32, #tpu.memory_space<vmem>>, vector<16xi32>,
        %ge3A = vector.broadcast %mul3A_34 : i32 to vector<16xi32>
        %ge3A_331 = arith.cmpi sge, %get3A_330, %ge3A : vector<16xi32>
        %add3A_332 = arith.constant 12512 : i32
        %add3A_333 = arith.addi %mul3A_34, %add3A_332 : i32
        %lt3A_334 = vector.broadcast %add3A_333 : i32 to vector<16xi32>
        %lt3A_335 = arith.cmpi slt, %get3A_330, %lt3A_334 : vector<16xi32>
        %and3A = arith.andi %ge3A_331, %lt3A_335 : vector<16xi1>
        %jit3A_336 = arith.constant 1 : i32
        %jit3A_337 = arith.constant 0 : i32
        %broadcast_in_dim3A_338 = vector.broadcast %jit3A_336 : i32 to vector<16xi32>
        %broadcast_in_dim3A_339 = vector.broadcast %jit3A_337 : i32 to vector<16xi32>
        %select_n3A_340 = arith.select %and3A, %broadcast_in_dim3A_338, %broadcast_in_dim3A_339 : vector<16xi1>, vector<16xi32>
        %cumsum3A = arith.constant true
        %cumsum3A_341 = vector.broadcast %cumsum3A : i1 to vector<16xi1>
        %cumsum3A_342 = tpu.scan <sum>, %select_n3A_340 masked %cumsum3A_341 : vector<16xi32>, vector<16xi1> -> vector<16xi32>
        %add3A_343 = vector.broadcast %while3A_321 : i32 to vector<16xi32>
        %add3A_344 = arith.addi %add3A_343, %cumsum3A_342 : vector<16xi32>
        %sub3A_345 = arith.constant 1 : i32
        %sub3A_346 = vector.broadcast %sub3A_345 : i32 to vector<16xi32>
        %sub3A_347 = arith.subi %add3A_344, %sub3A_346 : vector<16xi32>
        %rem3A = arith.constant 128 : i32
        %rem3A_348 = vector.broadcast %rem3A : i32 to vector<16xi32>
        %rem3A_349 = arith.remsi %sub3A_347, %rem3A_348 : vector<16xi32>
        %shift_right_logical3A = arith.constant 6 : i32
        %shift_right_logical3A_350 = vector.broadcast %shift_right_logical3A : i32 to vector<16xi32>
        %shift_right_logical3A_351 = arith.shrui %rem3A_349, %shift_right_logical3A_350 : vector<16xi32>
        %rem3A_352 = arith.constant 64 : i32
        %rem3A_353 = vector.broadcast %rem3A_352 : i32 to vector<16xi32>
        %rem3A_354 = arith.remsi %rem3A_349, %rem3A_353 : vector<16xi32>
        %add3A_355 = arith.constant 0 : i32
        %add3A_356 = arith.addi %mul3A_328, %add3A_355 : i32
        %add3A_357 = vector.broadcast %add3A_356 : i32 to vector<16xi32>
        %add3A_358 = arith.addi %add3A_357, %iota3A : vector<16xi32>
        tpu.vector_store_idx %arg8[%shift_right_logical3A_351, %rem3A_354], %add3A_358 masked %and3A : memref<2x64xi32, #tpu.memory_space<vmem>>[vector<16xi32>, vector<16xi32>], vector<16xi32>, vector<16xi1>
        %sub3A_359 = vector.broadcast %mul3A_34 : i32 to vector<16xi32>
        %sub3A_360 = arith.subi %get3A_330, %sub3A_359 : vector<16xi32>
        tpu.vector_store_idx %arg9[%shift_right_logical3A_351, %rem3A_354], %sub3A_360 masked %and3A : memref<2x64xi32, #tpu.memory_space<vmem>>[vector<16xi32>, vector<16xi32>], vector<16xi32>, vector<16xi1>
        %reduce_sum3A = arith.constant true
        %reduce_sum3A_361 = vector.broadcast %reduce_sum3A : i1 to vector<16xi1>
        %reduce_sum3A_362 = tpu.scan <sum>, %select_n3A_340 masked %reduce_sum3A_361 : vector<16xi32>, vector<16xi1> -> vector<16xi32>
        %reduce_sum3A_363 = vector.extract %reduce_sum3A_362[15] : i32 from vector<16xi32>
        %add3A_364 = arith.addi %while3A_321, %reduce_sum3A_363 : i32
        %sub3A_365 = arith.subi %add3A_364, %while3A_322 : i32
        %ge3A_366 = arith.constant 64 : i32
        %ge3A_367 = arith.cmpi sge, %sub3A_365, %ge3A_366 : i32
        %shift_right_logical3A_368 = arith.constant 6 : i32
        %shift_right_logical3A_369 = arith.shrui %while3A_322, %shift_right_logical3A_368 : i32
        %rem3A_370 = arith.constant 2 : i32
        %rem3A_371 = arith.remsi %shift_right_logical3A_369, %rem3A_370 : i32
        %convert_element_type3A_372 = arith.extui %ge3A_367 : i1 to i32
        %cond3A_373 = arith.constant 0 : i32
        %cond3A_374 = arith.cmpi ne, %convert_element_type3A_372, %cond3A_373 : i32
        scf.if %cond3A_374 {
          %dma_start3A = arith.constant 0 : i32
          %dma_start3A_778 = tpu.memref_slice %arg8[%rem3A_371, %dma_start3A] : memref<2x64xi32, #tpu.memory_space<vmem>> -> memref<1x64xi32, #tpu.memory_space<vmem>>
          %dma_start3A_779 = tpu.memref_squeeze %dma_start3A_778 : memref<1x64xi32, #tpu.memory_space<vmem>> -> memref<64xi32, #tpu.memory_space<vmem>>
          %dma_start3A_780 = arith.constant 0 : i32
          %dma_start3A_781 = arith.constant 0 : i32
          %dma_start3A_782 = tpu.memref_slice %arg2[%dma_start3A_780, %dma_start3A_781] : memref<800000x128xf32, #tpu.memory_space<hbm>> -> memref<800000x128xf32, #tpu.memory_space<hbm>>
          tpu.enqueue_indirect_dma source(%dma_start3A_782 : memref<800000x128xf32, #tpu.memory_space<hbm>>) target(%arg7 : memref<64x128xf32, #tpu.memory_space<vmem>>) offsets(%dma_start3A_779 : memref<64xi32, #tpu.memory_space<vmem>>) semaphore(%arg11 : memref<!tpu.dma_semaphore, #tpu.memory_space<semaphore_mem>>)
          %dma_wait3A = arith.constant 0 : i32
          %dma_wait3A_783 = tpu.memref_slice %arg8[%rem3A_371, %dma_wait3A] : memref<2x64xi32, #tpu.memory_space<vmem>> -> memref<1x64xi32, #tpu.memory_space<vmem>>
          %dma_wait3A_784 = tpu.memref_squeeze %dma_wait3A_783 : memref<1x64xi32, #tpu.memory_space<vmem>> -> memref<64xi32, #tpu.memory_space<vmem>>
          %dma_wait3A_785 = arith.constant 0 : i32
          %dma_wait3A_786 = arith.constant 0 : i32
          %dma_wait3A_787 = tpu.memref_slice %arg2[%dma_wait3A_785, %dma_wait3A_786] : memref<800000x128xf32, #tpu.memory_space<hbm>> -> memref<800000x128xf32, #tpu.memory_space<hbm>>
          tpu.wait_indirect_dma semaphore(%arg11 : memref<!tpu.dma_semaphore, #tpu.memory_space<semaphore_mem>>) src(%dma_wait3A_787 : memref<800000x128xf32, #tpu.memory_space<hbm>>) dst(%arg7 : memref<64x128xf32, #tpu.memory_space<vmem>>)
          "tpu.region"() ({
            %run_scoped3A = tpu.sem_alloc : memref<!tpu.dma_semaphore, #tpu.memory_space<semaphore_mem>>
            %dma_start3A_788 = arith.constant 0 : i32
            %dma_start3A_789 = tpu.memref_slice %arg9[%rem3A_371, %dma_start3A_788] : memref<2x64xi32, #tpu.memory_space<vmem>> -> memref<1x64xi32, #tpu.memory_space<vmem>>
            %dma_start3A_790 = tpu.memref_squeeze %dma_start3A_789 : memref<1x64xi32, #tpu.memory_space<vmem>> -> memref<64xi32, #tpu.memory_space<vmem>>
            %dma_start3A_791 = arith.constant 0 : i32
            %dma_start3A_792 = arith.constant 0 : i32
            %dma_start3A_793 = tpu.memref_slice %arg5[%dma_start3A_791, %dma_start3A_792] : memref<12520x128xf32, #tpu.memory_space<vmem_shared>> -> memref<12520x128xf32, #tpu.memory_space<vmem_shared>>
            tpu.enqueue_indirect_dma source(%arg7 : memref<64x128xf32, #tpu.memory_space<vmem>>) target(%dma_start3A_793 : memref<12520x128xf32, #tpu.memory_space<vmem_shared>>) offsets(%dma_start3A_790 : memref<64xi32, #tpu.memory_space<vmem>>) semaphore(%run_scoped3A : memref<!tpu.dma_semaphore, #tpu.memory_space<semaphore_mem>>) {add = true}
            %dma_wait3A_794 = arith.constant 0 : i32
            %dma_wait3A_795 = tpu.memref_slice %arg9[%rem3A_371, %dma_wait3A_794] : memref<2x64xi32, #tpu.memory_space<vmem>> -> memref<1x64xi32, #tpu.memory_space<vmem>>
            %dma_wait3A_796 = tpu.memref_squeeze %dma_wait3A_795 : memref<1x64xi32, #tpu.memory_space<vmem>> -> memref<64xi32, #tpu.memory_space<vmem>>
            %dma_wait3A_797 = arith.constant 0 : i32
            %dma_wait3A_798 = arith.constant 0 : i32
            %dma_wait3A_799 = tpu.memref_slice %arg5[%dma_wait3A_797, %dma_wait3A_798] : memref<12520x128xf32, #tpu.memory_space<vmem_shared>> -> memref<12520x128xf32, #tpu.memory_space<vmem_shared>>
            tpu.wait_indirect_dma semaphore(%run_scoped3A : memref<!tpu.dma_semaphore, #tpu.memory_space<semaphore_mem>>) src(%arg7 : memref<64x128xf32, #tpu.memory_space<vmem>>) dst(%dma_wait3A_799 : memref<12520x128xf32, #tpu.memory_space<vmem_shared>>)
            tpu.yield
          }) : () -> ()
        } else {
        }
        %jit3A_375 = arith.constant 64 : i32
        %jit3A_376 = arith.constant 0 : i32
        %select_n3A_377 = arith.select %ge3A_367, %jit3A_375, %jit3A_376 : i32
        %add3A_378 = arith.addi %while3A_322, %select_n3A_377 : i32
        %get3A_379 = arith.index_cast %while3A_320 : i32 to index
        %get3A_380 = arith.constant 16 : index
        %get3A_381 = tpu.vector_load %arg6[%get3A_379, %get3A_380] {strides = array<i32>} : memref<56x128xi32, #tpu.memory_space<vmem>>, vector<16xi32>,
        %ge3A_382 = vector.broadcast %mul3A_34 : i32 to vector<16xi32>
        %ge3A_383 = arith.cmpi sge, %get3A_381, %ge3A_382 : vector<16xi32>
        %add3A_384 = arith.constant 12512 : i32
        %add3A_385 = arith.addi %mul3A_34, %add3A_384 : i32
        %lt3A_386 = vector.broadcast %add3A_385 : i32 to vector<16xi32>
        %lt3A_387 = arith.cmpi slt, %get3A_381, %lt3A_386 : vector<16xi32>
        %and3A_388 = arith.andi %ge3A_383, %lt3A_387 : vector<16xi1>
        %jit3A_389 = arith.constant 1 : i32
        %jit3A_390 = arith.constant 0 : i32
        %broadcast_in_dim3A_391 = vector.broadcast %jit3A_389 : i32 to vector<16xi32>
        %broadcast_in_dim3A_392 = vector.broadcast %jit3A_390 : i32 to vector<16xi32>
        %select_n3A_393 = arith.select %and3A_388, %broadcast_in_dim3A_391, %broadcast_in_dim3A_392 : vector<16xi1>, vector<16xi32>
        %cumsum3A_394 = arith.constant true
        %cumsum3A_395 = vector.broadcast %cumsum3A_394 : i1 to vector<16xi1>
        %cumsum3A_396 = tpu.scan <sum>, %select_n3A_393 masked %cumsum3A_395 : vector<16xi32>, vector<16xi1> -> vector<16xi32>
        %add3A_397 = vector.broadcast %add3A_364 : i32 to vector<16xi32>
        %add3A_398 = arith.addi %add3A_397, %cumsum3A_396 : vector<16xi32>
        %sub3A_399 = arith.constant 1 : i32
        %sub3A_400 = vector.broadcast %sub3A_399 : i32 to vector<16xi32>
        %sub3A_401 = arith.subi %add3A_398, %sub3A_400 : vector<16xi32>
        %rem3A_402 = arith.constant 128 : i32
        %rem3A_403 = vector.broadcast %rem3A_402 : i32 to vector<16xi32>
        %rem3A_404 = arith.remsi %sub3A_401, %rem3A_403 : vector<16xi32>
        %shift_right_logical3A_405 = arith.constant 6 : i32
        %shift_right_logical3A_406 = vector.broadcast %shift_right_logical3A_405 : i32 to vector<16xi32>
        %shift_right_logical3A_407 = arith.shrui %rem3A_404, %shift_right_logical3A_406 : vector<16xi32>
        %rem3A_408 = arith.constant 64 : i32
        %rem3A_409 = vector.broadcast %rem3A_408 : i32 to vector<16xi32>
        %rem3A_410 = arith.remsi %rem3A_404, %rem3A_409 : vector<16xi32>
        %add3A_411 = arith.constant 16 : i32
        %add3A_412 = arith.addi %mul3A_328, %add3A_411 : i32
        %add3A_413 = vector.broadcast %add3A_412 : i32 to vector<16xi32>
        %add3A_414 = arith.addi %add3A_413, %iota3A : vector<16xi32>
        tpu.vector_store_idx %arg8[%shift_right_logical3A_407, %rem3A_410], %add3A_414 masked %and3A_388 : memref<2x64xi32, #tpu.memory_space<vmem>>[vector<16xi32>, vector<16xi32>], vector<16xi32>, vector<16xi1>
        %sub3A_415 = vector.broadcast %mul3A_34 : i32 to vector<16xi32>
        %sub3A_416 = arith.subi %get3A_381, %sub3A_415 : vector<16xi32>
        tpu.vector_store_idx %arg9[%shift_right_logical3A_407, %rem3A_410], %sub3A_416 masked %and3A_388 : memref<2x64xi32, #tpu.memory_space<vmem>>[vector<16xi32>, vector<16xi32>], vector<16xi32>, vector<16xi1>
        %reduce_sum3A_417 = arith.constant true
        %reduce_sum3A_418 = vector.broadcast %reduce_sum3A_417 : i1 to vector<16xi1>
        %reduce_sum3A_419 = tpu.scan <sum>, %select_n3A_393 masked %reduce_sum3A_418 : vector<16xi32>, vector<16xi1> -> vector<16xi32>
        %reduce_sum3A_420 = vector.extract %reduce_sum3A_419[15] : i32 from vector<16xi32>
        %add3A_421 = arith.addi %add3A_364, %reduce_sum3A_420 : i32
        %sub3A_422 = arith.subi %add3A_421, %add3A_378 : i32
        %ge3A_423 = arith.constant 64 : i32
        %ge3A_424 = arith.cmpi sge, %sub3A_422, %ge3A_423 : i32
        %shift_right_logical3A_425 = arith.constant 6 : i32
        %shift_right_logical3A_426 = arith.shrui %add3A_378, %shift_right_logical3A_425 : i32
        %rem3A_427 = arith.constant 2 : i32
        %rem3A_428 = arith.remsi %shift_right_logical3A_426, %rem3A_427 : i32
        %convert_element_type3A_429 = arith.extui %ge3A_424 : i1 to i32
        %cond3A_430 = arith.constant 0 : i32
        %cond3A_431 = arith.cmpi ne, %convert_element_type3A_429, %cond3A_430 : i32
        scf.if %cond3A_431 {
          %dma_start3A = arith.constant 0 : i32
          %dma_start3A_778 = tpu.memref_slice %arg8[%rem3A_428, %dma_start3A] : memref<2x64xi32, #tpu.memory_space<vmem>> -> memref<1x64xi32, #tpu.memory_space<vmem>>
          %dma_start3A_779 = tpu.memref_squeeze %dma_start3A_778 : memref<1x64xi32, #tpu.memory_space<vmem>> -> memref<64xi32, #tpu.memory_space<vmem>>
          %dma_start3A_780 = arith.constant 0 : i32
          %dma_start3A_781 = arith.constant 0 : i32
          %dma_start3A_782 = tpu.memref_slice %arg2[%dma_start3A_780, %dma_start3A_781] : memref<800000x128xf32, #tpu.memory_space<hbm>> -> memref<800000x128xf32, #tpu.memory_space<hbm>>
          tpu.enqueue_indirect_dma source(%dma_start3A_782 : memref<800000x128xf32, #tpu.memory_space<hbm>>) target(%arg7 : memref<64x128xf32, #tpu.memory_space<vmem>>) offsets(%dma_start3A_779 : memref<64xi32, #tpu.memory_space<vmem>>) semaphore(%arg11 : memref<!tpu.dma_semaphore, #tpu.memory_space<semaphore_mem>>)
          %dma_wait3A = arith.constant 0 : i32
          %dma_wait3A_783 = tpu.memref_slice %arg8[%rem3A_428, %dma_wait3A] : memref<2x64xi32, #tpu.memory_space<vmem>> -> memref<1x64xi32, #tpu.memory_space<vmem>>
          %dma_wait3A_784 = tpu.memref_squeeze %dma_wait3A_783 : memref<1x64xi32, #tpu.memory_space<vmem>> -> memref<64xi32, #tpu.memory_space<vmem>>
          %dma_wait3A_785 = arith.constant 0 : i32
          %dma_wait3A_786 = arith.constant 0 : i32
          %dma_wait3A_787 = tpu.memref_slice %arg2[%dma_wait3A_785, %dma_wait3A_786] : memref<800000x128xf32, #tpu.memory_space<hbm>> -> memref<800000x128xf32, #tpu.memory_space<hbm>>
          tpu.wait_indirect_dma semaphore(%arg11 : memref<!tpu.dma_semaphore, #tpu.memory_space<semaphore_mem>>) src(%dma_wait3A_787 : memref<800000x128xf32, #tpu.memory_space<hbm>>) dst(%arg7 : memref<64x128xf32, #tpu.memory_space<vmem>>)
          "tpu.region"() ({
            %run_scoped3A = tpu.sem_alloc : memref<!tpu.dma_semaphore, #tpu.memory_space<semaphore_mem>>
            %dma_start3A_788 = arith.constant 0 : i32
            %dma_start3A_789 = tpu.memref_slice %arg9[%rem3A_428, %dma_start3A_788] : memref<2x64xi32, #tpu.memory_space<vmem>> -> memref<1x64xi32, #tpu.memory_space<vmem>>
            %dma_start3A_790 = tpu.memref_squeeze %dma_start3A_789 : memref<1x64xi32, #tpu.memory_space<vmem>> -> memref<64xi32, #tpu.memory_space<vmem>>
            %dma_start3A_791 = arith.constant 0 : i32
            %dma_start3A_792 = arith.constant 0 : i32
            %dma_start3A_793 = tpu.memref_slice %arg5[%dma_start3A_791, %dma_start3A_792] : memref<12520x128xf32, #tpu.memory_space<vmem_shared>> -> memref<12520x128xf32, #tpu.memory_space<vmem_shared>>
            tpu.enqueue_indirect_dma source(%arg7 : memref<64x128xf32, #tpu.memory_space<vmem>>) target(%dma_start3A_793 : memref<12520x128xf32, #tpu.memory_space<vmem_shared>>) offsets(%dma_start3A_790 : memref<64xi32, #tpu.memory_space<vmem>>) semaphore(%run_scoped3A : memref<!tpu.dma_semaphore, #tpu.memory_space<semaphore_mem>>) {add = true}
            %dma_wait3A_794 = arith.constant 0 : i32
            %dma_wait3A_795 = tpu.memref_slice %arg9[%rem3A_428, %dma_wait3A_794] : memref<2x64xi32, #tpu.memory_space<vmem>> -> memref<1x64xi32, #tpu.memory_space<vmem>>
            %dma_wait3A_796 = tpu.memref_squeeze %dma_wait3A_795 : memref<1x64xi32, #tpu.memory_space<vmem>> -> memref<64xi32, #tpu.memory_space<vmem>>
            %dma_wait3A_797 = arith.constant 0 : i32
            %dma_wait3A_798 = arith.constant 0 : i32
            %dma_wait3A_799 = tpu.memref_slice %arg5[%dma_wait3A_797, %dma_wait3A_798] : memref<12520x128xf32, #tpu.memory_space<vmem_shared>> -> memref<12520x128xf32, #tpu.memory_space<vmem_shared>>
            tpu.wait_indirect_dma semaphore(%run_scoped3A : memref<!tpu.dma_semaphore, #tpu.memory_space<semaphore_mem>>) src(%arg7 : memref<64x128xf32, #tpu.memory_space<vmem>>) dst(%dma_wait3A_799 : memref<12520x128xf32, #tpu.memory_space<vmem_shared>>)
            tpu.yield
          }) : () -> ()
        } else {
        }
        %jit3A_432 = arith.constant 64 : i32
        %jit3A_433 = arith.constant 0 : i32
        %select_n3A_434 = arith.select %ge3A_424, %jit3A_432, %jit3A_433 : i32
        %add3A_435 = arith.addi %add3A_378, %select_n3A_434 : i32
        %get3A_436 = arith.index_cast %while3A_320 : i32 to index
        %get3A_437 = arith.constant 32 : index
        %get3A_438 = tpu.vector_load %arg6[%get3A_436, %get3A_437] {strides = array<i32>} : memref<56x128xi32, #tpu.memory_space<vmem>>, vector<16xi32>,
        %ge3A_439 = vector.broadcast %mul3A_34 : i32 to vector<16xi32>
        %ge3A_440 = arith.cmpi sge, %get3A_438, %ge3A_439 : vector<16xi32>
        %add3A_441 = arith.constant 12512 : i32
        %add3A_442 = arith.addi %mul3A_34, %add3A_441 : i32
        %lt3A_443 = vector.broadcast %add3A_442 : i32 to vector<16xi32>
        %lt3A_444 = arith.cmpi slt, %get3A_438, %lt3A_443 : vector<16xi32>
        %and3A_445 = arith.andi %ge3A_440, %lt3A_444 : vector<16xi1>
        %jit3A_446 = arith.constant 1 : i32
        %jit3A_447 = arith.constant 0 : i32
        %broadcast_in_dim3A_448 = vector.broadcast %jit3A_446 : i32 to vector<16xi32>
        %broadcast_in_dim3A_449 = vector.broadcast %jit3A_447 : i32 to vector<16xi32>
        %select_n3A_450 = arith.select %and3A_445, %broadcast_in_dim3A_448, %broadcast_in_dim3A_449 : vector<16xi1>, vector<16xi32>
        %cumsum3A_451 = arith.constant true
        %cumsum3A_452 = vector.broadcast %cumsum3A_451 : i1 to vector<16xi1>
        %cumsum3A_453 = tpu.scan <sum>, %select_n3A_450 masked %cumsum3A_452 : vector<16xi32>, vector<16xi1> -> vector<16xi32>
        %add3A_454 = vector.broadcast %add3A_421 : i32 to vector<16xi32>
        %add3A_455 = arith.addi %add3A_454, %cumsum3A_453 : vector<16xi32>
        %sub3A_456 = arith.constant 1 : i32
        %sub3A_457 = vector.broadcast %sub3A_456 : i32 to vector<16xi32>
        %sub3A_458 = arith.subi %add3A_455, %sub3A_457 : vector<16xi32>
        %rem3A_459 = arith.constant 128 : i32
        %rem3A_460 = vector.broadcast %rem3A_459 : i32 to vector<16xi32>
        %rem3A_461 = arith.remsi %sub3A_458, %rem3A_460 : vector<16xi32>
        %shift_right_logical3A_462 = arith.constant 6 : i32
        %shift_right_logical3A_463 = vector.broadcast %shift_right_logical3A_462 : i32 to vector<16xi32>
        %shift_right_logical3A_464 = arith.shrui %rem3A_461, %shift_right_logical3A_463 : vector<16xi32>
        %rem3A_465 = arith.constant 64 : i32
        %rem3A_466 = vector.broadcast %rem3A_465 : i32 to vector<16xi32>
        %rem3A_467 = arith.remsi %rem3A_461, %rem3A_466 : vector<16xi32>
        %add3A_468 = arith.constant 32 : i32
        %add3A_469 = arith.addi %mul3A_328, %add3A_468 : i32
        %add3A_470 = vector.broadcast %add3A_469 : i32 to vector<16xi32>
        %add3A_471 = arith.addi %add3A_470, %iota3A : vector<16xi32>
        tpu.vector_store_idx %arg8[%shift_right_logical3A_464, %rem3A_467], %add3A_471 masked %and3A_445 : memref<2x64xi32, #tpu.memory_space<vmem>>[vector<16xi32>, vector<16xi32>], vector<16xi32>, vector<16xi1>
        %sub3A_472 = vector.broadcast %mul3A_34 : i32 to vector<16xi32>
        %sub3A_473 = arith.subi %get3A_438, %sub3A_472 : vector<16xi32>
        tpu.vector_store_idx %arg9[%shift_right_logical3A_464, %rem3A_467], %sub3A_473 masked %and3A_445 : memref<2x64xi32, #tpu.memory_space<vmem>>[vector<16xi32>, vector<16xi32>], vector<16xi32>, vector<16xi1>
        %reduce_sum3A_474 = arith.constant true
        %reduce_sum3A_475 = vector.broadcast %reduce_sum3A_474 : i1 to vector<16xi1>
        %reduce_sum3A_476 = tpu.scan <sum>, %select_n3A_450 masked %reduce_sum3A_475 : vector<16xi32>, vector<16xi1> -> vector<16xi32>
        %reduce_sum3A_477 = vector.extract %reduce_sum3A_476[15] : i32 from vector<16xi32>
        %add3A_478 = arith.addi %add3A_421, %reduce_sum3A_477 : i32
        %sub3A_479 = arith.subi %add3A_478, %add3A_435 : i32
        %ge3A_480 = arith.constant 64 : i32
        %ge3A_481 = arith.cmpi sge, %sub3A_479, %ge3A_480 : i32
        %shift_right_logical3A_482 = arith.constant 6 : i32
        %shift_right_logical3A_483 = arith.shrui %add3A_435, %shift_right_logical3A_482 : i32
        %rem3A_484 = arith.constant 2 : i32
        %rem3A_485 = arith.remsi %shift_right_logical3A_483, %rem3A_484 : i32
        %convert_element_type3A_486 = arith.extui %ge3A_481 : i1 to i32
        %cond3A_487 = arith.constant 0 : i32
        %cond3A_488 = arith.cmpi ne, %convert_element_type3A_486, %cond3A_487 : i32
        scf.if %cond3A_488 {
          %dma_start3A = arith.constant 0 : i32
          %dma_start3A_778 = tpu.memref_slice %arg8[%rem3A_485, %dma_start3A] : memref<2x64xi32, #tpu.memory_space<vmem>> -> memref<1x64xi32, #tpu.memory_space<vmem>>
          %dma_start3A_779 = tpu.memref_squeeze %dma_start3A_778 : memref<1x64xi32, #tpu.memory_space<vmem>> -> memref<64xi32, #tpu.memory_space<vmem>>
          %dma_start3A_780 = arith.constant 0 : i32
          %dma_start3A_781 = arith.constant 0 : i32
          %dma_start3A_782 = tpu.memref_slice %arg2[%dma_start3A_780, %dma_start3A_781] : memref<800000x128xf32, #tpu.memory_space<hbm>> -> memref<800000x128xf32, #tpu.memory_space<hbm>>
          tpu.enqueue_indirect_dma source(%dma_start3A_782 : memref<800000x128xf32, #tpu.memory_space<hbm>>) target(%arg7 : memref<64x128xf32, #tpu.memory_space<vmem>>) offsets(%dma_start3A_779 : memref<64xi32, #tpu.memory_space<vmem>>) semaphore(%arg11 : memref<!tpu.dma_semaphore, #tpu.memory_space<semaphore_mem>>)
          %dma_wait3A = arith.constant 0 : i32
          %dma_wait3A_783 = tpu.memref_slice %arg8[%rem3A_485, %dma_wait3A] : memref<2x64xi32, #tpu.memory_space<vmem>> -> memref<1x64xi32, #tpu.memory_space<vmem>>
          %dma_wait3A_784 = tpu.memref_squeeze %dma_wait3A_783 : memref<1x64xi32, #tpu.memory_space<vmem>> -> memref<64xi32, #tpu.memory_space<vmem>>
          %dma_wait3A_785 = arith.constant 0 : i32
          %dma_wait3A_786 = arith.constant 0 : i32
          %dma_wait3A_787 = tpu.memref_slice %arg2[%dma_wait3A_785, %dma_wait3A_786] : memref<800000x128xf32, #tpu.memory_space<hbm>> -> memref<800000x128xf32, #tpu.memory_space<hbm>>
          tpu.wait_indirect_dma semaphore(%arg11 : memref<!tpu.dma_semaphore, #tpu.memory_space<semaphore_mem>>) src(%dma_wait3A_787 : memref<800000x128xf32, #tpu.memory_space<hbm>>) dst(%arg7 : memref<64x128xf32, #tpu.memory_space<vmem>>)
          "tpu.region"() ({
            %run_scoped3A = tpu.sem_alloc : memref<!tpu.dma_semaphore, #tpu.memory_space<semaphore_mem>>
            %dma_start3A_788 = arith.constant 0 : i32
            %dma_start3A_789 = tpu.memref_slice %arg9[%rem3A_485, %dma_start3A_788] : memref<2x64xi32, #tpu.memory_space<vmem>> -> memref<1x64xi32, #tpu.memory_space<vmem>>
            %dma_start3A_790 = tpu.memref_squeeze %dma_start3A_789 : memref<1x64xi32, #tpu.memory_space<vmem>> -> memref<64xi32, #tpu.memory_space<vmem>>
            %dma_start3A_791 = arith.constant 0 : i32
            %dma_start3A_792 = arith.constant 0 : i32
            %dma_start3A_793 = tpu.memref_slice %arg5[%dma_start3A_791, %dma_start3A_792] : memref<12520x128xf32, #tpu.memory_space<vmem_shared>> -> memref<12520x128xf32, #tpu.memory_space<vmem_shared>>
            tpu.enqueue_indirect_dma source(%arg7 : memref<64x128xf32, #tpu.memory_space<vmem>>) target(%dma_start3A_793 : memref<12520x128xf32, #tpu.memory_space<vmem_shared>>) offsets(%dma_start3A_790 : memref<64xi32, #tpu.memory_space<vmem>>) semaphore(%run_scoped3A : memref<!tpu.dma_semaphore, #tpu.memory_space<semaphore_mem>>) {add = true}
            %dma_wait3A_794 = arith.constant 0 : i32
            %dma_wait3A_795 = tpu.memref_slice %arg9[%rem3A_485, %dma_wait3A_794] : memref<2x64xi32, #tpu.memory_space<vmem>> -> memref<1x64xi32, #tpu.memory_space<vmem>>
            %dma_wait3A_796 = tpu.memref_squeeze %dma_wait3A_795 : memref<1x64xi32, #tpu.memory_space<vmem>> -> memref<64xi32, #tpu.memory_space<vmem>>
            %dma_wait3A_797 = arith.constant 0 : i32
            %dma_wait3A_798 = arith.constant 0 : i32
            %dma_wait3A_799 = tpu.memref_slice %arg5[%dma_wait3A_797, %dma_wait3A_798] : memref<12520x128xf32, #tpu.memory_space<vmem_shared>> -> memref<12520x128xf32, #tpu.memory_space<vmem_shared>>
            tpu.wait_indirect_dma semaphore(%run_scoped3A : memref<!tpu.dma_semaphore, #tpu.memory_space<semaphore_mem>>) src(%arg7 : memref<64x128xf32, #tpu.memory_space<vmem>>) dst(%dma_wait3A_799 : memref<12520x128xf32, #tpu.memory_space<vmem_shared>>)
            tpu.yield
          }) : () -> ()
        } else {
        }
        %jit3A_489 = arith.constant 64 : i32
        %jit3A_490 = arith.constant 0 : i32
        %select_n3A_491 = arith.select %ge3A_481, %jit3A_489, %jit3A_490 : i32
        %add3A_492 = arith.addi %add3A_435, %select_n3A_491 : i32
        %get3A_493 = arith.index_cast %while3A_320 : i32 to index
        %get3A_494 = arith.constant 48 : index
        %get3A_495 = tpu.vector_load %arg6[%get3A_493, %get3A_494] {strides = array<i32>} : memref<56x128xi32, #tpu.memory_space<vmem>>, vector<16xi32>,
        %ge3A_496 = vector.broadcast %mul3A_34 : i32 to vector<16xi32>
        %ge3A_497 = arith.cmpi sge, %get3A_495, %ge3A_496 : vector<16xi32>
        %add3A_498 = arith.constant 12512 : i32
        %add3A_499 = arith.addi %mul3A_34, %add3A_498 : i32
        %lt3A_500 = vector.broadcast %add3A_499 : i32 to vector<16xi32>
        %lt3A_501 = arith.cmpi slt, %get3A_495, %lt3A_500 : vector<16xi32>
        %and3A_502 = arith.andi %ge3A_497, %lt3A_501 : vector<16xi1>
        %jit3A_503 = arith.constant 1 : i32
        %jit3A_504 = arith.constant 0 : i32
        %broadcast_in_dim3A_505 = vector.broadcast %jit3A_503 : i32 to vector<16xi32>
        %broadcast_in_dim3A_506 = vector.broadcast %jit3A_504 : i32 to vector<16xi32>
        %select_n3A_507 = arith.select %and3A_502, %broadcast_in_dim3A_505, %broadcast_in_dim3A_506 : vector<16xi1>, vector<16xi32>
        %cumsum3A_508 = arith.constant true
        %cumsum3A_509 = vector.broadcast %cumsum3A_508 : i1 to vector<16xi1>
        %cumsum3A_510 = tpu.scan <sum>, %select_n3A_507 masked %cumsum3A_509 : vector<16xi32>, vector<16xi1> -> vector<16xi32>
        %add3A_511 = vector.broadcast %add3A_478 : i32 to vector<16xi32>
        %add3A_512 = arith.addi %add3A_511, %cumsum3A_510 : vector<16xi32>
        %sub3A_513 = arith.constant 1 : i32
        %sub3A_514 = vector.broadcast %sub3A_513 : i32 to vector<16xi32>
        %sub3A_515 = arith.subi %add3A_512, %sub3A_514 : vector<16xi32>
        %rem3A_516 = arith.constant 128 : i32
        %rem3A_517 = vector.broadcast %rem3A_516 : i32 to vector<16xi32>
        %rem3A_518 = arith.remsi %sub3A_515, %rem3A_517 : vector<16xi32>
        %shift_right_logical3A_519 = arith.constant 6 : i32
        %shift_right_logical3A_520 = vector.broadcast %shift_right_logical3A_519 : i32 to vector<16xi32>
        %shift_right_logical3A_521 = arith.shrui %rem3A_518, %shift_right_logical3A_520 : vector<16xi32>
        %rem3A_522 = arith.constant 64 : i32
        %rem3A_523 = vector.broadcast %rem3A_522 : i32 to vector<16xi32>
        %rem3A_524 = arith.remsi %rem3A_518, %rem3A_523 : vector<16xi32>
        %add3A_525 = arith.constant 48 : i32
        %add3A_526 = arith.addi %mul3A_328, %add3A_525 : i32
        %add3A_527 = vector.broadcast %add3A_526 : i32 to vector<16xi32>
        %add3A_528 = arith.addi %add3A_527, %iota3A : vector<16xi32>
        tpu.vector_store_idx %arg8[%shift_right_logical3A_521, %rem3A_524], %add3A_528 masked %and3A_502 : memref<2x64xi32, #tpu.memory_space<vmem>>[vector<16xi32>, vector<16xi32>], vector<16xi32>, vector<16xi1>
        %sub3A_529 = vector.broadcast %mul3A_34 : i32 to vector<16xi32>
        %sub3A_530 = arith.subi %get3A_495, %sub3A_529 : vector<16xi32>
        tpu.vector_store_idx %arg9[%shift_right_logical3A_521, %rem3A_524], %sub3A_530 masked %and3A_502 : memref<2x64xi32, #tpu.memory_space<vmem>>[vector<16xi32>, vector<16xi32>], vector<16xi32>, vector<16xi1>
        %reduce_sum3A_531 = arith.constant true
        %reduce_sum3A_532 = vector.broadcast %reduce_sum3A_531 : i1 to vector<16xi1>
        %reduce_sum3A_533 = tpu.scan <sum>, %select_n3A_507 masked %reduce_sum3A_532 : vector<16xi32>, vector<16xi1> -> vector<16xi32>
        %reduce_sum3A_534 = vector.extract %reduce_sum3A_533[15] : i32 from vector<16xi32>
        %add3A_535 = arith.addi %add3A_478, %reduce_sum3A_534 : i32
        %sub3A_536 = arith.subi %add3A_535, %add3A_492 : i32
        %ge3A_537 = arith.constant 64 : i32
        %ge3A_538 = arith.cmpi sge, %sub3A_536, %ge3A_537 : i32
        %shift_right_logical3A_539 = arith.constant 6 : i32
        %shift_right_logical3A_540 = arith.shrui %add3A_492, %shift_right_logical3A_539 : i32
        %rem3A_541 = arith.constant 2 : i32
        %rem3A_542 = arith.remsi %shift_right_logical3A_540, %rem3A_541 : i32
        %convert_element_type3A_543 = arith.extui %ge3A_538 : i1 to i32
        %cond3A_544 = arith.constant 0 : i32
        %cond3A_545 = arith.cmpi ne, %convert_element_type3A_543, %cond3A_544 : i32
        scf.if %cond3A_545 {
          %dma_start3A = arith.constant 0 : i32
          %dma_start3A_778 = tpu.memref_slice %arg8[%rem3A_542, %dma_start3A] : memref<2x64xi32, #tpu.memory_space<vmem>> -> memref<1x64xi32, #tpu.memory_space<vmem>>
          %dma_start3A_779 = tpu.memref_squeeze %dma_start3A_778 : memref<1x64xi32, #tpu.memory_space<vmem>> -> memref<64xi32, #tpu.memory_space<vmem>>
          %dma_start3A_780 = arith.constant 0 : i32
          %dma_start3A_781 = arith.constant 0 : i32
          %dma_start3A_782 = tpu.memref_slice %arg2[%dma_start3A_780, %dma_start3A_781] : memref<800000x128xf32, #tpu.memory_space<hbm>> -> memref<800000x128xf32, #tpu.memory_space<hbm>>
          tpu.enqueue_indirect_dma source(%dma_start3A_782 : memref<800000x128xf32, #tpu.memory_space<hbm>>) target(%arg7 : memref<64x128xf32, #tpu.memory_space<vmem>>) offsets(%dma_start3A_779 : memref<64xi32, #tpu.memory_space<vmem>>) semaphore(%arg11 : memref<!tpu.dma_semaphore, #tpu.memory_space<semaphore_mem>>)
          %dma_wait3A = arith.constant 0 : i32
          %dma_wait3A_783 = tpu.memref_slice %arg8[%rem3A_542, %dma_wait3A] : memref<2x64xi32, #tpu.memory_space<vmem>> -> memref<1x64xi32, #tpu.memory_space<vmem>>
          %dma_wait3A_784 = tpu.memref_squeeze %dma_wait3A_783 : memref<1x64xi32, #tpu.memory_space<vmem>> -> memref<64xi32, #tpu.memory_space<vmem>>
          %dma_wait3A_785 = arith.constant 0 : i32
          %dma_wait3A_786 = arith.constant 0 : i32
          %dma_wait3A_787 = tpu.memref_slice %arg2[%dma_wait3A_785, %dma_wait3A_786] : memref<800000x128xf32, #tpu.memory_space<hbm>> -> memref<800000x128xf32, #tpu.memory_space<hbm>>
          tpu.wait_indirect_dma semaphore(%arg11 : memref<!tpu.dma_semaphore, #tpu.memory_space<semaphore_mem>>) src(%dma_wait3A_787 : memref<800000x128xf32, #tpu.memory_space<hbm>>) dst(%arg7 : memref<64x128xf32, #tpu.memory_space<vmem>>)
          "tpu.region"() ({
            %run_scoped3A = tpu.sem_alloc : memref<!tpu.dma_semaphore, #tpu.memory_space<semaphore_mem>>
            %dma_start3A_788 = arith.constant 0 : i32
            %dma_start3A_789 = tpu.memref_slice %arg9[%rem3A_542, %dma_start3A_788] : memref<2x64xi32, #tpu.memory_space<vmem>> -> memref<1x64xi32, #tpu.memory_space<vmem>>
            %dma_start3A_790 = tpu.memref_squeeze %dma_start3A_789 : memref<1x64xi32, #tpu.memory_space<vmem>> -> memref<64xi32, #tpu.memory_space<vmem>>
            %dma_start3A_791 = arith.constant 0 : i32
            %dma_start3A_792 = arith.constant 0 : i32
            %dma_start3A_793 = tpu.memref_slice %arg5[%dma_start3A_791, %dma_start3A_792] : memref<12520x128xf32, #tpu.memory_space<vmem_shared>> -> memref<12520x128xf32, #tpu.memory_space<vmem_shared>>
            tpu.enqueue_indirect_dma source(%arg7 : memref<64x128xf32, #tpu.memory_space<vmem>>) target(%dma_start3A_793 : memref<12520x128xf32, #tpu.memory_space<vmem_shared>>) offsets(%dma_start3A_790 : memref<64xi32, #tpu.memory_space<vmem>>) semaphore(%run_scoped3A : memref<!tpu.dma_semaphore, #tpu.memory_space<semaphore_mem>>) {add = true}
            %dma_wait3A_794 = arith.constant 0 : i32
            %dma_wait3A_795 = tpu.memref_slice %arg9[%rem3A_542, %dma_wait3A_794] : memref<2x64xi32, #tpu.memory_space<vmem>> -> memref<1x64xi32, #tpu.memory_space<vmem>>
            %dma_wait3A_796 = tpu.memref_squeeze %dma_wait3A_795 : memref<1x64xi32, #tpu.memory_space<vmem>> -> memref<64xi32, #tpu.memory_space<vmem>>
            %dma_wait3A_797 = arith.constant 0 : i32
            %dma_wait3A_798 = arith.constant 0 : i32
            %dma_wait3A_799 = tpu.memref_slice %arg5[%dma_wait3A_797, %dma_wait3A_798] : memref<12520x128xf32, #tpu.memory_space<vmem_shared>> -> memref<12520x128xf32, #tpu.memory_space<vmem_shared>>
            tpu.wait_indirect_dma semaphore(%run_scoped3A : memref<!tpu.dma_semaphore, #tpu.memory_space<semaphore_mem>>) src(%arg7 : memref<64x128xf32, #tpu.memory_space<vmem>>) dst(%dma_wait3A_799 : memref<12520x128xf32, #tpu.memory_space<vmem_shared>>)
            tpu.yield
          }) : () -> ()
        } else {
        }
        %jit3A_546 = arith.constant 64 : i32
        %jit3A_547 = arith.constant 0 : i32
        %select_n3A_548 = arith.select %ge3A_538, %jit3A_546, %jit3A_547 : i32
        %add3A_549 = arith.addi %add3A_492, %select_n3A_548 : i32
        %get3A_550 = arith.index_cast %while3A_320 : i32 to index
        %get3A_551 = arith.constant 64 : index
        %get3A_552 = tpu.vector_load %arg6[%get3A_550, %get3A_551] {strides = array<i32>} : memref<56x128xi32, #tpu.memory_space<vmem>>, vector<16xi32>,
        %ge3A_553 = vector.broadcast %mul3A_34 : i32 to vector<16xi32>
        %ge3A_554 = arith.cmpi sge, %get3A_552, %ge3A_553 : vector<16xi32>
        %add3A_555 = arith.constant 12512 : i32
        %add3A_556 = arith.addi %mul3A_34, %add3A_555 : i32
        %lt3A_557 = vector.broadcast %add3A_556 : i32 to vector<16xi32>
        %lt3A_558 = arith.cmpi slt, %get3A_552, %lt3A_557 : vector<16xi32>
        %and3A_559 = arith.andi %ge3A_554, %lt3A_558 : vector<16xi1>
        %jit3A_560 = arith.constant 1 : i32
        %jit3A_561 = arith.constant 0 : i32
        %broadcast_in_dim3A_562 = vector.broadcast %jit3A_560 : i32 to vector<16xi32>
        %broadcast_in_dim3A_563 = vector.broadcast %jit3A_561 : i32 to vector<16xi32>
        %select_n3A_564 = arith.select %and3A_559, %broadcast_in_dim3A_562, %broadcast_in_dim3A_563 : vector<16xi1>, vector<16xi32>
        %cumsum3A_565 = arith.constant true
        %cumsum3A_566 = vector.broadcast %cumsum3A_565 : i1 to vector<16xi1>
        %cumsum3A_567 = tpu.scan <sum>, %select_n3A_564 masked %cumsum3A_566 : vector<16xi32>, vector<16xi1> -> vector<16xi32>
        %add3A_568 = vector.broadcast %add3A_535 : i32 to vector<16xi32>
        %add3A_569 = arith.addi %add3A_568, %cumsum3A_567 : vector<16xi32>
        %sub3A_570 = arith.constant 1 : i32
        %sub3A_571 = vector.broadcast %sub3A_570 : i32 to vector<16xi32>
        %sub3A_572 = arith.subi %add3A_569, %sub3A_571 : vector<16xi32>
        %rem3A_573 = arith.constant 128 : i32
        %rem3A_574 = vector.broadcast %rem3A_573 : i32 to vector<16xi32>
        %rem3A_575 = arith.remsi %sub3A_572, %rem3A_574 : vector<16xi32>
        %shift_right_logical3A_576 = arith.constant 6 : i32
        %shift_right_logical3A_577 = vector.broadcast %shift_right_logical3A_576 : i32 to vector<16xi32>
        %shift_right_logical3A_578 = arith.shrui %rem3A_575, %shift_right_logical3A_577 : vector<16xi32>
        %rem3A_579 = arith.constant 64 : i32
        %rem3A_580 = vector.broadcast %rem3A_579 : i32 to vector<16xi32>
        %rem3A_581 = arith.remsi %rem3A_575, %rem3A_580 : vector<16xi32>
        %add3A_582 = arith.constant 64 : i32
        %add3A_583 = arith.addi %mul3A_328, %add3A_582 : i32
        %add3A_584 = vector.broadcast %add3A_583 : i32 to vector<16xi32>
        %add3A_585 = arith.addi %add3A_584, %iota3A : vector<16xi32>
        tpu.vector_store_idx %arg8[%shift_right_logical3A_578, %rem3A_581], %add3A_585 masked %and3A_559 : memref<2x64xi32, #tpu.memory_space<vmem>>[vector<16xi32>, vector<16xi32>], vector<16xi32>, vector<16xi1>
        %sub3A_586 = vector.broadcast %mul3A_34 : i32 to vector<16xi32>
        %sub3A_587 = arith.subi %get3A_552, %sub3A_586 : vector<16xi32>
        tpu.vector_store_idx %arg9[%shift_right_logical3A_578, %rem3A_581], %sub3A_587 masked %and3A_559 : memref<2x64xi32, #tpu.memory_space<vmem>>[vector<16xi32>, vector<16xi32>], vector<16xi32>, vector<16xi1>
        %reduce_sum3A_588 = arith.constant true
        %reduce_sum3A_589 = vector.broadcast %reduce_sum3A_588 : i1 to vector<16xi1>
        %reduce_sum3A_590 = tpu.scan <sum>, %select_n3A_564 masked %reduce_sum3A_589 : vector<16xi32>, vector<16xi1> -> vector<16xi32>
        %reduce_sum3A_591 = vector.extract %reduce_sum3A_590[15] : i32 from vector<16xi32>
        %add3A_592 = arith.addi %add3A_535, %reduce_sum3A_591 : i32
        %sub3A_593 = arith.subi %add3A_592, %add3A_549 : i32
        %ge3A_594 = arith.constant 64 : i32
        %ge3A_595 = arith.cmpi sge, %sub3A_593, %ge3A_594 : i32
        %shift_right_logical3A_596 = arith.constant 6 : i32
        %shift_right_logical3A_597 = arith.shrui %add3A_549, %shift_right_logical3A_596 : i32
        %rem3A_598 = arith.constant 2 : i32
        %rem3A_599 = arith.remsi %shift_right_logical3A_597, %rem3A_598 : i32
        %convert_element_type3A_600 = arith.extui %ge3A_595 : i1 to i32
        %cond3A_601 = arith.constant 0 : i32
        %cond3A_602 = arith.cmpi ne, %convert_element_type3A_600, %cond3A_601 : i32
        scf.if %cond3A_602 {
          %dma_start3A = arith.constant 0 : i32
          %dma_start3A_778 = tpu.memref_slice %arg8[%rem3A_599, %dma_start3A] : memref<2x64xi32, #tpu.memory_space<vmem>> -> memref<1x64xi32, #tpu.memory_space<vmem>>
          %dma_start3A_779 = tpu.memref_squeeze %dma_start3A_778 : memref<1x64xi32, #tpu.memory_space<vmem>> -> memref<64xi32, #tpu.memory_space<vmem>>
          %dma_start3A_780 = arith.constant 0 : i32
          %dma_start3A_781 = arith.constant 0 : i32
          %dma_start3A_782 = tpu.memref_slice %arg2[%dma_start3A_780, %dma_start3A_781] : memref<800000x128xf32, #tpu.memory_space<hbm>> -> memref<800000x128xf32, #tpu.memory_space<hbm>>
          tpu.enqueue_indirect_dma source(%dma_start3A_782 : memref<800000x128xf32, #tpu.memory_space<hbm>>) target(%arg7 : memref<64x128xf32, #tpu.memory_space<vmem>>) offsets(%dma_start3A_779 : memref<64xi32, #tpu.memory_space<vmem>>) semaphore(%arg11 : memref<!tpu.dma_semaphore, #tpu.memory_space<semaphore_mem>>)
          %dma_wait3A = arith.constant 0 : i32
          %dma_wait3A_783 = tpu.memref_slice %arg8[%rem3A_599, %dma_wait3A] : memref<2x64xi32, #tpu.memory_space<vmem>> -> memref<1x64xi32, #tpu.memory_space<vmem>>
          %dma_wait3A_784 = tpu.memref_squeeze %dma_wait3A_783 : memref<1x64xi32, #tpu.memory_space<vmem>> -> memref<64xi32, #tpu.memory_space<vmem>>
          %dma_wait3A_785 = arith.constant 0 : i32
          %dma_wait3A_786 = arith.constant 0 : i32
          %dma_wait3A_787 = tpu.memref_slice %arg2[%dma_wait3A_785, %dma_wait3A_786] : memref<800000x128xf32, #tpu.memory_space<hbm>> -> memref<800000x128xf32, #tpu.memory_space<hbm>>
          tpu.wait_indirect_dma semaphore(%arg11 : memref<!tpu.dma_semaphore, #tpu.memory_space<semaphore_mem>>) src(%dma_wait3A_787 : memref<800000x128xf32, #tpu.memory_space<hbm>>) dst(%arg7 : memref<64x128xf32, #tpu.memory_space<vmem>>)
          "tpu.region"() ({
            %run_scoped3A = tpu.sem_alloc : memref<!tpu.dma_semaphore, #tpu.memory_space<semaphore_mem>>
            %dma_start3A_788 = arith.constant 0 : i32
            %dma_start3A_789 = tpu.memref_slice %arg9[%rem3A_599, %dma_start3A_788] : memref<2x64xi32, #tpu.memory_space<vmem>> -> memref<1x64xi32, #tpu.memory_space<vmem>>
            %dma_start3A_790 = tpu.memref_squeeze %dma_start3A_789 : memref<1x64xi32, #tpu.memory_space<vmem>> -> memref<64xi32, #tpu.memory_space<vmem>>
            %dma_start3A_791 = arith.constant 0 : i32
            %dma_start3A_792 = arith.constant 0 : i32
            %dma_start3A_793 = tpu.memref_slice %arg5[%dma_start3A_791, %dma_start3A_792] : memref<12520x128xf32, #tpu.memory_space<vmem_shared>> -> memref<12520x128xf32, #tpu.memory_space<vmem_shared>>
            tpu.enqueue_indirect_dma source(%arg7 : memref<64x128xf32, #tpu.memory_space<vmem>>) target(%dma_start3A_793 : memref<12520x128xf32, #tpu.memory_space<vmem_shared>>) offsets(%dma_start3A_790 : memref<64xi32, #tpu.memory_space<vmem>>) semaphore(%run_scoped3A : memref<!tpu.dma_semaphore, #tpu.memory_space<semaphore_mem>>) {add = true}
            %dma_wait3A_794 = arith.constant 0 : i32
            %dma_wait3A_795 = tpu.memref_slice %arg9[%rem3A_599, %dma_wait3A_794] : memref<2x64xi32, #tpu.memory_space<vmem>> -> memref<1x64xi32, #tpu.memory_space<vmem>>
            %dma_wait3A_796 = tpu.memref_squeeze %dma_wait3A_795 : memref<1x64xi32, #tpu.memory_space<vmem>> -> memref<64xi32, #tpu.memory_space<vmem>>
            %dma_wait3A_797 = arith.constant 0 : i32
            %dma_wait3A_798 = arith.constant 0 : i32
            %dma_wait3A_799 = tpu.memref_slice %arg5[%dma_wait3A_797, %dma_wait3A_798] : memref<12520x128xf32, #tpu.memory_space<vmem_shared>> -> memref<12520x128xf32, #tpu.memory_space<vmem_shared>>
            tpu.wait_indirect_dma semaphore(%run_scoped3A : memref<!tpu.dma_semaphore, #tpu.memory_space<semaphore_mem>>) src(%arg7 : memref<64x128xf32, #tpu.memory_space<vmem>>) dst(%dma_wait3A_799 : memref<12520x128xf32, #tpu.memory_space<vmem_shared>>)
            tpu.yield
          }) : () -> ()
        } else {
        }
        %jit3A_603 = arith.constant 64 : i32
        %jit3A_604 = arith.constant 0 : i32
        %select_n3A_605 = arith.select %ge3A_595, %jit3A_603, %jit3A_604 : i32
        %add3A_606 = arith.addi %add3A_549, %select_n3A_605 : i32
        %get3A_607 = arith.index_cast %while3A_320 : i32 to index
        %get3A_608 = arith.constant 80 : index
        %get3A_609 = tpu.vector_load %arg6[%get3A_607, %get3A_608] {strides = array<i32>} : memref<56x128xi32, #tpu.memory_space<vmem>>, vector<16xi32>,
        %ge3A_610 = vector.broadcast %mul3A_34 : i32 to vector<16xi32>
        %ge3A_611 = arith.cmpi sge, %get3A_609, %ge3A_610 : vector<16xi32>
        %add3A_612 = arith.constant 12512 : i32
        %add3A_613 = arith.addi %mul3A_34, %add3A_612 : i32
        %lt3A_614 = vector.broadcast %add3A_613 : i32 to vector<16xi32>
        %lt3A_615 = arith.cmpi slt, %get3A_609, %lt3A_614 : vector<16xi32>
        %and3A_616 = arith.andi %ge3A_611, %lt3A_615 : vector<16xi1>
        %jit3A_617 = arith.constant 1 : i32
        %jit3A_618 = arith.constant 0 : i32
        %broadcast_in_dim3A_619 = vector.broadcast %jit3A_617 : i32 to vector<16xi32>
        %broadcast_in_dim3A_620 = vector.broadcast %jit3A_618 : i32 to vector<16xi32>
        %select_n3A_621 = arith.select %and3A_616, %broadcast_in_dim3A_619, %broadcast_in_dim3A_620 : vector<16xi1>, vector<16xi32>
        %cumsum3A_622 = arith.constant true
        %cumsum3A_623 = vector.broadcast %cumsum3A_622 : i1 to vector<16xi1>
        %cumsum3A_624 = tpu.scan <sum>, %select_n3A_621 masked %cumsum3A_623 : vector<16xi32>, vector<16xi1> -> vector<16xi32>
        %add3A_625 = vector.broadcast %add3A_592 : i32 to vector<16xi32>
        %add3A_626 = arith.addi %add3A_625, %cumsum3A_624 : vector<16xi32>
        %sub3A_627 = arith.constant 1 : i32
        %sub3A_628 = vector.broadcast %sub3A_627 : i32 to vector<16xi32>
        %sub3A_629 = arith.subi %add3A_626, %sub3A_628 : vector<16xi32>
        %rem3A_630 = arith.constant 128 : i32
        %rem3A_631 = vector.broadcast %rem3A_630 : i32 to vector<16xi32>
        %rem3A_632 = arith.remsi %sub3A_629, %rem3A_631 : vector<16xi32>
        %shift_right_logical3A_633 = arith.constant 6 : i32
        %shift_right_logical3A_634 = vector.broadcast %shift_right_logical3A_633 : i32 to vector<16xi32>
        %shift_right_logical3A_635 = arith.shrui %rem3A_632, %shift_right_logical3A_634 : vector<16xi32>
        %rem3A_636 = arith.constant 64 : i32
        %rem3A_637 = vector.broadcast %rem3A_636 : i32 to vector<16xi32>
        %rem3A_638 = arith.remsi %rem3A_632, %rem3A_637 : vector<16xi32>
        %add3A_639 = arith.constant 80 : i32
        %add3A_640 = arith.addi %mul3A_328, %add3A_639 : i32
        %add3A_641 = vector.broadcast %add3A_640 : i32 to vector<16xi32>
        %add3A_642 = arith.addi %add3A_641, %iota3A : vector<16xi32>
        tpu.vector_store_idx %arg8[%shift_right_logical3A_635, %rem3A_638], %add3A_642 masked %and3A_616 : memref<2x64xi32, #tpu.memory_space<vmem>>[vector<16xi32>, vector<16xi32>], vector<16xi32>, vector<16xi1>
        %sub3A_643 = vector.broadcast %mul3A_34 : i32 to vector<16xi32>
        %sub3A_644 = arith.subi %get3A_609, %sub3A_643 : vector<16xi32>
        tpu.vector_store_idx %arg9[%shift_right_logical3A_635, %rem3A_638], %sub3A_644 masked %and3A_616 : memref<2x64xi32, #tpu.memory_space<vmem>>[vector<16xi32>, vector<16xi32>], vector<16xi32>, vector<16xi1>
        %reduce_sum3A_645 = arith.constant true
        %reduce_sum3A_646 = vector.broadcast %reduce_sum3A_645 : i1 to vector<16xi1>
        %reduce_sum3A_647 = tpu.scan <sum>, %select_n3A_621 masked %reduce_sum3A_646 : vector<16xi32>, vector<16xi1> -> vector<16xi32>
        %reduce_sum3A_648 = vector.extract %reduce_sum3A_647[15] : i32 from vector<16xi32>
        %add3A_649 = arith.addi %add3A_592, %reduce_sum3A_648 : i32
        %sub3A_650 = arith.subi %add3A_649, %add3A_606 : i32
        %ge3A_651 = arith.constant 64 : i32
        %ge3A_652 = arith.cmpi sge, %sub3A_650, %ge3A_651 : i32
        %shift_right_logical3A_653 = arith.constant 6 : i32
        %shift_right_logical3A_654 = arith.shrui %add3A_606, %shift_right_logical3A_653 : i32
        %rem3A_655 = arith.constant 2 : i32
        %rem3A_656 = arith.remsi %shift_right_logical3A_654, %rem3A_655 : i32
        %convert_element_type3A_657 = arith.extui %ge3A_652 : i1 to i32
        %cond3A_658 = arith.constant 0 : i32
        %cond3A_659 = arith.cmpi ne, %convert_element_type3A_657, %cond3A_658 : i32
        scf.if %cond3A_659 {
          %dma_start3A = arith.constant 0 : i32
          %dma_start3A_778 = tpu.memref_slice %arg8[%rem3A_656, %dma_start3A] : memref<2x64xi32, #tpu.memory_space<vmem>> -> memref<1x64xi32, #tpu.memory_space<vmem>>
          %dma_start3A_779 = tpu.memref_squeeze %dma_start3A_778 : memref<1x64xi32, #tpu.memory_space<vmem>> -> memref<64xi32, #tpu.memory_space<vmem>>
          %dma_start3A_780 = arith.constant 0 : i32
          %dma_start3A_781 = arith.constant 0 : i32
          %dma_start3A_782 = tpu.memref_slice %arg2[%dma_start3A_780, %dma_start3A_781] : memref<800000x128xf32, #tpu.memory_space<hbm>> -> memref<800000x128xf32, #tpu.memory_space<hbm>>
          tpu.enqueue_indirect_dma source(%dma_start3A_782 : memref<800000x128xf32, #tpu.memory_space<hbm>>) target(%arg7 : memref<64x128xf32, #tpu.memory_space<vmem>>) offsets(%dma_start3A_779 : memref<64xi32, #tpu.memory_space<vmem>>) semaphore(%arg11 : memref<!tpu.dma_semaphore, #tpu.memory_space<semaphore_mem>>)
          %dma_wait3A = arith.constant 0 : i32
          %dma_wait3A_783 = tpu.memref_slice %arg8[%rem3A_656, %dma_wait3A] : memref<2x64xi32, #tpu.memory_space<vmem>> -> memref<1x64xi32, #tpu.memory_space<vmem>>
          %dma_wait3A_784 = tpu.memref_squeeze %dma_wait3A_783 : memref<1x64xi32, #tpu.memory_space<vmem>> -> memref<64xi32, #tpu.memory_space<vmem>>
          %dma_wait3A_785 = arith.constant 0 : i32
          %dma_wait3A_786 = arith.constant 0 : i32
          %dma_wait3A_787 = tpu.memref_slice %arg2[%dma_wait3A_785, %dma_wait3A_786] : memref<800000x128xf32, #tpu.memory_space<hbm>> -> memref<800000x128xf32, #tpu.memory_space<hbm>>
          tpu.wait_indirect_dma semaphore(%arg11 : memref<!tpu.dma_semaphore, #tpu.memory_space<semaphore_mem>>) src(%dma_wait3A_787 : memref<800000x128xf32, #tpu.memory_space<hbm>>) dst(%arg7 : memref<64x128xf32, #tpu.memory_space<vmem>>)
          "tpu.region"() ({
            %run_scoped3A = tpu.sem_alloc : memref<!tpu.dma_semaphore, #tpu.memory_space<semaphore_mem>>
            %dma_start3A_788 = arith.constant 0 : i32
            %dma_start3A_789 = tpu.memref_slice %arg9[%rem3A_656, %dma_start3A_788] : memref<2x64xi32, #tpu.memory_space<vmem>> -> memref<1x64xi32, #tpu.memory_space<vmem>>
            %dma_start3A_790 = tpu.memref_squeeze %dma_start3A_789 : memref<1x64xi32, #tpu.memory_space<vmem>> -> memref<64xi32, #tpu.memory_space<vmem>>
            %dma_start3A_791 = arith.constant 0 : i32
            %dma_start3A_792 = arith.constant 0 : i32
            %dma_start3A_793 = tpu.memref_slice %arg5[%dma_start3A_791, %dma_start3A_792] : memref<12520x128xf32, #tpu.memory_space<vmem_shared>> -> memref<12520x128xf32, #tpu.memory_space<vmem_shared>>
            tpu.enqueue_indirect_dma source(%arg7 : memref<64x128xf32, #tpu.memory_space<vmem>>) target(%dma_start3A_793 : memref<12520x128xf32, #tpu.memory_space<vmem_shared>>) offsets(%dma_start3A_790 : memref<64xi32, #tpu.memory_space<vmem>>) semaphore(%run_scoped3A : memref<!tpu.dma_semaphore, #tpu.memory_space<semaphore_mem>>) {add = true}
            %dma_wait3A_794 = arith.constant 0 : i32
            %dma_wait3A_795 = tpu.memref_slice %arg9[%rem3A_656, %dma_wait3A_794] : memref<2x64xi32, #tpu.memory_space<vmem>> -> memref<1x64xi32, #tpu.memory_space<vmem>>
            %dma_wait3A_796 = tpu.memref_squeeze %dma_wait3A_795 : memref<1x64xi32, #tpu.memory_space<vmem>> -> memref<64xi32, #tpu.memory_space<vmem>>
            %dma_wait3A_797 = arith.constant 0 : i32
            %dma_wait3A_798 = arith.constant 0 : i32
            %dma_wait3A_799 = tpu.memref_slice %arg5[%dma_wait3A_797, %dma_wait3A_798] : memref<12520x128xf32, #tpu.memory_space<vmem_shared>> -> memref<12520x128xf32, #tpu.memory_space<vmem_shared>>
            tpu.wait_indirect_dma semaphore(%run_scoped3A : memref<!tpu.dma_semaphore, #tpu.memory_space<semaphore_mem>>) src(%arg7 : memref<64x128xf32, #tpu.memory_space<vmem>>) dst(%dma_wait3A_799 : memref<12520x128xf32, #tpu.memory_space<vmem_shared>>)
            tpu.yield
          }) : () -> ()
        } else {
        }
        %jit3A_660 = arith.constant 64 : i32
        %jit3A_661 = arith.constant 0 : i32
        %select_n3A_662 = arith.select %ge3A_652, %jit3A_660, %jit3A_661 : i32
        %add3A_663 = arith.addi %add3A_606, %select_n3A_662 : i32
        %get3A_664 = arith.index_cast %while3A_320 : i32 to index
        %get3A_665 = arith.constant 96 : index
        %get3A_666 = tpu.vector_load %arg6[%get3A_664, %get3A_665] {strides = array<i32>} : memref<56x128xi32, #tpu.memory_space<vmem>>, vector<16xi32>,
        %ge3A_667 = vector.broadcast %mul3A_34 : i32 to vector<16xi32>
        %ge3A_668 = arith.cmpi sge, %get3A_666, %ge3A_667 : vector<16xi32>
        %add3A_669 = arith.constant 12512 : i32
        %add3A_670 = arith.addi %mul3A_34, %add3A_669 : i32
        %lt3A_671 = vector.broadcast %add3A_670 : i32 to vector<16xi32>
        %lt3A_672 = arith.cmpi slt, %get3A_666, %lt3A_671 : vector<16xi32>
        %and3A_673 = arith.andi %ge3A_668, %lt3A_672 : vector<16xi1>
        %jit3A_674 = arith.constant 1 : i32
        %jit3A_675 = arith.constant 0 : i32
        %broadcast_in_dim3A_676 = vector.broadcast %jit3A_674 : i32 to vector<16xi32>
        %broadcast_in_dim3A_677 = vector.broadcast %jit3A_675 : i32 to vector<16xi32>
        %select_n3A_678 = arith.select %and3A_673, %broadcast_in_dim3A_676, %broadcast_in_dim3A_677 : vector<16xi1>, vector<16xi32>
        %cumsum3A_679 = arith.constant true
        %cumsum3A_680 = vector.broadcast %cumsum3A_679 : i1 to vector<16xi1>
        %cumsum3A_681 = tpu.scan <sum>, %select_n3A_678 masked %cumsum3A_680 : vector<16xi32>, vector<16xi1> -> vector<16xi32>
        %add3A_682 = vector.broadcast %add3A_649 : i32 to vector<16xi32>
        %add3A_683 = arith.addi %add3A_682, %cumsum3A_681 : vector<16xi32>
        %sub3A_684 = arith.constant 1 : i32
        %sub3A_685 = vector.broadcast %sub3A_684 : i32 to vector<16xi32>
        %sub3A_686 = arith.subi %add3A_683, %sub3A_685 : vector<16xi32>
        %rem3A_687 = arith.constant 128 : i32
        %rem3A_688 = vector.broadcast %rem3A_687 : i32 to vector<16xi32>
        %rem3A_689 = arith.remsi %sub3A_686, %rem3A_688 : vector<16xi32>
        %shift_right_logical3A_690 = arith.constant 6 : i32
        %shift_right_logical3A_691 = vector.broadcast %shift_right_logical3A_690 : i32 to vector<16xi32>
        %shift_right_logical3A_692 = arith.shrui %rem3A_689, %shift_right_logical3A_691 : vector<16xi32>
        %rem3A_693 = arith.constant 64 : i32
        %rem3A_694 = vector.broadcast %rem3A_693 : i32 to vector<16xi32>
        %rem3A_695 = arith.remsi %rem3A_689, %rem3A_694 : vector<16xi32>
        %add3A_696 = arith.constant 96 : i32
        %add3A_697 = arith.addi %mul3A_328, %add3A_696 : i32
        %add3A_698 = vector.broadcast %add3A_697 : i32 to vector<16xi32>
        %add3A_699 = arith.addi %add3A_698, %iota3A : vector<16xi32>
        tpu.vector_store_idx %arg8[%shift_right_logical3A_692, %rem3A_695], %add3A_699 masked %and3A_673 : memref<2x64xi32, #tpu.memory_space<vmem>>[vector<16xi32>, vector<16xi32>], vector<16xi32>, vector<16xi1>
        %sub3A_700 = vector.broadcast %mul3A_34 : i32 to vector<16xi32>
        %sub3A_701 = arith.subi %get3A_666, %sub3A_700 : vector<16xi32>
        tpu.vector_store_idx %arg9[%shift_right_logical3A_692, %rem3A_695], %sub3A_701 masked %and3A_673 : memref<2x64xi32, #tpu.memory_space<vmem>>[vector<16xi32>, vector<16xi32>], vector<16xi32>, vector<16xi1>
        %reduce_sum3A_702 = arith.constant true
        %reduce_sum3A_703 = vector.broadcast %reduce_sum3A_702 : i1 to vector<16xi1>
        %reduce_sum3A_704 = tpu.scan <sum>, %select_n3A_678 masked %reduce_sum3A_703 : vector<16xi32>, vector<16xi1> -> vector<16xi32>
        %reduce_sum3A_705 = vector.extract %reduce_sum3A_704[15] : i32 from vector<16xi32>
        %add3A_706 = arith.addi %add3A_649, %reduce_sum3A_705 : i32
        %sub3A_707 = arith.subi %add3A_706, %add3A_663 : i32
        %ge3A_708 = arith.constant 64 : i32
        %ge3A_709 = arith.cmpi sge, %sub3A_707, %ge3A_708 : i32
        %shift_right_logical3A_710 = arith.constant 6 : i32
        %shift_right_logical3A_711 = arith.shrui %add3A_663, %shift_right_logical3A_710 : i32
        %rem3A_712 = arith.constant 2 : i32
        %rem3A_713 = arith.remsi %shift_right_logical3A_711, %rem3A_712 : i32
        %convert_element_type3A_714 = arith.extui %ge3A_709 : i1 to i32
        %cond3A_715 = arith.constant 0 : i32
        %cond3A_716 = arith.cmpi ne, %convert_element_type3A_714, %cond3A_715 : i32
        scf.if %cond3A_716 {
          %dma_start3A = arith.constant 0 : i32
          %dma_start3A_778 = tpu.memref_slice %arg8[%rem3A_713, %dma_start3A] : memref<2x64xi32, #tpu.memory_space<vmem>> -> memref<1x64xi32, #tpu.memory_space<vmem>>
          %dma_start3A_779 = tpu.memref_squeeze %dma_start3A_778 : memref<1x64xi32, #tpu.memory_space<vmem>> -> memref<64xi32, #tpu.memory_space<vmem>>
          %dma_start3A_780 = arith.constant 0 : i32
          %dma_start3A_781 = arith.constant 0 : i32
          %dma_start3A_782 = tpu.memref_slice %arg2[%dma_start3A_780, %dma_start3A_781] : memref<800000x128xf32, #tpu.memory_space<hbm>> -> memref<800000x128xf32, #tpu.memory_space<hbm>>
          tpu.enqueue_indirect_dma source(%dma_start3A_782 : memref<800000x128xf32, #tpu.memory_space<hbm>>) target(%arg7 : memref<64x128xf32, #tpu.memory_space<vmem>>) offsets(%dma_start3A_779 : memref<64xi32, #tpu.memory_space<vmem>>) semaphore(%arg11 : memref<!tpu.dma_semaphore, #tpu.memory_space<semaphore_mem>>)
          %dma_wait3A = arith.constant 0 : i32
          %dma_wait3A_783 = tpu.memref_slice %arg8[%rem3A_713, %dma_wait3A] : memref<2x64xi32, #tpu.memory_space<vmem>> -> memref<1x64xi32, #tpu.memory_space<vmem>>
          %dma_wait3A_784 = tpu.memref_squeeze %dma_wait3A_783 : memref<1x64xi32, #tpu.memory_space<vmem>> -> memref<64xi32, #tpu.memory_space<vmem>>
          %dma_wait3A_785 = arith.constant 0 : i32
          %dma_wait3A_786 = arith.constant 0 : i32
          %dma_wait3A_787 = tpu.memref_slice %arg2[%dma_wait3A_785, %dma_wait3A_786] : memref<800000x128xf32, #tpu.memory_space<hbm>> -> memref<800000x128xf32, #tpu.memory_space<hbm>>
          tpu.wait_indirect_dma semaphore(%arg11 : memref<!tpu.dma_semaphore, #tpu.memory_space<semaphore_mem>>) src(%dma_wait3A_787 : memref<800000x128xf32, #tpu.memory_space<hbm>>) dst(%arg7 : memref<64x128xf32, #tpu.memory_space<vmem>>)
          "tpu.region"() ({
            %run_scoped3A = tpu.sem_alloc : memref<!tpu.dma_semaphore, #tpu.memory_space<semaphore_mem>>
            %dma_start3A_788 = arith.constant 0 : i32
            %dma_start3A_789 = tpu.memref_slice %arg9[%rem3A_713, %dma_start3A_788] : memref<2x64xi32, #tpu.memory_space<vmem>> -> memref<1x64xi32, #tpu.memory_space<vmem>>
            %dma_start3A_790 = tpu.memref_squeeze %dma_start3A_789 : memref<1x64xi32, #tpu.memory_space<vmem>> -> memref<64xi32, #tpu.memory_space<vmem>>
            %dma_start3A_791 = arith.constant 0 : i32
            %dma_start3A_792 = arith.constant 0 : i32
            %dma_start3A_793 = tpu.memref_slice %arg5[%dma_start3A_791, %dma_start3A_792] : memref<12520x128xf32, #tpu.memory_space<vmem_shared>> -> memref<12520x128xf32, #tpu.memory_space<vmem_shared>>
            tpu.enqueue_indirect_dma source(%arg7 : memref<64x128xf32, #tpu.memory_space<vmem>>) target(%dma_start3A_793 : memref<12520x128xf32, #tpu.memory_space<vmem_shared>>) offsets(%dma_start3A_790 : memref<64xi32, #tpu.memory_space<vmem>>) semaphore(%run_scoped3A : memref<!tpu.dma_semaphore, #tpu.memory_space<semaphore_mem>>) {add = true}
            %dma_wait3A_794 = arith.constant 0 : i32
            %dma_wait3A_795 = tpu.memref_slice %arg9[%rem3A_713, %dma_wait3A_794] : memref<2x64xi32, #tpu.memory_space<vmem>> -> memref<1x64xi32, #tpu.memory_space<vmem>>
            %dma_wait3A_796 = tpu.memref_squeeze %dma_wait3A_795 : memref<1x64xi32, #tpu.memory_space<vmem>> -> memref<64xi32, #tpu.memory_space<vmem>>
            %dma_wait3A_797 = arith.constant 0 : i32
            %dma_wait3A_798 = arith.constant 0 : i32
            %dma_wait3A_799 = tpu.memref_slice %arg5[%dma_wait3A_797, %dma_wait3A_798] : memref<12520x128xf32, #tpu.memory_space<vmem_shared>> -> memref<12520x128xf32, #tpu.memory_space<vmem_shared>>
            tpu.wait_indirect_dma semaphore(%run_scoped3A : memref<!tpu.dma_semaphore, #tpu.memory_space<semaphore_mem>>) src(%arg7 : memref<64x128xf32, #tpu.memory_space<vmem>>) dst(%dma_wait3A_799 : memref<12520x128xf32, #tpu.memory_space<vmem_shared>>)
            tpu.yield
          }) : () -> ()
        } else {
        }
        %jit3A_717 = arith.constant 64 : i32
        %jit3A_718 = arith.constant 0 : i32
        %select_n3A_719 = arith.select %ge3A_709, %jit3A_717, %jit3A_718 : i32
        %add3A_720 = arith.addi %add3A_663, %select_n3A_719 : i32
        %get3A_721 = arith.index_cast %while3A_320 : i32 to index
        %get3A_722 = arith.constant 112 : index
        %get3A_723 = tpu.vector_load %arg6[%get3A_721, %get3A_722] {strides = array<i32>} : memref<56x128xi32, #tpu.memory_space<vmem>>, vector<16xi32>,
        %ge3A_724 = vector.broadcast %mul3A_34 : i32 to vector<16xi32>
        %ge3A_725 = arith.cmpi sge, %get3A_723, %ge3A_724 : vector<16xi32>
        %add3A_726 = arith.constant 12512 : i32
        %add3A_727 = arith.addi %mul3A_34, %add3A_726 : i32
        %lt3A_728 = vector.broadcast %add3A_727 : i32 to vector<16xi32>
        %lt3A_729 = arith.cmpi slt, %get3A_723, %lt3A_728 : vector<16xi32>
        %and3A_730 = arith.andi %ge3A_725, %lt3A_729 : vector<16xi1>
        %jit3A_731 = arith.constant 1 : i32
        %jit3A_732 = arith.constant 0 : i32
        %broadcast_in_dim3A_733 = vector.broadcast %jit3A_731 : i32 to vector<16xi32>
        %broadcast_in_dim3A_734 = vector.broadcast %jit3A_732 : i32 to vector<16xi32>
        %select_n3A_735 = arith.select %and3A_730, %broadcast_in_dim3A_733, %broadcast_in_dim3A_734 : vector<16xi1>, vector<16xi32>
        %cumsum3A_736 = arith.constant true
        %cumsum3A_737 = vector.broadcast %cumsum3A_736 : i1 to vector<16xi1>
        %cumsum3A_738 = tpu.scan <sum>, %select_n3A_735 masked %cumsum3A_737 : vector<16xi32>, vector<16xi1> -> vector<16xi32>
        %add3A_739 = vector.broadcast %add3A_706 : i32 to vector<16xi32>
        %add3A_740 = arith.addi %add3A_739, %cumsum3A_738 : vector<16xi32>
        %sub3A_741 = arith.constant 1 : i32
        %sub3A_742 = vector.broadcast %sub3A_741 : i32 to vector<16xi32>
        %sub3A_743 = arith.subi %add3A_740, %sub3A_742 : vector<16xi32>
        %rem3A_744 = arith.constant 128 : i32
        %rem3A_745 = vector.broadcast %rem3A_744 : i32 to vector<16xi32>
        %rem3A_746 = arith.remsi %sub3A_743, %rem3A_745 : vector<16xi32>
        %shift_right_logical3A_747 = arith.constant 6 : i32
        %shift_right_logical3A_748 = vector.broadcast %shift_right_logical3A_747 : i32 to vector<16xi32>
        %shift_right_logical3A_749 = arith.shrui %rem3A_746, %shift_right_logical3A_748 : vector<16xi32>
        %rem3A_750 = arith.constant 64 : i32
        %rem3A_751 = vector.broadcast %rem3A_750 : i32 to vector<16xi32>
        %rem3A_752 = arith.remsi %rem3A_746, %rem3A_751 : vector<16xi32>
        %add3A_753 = arith.constant 112 : i32
        %add3A_754 = arith.addi %mul3A_328, %add3A_753 : i32
        %add3A_755 = vector.broadcast %add3A_754 : i32 to vector<16xi32>
        %add3A_756 = arith.addi %add3A_755, %iota3A : vector<16xi32>
        tpu.vector_store_idx %arg8[%shift_right_logical3A_749, %rem3A_752], %add3A_756 masked %and3A_730 : memref<2x64xi32, #tpu.memory_space<vmem>>[vector<16xi32>, vector<16xi32>], vector<16xi32>, vector<16xi1>
        %sub3A_757 = vector.broadcast %mul3A_34 : i32 to vector<16xi32>
        %sub3A_758 = arith.subi %get3A_723, %sub3A_757 : vector<16xi32>
        tpu.vector_store_idx %arg9[%shift_right_logical3A_749, %rem3A_752], %sub3A_758 masked %and3A_730 : memref<2x64xi32, #tpu.memory_space<vmem>>[vector<16xi32>, vector<16xi32>], vector<16xi32>, vector<16xi1>
        %reduce_sum3A_759 = arith.constant true
        %reduce_sum3A_760 = vector.broadcast %reduce_sum3A_759 : i1 to vector<16xi1>
        %reduce_sum3A_761 = tpu.scan <sum>, %select_n3A_735 masked %reduce_sum3A_760 : vector<16xi32>, vector<16xi1> -> vector<16xi32>
        %reduce_sum3A_762 = vector.extract %reduce_sum3A_761[15] : i32 from vector<16xi32>
        %add3A_763 = arith.addi %add3A_706, %reduce_sum3A_762 : i32
        %sub3A_764 = arith.subi %add3A_763, %add3A_720 : i32
        %ge3A_765 = arith.constant 64 : i32
        %ge3A_766 = arith.cmpi sge, %sub3A_764, %ge3A_765 : i32
        %shift_right_logical3A_767 = arith.constant 6 : i32
        %shift_right_logical3A_768 = arith.shrui %add3A_720, %shift_right_logical3A_767 : i32
        %rem3A_769 = arith.constant 2 : i32
        %rem3A_770 = arith.remsi %shift_right_logical3A_768, %rem3A_769 : i32
        %convert_element_type3A_771 = arith.extui %ge3A_766 : i1 to i32
        %cond3A_772 = arith.constant 0 : i32
        %cond3A_773 = arith.cmpi ne, %convert_element_type3A_771, %cond3A_772 : i32
        scf.if %cond3A_773 {
          %dma_start3A = arith.constant 0 : i32
          %dma_start3A_778 = tpu.memref_slice %arg8[%rem3A_770, %dma_start3A] : memref<2x64xi32, #tpu.memory_space<vmem>> -> memref<1x64xi32, #tpu.memory_space<vmem>>
          %dma_start3A_779 = tpu.memref_squeeze %dma_start3A_778 : memref<1x64xi32, #tpu.memory_space<vmem>> -> memref<64xi32, #tpu.memory_space<vmem>>
          %dma_start3A_780 = arith.constant 0 : i32
          %dma_start3A_781 = arith.constant 0 : i32
          %dma_start3A_782 = tpu.memref_slice %arg2[%dma_start3A_780, %dma_start3A_781] : memref<800000x128xf32, #tpu.memory_space<hbm>> -> memref<800000x128xf32, #tpu.memory_space<hbm>>
          tpu.enqueue_indirect_dma source(%dma_start3A_782 : memref<800000x128xf32, #tpu.memory_space<hbm>>) target(%arg7 : memref<64x128xf32, #tpu.memory_space<vmem>>) offsets(%dma_start3A_779 : memref<64xi32, #tpu.memory_space<vmem>>) semaphore(%arg11 : memref<!tpu.dma_semaphore, #tpu.memory_space<semaphore_mem>>)
          %dma_wait3A = arith.constant 0 : i32
          %dma_wait3A_783 = tpu.memref_slice %arg8[%rem3A_770, %dma_wait3A] : memref<2x64xi32, #tpu.memory_space<vmem>> -> memref<1x64xi32, #tpu.memory_space<vmem>>
          %dma_wait3A_784 = tpu.memref_squeeze %dma_wait3A_783 : memref<1x64xi32, #tpu.memory_space<vmem>> -> memref<64xi32, #tpu.memory_space<vmem>>
          %dma_wait3A_785 = arith.constant 0 : i32
          %dma_wait3A_786 = arith.constant 0 : i32
          %dma_wait3A_787 = tpu.memref_slice %arg2[%dma_wait3A_785, %dma_wait3A_786] : memref<800000x128xf32, #tpu.memory_space<hbm>> -> memref<800000x128xf32, #tpu.memory_space<hbm>>
          tpu.wait_indirect_dma semaphore(%arg11 : memref<!tpu.dma_semaphore, #tpu.memory_space<semaphore_mem>>) src(%dma_wait3A_787 : memref<800000x128xf32, #tpu.memory_space<hbm>>) dst(%arg7 : memref<64x128xf32, #tpu.memory_space<vmem>>)
          "tpu.region"() ({
            %run_scoped3A = tpu.sem_alloc : memref<!tpu.dma_semaphore, #tpu.memory_space<semaphore_mem>>
            %dma_start3A_788 = arith.constant 0 : i32
            %dma_start3A_789 = tpu.memref_slice %arg9[%rem3A_770, %dma_start3A_788] : memref<2x64xi32, #tpu.memory_space<vmem>> -> memref<1x64xi32, #tpu.memory_space<vmem>>
            %dma_start3A_790 = tpu.memref_squeeze %dma_start3A_789 : memref<1x64xi32, #tpu.memory_space<vmem>> -> memref<64xi32, #tpu.memory_space<vmem>>
            %dma_start3A_791 = arith.constant 0 : i32
            %dma_start3A_792 = arith.constant 0 : i32
            %dma_start3A_793 = tpu.memref_slice %arg5[%dma_start3A_791, %dma_start3A_792] : memref<12520x128xf32, #tpu.memory_space<vmem_shared>> -> memref<12520x128xf32, #tpu.memory_space<vmem_shared>>
            tpu.enqueue_indirect_dma source(%arg7 : memref<64x128xf32, #tpu.memory_space<vmem>>) target(%dma_start3A_793 : memref<12520x128xf32, #tpu.memory_space<vmem_shared>>) offsets(%dma_start3A_790 : memref<64xi32, #tpu.memory_space<vmem>>) semaphore(%run_scoped3A : memref<!tpu.dma_semaphore, #tpu.memory_space<semaphore_mem>>) {add = true}
            %dma_wait3A_794 = arith.constant 0 : i32
            %dma_wait3A_795 = tpu.memref_slice %arg9[%rem3A_770, %dma_wait3A_794] : memref<2x64xi32, #tpu.memory_space<vmem>> -> memref<1x64xi32, #tpu.memory_space<vmem>>
            %dma_wait3A_796 = tpu.memref_squeeze %dma_wait3A_795 : memref<1x64xi32, #tpu.memory_space<vmem>> -> memref<64xi32, #tpu.memory_space<vmem>>
            %dma_wait3A_797 = arith.constant 0 : i32
            %dma_wait3A_798 = arith.constant 0 : i32
            %dma_wait3A_799 = tpu.memref_slice %arg5[%dma_wait3A_797, %dma_wait3A_798] : memref<12520x128xf32, #tpu.memory_space<vmem_shared>> -> memref<12520x128xf32, #tpu.memory_space<vmem_shared>>
            tpu.wait_indirect_dma semaphore(%run_scoped3A : memref<!tpu.dma_semaphore, #tpu.memory_space<semaphore_mem>>) src(%arg7 : memref<64x128xf32, #tpu.memory_space<vmem>>) dst(%dma_wait3A_799 : memref<12520x128xf32, #tpu.memory_space<vmem_shared>>)
            tpu.yield
          }) : () -> ()
        } else {
        }
        %jit3A_774 = arith.constant 64 : i32
        %jit3A_775 = arith.constant 0 : i32
        %select_n3A_776 = arith.select %ge3A_766, %jit3A_774, %jit3A_775 : i32
        %add3A_777 = arith.addi %add3A_720, %select_n3A_776 : i32
        scf.yield %add3A_763, %add3A_777 : i32, i32
      }
      %while3A_318 = arith.constant 1 : i32
      %while3A_319:2 = scf.for %while3A_320 = %while3A_315 to %while3A_311 step %while3A_318 iter_args(%while3A_321 = %while3A_317#0, %while3A_322 = %while3A_317#1) -> (i32, i32)  : i32 {
        %mul3A_323 = arith.constant 56 : i32
        %mul3A_324 = arith.muli %scan3A_296, %mul3A_323 : i32
        %add3A_325 = arith.addi %mul3A_3, %mul3A_324 : i32
        %add3A_326 = arith.addi %add3A_325, %while3A_320 : i32
        %mul3A_327 = arith.constant 128 : i32
        %mul3A_328 = arith.muli %add3A_326, %mul3A_327 : i32
        %get3A = arith.index_cast %while3A_320 : i32 to index
        %get3A_329 = arith.constant 0 : index
        %get3A_330 = tpu.vector_load %arg6[%get3A, %get3A_329] {strides = array<i32>} : memref<56x128xi32, #tpu.memory_space<vmem>>, vector<16xi32>,
        %ge3A = vector.broadcast %mul3A_34 : i32 to vector<16xi32>
        %ge3A_331 = arith.cmpi sge, %get3A_330, %ge3A : vector<16xi32>
        %add3A_332 = arith.constant 12512 : i32
        %add3A_333 = arith.addi %mul3A_34, %add3A_332 : i32
        %lt3A_334 = vector.broadcast %add3A_333 : i32 to vector<16xi32>
        %lt3A_335 = arith.cmpi slt, %get3A_330, %lt3A_334 : vector<16xi32>
        %and3A = arith.andi %ge3A_331, %lt3A_335 : vector<16xi1>
        %jit3A_336 = arith.constant 1 : i32
        %jit3A_337 = arith.constant 0 : i32
        %broadcast_in_dim3A_338 = vector.broadcast %jit3A_336 : i32 to vector<16xi32>
        %broadcast_in_dim3A_339 = vector.broadcast %jit3A_337 : i32 to vector<16xi32>
        %select_n3A_340 = arith.select %and3A, %broadcast_in_dim3A_338, %broadcast_in_dim3A_339 : vector<16xi1>, vector<16xi32>
        %cumsum3A = arith.constant true
        %cumsum3A_341 = vector.broadcast %cumsum3A : i1 to vector<16xi1>
        %cumsum3A_342 = tpu.scan <sum>, %select_n3A_340 masked %cumsum3A_341 : vector<16xi32>, vector<16xi1> -> vector<16xi32>
        %add3A_343 = vector.broadcast %while3A_321 : i32 to vector<16xi32>
        %add3A_344 = arith.addi %add3A_343, %cumsum3A_342 : vector<16xi32>
        %sub3A_345 = arith.constant 1 : i32
        %sub3A_346 = vector.broadcast %sub3A_345 : i32 to vector<16xi32>
        %sub3A_347 = arith.subi %add3A_344, %sub3A_346 : vector<16xi32>
        %rem3A = arith.constant 128 : i32
        %rem3A_348 = vector.broadcast %rem3A : i32 to vector<16xi32>
        %rem3A_349 = arith.remsi %sub3A_347, %rem3A_348 : vector<16xi32>
        %shift_right_logical3A = arith.constant 6 : i32
        %shift_right_logical3A_350 = vector.broadcast %shift_right_logical3A : i32 to vector<16xi32>
        %shift_right_logical3A_351 = arith.shrui %rem3A_349, %shift_right_logical3A_350 : vector<16xi32>
        %rem3A_352 = arith.constant 64 : i32
        %rem3A_353 = vector.broadcast %rem3A_352 : i32 to vector<16xi32>
        %rem3A_354 = arith.remsi %rem3A_349, %rem3A_353 : vector<16xi32>
        %add3A_355 = arith.constant 0 : i32
        %add3A_356 = arith.addi %mul3A_328, %add3A_355 : i32
        %add3A_357 = vector.broadcast %add3A_356 : i32 to vector<16xi32>
        %add3A_358 = arith.addi %add3A_357, %iota3A : vector<16xi32>
        tpu.vector_store_idx %arg8[%shift_right_logical3A_351, %rem3A_354], %add3A_358 masked %and3A : memref<2x64xi32, #tpu.memory_space<vmem>>[vector<16xi32>, vector<16xi32>], vector<16xi32>, vector<16xi1>
        %sub3A_359 = vector.broadcast %mul3A_34 : i32 to vector<16xi32>
        %sub3A_360 = arith.subi %get3A_330, %sub3A_359 : vector<16xi32>
        tpu.vector_store_idx %arg9[%shift_right_logical3A_351, %rem3A_354], %sub3A_360 masked %and3A : memref<2x64xi32, #tpu.memory_space<vmem>>[vector<16xi32>, vector<16xi32>], vector<16xi32>, vector<16xi1>
        %reduce_sum3A = arith.constant true
        %reduce_sum3A_361 = vector.broadcast %reduce_sum3A : i1 to vector<16xi1>
        %reduce_sum3A_362 = tpu.scan <sum>, %select_n3A_340 masked %reduce_sum3A_361 : vector<16xi32>, vector<16xi1> -> vector<16xi32>
        %reduce_sum3A_363 = vector.extract %reduce_sum3A_362[15] : i32 from vector<16xi32>
        %add3A_364 = arith.addi %while3A_321, %reduce_sum3A_363 : i32
        %sub3A_365 = arith.subi %add3A_364, %while3A_322 : i32
        %ge3A_366 = arith.constant 64 : i32
        %ge3A_367 = arith.cmpi sge, %sub3A_365, %ge3A_366 : i32
        %shift_right_logical3A_368 = arith.constant 6 : i32
        %shift_right_logical3A_369 = arith.shrui %while3A_322, %shift_right_logical3A_368 : i32
        %rem3A_370 = arith.constant 2 : i32
        %rem3A_371 = arith.remsi %shift_right_logical3A_369, %rem3A_370 : i32
        %convert_element_type3A_372 = arith.extui %ge3A_367 : i1 to i32
        %cond3A_373 = arith.constant 0 : i32
        %cond3A_374 = arith.cmpi ne, %convert_element_type3A_372, %cond3A_373 : i32
        scf.if %cond3A_374 {
          %dma_start3A = arith.constant 0 : i32
          %dma_start3A_778 = tpu.memref_slice %arg8[%rem3A_371, %dma_start3A] : memref<2x64xi32, #tpu.memory_space<vmem>> -> memref<1x64xi32, #tpu.memory_space<vmem>>
          %dma_start3A_779 = tpu.memref_squeeze %dma_start3A_778 : memref<1x64xi32, #tpu.memory_space<vmem>> -> memref<64xi32, #tpu.memory_space<vmem>>
          %dma_start3A_780 = arith.constant 0 : i32
          %dma_start3A_781 = arith.constant 0 : i32
          %dma_start3A_782 = tpu.memref_slice %arg2[%dma_start3A_780, %dma_start3A_781] : memref<800000x128xf32, #tpu.memory_space<hbm>> -> memref<800000x128xf32, #tpu.memory_space<hbm>>
          tpu.enqueue_indirect_dma source(%dma_start3A_782 : memref<800000x128xf32, #tpu.memory_space<hbm>>) target(%arg7 : memref<64x128xf32, #tpu.memory_space<vmem>>) offsets(%dma_start3A_779 : memref<64xi32, #tpu.memory_space<vmem>>) semaphore(%arg11 : memref<!tpu.dma_semaphore, #tpu.memory_space<semaphore_mem>>)
          %dma_wait3A = arith.constant 0 : i32
          %dma_wait3A_783 = tpu.memref_slice %arg8[%rem3A_371, %dma_wait3A] : memref<2x64xi32, #tpu.memory_space<vmem>> -> memref<1x64xi32, #tpu.memory_space<vmem>>
          %dma_wait3A_784 = tpu.memref_squeeze %dma_wait3A_783 : memref<1x64xi32, #tpu.memory_space<vmem>> -> memref<64xi32, #tpu.memory_space<vmem>>
          %dma_wait3A_785 = arith.constant 0 : i32
          %dma_wait3A_786 = arith.constant 0 : i32
          %dma_wait3A_787 = tpu.memref_slice %arg2[%dma_wait3A_785, %dma_wait3A_786] : memref<800000x128xf32, #tpu.memory_space<hbm>> -> memref<800000x128xf32, #tpu.memory_space<hbm>>
          tpu.wait_indirect_dma semaphore(%arg11 : memref<!tpu.dma_semaphore, #tpu.memory_space<semaphore_mem>>) src(%dma_wait3A_787 : memref<800000x128xf32, #tpu.memory_space<hbm>>) dst(%arg7 : memref<64x128xf32, #tpu.memory_space<vmem>>)
          "tpu.region"() ({
            %run_scoped3A = tpu.sem_alloc : memref<!tpu.dma_semaphore, #tpu.memory_space<semaphore_mem>>
            %dma_start3A_788 = arith.constant 0 : i32
            %dma_start3A_789 = tpu.memref_slice %arg9[%rem3A_371, %dma_start3A_788] : memref<2x64xi32, #tpu.memory_space<vmem>> -> memref<1x64xi32, #tpu.memory_space<vmem>>
            %dma_start3A_790 = tpu.memref_squeeze %dma_start3A_789 : memref<1x64xi32, #tpu.memory_space<vmem>> -> memref<64xi32, #tpu.memory_space<vmem>>
            %dma_start3A_791 = arith.constant 0 : i32
            %dma_start3A_792 = arith.constant 0 : i32
            %dma_start3A_793 = tpu.memref_slice %arg5[%dma_start3A_791, %dma_start3A_792] : memref<12520x128xf32, #tpu.memory_space<vmem_shared>> -> memref<12520x128xf32, #tpu.memory_space<vmem_shared>>
            tpu.enqueue_indirect_dma source(%arg7 : memref<64x128xf32, #tpu.memory_space<vmem>>) target(%dma_start3A_793 : memref<12520x128xf32, #tpu.memory_space<vmem_shared>>) offsets(%dma_start3A_790 : memref<64xi32, #tpu.memory_space<vmem>>) semaphore(%run_scoped3A : memref<!tpu.dma_semaphore, #tpu.memory_space<semaphore_mem>>) {add = true}
            %dma_wait3A_794 = arith.constant 0 : i32
            %dma_wait3A_795 = tpu.memref_slice %arg9[%rem3A_371, %dma_wait3A_794] : memref<2x64xi32, #tpu.memory_space<vmem>> -> memref<1x64xi32, #tpu.memory_space<vmem>>
            %dma_wait3A_796 = tpu.memref_squeeze %dma_wait3A_795 : memref<1x64xi32, #tpu.memory_space<vmem>> -> memref<64xi32, #tpu.memory_space<vmem>>
            %dma_wait3A_797 = arith.constant 0 : i32
            %dma_wait3A_798 = arith.constant 0 : i32
            %dma_wait3A_799 = tpu.memref_slice %arg5[%dma_wait3A_797, %dma_wait3A_798] : memref<12520x128xf32, #tpu.memory_space<vmem_shared>> -> memref<12520x128xf32, #tpu.memory_space<vmem_shared>>
            tpu.wait_indirect_dma semaphore(%run_scoped3A : memref<!tpu.dma_semaphore, #tpu.memory_space<semaphore_mem>>) src(%arg7 : memref<64x128xf32, #tpu.memory_space<vmem>>) dst(%dma_wait3A_799 : memref<12520x128xf32, #tpu.memory_space<vmem_shared>>)
            tpu.yield
          }) : () -> ()
        } else {
        }
        %jit3A_375 = arith.constant 64 : i32
        %jit3A_376 = arith.constant 0 : i32
        %select_n3A_377 = arith.select %ge3A_367, %jit3A_375, %jit3A_376 : i32
        %add3A_378 = arith.addi %while3A_322, %select_n3A_377 : i32
        %get3A_379 = arith.index_cast %while3A_320 : i32 to index
        %get3A_380 = arith.constant 16 : index
        %get3A_381 = tpu.vector_load %arg6[%get3A_379, %get3A_380] {strides = array<i32>} : memref<56x128xi32, #tpu.memory_space<vmem>>, vector<16xi32>,
        %ge3A_382 = vector.broadcast %mul3A_34 : i32 to vector<16xi32>
        %ge3A_383 = arith.cmpi sge, %get3A_381, %ge3A_382 : vector<16xi32>
        %add3A_384 = arith.constant 12512 : i32
        %add3A_385 = arith.addi %mul3A_34, %add3A_384 : i32
        %lt3A_386 = vector.broadcast %add3A_385 : i32 to vector<16xi32>
        %lt3A_387 = arith.cmpi slt, %get3A_381, %lt3A_386 : vector<16xi32>
        %and3A_388 = arith.andi %ge3A_383, %lt3A_387 : vector<16xi1>
        %jit3A_389 = arith.constant 1 : i32
        %jit3A_390 = arith.constant 0 : i32
        %broadcast_in_dim3A_391 = vector.broadcast %jit3A_389 : i32 to vector<16xi32>
        %broadcast_in_dim3A_392 = vector.broadcast %jit3A_390 : i32 to vector<16xi32>
        %select_n3A_393 = arith.select %and3A_388, %broadcast_in_dim3A_391, %broadcast_in_dim3A_392 : vector<16xi1>, vector<16xi32>
        %cumsum3A_394 = arith.constant true
        %cumsum3A_395 = vector.broadcast %cumsum3A_394 : i1 to vector<16xi1>
        %cumsum3A_396 = tpu.scan <sum>, %select_n3A_393 masked %cumsum3A_395 : vector<16xi32>, vector<16xi1> -> vector<16xi32>
        %add3A_397 = vector.broadcast %add3A_364 : i32 to vector<16xi32>
        %add3A_398 = arith.addi %add3A_397, %cumsum3A_396 : vector<16xi32>
        %sub3A_399 = arith.constant 1 : i32
        %sub3A_400 = vector.broadcast %sub3A_399 : i32 to vector<16xi32>
        %sub3A_401 = arith.subi %add3A_398, %sub3A_400 : vector<16xi32>
        %rem3A_402 = arith.constant 128 : i32
        %rem3A_403 = vector.broadcast %rem3A_402 : i32 to vector<16xi32>
        %rem3A_404 = arith.remsi %sub3A_401, %rem3A_403 : vector<16xi32>
        %shift_right_logical3A_405 = arith.constant 6 : i32
        %shift_right_logical3A_406 = vector.broadcast %shift_right_logical3A_405 : i32 to vector<16xi32>
        %shift_right_logical3A_407 = arith.shrui %rem3A_404, %shift_right_logical3A_406 : vector<16xi32>
        %rem3A_408 = arith.constant 64 : i32
        %rem3A_409 = vector.broadcast %rem3A_408 : i32 to vector<16xi32>
        %rem3A_410 = arith.remsi %rem3A_404, %rem3A_409 : vector<16xi32>
        %add3A_411 = arith.constant 16 : i32
        %add3A_412 = arith.addi %mul3A_328, %add3A_411 : i32
        %add3A_413 = vector.broadcast %add3A_412 : i32 to vector<16xi32>
        %add3A_414 = arith.addi %add3A_413, %iota3A : vector<16xi32>
        tpu.vector_store_idx %arg8[%shift_right_logical3A_407, %rem3A_410], %add3A_414 masked %and3A_388 : memref<2x64xi32, #tpu.memory_space<vmem>>[vector<16xi32>, vector<16xi32>], vector<16xi32>, vector<16xi1>
        %sub3A_415 = vector.broadcast %mul3A_34 : i32 to vector<16xi32>
        %sub3A_416 = arith.subi %get3A_381, %sub3A_415 : vector<16xi32>
        tpu.vector_store_idx %arg9[%shift_right_logical3A_407, %rem3A_410], %sub3A_416 masked %and3A_388 : memref<2x64xi32, #tpu.memory_space<vmem>>[vector<16xi32>, vector<16xi32>], vector<16xi32>, vector<16xi1>
        %reduce_sum3A_417 = arith.constant true
        %reduce_sum3A_418 = vector.broadcast %reduce_sum3A_417 : i1 to vector<16xi1>
        %reduce_sum3A_419 = tpu.scan <sum>, %select_n3A_393 masked %reduce_sum3A_418 : vector<16xi32>, vector<16xi1> -> vector<16xi32>
        %reduce_sum3A_420 = vector.extract %reduce_sum3A_419[15] : i32 from vector<16xi32>
        %add3A_421 = arith.addi %add3A_364, %reduce_sum3A_420 : i32
        %sub3A_422 = arith.subi %add3A_421, %add3A_378 : i32
        %ge3A_423 = arith.constant 64 : i32
        %ge3A_424 = arith.cmpi sge, %sub3A_422, %ge3A_423 : i32
        %shift_right_logical3A_425 = arith.constant 6 : i32
        %shift_right_logical3A_426 = arith.shrui %add3A_378, %shift_right_logical3A_425 : i32
        %rem3A_427 = arith.constant 2 : i32
        %rem3A_428 = arith.remsi %shift_right_logical3A_426, %rem3A_427 : i32
        %convert_element_type3A_429 = arith.extui %ge3A_424 : i1 to i32
        %cond3A_430 = arith.constant 0 : i32
        %cond3A_431 = arith.cmpi ne, %convert_element_type3A_429, %cond3A_430 : i32
        scf.if %cond3A_431 {
          %dma_start3A = arith.constant 0 : i32
          %dma_start3A_778 = tpu.memref_slice %arg8[%rem3A_428, %dma_start3A] : memref<2x64xi32, #tpu.memory_space<vmem>> -> memref<1x64xi32, #tpu.memory_space<vmem>>
          %dma_start3A_779 = tpu.memref_squeeze %dma_start3A_778 : memref<1x64xi32, #tpu.memory_space<vmem>> -> memref<64xi32, #tpu.memory_space<vmem>>
          %dma_start3A_780 = arith.constant 0 : i32
          %dma_start3A_781 = arith.constant 0 : i32
          %dma_start3A_782 = tpu.memref_slice %arg2[%dma_start3A_780, %dma_start3A_781] : memref<800000x128xf32, #tpu.memory_space<hbm>> -> memref<800000x128xf32, #tpu.memory_space<hbm>>
          tpu.enqueue_indirect_dma source(%dma_start3A_782 : memref<800000x128xf32, #tpu.memory_space<hbm>>) target(%arg7 : memref<64x128xf32, #tpu.memory_space<vmem>>) offsets(%dma_start3A_779 : memref<64xi32, #tpu.memory_space<vmem>>) semaphore(%arg11 : memref<!tpu.dma_semaphore, #tpu.memory_space<semaphore_mem>>)
          %dma_wait3A = arith.constant 0 : i32
          %dma_wait3A_783 = tpu.memref_slice %arg8[%rem3A_428, %dma_wait3A] : memref<2x64xi32, #tpu.memory_space<vmem>> -> memref<1x64xi32, #tpu.memory_space<vmem>>
          %dma_wait3A_784 = tpu.memref_squeeze %dma_wait3A_783 : memref<1x64xi32, #tpu.memory_space<vmem>> -> memref<64xi32, #tpu.memory_space<vmem>>
          %dma_wait3A_785 = arith.constant 0 : i32
          %dma_wait3A_786 = arith.constant 0 : i32
          %dma_wait3A_787 = tpu.memref_slice %arg2[%dma_wait3A_785, %dma_wait3A_786] : memref<800000x128xf32, #tpu.memory_space<hbm>> -> memref<800000x128xf32, #tpu.memory_space<hbm>>
          tpu.wait_indirect_dma semaphore(%arg11 : memref<!tpu.dma_semaphore, #tpu.memory_space<semaphore_mem>>) src(%dma_wait3A_787 : memref<800000x128xf32, #tpu.memory_space<hbm>>) dst(%arg7 : memref<64x128xf32, #tpu.memory_space<vmem>>)
          "tpu.region"() ({
            %run_scoped3A = tpu.sem_alloc : memref<!tpu.dma_semaphore, #tpu.memory_space<semaphore_mem>>
            %dma_start3A_788 = arith.constant 0 : i32
            %dma_start3A_789 = tpu.memref_slice %arg9[%rem3A_428, %dma_start3A_788] : memref<2x64xi32, #tpu.memory_space<vmem>> -> memref<1x64xi32, #tpu.memory_space<vmem>>
            %dma_start3A_790 = tpu.memref_squeeze %dma_start3A_789 : memref<1x64xi32, #tpu.memory_space<vmem>> -> memref<64xi32, #tpu.memory_space<vmem>>
            %dma_start3A_791 = arith.constant 0 : i32
            %dma_start3A_792 = arith.constant 0 : i32
            %dma_start3A_793 = tpu.memref_slice %arg5[%dma_start3A_791, %dma_start3A_792] : memref<12520x128xf32, #tpu.memory_space<vmem_shared>> -> memref<12520x128xf32, #tpu.memory_space<vmem_shared>>
            tpu.enqueue_indirect_dma source(%arg7 : memref<64x128xf32, #tpu.memory_space<vmem>>) target(%dma_start3A_793 : memref<12520x128xf32, #tpu.memory_space<vmem_shared>>) offsets(%dma_start3A_790 : memref<64xi32, #tpu.memory_space<vmem>>) semaphore(%run_scoped3A : memref<!tpu.dma_semaphore, #tpu.memory_space<semaphore_mem>>) {add = true}
            %dma_wait3A_794 = arith.constant 0 : i32
            %dma_wait3A_795 = tpu.memref_slice %arg9[%rem3A_428, %dma_wait3A_794] : memref<2x64xi32, #tpu.memory_space<vmem>> -> memref<1x64xi32, #tpu.memory_space<vmem>>
            %dma_wait3A_796 = tpu.memref_squeeze %dma_wait3A_795 : memref<1x64xi32, #tpu.memory_space<vmem>> -> memref<64xi32, #tpu.memory_space<vmem>>
            %dma_wait3A_797 = arith.constant 0 : i32
            %dma_wait3A_798 = arith.constant 0 : i32
            %dma_wait3A_799 = tpu.memref_slice %arg5[%dma_wait3A_797, %dma_wait3A_798] : memref<12520x128xf32, #tpu.memory_space<vmem_shared>> -> memref<12520x128xf32, #tpu.memory_space<vmem_shared>>
            tpu.wait_indirect_dma semaphore(%run_scoped3A : memref<!tpu.dma_semaphore, #tpu.memory_space<semaphore_mem>>) src(%arg7 : memref<64x128xf32, #tpu.memory_space<vmem>>) dst(%dma_wait3A_799 : memref<12520x128xf32, #tpu.memory_space<vmem_shared>>)
            tpu.yield
          }) : () -> ()
        } else {
        }
        %jit3A_432 = arith.constant 64 : i32
        %jit3A_433 = arith.constant 0 : i32
        %select_n3A_434 = arith.select %ge3A_424, %jit3A_432, %jit3A_433 : i32
        %add3A_435 = arith.addi %add3A_378, %select_n3A_434 : i32
        %get3A_436 = arith.index_cast %while3A_320 : i32 to index
        %get3A_437 = arith.constant 32 : index
        %get3A_438 = tpu.vector_load %arg6[%get3A_436, %get3A_437] {strides = array<i32>} : memref<56x128xi32, #tpu.memory_space<vmem>>, vector<16xi32>,
        %ge3A_439 = vector.broadcast %mul3A_34 : i32 to vector<16xi32>
        %ge3A_440 = arith.cmpi sge, %get3A_438, %ge3A_439 : vector<16xi32>
        %add3A_441 = arith.constant 12512 : i32
        %add3A_442 = arith.addi %mul3A_34, %add3A_441 : i32
        %lt3A_443 = vector.broadcast %add3A_442 : i32 to vector<16xi32>
        %lt3A_444 = arith.cmpi slt, %get3A_438, %lt3A_443 : vector<16xi32>
        %and3A_445 = arith.andi %ge3A_440, %lt3A_444 : vector<16xi1>
        %jit3A_446 = arith.constant 1 : i32
        %jit3A_447 = arith.constant 0 : i32
        %broadcast_in_dim3A_448 = vector.broadcast %jit3A_446 : i32 to vector<16xi32>
        %broadcast_in_dim3A_449 = vector.broadcast %jit3A_447 : i32 to vector<16xi32>
        %select_n3A_450 = arith.select %and3A_445, %broadcast_in_dim3A_448, %broadcast_in_dim3A_449 : vector<16xi1>, vector<16xi32>
        %cumsum3A_451 = arith.constant true
        %cumsum3A_452 = vector.broadcast %cumsum3A_451 : i1 to vector<16xi1>
        %cumsum3A_453 = tpu.scan <sum>, %select_n3A_450 masked %cumsum3A_452 : vector<16xi32>, vector<16xi1> -> vector<16xi32>
        %add3A_454 = vector.broadcast %add3A_421 : i32 to vector<16xi32>
        %add3A_455 = arith.addi %add3A_454, %cumsum3A_453 : vector<16xi32>
        %sub3A_456 = arith.constant 1 : i32
        %sub3A_457 = vector.broadcast %sub3A_456 : i32 to vector<16xi32>
        %sub3A_458 = arith.subi %add3A_455, %sub3A_457 : vector<16xi32>
        %rem3A_459 = arith.constant 128 : i32
        %rem3A_460 = vector.broadcast %rem3A_459 : i32 to vector<16xi32>
        %rem3A_461 = arith.remsi %sub3A_458, %rem3A_460 : vector<16xi32>
        %shift_right_logical3A_462 = arith.constant 6 : i32
        %shift_right_logical3A_463 = vector.broadcast %shift_right_logical3A_462 : i32 to vector<16xi32>
        %shift_right_logical3A_464 = arith.shrui %rem3A_461, %shift_right_logical3A_463 : vector<16xi32>
        %rem3A_465 = arith.constant 64 : i32
        %rem3A_466 = vector.broadcast %rem3A_465 : i32 to vector<16xi32>
        %rem3A_467 = arith.remsi %rem3A_461, %rem3A_466 : vector<16xi32>
        %add3A_468 = arith.constant 32 : i32
        %add3A_469 = arith.addi %mul3A_328, %add3A_468 : i32
        %add3A_470 = vector.broadcast %add3A_469 : i32 to vector<16xi32>
        %add3A_471 = arith.addi %add3A_470, %iota3A : vector<16xi32>
        tpu.vector_store_idx %arg8[%shift_right_logical3A_464, %rem3A_467], %add3A_471 masked %and3A_445 : memref<2x64xi32, #tpu.memory_space<vmem>>[vector<16xi32>, vector<16xi32>], vector<16xi32>, vector<16xi1>
        %sub3A_472 = vector.broadcast %mul3A_34 : i32 to vector<16xi32>
        %sub3A_473 = arith.subi %get3A_438, %sub3A_472 : vector<16xi32>
        tpu.vector_store_idx %arg9[%shift_right_logical3A_464, %rem3A_467], %sub3A_473 masked %and3A_445 : memref<2x64xi32, #tpu.memory_space<vmem>>[vector<16xi32>, vector<16xi32>], vector<16xi32>, vector<16xi1>
        %reduce_sum3A_474 = arith.constant true
        %reduce_sum3A_475 = vector.broadcast %reduce_sum3A_474 : i1 to vector<16xi1>
        %reduce_sum3A_476 = tpu.scan <sum>, %select_n3A_450 masked %reduce_sum3A_475 : vector<16xi32>, vector<16xi1> -> vector<16xi32>
        %reduce_sum3A_477 = vector.extract %reduce_sum3A_476[15] : i32 from vector<16xi32>
        %add3A_478 = arith.addi %add3A_421, %reduce_sum3A_477 : i32
        %sub3A_479 = arith.subi %add3A_478, %add3A_435 : i32
        %ge3A_480 = arith.constant 64 : i32
        %ge3A_481 = arith.cmpi sge, %sub3A_479, %ge3A_480 : i32
        %shift_right_logical3A_482 = arith.constant 6 : i32
        %shift_right_logical3A_483 = arith.shrui %add3A_435, %shift_right_logical3A_482 : i32
        %rem3A_484 = arith.constant 2 : i32
        %rem3A_485 = arith.remsi %shift_right_logical3A_483, %rem3A_484 : i32
        %convert_element_type3A_486 = arith.extui %ge3A_481 : i1 to i32
        %cond3A_487 = arith.constant 0 : i32
        %cond3A_488 = arith.cmpi ne, %convert_element_type3A_486, %cond3A_487 : i32
        scf.if %cond3A_488 {
          %dma_start3A = arith.constant 0 : i32
          %dma_start3A_778 = tpu.memref_slice %arg8[%rem3A_485, %dma_start3A] : memref<2x64xi32, #tpu.memory_space<vmem>> -> memref<1x64xi32, #tpu.memory_space<vmem>>
          %dma_start3A_779 = tpu.memref_squeeze %dma_start3A_778 : memref<1x64xi32, #tpu.memory_space<vmem>> -> memref<64xi32, #tpu.memory_space<vmem>>
          %dma_start3A_780 = arith.constant 0 : i32
          %dma_start3A_781 = arith.constant 0 : i32
          %dma_start3A_782 = tpu.memref_slice %arg2[%dma_start3A_780, %dma_start3A_781] : memref<800000x128xf32, #tpu.memory_space<hbm>> -> memref<800000x128xf32, #tpu.memory_space<hbm>>
          tpu.enqueue_indirect_dma source(%dma_start3A_782 : memref<800000x128xf32, #tpu.memory_space<hbm>>) target(%arg7 : memref<64x128xf32, #tpu.memory_space<vmem>>) offsets(%dma_start3A_779 : memref<64xi32, #tpu.memory_space<vmem>>) semaphore(%arg11 : memref<!tpu.dma_semaphore, #tpu.memory_space<semaphore_mem>>)
          %dma_wait3A = arith.constant 0 : i32
          %dma_wait3A_783 = tpu.memref_slice %arg8[%rem3A_485, %dma_wait3A] : memref<2x64xi32, #tpu.memory_space<vmem>> -> memref<1x64xi32, #tpu.memory_space<vmem>>
          %dma_wait3A_784 = tpu.memref_squeeze %dma_wait3A_783 : memref<1x64xi32, #tpu.memory_space<vmem>> -> memref<64xi32, #tpu.memory_space<vmem>>
          %dma_wait3A_785 = arith.constant 0 : i32
          %dma_wait3A_786 = arith.constant 0 : i32
          %dma_wait3A_787 = tpu.memref_slice %arg2[%dma_wait3A_785, %dma_wait3A_786] : memref<800000x128xf32, #tpu.memory_space<hbm>> -> memref<800000x128xf32, #tpu.memory_space<hbm>>
          tpu.wait_indirect_dma semaphore(%arg11 : memref<!tpu.dma_semaphore, #tpu.memory_space<semaphore_mem>>) src(%dma_wait3A_787 : memref<800000x128xf32, #tpu.memory_space<hbm>>) dst(%arg7 : memref<64x128xf32, #tpu.memory_space<vmem>>)
          "tpu.region"() ({
            %run_scoped3A = tpu.sem_alloc : memref<!tpu.dma_semaphore, #tpu.memory_space<semaphore_mem>>
            %dma_start3A_788 = arith.constant 0 : i32
            %dma_start3A_789 = tpu.memref_slice %arg9[%rem3A_485, %dma_start3A_788] : memref<2x64xi32, #tpu.memory_space<vmem>> -> memref<1x64xi32, #tpu.memory_space<vmem>>
            %dma_start3A_790 = tpu.memref_squeeze %dma_start3A_789 : memref<1x64xi32, #tpu.memory_space<vmem>> -> memref<64xi32, #tpu.memory_space<vmem>>
            %dma_start3A_791 = arith.constant 0 : i32
            %dma_start3A_792 = arith.constant 0 : i32
            %dma_start3A_793 = tpu.memref_slice %arg5[%dma_start3A_791, %dma_start3A_792] : memref<12520x128xf32, #tpu.memory_space<vmem_shared>> -> memref<12520x128xf32, #tpu.memory_space<vmem_shared>>
            tpu.enqueue_indirect_dma source(%arg7 : memref<64x128xf32, #tpu.memory_space<vmem>>) target(%dma_start3A_793 : memref<12520x128xf32, #tpu.memory_space<vmem_shared>>) offsets(%dma_start3A_790 : memref<64xi32, #tpu.memory_space<vmem>>) semaphore(%run_scoped3A : memref<!tpu.dma_semaphore, #tpu.memory_space<semaphore_mem>>) {add = true}
            %dma_wait3A_794 = arith.constant 0 : i32
            %dma_wait3A_795 = tpu.memref_slice %arg9[%rem3A_485, %dma_wait3A_794] : memref<2x64xi32, #tpu.memory_space<vmem>> -> memref<1x64xi32, #tpu.memory_space<vmem>>
            %dma_wait3A_796 = tpu.memref_squeeze %dma_wait3A_795 : memref<1x64xi32, #tpu.memory_space<vmem>> -> memref<64xi32, #tpu.memory_space<vmem>>
            %dma_wait3A_797 = arith.constant 0 : i32
            %dma_wait3A_798 = arith.constant 0 : i32
            %dma_wait3A_799 = tpu.memref_slice %arg5[%dma_wait3A_797, %dma_wait3A_798] : memref<12520x128xf32, #tpu.memory_space<vmem_shared>> -> memref<12520x128xf32, #tpu.memory_space<vmem_shared>>
            tpu.wait_indirect_dma semaphore(%run_scoped3A : memref<!tpu.dma_semaphore, #tpu.memory_space<semaphore_mem>>) src(%arg7 : memref<64x128xf32, #tpu.memory_space<vmem>>) dst(%dma_wait3A_799 : memref<12520x128xf32, #tpu.memory_space<vmem_shared>>)
            tpu.yield
          }) : () -> ()
        } else {
        }
        %jit3A_489 = arith.constant 64 : i32
        %jit3A_490 = arith.constant 0 : i32
        %select_n3A_491 = arith.select %ge3A_481, %jit3A_489, %jit3A_490 : i32
        %add3A_492 = arith.addi %add3A_435, %select_n3A_491 : i32
        %get3A_493 = arith.index_cast %while3A_320 : i32 to index
        %get3A_494 = arith.constant 48 : index
        %get3A_495 = tpu.vector_load %arg6[%get3A_493, %get3A_494] {strides = array<i32>} : memref<56x128xi32, #tpu.memory_space<vmem>>, vector<16xi32>,
        %ge3A_496 = vector.broadcast %mul3A_34 : i32 to vector<16xi32>
        %ge3A_497 = arith.cmpi sge, %get3A_495, %ge3A_496 : vector<16xi32>
        %add3A_498 = arith.constant 12512 : i32
        %add3A_499 = arith.addi %mul3A_34, %add3A_498 : i32
        %lt3A_500 = vector.broadcast %add3A_499 : i32 to vector<16xi32>
        %lt3A_501 = arith.cmpi slt, %get3A_495, %lt3A_500 : vector<16xi32>
        %and3A_502 = arith.andi %ge3A_497, %lt3A_501 : vector<16xi1>
        %jit3A_503 = arith.constant 1 : i32
        %jit3A_504 = arith.constant 0 : i32
        %broadcast_in_dim3A_505 = vector.broadcast %jit3A_503 : i32 to vector<16xi32>
        %broadcast_in_dim3A_506 = vector.broadcast %jit3A_504 : i32 to vector<16xi32>
        %select_n3A_507 = arith.select %and3A_502, %broadcast_in_dim3A_505, %broadcast_in_dim3A_506 : vector<16xi1>, vector<16xi32>
        %cumsum3A_508 = arith.constant true
        %cumsum3A_509 = vector.broadcast %cumsum3A_508 : i1 to vector<16xi1>
        %cumsum3A_510 = tpu.scan <sum>, %select_n3A_507 masked %cumsum3A_509 : vector<16xi32>, vector<16xi1> -> vector<16xi32>
        %add3A_511 = vector.broadcast %add3A_478 : i32 to vector<16xi32>
        %add3A_512 = arith.addi %add3A_511, %cumsum3A_510 : vector<16xi32>
        %sub3A_513 = arith.constant 1 : i32
        %sub3A_514 = vector.broadcast %sub3A_513 : i32 to vector<16xi32>
        %sub3A_515 = arith.subi %add3A_512, %sub3A_514 : vector<16xi32>
        %rem3A_516 = arith.constant 128 : i32
        %rem3A_517 = vector.broadcast %rem3A_516 : i32 to vector<16xi32>
        %rem3A_518 = arith.remsi %sub3A_515, %rem3A_517 : vector<16xi32>
        %shift_right_logical3A_519 = arith.constant 6 : i32
        %shift_right_logical3A_520 = vector.broadcast %shift_right_logical3A_519 : i32 to vector<16xi32>
        %shift_right_logical3A_521 = arith.shrui %rem3A_518, %shift_right_logical3A_520 : vector<16xi32>
        %rem3A_522 = arith.constant 64 : i32
        %rem3A_523 = vector.broadcast %rem3A_522 : i32 to vector<16xi32>
        %rem3A_524 = arith.remsi %rem3A_518, %rem3A_523 : vector<16xi32>
        %add3A_525 = arith.constant 48 : i32
        %add3A_526 = arith.addi %mul3A_328, %add3A_525 : i32
        %add3A_527 = vector.broadcast %add3A_526 : i32 to vector<16xi32>
        %add3A_528 = arith.addi %add3A_527, %iota3A : vector<16xi32>
        tpu.vector_store_idx %arg8[%shift_right_logical3A_521, %rem3A_524], %add3A_528 masked %and3A_502 : memref<2x64xi32, #tpu.memory_space<vmem>>[vector<16xi32>, vector<16xi32>], vector<16xi32>, vector<16xi1>
        %sub3A_529 = vector.broadcast %mul3A_34 : i32 to vector<16xi32>
        %sub3A_530 = arith.subi %get3A_495, %sub3A_529 : vector<16xi32>
        tpu.vector_store_idx %arg9[%shift_right_logical3A_521, %rem3A_524], %sub3A_530 masked %and3A_502 : memref<2x64xi32, #tpu.memory_space<vmem>>[vector<16xi32>, vector<16xi32>], vector<16xi32>, vector<16xi1>
        %reduce_sum3A_531 = arith.constant true
        %reduce_sum3A_532 = vector.broadcast %reduce_sum3A_531 : i1 to vector<16xi1>
        %reduce_sum3A_533 = tpu.scan <sum>, %select_n3A_507 masked %reduce_sum3A_532 : vector<16xi32>, vector<16xi1> -> vector<16xi32>
        %reduce_sum3A_534 = vector.extract %reduce_sum3A_533[15] : i32 from vector<16xi32>
        %add3A_535 = arith.addi %add3A_478, %reduce_sum3A_534 : i32
        %sub3A_536 = arith.subi %add3A_535, %add3A_492 : i32
        %ge3A_537 = arith.constant 64 : i32
        %ge3A_538 = arith.cmpi sge, %sub3A_536, %ge3A_537 : i32
        %shift_right_logical3A_539 = arith.constant 6 : i32
        %shift_right_logical3A_540 = arith.shrui %add3A_492, %shift_right_logical3A_539 : i32
        %rem3A_541 = arith.constant 2 : i32
        %rem3A_542 = arith.remsi %shift_right_logical3A_540, %rem3A_541 : i32
        %convert_element_type3A_543 = arith.extui %ge3A_538 : i1 to i32
        %cond3A_544 = arith.constant 0 : i32
        %cond3A_545 = arith.cmpi ne, %convert_element_type3A_543, %cond3A_544 : i32
        scf.if %cond3A_545 {
          %dma_start3A = arith.constant 0 : i32
          %dma_start3A_778 = tpu.memref_slice %arg8[%rem3A_542, %dma_start3A] : memref<2x64xi32, #tpu.memory_space<vmem>> -> memref<1x64xi32, #tpu.memory_space<vmem>>
          %dma_start3A_779 = tpu.memref_squeeze %dma_start3A_778 : memref<1x64xi32, #tpu.memory_space<vmem>> -> memref<64xi32, #tpu.memory_space<vmem>>
          %dma_start3A_780 = arith.constant 0 : i32
          %dma_start3A_781 = arith.constant 0 : i32
          %dma_start3A_782 = tpu.memref_slice %arg2[%dma_start3A_780, %dma_start3A_781] : memref<800000x128xf32, #tpu.memory_space<hbm>> -> memref<800000x128xf32, #tpu.memory_space<hbm>>
          tpu.enqueue_indirect_dma source(%dma_start3A_782 : memref<800000x128xf32, #tpu.memory_space<hbm>>) target(%arg7 : memref<64x128xf32, #tpu.memory_space<vmem>>) offsets(%dma_start3A_779 : memref<64xi32, #tpu.memory_space<vmem>>) semaphore(%arg11 : memref<!tpu.dma_semaphore, #tpu.memory_space<semaphore_mem>>)
          %dma_wait3A = arith.constant 0 : i32
          %dma_wait3A_783 = tpu.memref_slice %arg8[%rem3A_542, %dma_wait3A] : memref<2x64xi32, #tpu.memory_space<vmem>> -> memref<1x64xi32, #tpu.memory_space<vmem>>
          %dma_wait3A_784 = tpu.memref_squeeze %dma_wait3A_783 : memref<1x64xi32, #tpu.memory_space<vmem>> -> memref<64xi32, #tpu.memory_space<vmem>>
          %dma_wait3A_785 = arith.constant 0 : i32
          %dma_wait3A_786 = arith.constant 0 : i32
          %dma_wait3A_787 = tpu.memref_slice %arg2[%dma_wait3A_785, %dma_wait3A_786] : memref<800000x128xf32, #tpu.memory_space<hbm>> -> memref<800000x128xf32, #tpu.memory_space<hbm>>
          tpu.wait_indirect_dma semaphore(%arg11 : memref<!tpu.dma_semaphore, #tpu.memory_space<semaphore_mem>>) src(%dma_wait3A_787 : memref<800000x128xf32, #tpu.memory_space<hbm>>) dst(%arg7 : memref<64x128xf32, #tpu.memory_space<vmem>>)
          "tpu.region"() ({
            %run_scoped3A = tpu.sem_alloc : memref<!tpu.dma_semaphore, #tpu.memory_space<semaphore_mem>>
            %dma_start3A_788 = arith.constant 0 : i32
            %dma_start3A_789 = tpu.memref_slice %arg9[%rem3A_542, %dma_start3A_788] : memref<2x64xi32, #tpu.memory_space<vmem>> -> memref<1x64xi32, #tpu.memory_space<vmem>>
            %dma_start3A_790 = tpu.memref_squeeze %dma_start3A_789 : memref<1x64xi32, #tpu.memory_space<vmem>> -> memref<64xi32, #tpu.memory_space<vmem>>
            %dma_start3A_791 = arith.constant 0 : i32
            %dma_start3A_792 = arith.constant 0 : i32
            %dma_start3A_793 = tpu.memref_slice %arg5[%dma_start3A_791, %dma_start3A_792] : memref<12520x128xf32, #tpu.memory_space<vmem_shared>> -> memref<12520x128xf32, #tpu.memory_space<vmem_shared>>
            tpu.enqueue_indirect_dma source(%arg7 : memref<64x128xf32, #tpu.memory_space<vmem>>) target(%dma_start3A_793 : memref<12520x128xf32, #tpu.memory_space<vmem_shared>>) offsets(%dma_start3A_790 : memref<64xi32, #tpu.memory_space<vmem>>) semaphore(%run_scoped3A : memref<!tpu.dma_semaphore, #tpu.memory_space<semaphore_mem>>) {add = true}
            %dma_wait3A_794 = arith.constant 0 : i32
            %dma_wait3A_795 = tpu.memref_slice %arg9[%rem3A_542, %dma_wait3A_794] : memref<2x64xi32, #tpu.memory_space<vmem>> -> memref<1x64xi32, #tpu.memory_space<vmem>>
            %dma_wait3A_796 = tpu.memref_squeeze %dma_wait3A_795 : memref<1x64xi32, #tpu.memory_space<vmem>> -> memref<64xi32, #tpu.memory_space<vmem>>
            %dma_wait3A_797 = arith.constant 0 : i32
            %dma_wait3A_798 = arith.constant 0 : i32
            %dma_wait3A_799 = tpu.memref_slice %arg5[%dma_wait3A_797, %dma_wait3A_798] : memref<12520x128xf32, #tpu.memory_space<vmem_shared>> -> memref<12520x128xf32, #tpu.memory_space<vmem_shared>>
            tpu.wait_indirect_dma semaphore(%run_scoped3A : memref<!tpu.dma_semaphore, #tpu.memory_space<semaphore_mem>>) src(%arg7 : memref<64x128xf32, #tpu.memory_space<vmem>>) dst(%dma_wait3A_799 : memref<12520x128xf32, #tpu.memory_space<vmem_shared>>)
            tpu.yield
          }) : () -> ()
        } else {
        }
        %jit3A_546 = arith.constant 64 : i32
        %jit3A_547 = arith.constant 0 : i32
        %select_n3A_548 = arith.select %ge3A_538, %jit3A_546, %jit3A_547 : i32
        %add3A_549 = arith.addi %add3A_492, %select_n3A_548 : i32
        %get3A_550 = arith.index_cast %while3A_320 : i32 to index
        %get3A_551 = arith.constant 64 : index
        %get3A_552 = tpu.vector_load %arg6[%get3A_550, %get3A_551] {strides = array<i32>} : memref<56x128xi32, #tpu.memory_space<vmem>>, vector<16xi32>,
        %ge3A_553 = vector.broadcast %mul3A_34 : i32 to vector<16xi32>
        %ge3A_554 = arith.cmpi sge, %get3A_552, %ge3A_553 : vector<16xi32>
        %add3A_555 = arith.constant 12512 : i32
        %add3A_556 = arith.addi %mul3A_34, %add3A_555 : i32
        %lt3A_557 = vector.broadcast %add3A_556 : i32 to vector<16xi32>
        %lt3A_558 = arith.cmpi slt, %get3A_552, %lt3A_557 : vector<16xi32>
        %and3A_559 = arith.andi %ge3A_554, %lt3A_558 : vector<16xi1>
        %jit3A_560 = arith.constant 1 : i32
        %jit3A_561 = arith.constant 0 : i32
        %broadcast_in_dim3A_562 = vector.broadcast %jit3A_560 : i32 to vector<16xi32>
        %broadcast_in_dim3A_563 = vector.broadcast %jit3A_561 : i32 to vector<16xi32>
        %select_n3A_564 = arith.select %and3A_559, %broadcast_in_dim3A_562, %broadcast_in_dim3A_563 : vector<16xi1>, vector<16xi32>
        %cumsum3A_565 = arith.constant true
        %cumsum3A_566 = vector.broadcast %cumsum3A_565 : i1 to vector<16xi1>
        %cumsum3A_567 = tpu.scan <sum>, %select_n3A_564 masked %cumsum3A_566 : vector<16xi32>, vector<16xi1> -> vector<16xi32>
        %add3A_568 = vector.broadcast %add3A_535 : i32 to vector<16xi32>
        %add3A_569 = arith.addi %add3A_568, %cumsum3A_567 : vector<16xi32>
        %sub3A_570 = arith.constant 1 : i32
        %sub3A_571 = vector.broadcast %sub3A_570 : i32 to vector<16xi32>
        %sub3A_572 = arith.subi %add3A_569, %sub3A_571 : vector<16xi32>
        %rem3A_573 = arith.constant 128 : i32
        %rem3A_574 = vector.broadcast %rem3A_573 : i32 to vector<16xi32>
        %rem3A_575 = arith.remsi %sub3A_572, %rem3A_574 : vector<16xi32>
        %shift_right_logical3A_576 = arith.constant 6 : i32
        %shift_right_logical3A_577 = vector.broadcast %shift_right_logical3A_576 : i32 to vector<16xi32>
        %shift_right_logical3A_578 = arith.shrui %rem3A_575, %shift_right_logical3A_577 : vector<16xi32>
        %rem3A_579 = arith.constant 64 : i32
        %rem3A_580 = vector.broadcast %rem3A_579 : i32 to vector<16xi32>
        %rem3A_581 = arith.remsi %rem3A_575, %rem3A_580 : vector<16xi32>
        %add3A_582 = arith.constant 64 : i32
        %add3A_583 = arith.addi %mul3A_328, %add3A_582 : i32
        %add3A_584 = vector.broadcast %add3A_583 : i32 to vector<16xi32>
        %add3A_585 = arith.addi %add3A_584, %iota3A : vector<16xi32>
        tpu.vector_store_idx %arg8[%shift_right_logical3A_578, %rem3A_581], %add3A_585 masked %and3A_559 : memref<2x64xi32, #tpu.memory_space<vmem>>[vector<16xi32>, vector<16xi32>], vector<16xi32>, vector<16xi1>
        %sub3A_586 = vector.broadcast %mul3A_34 : i32 to vector<16xi32>
        %sub3A_587 = arith.subi %get3A_552, %sub3A_586 : vector<16xi32>
        tpu.vector_store_idx %arg9[%shift_right_logical3A_578, %rem3A_581], %sub3A_587 masked %and3A_559 : memref<2x64xi32, #tpu.memory_space<vmem>>[vector<16xi32>, vector<16xi32>], vector<16xi32>, vector<16xi1>
        %reduce_sum3A_588 = arith.constant true
        %reduce_sum3A_589 = vector.broadcast %reduce_sum3A_588 : i1 to vector<16xi1>
        %reduce_sum3A_590 = tpu.scan <sum>, %select_n3A_564 masked %reduce_sum3A_589 : vector<16xi32>, vector<16xi1> -> vector<16xi32>
        %reduce_sum3A_591 = vector.extract %reduce_sum3A_590[15] : i32 from vector<16xi32>
        %add3A_592 = arith.addi %add3A_535, %reduce_sum3A_591 : i32
        %sub3A_593 = arith.subi %add3A_592, %add3A_549 : i32
        %ge3A_594 = arith.constant 64 : i32
        %ge3A_595 = arith.cmpi sge, %sub3A_593, %ge3A_594 : i32
        %shift_right_logical3A_596 = arith.constant 6 : i32
        %shift_right_logical3A_597 = arith.shrui %add3A_549, %shift_right_logical3A_596 : i32
        %rem3A_598 = arith.constant 2 : i32
        %rem3A_599 = arith.remsi %shift_right_logical3A_597, %rem3A_598 : i32
        %convert_element_type3A_600 = arith.extui %ge3A_595 : i1 to i32
        %cond3A_601 = arith.constant 0 : i32
        %cond3A_602 = arith.cmpi ne, %convert_element_type3A_600, %cond3A_601 : i32
        scf.if %cond3A_602 {
          %dma_start3A = arith.constant 0 : i32
          %dma_start3A_778 = tpu.memref_slice %arg8[%rem3A_599, %dma_start3A] : memref<2x64xi32, #tpu.memory_space<vmem>> -> memref<1x64xi32, #tpu.memory_space<vmem>>
          %dma_start3A_779 = tpu.memref_squeeze %dma_start3A_778 : memref<1x64xi32, #tpu.memory_space<vmem>> -> memref<64xi32, #tpu.memory_space<vmem>>
          %dma_start3A_780 = arith.constant 0 : i32
          %dma_start3A_781 = arith.constant 0 : i32
          %dma_start3A_782 = tpu.memref_slice %arg2[%dma_start3A_780, %dma_start3A_781] : memref<800000x128xf32, #tpu.memory_space<hbm>> -> memref<800000x128xf32, #tpu.memory_space<hbm>>
          tpu.enqueue_indirect_dma source(%dma_start3A_782 : memref<800000x128xf32, #tpu.memory_space<hbm>>) target(%arg7 : memref<64x128xf32, #tpu.memory_space<vmem>>) offsets(%dma_start3A_779 : memref<64xi32, #tpu.memory_space<vmem>>) semaphore(%arg11 : memref<!tpu.dma_semaphore, #tpu.memory_space<semaphore_mem>>)
          %dma_wait3A = arith.constant 0 : i32
          %dma_wait3A_783 = tpu.memref_slice %arg8[%rem3A_599, %dma_wait3A] : memref<2x64xi32, #tpu.memory_space<vmem>> -> memref<1x64xi32, #tpu.memory_space<vmem>>
          %dma_wait3A_784 = tpu.memref_squeeze %dma_wait3A_783 : memref<1x64xi32, #tpu.memory_space<vmem>> -> memref<64xi32, #tpu.memory_space<vmem>>
          %dma_wait3A_785 = arith.constant 0 : i32
          %dma_wait3A_786 = arith.constant 0 : i32
          %dma_wait3A_787 = tpu.memref_slice %arg2[%dma_wait3A_785, %dma_wait3A_786] : memref<800000x128xf32, #tpu.memory_space<hbm>> -> memref<800000x128xf32, #tpu.memory_space<hbm>>
          tpu.wait_indirect_dma semaphore(%arg11 : memref<!tpu.dma_semaphore, #tpu.memory_space<semaphore_mem>>) src(%dma_wait3A_787 : memref<800000x128xf32, #tpu.memory_space<hbm>>) dst(%arg7 : memref<64x128xf32, #tpu.memory_space<vmem>>)
          "tpu.region"() ({
            %run_scoped3A = tpu.sem_alloc : memref<!tpu.dma_semaphore, #tpu.memory_space<semaphore_mem>>
            %dma_start3A_788 = arith.constant 0 : i32
            %dma_start3A_789 = tpu.memref_slice %arg9[%rem3A_599, %dma_start3A_788] : memref<2x64xi32, #tpu.memory_space<vmem>> -> memref<1x64xi32, #tpu.memory_space<vmem>>
            %dma_start3A_790 = tpu.memref_squeeze %dma_start3A_789 : memref<1x64xi32, #tpu.memory_space<vmem>> -> memref<64xi32, #tpu.memory_space<vmem>>
            %dma_start3A_791 = arith.constant 0 : i32
            %dma_start3A_792 = arith.constant 0 : i32
            %dma_start3A_793 = tpu.memref_slice %arg5[%dma_start3A_791, %dma_start3A_792] : memref<12520x128xf32, #tpu.memory_space<vmem_shared>> -> memref<12520x128xf32, #tpu.memory_space<vmem_shared>>
            tpu.enqueue_indirect_dma source(%arg7 : memref<64x128xf32, #tpu.memory_space<vmem>>) target(%dma_start3A_793 : memref<12520x128xf32, #tpu.memory_space<vmem_shared>>) offsets(%dma_start3A_790 : memref<64xi32, #tpu.memory_space<vmem>>) semaphore(%run_scoped3A : memref<!tpu.dma_semaphore, #tpu.memory_space<semaphore_mem>>) {add = true}
            %dma_wait3A_794 = arith.constant 0 : i32
            %dma_wait3A_795 = tpu.memref_slice %arg9[%rem3A_599, %dma_wait3A_794] : memref<2x64xi32, #tpu.memory_space<vmem>> -> memref<1x64xi32, #tpu.memory_space<vmem>>
            %dma_wait3A_796 = tpu.memref_squeeze %dma_wait3A_795 : memref<1x64xi32, #tpu.memory_space<vmem>> -> memref<64xi32, #tpu.memory_space<vmem>>
            %dma_wait3A_797 = arith.constant 0 : i32
            %dma_wait3A_798 = arith.constant 0 : i32
            %dma_wait3A_799 = tpu.memref_slice %arg5[%dma_wait3A_797, %dma_wait3A_798] : memref<12520x128xf32, #tpu.memory_space<vmem_shared>> -> memref<12520x128xf32, #tpu.memory_space<vmem_shared>>
            tpu.wait_indirect_dma semaphore(%run_scoped3A : memref<!tpu.dma_semaphore, #tpu.memory_space<semaphore_mem>>) src(%arg7 : memref<64x128xf32, #tpu.memory_space<vmem>>) dst(%dma_wait3A_799 : memref<12520x128xf32, #tpu.memory_space<vmem_shared>>)
            tpu.yield
          }) : () -> ()
        } else {
        }
        %jit3A_603 = arith.constant 64 : i32
        %jit3A_604 = arith.constant 0 : i32
        %select_n3A_605 = arith.select %ge3A_595, %jit3A_603, %jit3A_604 : i32
        %add3A_606 = arith.addi %add3A_549, %select_n3A_605 : i32
        %get3A_607 = arith.index_cast %while3A_320 : i32 to index
        %get3A_608 = arith.constant 80 : index
        %get3A_609 = tpu.vector_load %arg6[%get3A_607, %get3A_608] {strides = array<i32>} : memref<56x128xi32, #tpu.memory_space<vmem>>, vector<16xi32>,
        %ge3A_610 = vector.broadcast %mul3A_34 : i32 to vector<16xi32>
        %ge3A_611 = arith.cmpi sge, %get3A_609, %ge3A_610 : vector<16xi32>
        %add3A_612 = arith.constant 12512 : i32
        %add3A_613 = arith.addi %mul3A_34, %add3A_612 : i32
        %lt3A_614 = vector.broadcast %add3A_613 : i32 to vector<16xi32>
        %lt3A_615 = arith.cmpi slt, %get3A_609, %lt3A_614 : vector<16xi32>
        %and3A_616 = arith.andi %ge3A_611, %lt3A_615 : vector<16xi1>
        %jit3A_617 = arith.constant 1 : i32
        %jit3A_618 = arith.constant 0 : i32
        %broadcast_in_dim3A_619 = vector.broadcast %jit3A_617 : i32 to vector<16xi32>
        %broadcast_in_dim3A_620 = vector.broadcast %jit3A_618 : i32 to vector<16xi32>
        %select_n3A_621 = arith.select %and3A_616, %broadcast_in_dim3A_619, %broadcast_in_dim3A_620 : vector<16xi1>, vector<16xi32>
        %cumsum3A_622 = arith.constant true
        %cumsum3A_623 = vector.broadcast %cumsum3A_622 : i1 to vector<16xi1>
        %cumsum3A_624 = tpu.scan <sum>, %select_n3A_621 masked %cumsum3A_623 : vector<16xi32>, vector<16xi1> -> vector<16xi32>
        %add3A_625 = vector.broadcast %add3A_592 : i32 to vector<16xi32>
        %add3A_626 = arith.addi %add3A_625, %cumsum3A_624 : vector<16xi32>
        %sub3A_627 = arith.constant 1 : i32
        %sub3A_628 = vector.broadcast %sub3A_627 : i32 to vector<16xi32>
        %sub3A_629 = arith.subi %add3A_626, %sub3A_628 : vector<16xi32>
        %rem3A_630 = arith.constant 128 : i32
        %rem3A_631 = vector.broadcast %rem3A_630 : i32 to vector<16xi32>
        %rem3A_632 = arith.remsi %sub3A_629, %rem3A_631 : vector<16xi32>
        %shift_right_logical3A_633 = arith.constant 6 : i32
        %shift_right_logical3A_634 = vector.broadcast %shift_right_logical3A_633 : i32 to vector<16xi32>
        %shift_right_logical3A_635 = arith.shrui %rem3A_632, %shift_right_logical3A_634 : vector<16xi32>
        %rem3A_636 = arith.constant 64 : i32
        %rem3A_637 = vector.broadcast %rem3A_636 : i32 to vector<16xi32>
        %rem3A_638 = arith.remsi %rem3A_632, %rem3A_637 : vector<16xi32>
        %add3A_639 = arith.constant 80 : i32
        %add3A_640 = arith.addi %mul3A_328, %add3A_639 : i32
        %add3A_641 = vector.broadcast %add3A_640 : i32 to vector<16xi32>
        %add3A_642 = arith.addi %add3A_641, %iota3A : vector<16xi32>
        tpu.vector_store_idx %arg8[%shift_right_logical3A_635, %rem3A_638], %add3A_642 masked %and3A_616 : memref<2x64xi32, #tpu.memory_space<vmem>>[vector<16xi32>, vector<16xi32>], vector<16xi32>, vector<16xi1>
        %sub3A_643 = vector.broadcast %mul3A_34 : i32 to vector<16xi32>
        %sub3A_644 = arith.subi %get3A_609, %sub3A_643 : vector<16xi32>
        tpu.vector_store_idx %arg9[%shift_right_logical3A_635, %rem3A_638], %sub3A_644 masked %and3A_616 : memref<2x64xi32, #tpu.memory_space<vmem>>[vector<16xi32>, vector<16xi32>], vector<16xi32>, vector<16xi1>
        %reduce_sum3A_645 = arith.constant true
        %reduce_sum3A_646 = vector.broadcast %reduce_sum3A_645 : i1 to vector<16xi1>
        %reduce_sum3A_647 = tpu.scan <sum>, %select_n3A_621 masked %reduce_sum3A_646 : vector<16xi32>, vector<16xi1> -> vector<16xi32>
        %reduce_sum3A_648 = vector.extract %reduce_sum3A_647[15] : i32 from vector<16xi32>
        %add3A_649 = arith.addi %add3A_592, %reduce_sum3A_648 : i32
        %sub3A_650 = arith.subi %add3A_649, %add3A_606 : i32
        %ge3A_651 = arith.constant 64 : i32
        %ge3A_652 = arith.cmpi sge, %sub3A_650, %ge3A_651 : i32
        %shift_right_logical3A_653 = arith.constant 6 : i32
        %shift_right_logical3A_654 = arith.shrui %add3A_606, %shift_right_logical3A_653 : i32
        %rem3A_655 = arith.constant 2 : i32
        %rem3A_656 = arith.remsi %shift_right_logical3A_654, %rem3A_655 : i32
        %convert_element_type3A_657 = arith.extui %ge3A_652 : i1 to i32
        %cond3A_658 = arith.constant 0 : i32
        %cond3A_659 = arith.cmpi ne, %convert_element_type3A_657, %cond3A_658 : i32
        scf.if %cond3A_659 {
          %dma_start3A = arith.constant 0 : i32
          %dma_start3A_778 = tpu.memref_slice %arg8[%rem3A_656, %dma_start3A] : memref<2x64xi32, #tpu.memory_space<vmem>> -> memref<1x64xi32, #tpu.memory_space<vmem>>
          %dma_start3A_779 = tpu.memref_squeeze %dma_start3A_778 : memref<1x64xi32, #tpu.memory_space<vmem>> -> memref<64xi32, #tpu.memory_space<vmem>>
          %dma_start3A_780 = arith.constant 0 : i32
          %dma_start3A_781 = arith.constant 0 : i32
          %dma_start3A_782 = tpu.memref_slice %arg2[%dma_start3A_780, %dma_start3A_781] : memref<800000x128xf32, #tpu.memory_space<hbm>> -> memref<800000x128xf32, #tpu.memory_space<hbm>>
          tpu.enqueue_indirect_dma source(%dma_start3A_782 : memref<800000x128xf32, #tpu.memory_space<hbm>>) target(%arg7 : memref<64x128xf32, #tpu.memory_space<vmem>>) offsets(%dma_start3A_779 : memref<64xi32, #tpu.memory_space<vmem>>) semaphore(%arg11 : memref<!tpu.dma_semaphore, #tpu.memory_space<semaphore_mem>>)
          %dma_wait3A = arith.constant 0 : i32
          %dma_wait3A_783 = tpu.memref_slice %arg8[%rem3A_656, %dma_wait3A] : memref<2x64xi32, #tpu.memory_space<vmem>> -> memref<1x64xi32, #tpu.memory_space<vmem>>
          %dma_wait3A_784 = tpu.memref_squeeze %dma_wait3A_783 : memref<1x64xi32, #tpu.memory_space<vmem>> -> memref<64xi32, #tpu.memory_space<vmem>>
          %dma_wait3A_785 = arith.constant 0 : i32
          %dma_wait3A_786 = arith.constant 0 : i32
          %dma_wait3A_787 = tpu.memref_slice %arg2[%dma_wait3A_785, %dma_wait3A_786] : memref<800000x128xf32, #tpu.memory_space<hbm>> -> memref<800000x128xf32, #tpu.memory_space<hbm>>
          tpu.wait_indirect_dma semaphore(%arg11 : memref<!tpu.dma_semaphore, #tpu.memory_space<semaphore_mem>>) src(%dma_wait3A_787 : memref<800000x128xf32, #tpu.memory_space<hbm>>) dst(%arg7 : memref<64x128xf32, #tpu.memory_space<vmem>>)
          "tpu.region"() ({
            %run_scoped3A = tpu.sem_alloc : memref<!tpu.dma_semaphore, #tpu.memory_space<semaphore_mem>>
            %dma_start3A_788 = arith.constant 0 : i32
            %dma_start3A_789 = tpu.memref_slice %arg9[%rem3A_656, %dma_start3A_788] : memref<2x64xi32, #tpu.memory_space<vmem>> -> memref<1x64xi32, #tpu.memory_space<vmem>>
            %dma_start3A_790 = tpu.memref_squeeze %dma_start3A_789 : memref<1x64xi32, #tpu.memory_space<vmem>> -> memref<64xi32, #tpu.memory_space<vmem>>
            %dma_start3A_791 = arith.constant 0 : i32
            %dma_start3A_792 = arith.constant 0 : i32
            %dma_start3A_793 = tpu.memref_slice %arg5[%dma_start3A_791, %dma_start3A_792] : memref<12520x128xf32, #tpu.memory_space<vmem_shared>> -> memref<12520x128xf32, #tpu.memory_space<vmem_shared>>
            tpu.enqueue_indirect_dma source(%arg7 : memref<64x128xf32, #tpu.memory_space<vmem>>) target(%dma_start3A_793 : memref<12520x128xf32, #tpu.memory_space<vmem_shared>>) offsets(%dma_start3A_790 : memref<64xi32, #tpu.memory_space<vmem>>) semaphore(%run_scoped3A : memref<!tpu.dma_semaphore, #tpu.memory_space<semaphore_mem>>) {add = true}
            %dma_wait3A_794 = arith.constant 0 : i32
            %dma_wait3A_795 = tpu.memref_slice %arg9[%rem3A_656, %dma_wait3A_794] : memref<2x64xi32, #tpu.memory_space<vmem>> -> memref<1x64xi32, #tpu.memory_space<vmem>>
            %dma_wait3A_796 = tpu.memref_squeeze %dma_wait3A_795 : memref<1x64xi32, #tpu.memory_space<vmem>> -> memref<64xi32, #tpu.memory_space<vmem>>
            %dma_wait3A_797 = arith.constant 0 : i32
            %dma_wait3A_798 = arith.constant 0 : i32
            %dma_wait3A_799 = tpu.memref_slice %arg5[%dma_wait3A_797, %dma_wait3A_798] : memref<12520x128xf32, #tpu.memory_space<vmem_shared>> -> memref<12520x128xf32, #tpu.memory_space<vmem_shared>>
            tpu.wait_indirect_dma semaphore(%run_scoped3A : memref<!tpu.dma_semaphore, #tpu.memory_space<semaphore_mem>>) src(%arg7 : memref<64x128xf32, #tpu.memory_space<vmem>>) dst(%dma_wait3A_799 : memref<12520x128xf32, #tpu.memory_space<vmem_shared>>)
            tpu.yield
          }) : () -> ()
        } else {
        }
        %jit3A_660 = arith.constant 64 : i32
        %jit3A_661 = arith.constant 0 : i32
        %select_n3A_662 = arith.select %ge3A_652, %jit3A_660, %jit3A_661 : i32
        %add3A_663 = arith.addi %add3A_606, %select_n3A_662 : i32
        %get3A_664 = arith.index_cast %while3A_320 : i32 to index
        %get3A_665 = arith.constant 96 : index
        %get3A_666 = tpu.vector_load %arg6[%get3A_664, %get3A_665] {strides = array<i32>} : memref<56x128xi32, #tpu.memory_space<vmem>>, vector<16xi32>,
        %ge3A_667 = vector.broadcast %mul3A_34 : i32 to vector<16xi32>
        %ge3A_668 = arith.cmpi sge, %get3A_666, %ge3A_667 : vector<16xi32>
        %add3A_669 = arith.constant 12512 : i32
        %add3A_670 = arith.addi %mul3A_34, %add3A_669 : i32
        %lt3A_671 = vector.broadcast %add3A_670 : i32 to vector<16xi32>
        %lt3A_672 = arith.cmpi slt, %get3A_666, %lt3A_671 : vector<16xi32>
        %and3A_673 = arith.andi %ge3A_668, %lt3A_672 : vector<16xi1>
        %jit3A_674 = arith.constant 1 : i32
        %jit3A_675 = arith.constant 0 : i32
        %broadcast_in_dim3A_676 = vector.broadcast %jit3A_674 : i32 to vector<16xi32>
        %broadcast_in_dim3A_677 = vector.broadcast %jit3A_675 : i32 to vector<16xi32>
        %select_n3A_678 = arith.select %and3A_673, %broadcast_in_dim3A_676, %broadcast_in_dim3A_677 : vector<16xi1>, vector<16xi32>
        %cumsum3A_679 = arith.constant true
        %cumsum3A_680 = vector.broadcast %cumsum3A_679 : i1 to vector<16xi1>
        %cumsum3A_681 = tpu.scan <sum>, %select_n3A_678 masked %cumsum3A_680 : vector<16xi32>, vector<16xi1> -> vector<16xi32>
        %add3A_682 = vector.broadcast %add3A_649 : i32 to vector<16xi32>
        %add3A_683 = arith.addi %add3A_682, %cumsum3A_681 : vector<16xi32>
        %sub3A_684 = arith.constant 1 : i32
        %sub3A_685 = vector.broadcast %sub3A_684 : i32 to vector<16xi32>
        %sub3A_686 = arith.subi %add3A_683, %sub3A_685 : vector<16xi32>
        %rem3A_687 = arith.constant 128 : i32
        %rem3A_688 = vector.broadcast %rem3A_687 : i32 to vector<16xi32>
        %rem3A_689 = arith.remsi %sub3A_686, %rem3A_688 : vector<16xi32>
        %shift_right_logical3A_690 = arith.constant 6 : i32
        %shift_right_logical3A_691 = vector.broadcast %shift_right_logical3A_690 : i32 to vector<16xi32>
        %shift_right_logical3A_692 = arith.shrui %rem3A_689, %shift_right_logical3A_691 : vector<16xi32>
        %rem3A_693 = arith.constant 64 : i32
        %rem3A_694 = vector.broadcast %rem3A_693 : i32 to vector<16xi32>
        %rem3A_695 = arith.remsi %rem3A_689, %rem3A_694 : vector<16xi32>
        %add3A_696 = arith.constant 96 : i32
        %add3A_697 = arith.addi %mul3A_328, %add3A_696 : i32
        %add3A_698 = vector.broadcast %add3A_697 : i32 to vector<16xi32>
        %add3A_699 = arith.addi %add3A_698, %iota3A : vector<16xi32>
        tpu.vector_store_idx %arg8[%shift_right_logical3A_692, %rem3A_695], %add3A_699 masked %and3A_673 : memref<2x64xi32, #tpu.memory_space<vmem>>[vector<16xi32>, vector<16xi32>], vector<16xi32>, vector<16xi1>
        %sub3A_700 = vector.broadcast %mul3A_34 : i32 to vector<16xi32>
        %sub3A_701 = arith.subi %get3A_666, %sub3A_700 : vector<16xi32>
        tpu.vector_store_idx %arg9[%shift_right_logical3A_692, %rem3A_695], %sub3A_701 masked %and3A_673 : memref<2x64xi32, #tpu.memory_space<vmem>>[vector<16xi32>, vector<16xi32>], vector<16xi32>, vector<16xi1>
        %reduce_sum3A_702 = arith.constant true
        %reduce_sum3A_703 = vector.broadcast %reduce_sum3A_702 : i1 to vector<16xi1>
        %reduce_sum3A_704 = tpu.scan <sum>, %select_n3A_678 masked %reduce_sum3A_703 : vector<16xi32>, vector<16xi1> -> vector<16xi32>
        %reduce_sum3A_705 = vector.extract %reduce_sum3A_704[15] : i32 from vector<16xi32>
        %add3A_706 = arith.addi %add3A_649, %reduce_sum3A_705 : i32
        %sub3A_707 = arith.subi %add3A_706, %add3A_663 : i32
        %ge3A_708 = arith.constant 64 : i32
        %ge3A_709 = arith.cmpi sge, %sub3A_707, %ge3A_708 : i32
        %shift_right_logical3A_710 = arith.constant 6 : i32
        %shift_right_logical3A_711 = arith.shrui %add3A_663, %shift_right_logical3A_710 : i32
        %rem3A_712 = arith.constant 2 : i32
        %rem3A_713 = arith.remsi %shift_right_logical3A_711, %rem3A_712 : i32
        %convert_element_type3A_714 = arith.extui %ge3A_709 : i1 to i32
        %cond3A_715 = arith.constant 0 : i32
        %cond3A_716 = arith.cmpi ne, %convert_element_type3A_714, %cond3A_715 : i32
        scf.if %cond3A_716 {
          %dma_start3A = arith.constant 0 : i32
          %dma_start3A_778 = tpu.memref_slice %arg8[%rem3A_713, %dma_start3A] : memref<2x64xi32, #tpu.memory_space<vmem>> -> memref<1x64xi32, #tpu.memory_space<vmem>>
          %dma_start3A_779 = tpu.memref_squeeze %dma_start3A_778 : memref<1x64xi32, #tpu.memory_space<vmem>> -> memref<64xi32, #tpu.memory_space<vmem>>
          %dma_start3A_780 = arith.constant 0 : i32
          %dma_start3A_781 = arith.constant 0 : i32
          %dma_start3A_782 = tpu.memref_slice %arg2[%dma_start3A_780, %dma_start3A_781] : memref<800000x128xf32, #tpu.memory_space<hbm>> -> memref<800000x128xf32, #tpu.memory_space<hbm>>
          tpu.enqueue_indirect_dma source(%dma_start3A_782 : memref<800000x128xf32, #tpu.memory_space<hbm>>) target(%arg7 : memref<64x128xf32, #tpu.memory_space<vmem>>) offsets(%dma_start3A_779 : memref<64xi32, #tpu.memory_space<vmem>>) semaphore(%arg11 : memref<!tpu.dma_semaphore, #tpu.memory_space<semaphore_mem>>)
          %dma_wait3A = arith.constant 0 : i32
          %dma_wait3A_783 = tpu.memref_slice %arg8[%rem3A_713, %dma_wait3A] : memref<2x64xi32, #tpu.memory_space<vmem>> -> memref<1x64xi32, #tpu.memory_space<vmem>>
          %dma_wait3A_784 = tpu.memref_squeeze %dma_wait3A_783 : memref<1x64xi32, #tpu.memory_space<vmem>> -> memref<64xi32, #tpu.memory_space<vmem>>
          %dma_wait3A_785 = arith.constant 0 : i32
          %dma_wait3A_786 = arith.constant 0 : i32
          %dma_wait3A_787 = tpu.memref_slice %arg2[%dma_wait3A_785, %dma_wait3A_786] : memref<800000x128xf32, #tpu.memory_space<hbm>> -> memref<800000x128xf32, #tpu.memory_space<hbm>>
          tpu.wait_indirect_dma semaphore(%arg11 : memref<!tpu.dma_semaphore, #tpu.memory_space<semaphore_mem>>) src(%dma_wait3A_787 : memref<800000x128xf32, #tpu.memory_space<hbm>>) dst(%arg7 : memref<64x128xf32, #tpu.memory_space<vmem>>)
          "tpu.region"() ({
            %run_scoped3A = tpu.sem_alloc : memref<!tpu.dma_semaphore, #tpu.memory_space<semaphore_mem>>
            %dma_start3A_788 = arith.constant 0 : i32
            %dma_start3A_789 = tpu.memref_slice %arg9[%rem3A_713, %dma_start3A_788] : memref<2x64xi32, #tpu.memory_space<vmem>> -> memref<1x64xi32, #tpu.memory_space<vmem>>
            %dma_start3A_790 = tpu.memref_squeeze %dma_start3A_789 : memref<1x64xi32, #tpu.memory_space<vmem>> -> memref<64xi32, #tpu.memory_space<vmem>>
            %dma_start3A_791 = arith.constant 0 : i32
            %dma_start3A_792 = arith.constant 0 : i32
            %dma_start3A_793 = tpu.memref_slice %arg5[%dma_start3A_791, %dma_start3A_792] : memref<12520x128xf32, #tpu.memory_space<vmem_shared>> -> memref<12520x128xf32, #tpu.memory_space<vmem_shared>>
            tpu.enqueue_indirect_dma source(%arg7 : memref<64x128xf32, #tpu.memory_space<vmem>>) target(%dma_start3A_793 : memref<12520x128xf32, #tpu.memory_space<vmem_shared>>) offsets(%dma_start3A_790 : memref<64xi32, #tpu.memory_space<vmem>>) semaphore(%run_scoped3A : memref<!tpu.dma_semaphore, #tpu.memory_space<semaphore_mem>>) {add = true}
            %dma_wait3A_794 = arith.constant 0 : i32
            %dma_wait3A_795 = tpu.memref_slice %arg9[%rem3A_713, %dma_wait3A_794] : memref<2x64xi32, #tpu.memory_space<vmem>> -> memref<1x64xi32, #tpu.memory_space<vmem>>
            %dma_wait3A_796 = tpu.memref_squeeze %dma_wait3A_795 : memref<1x64xi32, #tpu.memory_space<vmem>> -> memref<64xi32, #tpu.memory_space<vmem>>
            %dma_wait3A_797 = arith.constant 0 : i32
            %dma_wait3A_798 = arith.constant 0 : i32
            %dma_wait3A_799 = tpu.memref_slice %arg5[%dma_wait3A_797, %dma_wait3A_798] : memref<12520x128xf32, #tpu.memory_space<vmem_shared>> -> memref<12520x128xf32, #tpu.memory_space<vmem_shared>>
            tpu.wait_indirect_dma semaphore(%run_scoped3A : memref<!tpu.dma_semaphore, #tpu.memory_space<semaphore_mem>>) src(%arg7 : memref<64x128xf32, #tpu.memory_space<vmem>>) dst(%dma_wait3A_799 : memref<12520x128xf32, #tpu.memory_space<vmem_shared>>)
            tpu.yield
          }) : () -> ()
        } else {
        }
        %jit3A_717 = arith.constant 64 : i32
        %jit3A_718 = arith.constant 0 : i32
        %select_n3A_719 = arith.select %ge3A_709, %jit3A_717, %jit3A_718 : i32
        %add3A_720 = arith.addi %add3A_663, %select_n3A_719 : i32
        %get3A_721 = arith.index_cast %while3A_320 : i32 to index
        %get3A_722 = arith.constant 112 : index
        %get3A_723 = tpu.vector_load %arg6[%get3A_721, %get3A_722] {strides = array<i32>} : memref<56x128xi32, #tpu.memory_space<vmem>>, vector<16xi32>,
        %ge3A_724 = vector.broadcast %mul3A_34 : i32 to vector<16xi32>
        %ge3A_725 = arith.cmpi sge, %get3A_723, %ge3A_724 : vector<16xi32>
        %add3A_726 = arith.constant 12512 : i32
        %add3A_727 = arith.addi %mul3A_34, %add3A_726 : i32
        %lt3A_728 = vector.broadcast %add3A_727 : i32 to vector<16xi32>
        %lt3A_729 = arith.cmpi slt, %get3A_723, %lt3A_728 : vector<16xi32>
        %and3A_730 = arith.andi %ge3A_725, %lt3A_729 : vector<16xi1>
        %jit3A_731 = arith.constant 1 : i32
        %jit3A_732 = arith.constant 0 : i32
        %broadcast_in_dim3A_733 = vector.broadcast %jit3A_731 : i32 to vector<16xi32>
        %broadcast_in_dim3A_734 = vector.broadcast %jit3A_732 : i32 to vector<16xi32>
        %select_n3A_735 = arith.select %and3A_730, %broadcast_in_dim3A_733, %broadcast_in_dim3A_734 : vector<16xi1>, vector<16xi32>
        %cumsum3A_736 = arith.constant true
        %cumsum3A_737 = vector.broadcast %cumsum3A_736 : i1 to vector<16xi1>
        %cumsum3A_738 = tpu.scan <sum>, %select_n3A_735 masked %cumsum3A_737 : vector<16xi32>, vector<16xi1> -> vector<16xi32>
        %add3A_739 = vector.broadcast %add3A_706 : i32 to vector<16xi32>
        %add3A_740 = arith.addi %add3A_739, %cumsum3A_738 : vector<16xi32>
        %sub3A_741 = arith.constant 1 : i32
        %sub3A_742 = vector.broadcast %sub3A_741 : i32 to vector<16xi32>
        %sub3A_743 = arith.subi %add3A_740, %sub3A_742 : vector<16xi32>
        %rem3A_744 = arith.constant 128 : i32
        %rem3A_745 = vector.broadcast %rem3A_744 : i32 to vector<16xi32>
        %rem3A_746 = arith.remsi %sub3A_743, %rem3A_745 : vector<16xi32>
        %shift_right_logical3A_747 = arith.constant 6 : i32
        %shift_right_logical3A_748 = vector.broadcast %shift_right_logical3A_747 : i32 to vector<16xi32>
        %shift_right_logical3A_749 = arith.shrui %rem3A_746, %shift_right_logical3A_748 : vector<16xi32>
        %rem3A_750 = arith.constant 64 : i32
        %rem3A_751 = vector.broadcast %rem3A_750 : i32 to vector<16xi32>
        %rem3A_752 = arith.remsi %rem3A_746, %rem3A_751 : vector<16xi32>
        %add3A_753 = arith.constant 112 : i32
        %add3A_754 = arith.addi %mul3A_328, %add3A_753 : i32
        %add3A_755 = vector.broadcast %add3A_754 : i32 to vector<16xi32>
        %add3A_756 = arith.addi %add3A_755, %iota3A : vector<16xi32>
        tpu.vector_store_idx %arg8[%shift_right_logical3A_749, %rem3A_752], %add3A_756 masked %and3A_730 : memref<2x64xi32, #tpu.memory_space<vmem>>[vector<16xi32>, vector<16xi32>], vector<16xi32>, vector<16xi1>
        %sub3A_757 = vector.broadcast %mul3A_34 : i32 to vector<16xi32>
        %sub3A_758 = arith.subi %get3A_723, %sub3A_757 : vector<16xi32>
        tpu.vector_store_idx %arg9[%shift_right_logical3A_749, %rem3A_752], %sub3A_758 masked %and3A_730 : memref<2x64xi32, #tpu.memory_space<vmem>>[vector<16xi32>, vector<16xi32>], vector<16xi32>, vector<16xi1>
        %reduce_sum3A_759 = arith.constant true
        %reduce_sum3A_760 = vector.broadcast %reduce_sum3A_759 : i1 to vector<16xi1>
        %reduce_sum3A_761 = tpu.scan <sum>, %select_n3A_735 masked %reduce_sum3A_760 : vector<16xi32>, vector<16xi1> -> vector<16xi32>
        %reduce_sum3A_762 = vector.extract %reduce_sum3A_761[15] : i32 from vector<16xi32>
        %add3A_763 = arith.addi %add3A_706, %reduce_sum3A_762 : i32
        %sub3A_764 = arith.subi %add3A_763, %add3A_720 : i32
        %ge3A_765 = arith.constant 64 : i32
        %ge3A_766 = arith.cmpi sge, %sub3A_764, %ge3A_765 : i32
        %shift_right_logical3A_767 = arith.constant 6 : i32
        %shift_right_logical3A_768 = arith.shrui %add3A_720, %shift_right_logical3A_767 : i32
        %rem3A_769 = arith.constant 2 : i32
        %rem3A_770 = arith.remsi %shift_right_logical3A_768, %rem3A_769 : i32
        %convert_element_type3A_771 = arith.extui %ge3A_766 : i1 to i32
        %cond3A_772 = arith.constant 0 : i32
        %cond3A_773 = arith.cmpi ne, %convert_element_type3A_771, %cond3A_772 : i32
        scf.if %cond3A_773 {
          %dma_start3A = arith.constant 0 : i32
          %dma_start3A_778 = tpu.memref_slice %arg8[%rem3A_770, %dma_start3A] : memref<2x64xi32, #tpu.memory_space<vmem>> -> memref<1x64xi32, #tpu.memory_space<vmem>>
          %dma_start3A_779 = tpu.memref_squeeze %dma_start3A_778 : memref<1x64xi32, #tpu.memory_space<vmem>> -> memref<64xi32, #tpu.memory_space<vmem>>
          %dma_start3A_780 = arith.constant 0 : i32
          %dma_start3A_781 = arith.constant 0 : i32
          %dma_start3A_782 = tpu.memref_slice %arg2[%dma_start3A_780, %dma_start3A_781] : memref<800000x128xf32, #tpu.memory_space<hbm>> -> memref<800000x128xf32, #tpu.memory_space<hbm>>
          tpu.enqueue_indirect_dma source(%dma_start3A_782 : memref<800000x128xf32, #tpu.memory_space<hbm>>) target(%arg7 : memref<64x128xf32, #tpu.memory_space<vmem>>) offsets(%dma_start3A_779 : memref<64xi32, #tpu.memory_space<vmem>>) semaphore(%arg11 : memref<!tpu.dma_semaphore, #tpu.memory_space<semaphore_mem>>)
          %dma_wait3A = arith.constant 0 : i32
          %dma_wait3A_783 = tpu.memref_slice %arg8[%rem3A_770, %dma_wait3A] : memref<2x64xi32, #tpu.memory_space<vmem>> -> memref<1x64xi32, #tpu.memory_space<vmem>>
          %dma_wait3A_784 = tpu.memref_squeeze %dma_wait3A_783 : memref<1x64xi32, #tpu.memory_space<vmem>> -> memref<64xi32, #tpu.memory_space<vmem>>
          %dma_wait3A_785 = arith.constant 0 : i32
          %dma_wait3A_786 = arith.constant 0 : i32
          %dma_wait3A_787 = tpu.memref_slice %arg2[%dma_wait3A_785, %dma_wait3A_786] : memref<800000x128xf32, #tpu.memory_space<hbm>> -> memref<800000x128xf32, #tpu.memory_space<hbm>>
          tpu.wait_indirect_dma semaphore(%arg11 : memref<!tpu.dma_semaphore, #tpu.memory_space<semaphore_mem>>) src(%dma_wait3A_787 : memref<800000x128xf32, #tpu.memory_space<hbm>>) dst(%arg7 : memref<64x128xf32, #tpu.memory_space<vmem>>)
          "tpu.region"() ({
            %run_scoped3A = tpu.sem_alloc : memref<!tpu.dma_semaphore, #tpu.memory_space<semaphore_mem>>
            %dma_start3A_788 = arith.constant 0 : i32
            %dma_start3A_789 = tpu.memref_slice %arg9[%rem3A_770, %dma_start3A_788] : memref<2x64xi32, #tpu.memory_space<vmem>> -> memref<1x64xi32, #tpu.memory_space<vmem>>
            %dma_start3A_790 = tpu.memref_squeeze %dma_start3A_789 : memref<1x64xi32, #tpu.memory_space<vmem>> -> memref<64xi32, #tpu.memory_space<vmem>>
            %dma_start3A_791 = arith.constant 0 : i32
            %dma_start3A_792 = arith.constant 0 : i32
            %dma_start3A_793 = tpu.memref_slice %arg5[%dma_start3A_791, %dma_start3A_792] : memref<12520x128xf32, #tpu.memory_space<vmem_shared>> -> memref<12520x128xf32, #tpu.memory_space<vmem_shared>>
            tpu.enqueue_indirect_dma source(%arg7 : memref<64x128xf32, #tpu.memory_space<vmem>>) target(%dma_start3A_793 : memref<12520x128xf32, #tpu.memory_space<vmem_shared>>) offsets(%dma_start3A_790 : memref<64xi32, #tpu.memory_space<vmem>>) semaphore(%run_scoped3A : memref<!tpu.dma_semaphore, #tpu.memory_space<semaphore_mem>>) {add = true}
            %dma_wait3A_794 = arith.constant 0 : i32
            %dma_wait3A_795 = tpu.memref_slice %arg9[%rem3A_770, %dma_wait3A_794] : memref<2x64xi32, #tpu.memory_space<vmem>> -> memref<1x64xi32, #tpu.memory_space<vmem>>
            %dma_wait3A_796 = tpu.memref_squeeze %dma_wait3A_795 : memref<1x64xi32, #tpu.memory_space<vmem>> -> memref<64xi32, #tpu.memory_space<vmem>>
            %dma_wait3A_797 = arith.constant 0 : i32
            %dma_wait3A_798 = arith.constant 0 : i32
            %dma_wait3A_799 = tpu.memref_slice %arg5[%dma_wait3A_797, %dma_wait3A_798] : memref<12520x128xf32, #tpu.memory_space<vmem_shared>> -> memref<12520x128xf32, #tpu.memory_space<vmem_shared>>
            tpu.wait_indirect_dma semaphore(%run_scoped3A : memref<!tpu.dma_semaphore, #tpu.memory_space<semaphore_mem>>) src(%arg7 : memref<64x128xf32, #tpu.memory_space<vmem>>) dst(%dma_wait3A_799 : memref<12520x128xf32, #tpu.memory_space<vmem_shared>>)
            tpu.yield
          }) : () -> ()
        } else {
        }
        %jit3A_774 = arith.constant 64 : i32
        %jit3A_775 = arith.constant 0 : i32
        %select_n3A_776 = arith.select %ge3A_766, %jit3A_774, %jit3A_775 : i32
        %add3A_777 = arith.addi %add3A_720, %select_n3A_776 : i32
        scf.yield %add3A_763, %add3A_777 : i32, i32
      }
      scf.yield %while3A_319#0, %while3A_319#1 : i32, i32
    }
    %scan3A_143 = arith.constant 7 : i32
    %sub3A_144 = arith.subi %scan3A_142#0, %scan3A_142#1 : i32
    %gt3A = arith.constant 0 : i32
    %gt3A_145 = arith.cmpi sgt, %sub3A_144, %gt3A : i32
    %convert_element_type3A = arith.extui %gt3A_145 : i1 to i32
    %cond3A = arith.constant 0 : i32
    %cond3A_146 = arith.cmpi ne, %convert_element_type3A, %cond3A : i32
    scf.if %cond3A_146 {
      %shift_right_logical3A = arith.constant 6 : i32
      %shift_right_logical3A_296 = arith.shrui %scan3A_142#1, %shift_right_logical3A : i32
      %rem3A = arith.constant 2 : i32
      %rem3A_297 = arith.remsi %shift_right_logical3A_296, %rem3A : i32
      %add3A_298 = arith.constant 0 : i32
      %add3A_299 = vector.broadcast %add3A_298 : i32 to vector<16xi32>
      %add3A_300 = arith.addi %add3A_299, %iota3A : vector<16xi32>
      %get3A = arith.index_cast %rem3A_297 : i32 to index
      %get3A_301 = arith.constant 0 : index
      %get3A_302 = tpu.vector_load %arg9[%get3A, %get3A_301] {strides = array<i32>} : memref<2x64xi32, #tpu.memory_space<vmem>>, vector<16xi32>,
      %lt3A_303 = vector.broadcast %sub3A_144 : i32 to vector<16xi32>
      %lt3A_304 = arith.cmpi slt, %add3A_300, %lt3A_303 : vector<16xi32>
      %jit3A_305 = arith.constant 12512 : i32
      %broadcast_in_dim3A_306 = vector.broadcast %jit3A_305 : i32 to vector<16xi32>
      %select_n3A_307 = arith.select %lt3A_304, %get3A_302, %broadcast_in_dim3A_306 : vector<16xi1>, vector<16xi32>
      %swap3A_308 = arith.index_cast %rem3A_297 : i32 to index
      %swap3A_309 = arith.constant 0 : index
      %swap3A_310 = tpu.vector_load %arg9[%swap3A_308, %swap3A_309] {strides = array<i32>} : memref<2x64xi32, #tpu.memory_space<vmem>>, vector<16xi32>,
      tpu.vector_store %arg9[%swap3A_308, %swap3A_309], %select_n3A_307 {strides = array<i32>} : memref<2x64xi32, #tpu.memory_space<vmem>>, vector<16xi32>,
      %add3A_311 = arith.constant 16 : i32
      %add3A_312 = vector.broadcast %add3A_311 : i32 to vector<16xi32>
      %add3A_313 = arith.addi %add3A_312, %iota3A : vector<16xi32>
      %get3A_314 = arith.index_cast %rem3A_297 : i32 to index
      %get3A_315 = arith.constant 16 : index
      %get3A_316 = tpu.vector_load %arg9[%get3A_314, %get3A_315] {strides = array<i32>} : memref<2x64xi32, #tpu.memory_space<vmem>>, vector<16xi32>,
      %lt3A_317 = vector.broadcast %sub3A_144 : i32 to vector<16xi32>
      %lt3A_318 = arith.cmpi slt, %add3A_313, %lt3A_317 : vector<16xi32>
      %jit3A_319 = arith.constant 12512 : i32
      %broadcast_in_dim3A_320 = vector.broadcast %jit3A_319 : i32 to vector<16xi32>
      %select_n3A_321 = arith.select %lt3A_318, %get3A_316, %broadcast_in_dim3A_320 : vector<16xi1>, vector<16xi32>
      %swap3A_322 = arith.index_cast %rem3A_297 : i32 to index
      %swap3A_323 = arith.constant 16 : index
      %swap3A_324 = tpu.vector_load %arg9[%swap3A_322, %swap3A_323] {strides = array<i32>} : memref<2x64xi32, #tpu.memory_space<vmem>>, vector<16xi32>,
      tpu.vector_store %arg9[%swap3A_322, %swap3A_323], %select_n3A_321 {strides = array<i32>} : memref<2x64xi32, #tpu.memory_space<vmem>>, vector<16xi32>,
      %add3A_325 = arith.constant 32 : i32
      %add3A_326 = vector.broadcast %add3A_325 : i32 to vector<16xi32>
      %add3A_327 = arith.addi %add3A_326, %iota3A : vector<16xi32>
      %get3A_328 = arith.index_cast %rem3A_297 : i32 to index
      %get3A_329 = arith.constant 32 : index
      %get3A_330 = tpu.vector_load %arg9[%get3A_328, %get3A_329] {strides = array<i32>} : memref<2x64xi32, #tpu.memory_space<vmem>>, vector<16xi32>,
      %lt3A_331 = vector.broadcast %sub3A_144 : i32 to vector<16xi32>
      %lt3A_332 = arith.cmpi slt, %add3A_327, %lt3A_331 : vector<16xi32>
      %jit3A_333 = arith.constant 12512 : i32
      %broadcast_in_dim3A_334 = vector.broadcast %jit3A_333 : i32 to vector<16xi32>
      %select_n3A_335 = arith.select %lt3A_332, %get3A_330, %broadcast_in_dim3A_334 : vector<16xi1>, vector<16xi32>
      %swap3A_336 = arith.index_cast %rem3A_297 : i32 to index
      %swap3A_337 = arith.constant 32 : index
      %swap3A_338 = tpu.vector_load %arg9[%swap3A_336, %swap3A_337] {strides = array<i32>} : memref<2x64xi32, #tpu.memory_space<vmem>>, vector<16xi32>,
      tpu.vector_store %arg9[%swap3A_336, %swap3A_337], %select_n3A_335 {strides = array<i32>} : memref<2x64xi32, #tpu.memory_space<vmem>>, vector<16xi32>,
      %add3A_339 = arith.constant 48 : i32
      %add3A_340 = vector.broadcast %add3A_339 : i32 to vector<16xi32>
      %add3A_341 = arith.addi %add3A_340, %iota3A : vector<16xi32>
      %get3A_342 = arith.index_cast %rem3A_297 : i32 to index
      %get3A_343 = arith.constant 48 : index
      %get3A_344 = tpu.vector_load %arg9[%get3A_342, %get3A_343] {strides = array<i32>} : memref<2x64xi32, #tpu.memory_space<vmem>>, vector<16xi32>,
      %lt3A_345 = vector.broadcast %sub3A_144 : i32 to vector<16xi32>
      %lt3A_346 = arith.cmpi slt, %add3A_341, %lt3A_345 : vector<16xi32>
      %jit3A_347 = arith.constant 12512 : i32
      %broadcast_in_dim3A_348 = vector.broadcast %jit3A_347 : i32 to vector<16xi32>
      %select_n3A_349 = arith.select %lt3A_346, %get3A_344, %broadcast_in_dim3A_348 : vector<16xi1>, vector<16xi32>
      %swap3A_350 = arith.index_cast %rem3A_297 : i32 to index
      %swap3A_351 = arith.constant 48 : index
      %swap3A_352 = tpu.vector_load %arg9[%swap3A_350, %swap3A_351] {strides = array<i32>} : memref<2x64xi32, #tpu.memory_space<vmem>>, vector<16xi32>,
      tpu.vector_store %arg9[%swap3A_350, %swap3A_351], %select_n3A_349 {strides = array<i32>} : memref<2x64xi32, #tpu.memory_space<vmem>>, vector<16xi32>,
      %dma_start3A = arith.constant 0 : i32
      %dma_start3A_353 = tpu.memref_slice %arg8[%rem3A_297, %dma_start3A] : memref<2x64xi32, #tpu.memory_space<vmem>> -> memref<1x64xi32, #tpu.memory_space<vmem>>
      %dma_start3A_354 = tpu.memref_squeeze %dma_start3A_353 : memref<1x64xi32, #tpu.memory_space<vmem>> -> memref<64xi32, #tpu.memory_space<vmem>>
      %dma_start3A_355 = arith.constant 0 : i32
      %dma_start3A_356 = arith.constant 0 : i32
      %dma_start3A_357 = tpu.memref_slice %arg2[%dma_start3A_355, %dma_start3A_356] : memref<800000x128xf32, #tpu.memory_space<hbm>> -> memref<800000x128xf32, #tpu.memory_space<hbm>>
      tpu.enqueue_indirect_dma source(%dma_start3A_357 : memref<800000x128xf32, #tpu.memory_space<hbm>>) target(%arg7 : memref<64x128xf32, #tpu.memory_space<vmem>>) offsets(%dma_start3A_354 : memref<64xi32, #tpu.memory_space<vmem>>) semaphore(%arg11 : memref<!tpu.dma_semaphore, #tpu.memory_space<semaphore_mem>>)
      %dma_wait3A = arith.constant 0 : i32
      %dma_wait3A_358 = tpu.memref_slice %arg8[%rem3A_297, %dma_wait3A] : memref<2x64xi32, #tpu.memory_space<vmem>> -> memref<1x64xi32, #tpu.memory_space<vmem>>
      %dma_wait3A_359 = tpu.memref_squeeze %dma_wait3A_358 : memref<1x64xi32, #tpu.memory_space<vmem>> -> memref<64xi32, #tpu.memory_space<vmem>>
      %dma_wait3A_360 = arith.constant 0 : i32
      %dma_wait3A_361 = arith.constant 0 : i32
      %dma_wait3A_362 = tpu.memref_slice %arg2[%dma_wait3A_360, %dma_wait3A_361] : memref<800000x128xf32, #tpu.memory_space<hbm>> -> memref<800000x128xf32, #tpu.memory_space<hbm>>
      tpu.wait_indirect_dma semaphore(%arg11 : memref<!tpu.dma_semaphore, #tpu.memory_space<semaphore_mem>>) src(%dma_wait3A_362 : memref<800000x128xf32, #tpu.memory_space<hbm>>) dst(%arg7 : memref<64x128xf32, #tpu.memory_space<vmem>>)
      "tpu.region"() ({
        %run_scoped3A = tpu.sem_alloc : memref<!tpu.dma_semaphore, #tpu.memory_space<semaphore_mem>>
        %dma_start3A_363 = arith.constant 0 : i32
        %dma_start3A_364 = tpu.memref_slice %arg9[%rem3A_297, %dma_start3A_363] : memref<2x64xi32, #tpu.memory_space<vmem>> -> memref<1x64xi32, #tpu.memory_space<vmem>>
        %dma_start3A_365 = tpu.memref_squeeze %dma_start3A_364 : memref<1x64xi32, #tpu.memory_space<vmem>> -> memref<64xi32, #tpu.memory_space<vmem>>
        %dma_start3A_366 = arith.constant 0 : i32
        %dma_start3A_367 = arith.constant 0 : i32
        %dma_start3A_368 = tpu.memref_slice %arg5[%dma_start3A_366, %dma_start3A_367] : memref<12520x128xf32, #tpu.memory_space<vmem_shared>> -> memref<12520x128xf32, #tpu.memory_space<vmem_shared>>
        tpu.enqueue_indirect_dma source(%arg7 : memref<64x128xf32, #tpu.memory_space<vmem>>) target(%dma_start3A_368 : memref<12520x128xf32, #tpu.memory_space<vmem_shared>>) offsets(%dma_start3A_365 : memref<64xi32, #tpu.memory_space<vmem>>) semaphore(%run_scoped3A : memref<!tpu.dma_semaphore, #tpu.memory_space<semaphore_mem>>) {add = true}
        %dma_wait3A_369 = arith.constant 0 : i32
        %dma_wait3A_370 = tpu.memref_slice %arg9[%rem3A_297, %dma_wait3A_369] : memref<2x64xi32, #tpu.memory_space<vmem>> -> memref<1x64xi32, #tpu.memory_space<vmem>>
        %dma_wait3A_371 = tpu.memref_squeeze %dma_wait3A_370 : memref<1x64xi32, #tpu.memory_space<vmem>> -> memref<64xi32, #tpu.memory_space<vmem>>
        %dma_wait3A_372 = arith.constant 0 : i32
        %dma_wait3A_373 = arith.constant 0 : i32
        %dma_wait3A_374 = tpu.memref_slice %arg5[%dma_wait3A_372, %dma_wait3A_373] : memref<12520x128xf32, #tpu.memory_space<vmem_shared>> -> memref<12520x128xf32, #tpu.memory_space<vmem_shared>>
        tpu.wait_indirect_dma semaphore(%run_scoped3A : memref<!tpu.dma_semaphore, #tpu.memory_space<semaphore_mem>>) src(%arg7 : memref<64x128xf32, #tpu.memory_space<vmem>>) dst(%dma_wait3A_374 : memref<12520x128xf32, #tpu.memory_space<vmem_shared>>)
        tpu.yield
      }) : () -> ()
    } else {
    }
    %barrier3A_147 = arith.constant 0 : index
    tpu.barrier barrier_id(%barrier3A_147)
    %while3A_148 = arith.constant 0 : i32
    %while3A_149 = arith.constant 0 : i32
    %while3A_150 = arith.subi %add3A_25, %while3A_149 : i32
    %while3A_151 = arith.addi %while3A_149, %while3A_150 : i32
    %while3A_152 = arith.constant 1 : i32
    %while3A_153 = arith.divsi %while3A_150, %while3A_152 : i32
    %while3A_154 = arith.muli %while3A_153, %while3A_152 : i32
    %while3A_155 = arith.addi %while3A_149, %while3A_154 : i32
    %while3A_156 = arith.constant 1 : i32
    scf.for %while3A_296 = %while3A_149 to %while3A_155 step %while3A_156  : i32 {
      %add3A_297 = arith.addi %add3A_18, %while3A_296 : i32
      %mul3A_298 = arith.constant 32 : i32
      %mul3A_299 = arith.muli %add3A_297, %mul3A_298 : i32
      "tpu.region"() ({
        %run_scoped3A = tpu.sem_alloc : memref<!tpu.dma_semaphore, #tpu.memory_space<semaphore_mem>>
        %dma_start3A = arith.constant 0 : i32
        %dma_start3A_301 = tpu.memref_slice %arg5[%mul3A_299, %dma_start3A] : memref<12520x128xf32, #tpu.memory_space<vmem_shared>> -> memref<32x128xf32, #tpu.memory_space<vmem_shared>>
        %dma_start3A_302 = arith.constant 0 : i32
        %dma_start3A_303 = tpu.memref_slice %arg5[%mul3A_299, %dma_start3A_302] : memref<12520x128xf32, #tpu.memory_space<vmem_shared>> -> memref<32x128xf32, #tpu.memory_space<vmem_shared>>
        tpu.enqueue_dma source(%dma_start3A_303 : memref<32x128xf32, #tpu.memory_space<vmem_shared>>) target(%arg10 : memref<32x128xf32, #tpu.memory_space<vmem>>) target_semaphore(%run_scoped3A : memref<!tpu.dma_semaphore, #tpu.memory_space<semaphore_mem>>)
        %dma_wait3A = arith.constant 0 : i32
        %dma_wait3A_304 = tpu.memref_slice %arg5[%mul3A_299, %dma_wait3A] : memref<12520x128xf32, #tpu.memory_space<vmem_shared>> -> memref<32x128xf32, #tpu.memory_space<vmem_shared>>
        %dma_wait3A_305 = arith.constant 0 : i32
        %dma_wait3A_306 = tpu.memref_slice %arg5[%mul3A_299, %dma_wait3A_305] : memref<12520x128xf32, #tpu.memory_space<vmem_shared>> -> memref<32x128xf32, #tpu.memory_space<vmem_shared>>
        tpu.wait_dma2 semaphore(%run_scoped3A : memref<!tpu.dma_semaphore, #tpu.memory_space<semaphore_mem>>) src(%dma_wait3A_306 : memref<32x128xf32, #tpu.memory_space<vmem_shared>>) dst(%arg10 : memref<32x128xf32, #tpu.memory_space<vmem>>)
        tpu.yield
      }) : () -> ()
      %add3A_300 = arith.addi %mul3A_34, %mul3A_299 : i32
      "tpu.region"() ({
        %run_scoped3A = tpu.sem_alloc : memref<!tpu.dma_semaphore, #tpu.memory_space<semaphore_mem>>
        %dma_start3A = arith.constant 0 : i32
        %dma_start3A_301 = tpu.memref_slice %arg4[%add3A_300, %dma_start3A] : memref<50048x128xf32, #tpu.memory_space<hbm>> -> memref<32x128xf32, #tpu.memory_space<hbm>>
        %dma_start3A_302 = arith.constant 0 : i32
        %dma_start3A_303 = tpu.memref_slice %arg4[%add3A_300, %dma_start3A_302] : memref<50048x128xf32, #tpu.memory_space<hbm>> -> memref<32x128xf32, #tpu.memory_space<hbm>>
        tpu.enqueue_dma source(%arg10 : memref<32x128xf32, #tpu.memory_space<vmem>>) target(%dma_start3A_303 : memref<32x128xf32, #tpu.memory_space<hbm>>) target_semaphore(%run_scoped3A : memref<!tpu.dma_semaphore, #tpu.memory_space<semaphore_mem>>)
        %dma_wait3A = arith.constant 0 : i32
        %dma_wait3A_304 = tpu.memref_slice %arg4[%add3A_300, %dma_wait3A] : memref<50048x128xf32, #tpu.memory_space<hbm>> -> memref<32x128xf32, #tpu.memory_space<hbm>>
        %dma_wait3A_305 = arith.constant 0 : i32
        %dma_wait3A_306 = tpu.memref_slice %arg4[%add3A_300, %dma_wait3A_305] : memref<50048x128xf32, #tpu.memory_space<hbm>> -> memref<32x128xf32, #tpu.memory_space<hbm>>
        tpu.wait_dma2 semaphore(%run_scoped3A : memref<!tpu.dma_semaphore, #tpu.memory_space<semaphore_mem>>) src(%arg10 : memref<32x128xf32, #tpu.memory_space<vmem>>) dst(%dma_wait3A_306 : memref<32x128xf32, #tpu.memory_space<hbm>>)
        tpu.yield
      }) : () -> ()
    }
    %while3A_157 = arith.constant 1 : i32
    scf.for %while3A_296 = %while3A_155 to %while3A_151 step %while3A_157  : i32 {
      %add3A_297 = arith.addi %add3A_18, %while3A_296 : i32
      %mul3A_298 = arith.constant 32 : i32
      %mul3A_299 = arith.muli %add3A_297, %mul3A_298 : i32
      "tpu.region"() ({
        %run_scoped3A = tpu.sem_alloc : memref<!tpu.dma_semaphore, #tpu.memory_space<semaphore_mem>>
        %dma_start3A = arith.constant 0 : i32
        %dma_start3A_301 = tpu.memref_slice %arg5[%mul3A_299, %dma_start3A] : memref<12520x128xf32, #tpu.memory_space<vmem_shared>> -> memref<32x128xf32, #tpu.memory_space<vmem_shared>>
        %dma_start3A_302 = arith.constant 0 : i32
        %dma_start3A_303 = tpu.memref_slice %arg5[%mul3A_299, %dma_start3A_302] : memref<12520x128xf32, #tpu.memory_space<vmem_shared>> -> memref<32x128xf32, #tpu.memory_space<vmem_shared>>
        tpu.enqueue_dma source(%dma_start3A_303 : memref<32x128xf32, #tpu.memory_space<vmem_shared>>) target(%arg10 : memref<32x128xf32, #tpu.memory_space<vmem>>) target_semaphore(%run_scoped3A : memref<!tpu.dma_semaphore, #tpu.memory_space<semaphore_mem>>)
        %dma_wait3A = arith.constant 0 : i32
        %dma_wait3A_304 = tpu.memref_slice %arg5[%mul3A_299, %dma_wait3A] : memref<12520x128xf32, #tpu.memory_space<vmem_shared>> -> memref<32x128xf32, #tpu.memory_space<vmem_shared>>
        %dma_wait3A_305 = arith.constant 0 : i32
        %dma_wait3A_306 = tpu.memref_slice %arg5[%mul3A_299, %dma_wait3A_305] : memref<12520x128xf32, #tpu.memory_space<vmem_shared>> -> memref<32x128xf32, #tpu.memory_space<vmem_shared>>
        tpu.wait_dma2 semaphore(%run_scoped3A : memref<!tpu.dma_semaphore, #tpu.memory_space<semaphore_mem>>) src(%dma_wait3A_306 : memref<32x128xf32, #tpu.memory_space<vmem_shared>>) dst(%arg10 : memref<32x128xf32, #tpu.memory_space<vmem>>)
        tpu.yield
      }) : () -> ()
      %add3A_300 = arith.addi %mul3A_34, %mul3A_299 : i32
      "tpu.region"() ({
        %run_scoped3A = tpu.sem_alloc : memref<!tpu.dma_semaphore, #tpu.memory_space<semaphore_mem>>
        %dma_start3A = arith.constant 0 : i32
        %dma_start3A_301 = tpu.memref_slice %arg4[%add3A_300, %dma_start3A] : memref<50048x128xf32, #tpu.memory_space<hbm>> -> memref<32x128xf32, #tpu.memory_space<hbm>>
        %dma_start3A_302 = arith.constant 0 : i32
        %dma_start3A_303 = tpu.memref_slice %arg4[%add3A_300, %dma_start3A_302] : memref<50048x128xf32, #tpu.memory_space<hbm>> -> memref<32x128xf32, #tpu.memory_space<hbm>>
        tpu.enqueue_dma source(%arg10 : memref<32x128xf32, #tpu.memory_space<vmem>>) target(%dma_start3A_303 : memref<32x128xf32, #tpu.memory_space<hbm>>) target_semaphore(%run_scoped3A : memref<!tpu.dma_semaphore, #tpu.memory_space<semaphore_mem>>)
        %dma_wait3A = arith.constant 0 : i32
        %dma_wait3A_304 = tpu.memref_slice %arg4[%add3A_300, %dma_wait3A] : memref<50048x128xf32, #tpu.memory_space<hbm>> -> memref<32x128xf32, #tpu.memory_space<hbm>>
        %dma_wait3A_305 = arith.constant 0 : i32
        %dma_wait3A_306 = tpu.memref_slice %arg4[%add3A_300, %dma_wait3A_305] : memref<50048x128xf32, #tpu.memory_space<hbm>> -> memref<32x128xf32, #tpu.memory_space<hbm>>
        tpu.wait_dma2 semaphore(%run_scoped3A : memref<!tpu.dma_semaphore, #tpu.memory_space<semaphore_mem>>) src(%arg10 : memref<32x128xf32, #tpu.memory_space<vmem>>) dst(%dma_wait3A_306 : memref<32x128xf32, #tpu.memory_space<hbm>>)
        tpu.yield
      }) : () -> ()
    }
    %barrier3A_158 = arith.constant 0 : index
    tpu.barrier barrier_id(%barrier3A_158)
    %mul3A_159 = arith.constant 2 : i32
    %mul3A_160 = arith.muli %mul3A_159, %arg0 : i32
    %add3A_161 = arith.constant 1 : i32
    %add3A_162 = arith.addi %mul3A_160, %add3A_161 : i32
    %mul3A_163 = arith.constant 12512 : i32
    %mul3A_164 = arith.muli %add3A_162, %mul3A_163 : i32
    %scan3A_165 = arith.constant 0 : i32
    %scan3A_166 = arith.constant 0 : i32
    %scan3A_167 = arith.constant 32 : i32
    %scan3A_168 = arith.addi %scan3A_166, %scan3A_167 : i32
    %scan3A_169 = arith.constant 1 : i32
    scf.for %scan3A_296 = %scan3A_166 to %scan3A_168 step %scan3A_169  : i32 {
      %swap3A_297 = arith.index_cast %scan3A_296 : i32 to index
      %swap3A_298 = arith.constant 0 : index
      %swap3A_299 = tpu.vector_load %arg10[%swap3A_297, %swap3A_298] {strides = array<i32>} : memref<32x128xf32, #tpu.memory_space<vmem>>, vector<16xf32>,
      tpu.vector_store %arg10[%swap3A_297, %swap3A_298], %broadcast_in_dim3A_26 {strides = array<i32>} : memref<32x128xf32, #tpu.memory_space<vmem>>, vector<16xf32>,
      %swap3A_300 = arith.index_cast %scan3A_296 : i32 to index
      %swap3A_301 = arith.constant 16 : index
      %swap3A_302 = tpu.vector_load %arg10[%swap3A_300, %swap3A_301] {strides = array<i32>} : memref<32x128xf32, #tpu.memory_space<vmem>>, vector<16xf32>,
      tpu.vector_store %arg10[%swap3A_300, %swap3A_301], %broadcast_in_dim3A_26 {strides = array<i32>} : memref<32x128xf32, #tpu.memory_space<vmem>>, vector<16xf32>,
      %swap3A_303 = arith.index_cast %scan3A_296 : i32 to index
      %swap3A_304 = arith.constant 32 : index
      %swap3A_305 = tpu.vector_load %arg10[%swap3A_303, %swap3A_304] {strides = array<i32>} : memref<32x128xf32, #tpu.memory_space<vmem>>, vector<16xf32>,
      tpu.vector_store %arg10[%swap3A_303, %swap3A_304], %broadcast_in_dim3A_26 {strides = array<i32>} : memref<32x128xf32, #tpu.memory_space<vmem>>, vector<16xf32>,
      %swap3A_306 = arith.index_cast %scan3A_296 : i32 to index
      %swap3A_307 = arith.constant 48 : index
      %swap3A_308 = tpu.vector_load %arg10[%swap3A_306, %swap3A_307] {strides = array<i32>} : memref<32x128xf32, #tpu.memory_space<vmem>>, vector<16xf32>,
      tpu.vector_store %arg10[%swap3A_306, %swap3A_307], %broadcast_in_dim3A_26 {strides = array<i32>} : memref<32x128xf32, #tpu.memory_space<vmem>>, vector<16xf32>,
      %swap3A_309 = arith.index_cast %scan3A_296 : i32 to index
      %swap3A_310 = arith.constant 64 : index
      %swap3A_311 = tpu.vector_load %arg10[%swap3A_309, %swap3A_310] {strides = array<i32>} : memref<32x128xf32, #tpu.memory_space<vmem>>, vector<16xf32>,
      tpu.vector_store %arg10[%swap3A_309, %swap3A_310], %broadcast_in_dim3A_26 {strides = array<i32>} : memref<32x128xf32, #tpu.memory_space<vmem>>, vector<16xf32>,
      %swap3A_312 = arith.index_cast %scan3A_296 : i32 to index
      %swap3A_313 = arith.constant 80 : index
      %swap3A_314 = tpu.vector_load %arg10[%swap3A_312, %swap3A_313] {strides = array<i32>} : memref<32x128xf32, #tpu.memory_space<vmem>>, vector<16xf32>,
      tpu.vector_store %arg10[%swap3A_312, %swap3A_313], %broadcast_in_dim3A_26 {strides = array<i32>} : memref<32x128xf32, #tpu.memory_space<vmem>>, vector<16xf32>,
      %swap3A_315 = arith.index_cast %scan3A_296 : i32 to index
      %swap3A_316 = arith.constant 96 : index
      %swap3A_317 = tpu.vector_load %arg10[%swap3A_315, %swap3A_316] {strides = array<i32>} : memref<32x128xf32, #tpu.memory_space<vmem>>, vector<16xf32>,
      tpu.vector_store %arg10[%swap3A_315, %swap3A_316], %broadcast_in_dim3A_26 {strides = array<i32>} : memref<32x128xf32, #tpu.memory_space<vmem>>, vector<16xf32>,
      %swap3A_318 = arith.index_cast %scan3A_296 : i32 to index
      %swap3A_319 = arith.constant 112 : index
      %swap3A_320 = tpu.vector_load %arg10[%swap3A_318, %swap3A_319] {strides = array<i32>} : memref<32x128xf32, #tpu.memory_space<vmem>>, vector<16xf32>,
      tpu.vector_store %arg10[%swap3A_318, %swap3A_319], %broadcast_in_dim3A_26 {strides = array<i32>} : memref<32x128xf32, #tpu.memory_space<vmem>>, vector<16xf32>,
    }
    %scan3A_170 = arith.constant 32 : i32
    %while3A_171 = arith.constant 0 : i32
    %while3A_172 = arith.constant 0 : i32
    %while3A_173 = arith.subi %add3A_25, %while3A_172 : i32
    %while3A_174 = arith.addi %while3A_172, %while3A_173 : i32
    %while3A_175 = arith.constant 1 : i32
    %while3A_176 = arith.divsi %while3A_173, %while3A_175 : i32
    %while3A_177 = arith.muli %while3A_176, %while3A_175 : i32
    %while3A_178 = arith.addi %while3A_172, %while3A_177 : i32
    %while3A_179 = arith.constant 1 : i32
    scf.for %while3A_296 = %while3A_172 to %while3A_178 step %while3A_179  : i32 {
      %add3A_297 = arith.addi %add3A_18, %while3A_296 : i32
      %mul3A_298 = arith.constant 32 : i32
      %mul3A_299 = arith.muli %add3A_297, %mul3A_298 : i32
      "tpu.region"() ({
        %run_scoped3A = tpu.sem_alloc : memref<!tpu.dma_semaphore, #tpu.memory_space<semaphore_mem>>
        %dma_start3A = arith.constant 0 : i32
        %dma_start3A_300 = tpu.memref_slice %arg5[%mul3A_299, %dma_start3A] : memref<12520x128xf32, #tpu.memory_space<vmem_shared>> -> memref<32x128xf32, #tpu.memory_space<vmem_shared>>
        %dma_start3A_301 = arith.constant 0 : i32
        %dma_start3A_302 = tpu.memref_slice %arg5[%mul3A_299, %dma_start3A_301] : memref<12520x128xf32, #tpu.memory_space<vmem_shared>> -> memref<32x128xf32, #tpu.memory_space<vmem_shared>>
        tpu.enqueue_dma source(%arg10 : memref<32x128xf32, #tpu.memory_space<vmem>>) target(%dma_start3A_302 : memref<32x128xf32, #tpu.memory_space<vmem_shared>>) target_semaphore(%run_scoped3A : memref<!tpu.dma_semaphore, #tpu.memory_space<semaphore_mem>>)
        %dma_wait3A = arith.constant 0 : i32
        %dma_wait3A_303 = tpu.memref_slice %arg5[%mul3A_299, %dma_wait3A] : memref<12520x128xf32, #tpu.memory_space<vmem_shared>> -> memref<32x128xf32, #tpu.memory_space<vmem_shared>>
        %dma_wait3A_304 = arith.constant 0 : i32
        %dma_wait3A_305 = tpu.memref_slice %arg5[%mul3A_299, %dma_wait3A_304] : memref<12520x128xf32, #tpu.memory_space<vmem_shared>> -> memref<32x128xf32, #tpu.memory_space<vmem_shared>>
        tpu.wait_dma2 semaphore(%run_scoped3A : memref<!tpu.dma_semaphore, #tpu.memory_space<semaphore_mem>>) src(%arg10 : memref<32x128xf32, #tpu.memory_space<vmem>>) dst(%dma_wait3A_305 : memref<32x128xf32, #tpu.memory_space<vmem_shared>>)
        tpu.yield
      }) : () -> ()
    }
    %while3A_180 = arith.constant 1 : i32
    scf.for %while3A_296 = %while3A_178 to %while3A_174 step %while3A_180  : i32 {
      %add3A_297 = arith.addi %add3A_18, %while3A_296 : i32
      %mul3A_298 = arith.constant 32 : i32
      %mul3A_299 = arith.muli %add3A_297, %mul3A_298 : i32
      "tpu.region"() ({
        %run_scoped3A = tpu.sem_alloc : memref<!tpu.dma_semaphore, #tpu.memory_space<semaphore_mem>>
        %dma_start3A = arith.constant 0 : i32
        %dma_start3A_300 = tpu.memref_slice %arg5[%mul3A_299, %dma_start3A] : memref<12520x128xf32, #tpu.memory_space<vmem_shared>> -> memref<32x128xf32, #tpu.memory_space<vmem_shared>>
        %dma_start3A_301 = arith.constant 0 : i32
        %dma_start3A_302 = tpu.memref_slice %arg5[%mul3A_299, %dma_start3A_301] : memref<12520x128xf32, #tpu.memory_space<vmem_shared>> -> memref<32x128xf32, #tpu.memory_space<vmem_shared>>
        tpu.enqueue_dma source(%arg10 : memref<32x128xf32, #tpu.memory_space<vmem>>) target(%dma_start3A_302 : memref<32x128xf32, #tpu.memory_space<vmem_shared>>) target_semaphore(%run_scoped3A : memref<!tpu.dma_semaphore, #tpu.memory_space<semaphore_mem>>)
        %dma_wait3A = arith.constant 0 : i32
        %dma_wait3A_303 = tpu.memref_slice %arg5[%mul3A_299, %dma_wait3A] : memref<12520x128xf32, #tpu.memory_space<vmem_shared>> -> memref<32x128xf32, #tpu.memory_space<vmem_shared>>
        %dma_wait3A_304 = arith.constant 0 : i32
        %dma_wait3A_305 = tpu.memref_slice %arg5[%mul3A_299, %dma_wait3A_304] : memref<12520x128xf32, #tpu.memory_space<vmem_shared>> -> memref<32x128xf32, #tpu.memory_space<vmem_shared>>
        tpu.wait_dma2 semaphore(%run_scoped3A : memref<!tpu.dma_semaphore, #tpu.memory_space<semaphore_mem>>) src(%arg10 : memref<32x128xf32, #tpu.memory_space<vmem>>) dst(%dma_wait3A_305 : memref<32x128xf32, #tpu.memory_space<vmem_shared>>)
        tpu.yield
      }) : () -> ()
    }
    %swap3A_181 = arith.constant 0 : i32
    %swap3A_182 = arith.index_cast %swap3A_181 : i32 to index
    %swap3A_183 = arith.constant 0 : index
    %swap3A_184 = tpu.vector_load %arg8[%swap3A_182, %swap3A_183] {strides = array<i32>} : memref<2x64xi32, #tpu.memory_space<vmem>>, vector<16xi32>,
    tpu.vector_store %arg8[%swap3A_182, %swap3A_183], %broadcast_in_dim3A_28 {strides = array<i32>} : memref<2x64xi32, #tpu.memory_space<vmem>>, vector<16xi32>,
    %add3A_185 = arith.constant 12512 : i32
    %add3A_186 = vector.broadcast %add3A_185 : i32 to vector<16xi32>
    %add3A_187 = arith.addi %broadcast_in_dim3A_28, %add3A_186 : vector<16xi32>
    %swap3A_188 = arith.constant 0 : i32
    %swap3A_189 = arith.index_cast %swap3A_188 : i32 to index
    %swap3A_190 = arith.constant 0 : index
    %swap3A_191 = tpu.vector_load %arg9[%swap3A_189, %swap3A_190] {strides = array<i32>} : memref<2x64xi32, #tpu.memory_space<vmem>>, vector<16xi32>,
    tpu.vector_store %arg9[%swap3A_189, %swap3A_190], %add3A_187 {strides = array<i32>} : memref<2x64xi32, #tpu.memory_space<vmem>>, vector<16xi32>,
    %swap3A_192 = arith.constant 0 : i32
    %swap3A_193 = arith.index_cast %swap3A_192 : i32 to index
    %swap3A_194 = arith.constant 16 : index
    %swap3A_195 = tpu.vector_load %arg8[%swap3A_193, %swap3A_194] {strides = array<i32>} : memref<2x64xi32, #tpu.memory_space<vmem>>, vector<16xi32>,
    tpu.vector_store %arg8[%swap3A_193, %swap3A_194], %broadcast_in_dim3A_28 {strides = array<i32>} : memref<2x64xi32, #tpu.memory_space<vmem>>, vector<16xi32>,
    %add3A_196 = arith.constant 12512 : i32
    %add3A_197 = vector.broadcast %add3A_196 : i32 to vector<16xi32>
    %add3A_198 = arith.addi %broadcast_in_dim3A_28, %add3A_197 : vector<16xi32>
    %swap3A_199 = arith.constant 0 : i32
    %swap3A_200 = arith.index_cast %swap3A_199 : i32 to index
    %swap3A_201 = arith.constant 16 : index
    %swap3A_202 = tpu.vector_load %arg9[%swap3A_200, %swap3A_201] {strides = array<i32>} : memref<2x64xi32, #tpu.memory_space<vmem>>, vector<16xi32>,
    tpu.vector_store %arg9[%swap3A_200, %swap3A_201], %add3A_198 {strides = array<i32>} : memref<2x64xi32, #tpu.memory_space<vmem>>, vector<16xi32>,
    %swap3A_203 = arith.constant 0 : i32
    %swap3A_204 = arith.index_cast %swap3A_203 : i32 to index
    %swap3A_205 = arith.constant 32 : index
    %swap3A_206 = tpu.vector_load %arg8[%swap3A_204, %swap3A_205] {strides = array<i32>} : memref<2x64xi32, #tpu.memory_space<vmem>>, vector<16xi32>,
    tpu.vector_store %arg8[%swap3A_204, %swap3A_205], %broadcast_in_dim3A_28 {strides = array<i32>} : memref<2x64xi32, #tpu.memory_space<vmem>>, vector<16xi32>,
    %add3A_207 = arith.constant 12512 : i32
    %add3A_208 = vector.broadcast %add3A_207 : i32 to vector<16xi32>
    %add3A_209 = arith.addi %broadcast_in_dim3A_28, %add3A_208 : vector<16xi32>
    %swap3A_210 = arith.constant 0 : i32
    %swap3A_211 = arith.index_cast %swap3A_210 : i32 to index
    %swap3A_212 = arith.constant 32 : index
    %swap3A_213 = tpu.vector_load %arg9[%swap3A_211, %swap3A_212] {strides = array<i32>} : memref<2x64xi32, #tpu.memory_space<vmem>>, vector<16xi32>,
    tpu.vector_store %arg9[%swap3A_211, %swap3A_212], %add3A_209 {strides = array<i32>} : memref<2x64xi32, #tpu.memory_space<vmem>>, vector<16xi32>,
    %swap3A_214 = arith.constant 0 : i32
    %swap3A_215 = arith.index_cast %swap3A_214 : i32 to index
    %swap3A_216 = arith.constant 48 : index
    %swap3A_217 = tpu.vector_load %arg8[%swap3A_215, %swap3A_216] {strides = array<i32>} : memref<2x64xi32, #tpu.memory_space<vmem>>, vector<16xi32>,
    tpu.vector_store %arg8[%swap3A_215, %swap3A_216], %broadcast_in_dim3A_28 {strides = array<i32>} : memref<2x64xi32, #tpu.memory_space<vmem>>, vector<16xi32>,
    %add3A_218 = arith.constant 12512 : i32
    %add3A_219 = vector.broadcast %add3A_218 : i32 to vector<16xi32>
    %add3A_220 = arith.addi %broadcast_in_dim3A_28, %add3A_219 : vector<16xi32>
    %swap3A_221 = arith.constant 0 : i32
    %swap3A_222 = arith.index_cast %swap3A_221 : i32 to index
    %swap3A_223 = arith.constant 48 : index
    %swap3A_224 = tpu.vector_load %arg9[%swap3A_222, %swap3A_223] {strides = array<i32>} : memref<2x64xi32, #tpu.memory_space<vmem>>, vector<16xi32>,
    tpu.vector_store %arg9[%swap3A_222, %swap3A_223], %add3A_220 {strides = array<i32>} : memref<2x64xi32, #tpu.memory_space<vmem>>, vector<16xi32>,
    %swap3A_225 = arith.constant 1 : i32
    %swap3A_226 = arith.index_cast %swap3A_225 : i32 to index
    %swap3A_227 = arith.constant 0 : index
    %swap3A_228 = tpu.vector_load %arg8[%swap3A_226, %swap3A_227] {strides = array<i32>} : memref<2x64xi32, #tpu.memory_space<vmem>>, vector<16xi32>,
    tpu.vector_store %arg8[%swap3A_226, %swap3A_227], %broadcast_in_dim3A_28 {strides = array<i32>} : memref<2x64xi32, #tpu.memory_space<vmem>>, vector<16xi32>,
    %add3A_229 = arith.constant 12512 : i32
    %add3A_230 = vector.broadcast %add3A_229 : i32 to vector<16xi32>
    %add3A_231 = arith.addi %broadcast_in_dim3A_28, %add3A_230 : vector<16xi32>
    %swap3A_232 = arith.constant 1 : i32
    %swap3A_233 = arith.index_cast %swap3A_232 : i32 to index
    %swap3A_234 = arith.constant 0 : index
    %swap3A_235 = tpu.vector_load %arg9[%swap3A_233, %swap3A_234] {strides = array<i32>} : memref<2x64xi32, #tpu.memory_space<vmem>>, vector<16xi32>,
    tpu.vector_store %arg9[%swap3A_233, %swap3A_234], %add3A_231 {strides = array<i32>} : memref<2x64xi32, #tpu.memory_space<vmem>>, vector<16xi32>,
    %swap3A_236 = arith.constant 1 : i32
    %swap3A_237 = arith.index_cast %swap3A_236 : i32 to index
    %swap3A_238 = arith.constant 16 : index
    %swap3A_239 = tpu.vector_load %arg8[%swap3A_237, %swap3A_238] {strides = array<i32>} : memref<2x64xi32, #tpu.memory_space<vmem>>, vector<16xi32>,
    tpu.vector_store %arg8[%swap3A_237, %swap3A_238], %broadcast_in_dim3A_28 {strides = array<i32>} : memref<2x64xi32, #tpu.memory_space<vmem>>, vector<16xi32>,
    %add3A_240 = arith.constant 12512 : i32
    %add3A_241 = vector.broadcast %add3A_240 : i32 to vector<16xi32>
    %add3A_242 = arith.addi %broadcast_in_dim3A_28, %add3A_241 : vector<16xi32>
    %swap3A_243 = arith.constant 1 : i32
    %swap3A_244 = arith.index_cast %swap3A_243 : i32 to index
    %swap3A_245 = arith.constant 16 : index
    %swap3A_246 = tpu.vector_load %arg9[%swap3A_244, %swap3A_245] {strides = array<i32>} : memref<2x64xi32, #tpu.memory_space<vmem>>, vector<16xi32>,
    tpu.vector_store %arg9[%swap3A_244, %swap3A_245], %add3A_242 {strides = array<i32>} : memref<2x64xi32, #tpu.memory_space<vmem>>, vector<16xi32>,
    %swap3A_247 = arith.constant 1 : i32
    %swap3A_248 = arith.index_cast %swap3A_247 : i32 to index
    %swap3A_249 = arith.constant 32 : index
    %swap3A_250 = tpu.vector_load %arg8[%swap3A_248, %swap3A_249] {strides = array<i32>} : memref<2x64xi32, #tpu.memory_space<vmem>>, vector<16xi32>,
    tpu.vector_store %arg8[%swap3A_248, %swap3A_249], %broadcast_in_dim3A_28 {strides = array<i32>} : memref<2x64xi32, #tpu.memory_space<vmem>>, vector<16xi32>,
    %add3A_251 = arith.constant 12512 : i32
    %add3A_252 = vector.broadcast %add3A_251 : i32 to vector<16xi32>
    %add3A_253 = arith.addi %broadcast_in_dim3A_28, %add3A_252 : vector<16xi32>
    %swap3A_254 = arith.constant 1 : i32
    %swap3A_255 = arith.index_cast %swap3A_254 : i32 to index
    %swap3A_256 = arith.constant 32 : index
    %swap3A_257 = tpu.vector_load %arg9[%swap3A_255, %swap3A_256] {strides = array<i32>} : memref<2x64xi32, #tpu.memory_space<vmem>>, vector<16xi32>,
    tpu.vector_store %arg9[%swap3A_255, %swap3A_256], %add3A_253 {strides = array<i32>} : memref<2x64xi32, #tpu.memory_space<vmem>>, vector<16xi32>,
    %swap3A_258 = arith.constant 1 : i32
    %swap3A_259 = arith.index_cast %swap3A_258 : i32 to index
    %swap3A_260 = arith.constant 48 : index
    %swap3A_261 = tpu.vector_load %arg8[%swap3A_259, %swap3A_260] {strides = array<i32>} : memref<2x64xi32, #tpu.memory_space<vmem>>, vector<16xi32>,
    tpu.vector_store %arg8[%swap3A_259, %swap3A_260], %broadcast_in_dim3A_28 {strides = array<i32>} : memref<2x64xi32, #tpu.memory_space<vmem>>, vector<16xi32>,
    %add3A_262 = arith.constant 12512 : i32
    %add3A_263 = vector.broadcast %add3A_262 : i32 to vector<16xi32>
    %add3A_264 = arith.addi %broadcast_in_dim3A_28, %add3A_263 : vector<16xi32>
    %swap3A_265 = arith.constant 1 : i32
    %swap3A_266 = arith.index_cast %swap3A_265 : i32 to index
    %swap3A_267 = arith.constant 48 : index
    %swap3A_268 = tpu.vector_load %arg9[%swap3A_266, %swap3A_267] {strides = array<i32>} : memref<2x64xi32, #tpu.memory_space<vmem>>, vector<16xi32>,
    tpu.vector_store %arg9[%swap3A_266, %swap3A_267], %add3A_264 {strides = array<i32>} : memref<2x64xi32, #tpu.memory_space<vmem>>, vector<16xi32>,
    %barrier3A_269 = arith.constant 0 : index
    tpu.barrier barrier_id(%barrier3A_269)
    %scan3A_270 = arith.constant 0 : i32
    %scan3A_271 = arith.constant 0 : i32
    %scan3A_272 = arith.constant 0 : i32
    %scan3A_273 = arith.constant 7 : i32
    %scan3A_274 = arith.addi %scan3A_272, %scan3A_273 : i32
    %scan3A_275 = arith.constant 1 : i32
    %scan3A_276:2 = scf.for %scan3A_296 = %scan3A_272 to %scan3A_274 step %scan3A_275 iter_args(%scan3A_297 = %scan3A_270, %scan3A_298 = %scan3A_271) -> (i32, i32)  : i32 {
      %mul3A_299 = arith.constant 56 : i32
      %mul3A_300 = arith.muli %scan3A_296, %mul3A_299 : i32
      %add3A_301 = arith.addi %mul3A_3, %mul3A_300 : i32
      "tpu.region"() ({
        %run_scoped3A = tpu.sem_alloc : memref<!tpu.dma_semaphore, #tpu.memory_space<semaphore_mem>>
        %dma_start3A = arith.constant 0 : i32
        %dma_start3A_320 = tpu.memref_slice %arg3[%add3A_301, %dma_start3A] : memref<6283x128xi32, #tpu.memory_space<hbm>> -> memref<56x128xi32, #tpu.memory_space<hbm>>
        %dma_start3A_321 = arith.constant 0 : i32
        %dma_start3A_322 = tpu.memref_slice %arg3[%add3A_301, %dma_start3A_321] : memref<6283x128xi32, #tpu.memory_space<hbm>> -> memref<56x128xi32, #tpu.memory_space<hbm>>
        tpu.enqueue_dma source(%dma_start3A_322 : memref<56x128xi32, #tpu.memory_space<hbm>>) target(%arg6 : memref<56x128xi32, #tpu.memory_space<vmem>>) target_semaphore(%run_scoped3A : memref<!tpu.dma_semaphore, #tpu.memory_space<semaphore_mem>>)
        %dma_wait3A = arith.constant 0 : i32
        %dma_wait3A_323 = tpu.memref_slice %arg3[%add3A_301, %dma_wait3A] : memref<6283x128xi32, #tpu.memory_space<hbm>> -> memref<56x128xi32, #tpu.memory_space<hbm>>
        %dma_wait3A_324 = arith.constant 0 : i32
        %dma_wait3A_325 = tpu.memref_slice %arg3[%add3A_301, %dma_wait3A_324] : memref<6283x128xi32, #tpu.memory_space<hbm>> -> memref<56x128xi32, #tpu.memory_space<hbm>>
        tpu.wait_dma2 semaphore(%run_scoped3A : memref<!tpu.dma_semaphore, #tpu.memory_space<semaphore_mem>>) src(%dma_wait3A_325 : memref<56x128xi32, #tpu.memory_space<hbm>>) dst(%arg6 : memref<56x128xi32, #tpu.memory_space<vmem>>)
        tpu.yield
      }) : () -> ()
      %mul3A_302 = arith.constant 56 : i32
      %mul3A_303 = arith.muli %scan3A_296, %mul3A_302 : i32
      %sub3A_304 = arith.subi %max3A_13, %mul3A_303 : i32
      %min3A_305 = arith.constant 56 : i32
      %min3A_306 = arith.minsi %sub3A_304, %min3A_305 : i32
      %max3A_307 = arith.constant 0 : i32
      %max3A_308 = arith.maxsi %min3A_306, %max3A_307 : i32
      %while3A_309 = arith.constant 0 : i32
      %while3A_310 = arith.subi %max3A_308, %while3A_309 : i32
      %while3A_311 = arith.addi %while3A_309, %while3A_310 : i32
      %while3A_312 = arith.constant 1 : i32
      %while3A_313 = arith.divsi %while3A_310, %while3A_312 : i32
      %while3A_314 = arith.muli %while3A_313, %while3A_312 : i32
      %while3A_315 = arith.addi %while3A_309, %while3A_314 : i32
      %while3A_316 = arith.constant 1 : i32
      %while3A_317:2 = scf.for %while3A_320 = %while3A_309 to %while3A_315 step %while3A_316 iter_args(%while3A_321 = %scan3A_297, %while3A_322 = %scan3A_298) -> (i32, i32)  : i32 {
        %mul3A_323 = arith.constant 56 : i32
        %mul3A_324 = arith.muli %scan3A_296, %mul3A_323 : i32
        %add3A_325 = arith.addi %mul3A_3, %mul3A_324 : i32
        %add3A_326 = arith.addi %add3A_325, %while3A_320 : i32
        %mul3A_327 = arith.constant 128 : i32
        %mul3A_328 = arith.muli %add3A_326, %mul3A_327 : i32
        %get3A = arith.index_cast %while3A_320 : i32 to index
        %get3A_329 = arith.constant 0 : index
        %get3A_330 = tpu.vector_load %arg6[%get3A, %get3A_329] {strides = array<i32>} : memref<56x128xi32, #tpu.memory_space<vmem>>, vector<16xi32>,
        %ge3A = vector.broadcast %mul3A_164 : i32 to vector<16xi32>
        %ge3A_331 = arith.cmpi sge, %get3A_330, %ge3A : vector<16xi32>
        %add3A_332 = arith.constant 12512 : i32
        %add3A_333 = arith.addi %mul3A_164, %add3A_332 : i32
        %lt3A_334 = vector.broadcast %add3A_333 : i32 to vector<16xi32>
        %lt3A_335 = arith.cmpi slt, %get3A_330, %lt3A_334 : vector<16xi32>
        %and3A = arith.andi %ge3A_331, %lt3A_335 : vector<16xi1>
        %jit3A_336 = arith.constant 1 : i32
        %jit3A_337 = arith.constant 0 : i32
        %broadcast_in_dim3A_338 = vector.broadcast %jit3A_336 : i32 to vector<16xi32>
        %broadcast_in_dim3A_339 = vector.broadcast %jit3A_337 : i32 to vector<16xi32>
        %select_n3A_340 = arith.select %and3A, %broadcast_in_dim3A_338, %broadcast_in_dim3A_339 : vector<16xi1>, vector<16xi32>
        %cumsum3A = arith.constant true
        %cumsum3A_341 = vector.broadcast %cumsum3A : i1 to vector<16xi1>
        %cumsum3A_342 = tpu.scan <sum>, %select_n3A_340 masked %cumsum3A_341 : vector<16xi32>, vector<16xi1> -> vector<16xi32>
        %add3A_343 = vector.broadcast %while3A_321 : i32 to vector<16xi32>
        %add3A_344 = arith.addi %add3A_343, %cumsum3A_342 : vector<16xi32>
        %sub3A_345 = arith.constant 1 : i32
        %sub3A_346 = vector.broadcast %sub3A_345 : i32 to vector<16xi32>
        %sub3A_347 = arith.subi %add3A_344, %sub3A_346 : vector<16xi32>
        %rem3A = arith.constant 128 : i32
        %rem3A_348 = vector.broadcast %rem3A : i32 to vector<16xi32>
        %rem3A_349 = arith.remsi %sub3A_347, %rem3A_348 : vector<16xi32>
        %shift_right_logical3A = arith.constant 6 : i32
        %shift_right_logical3A_350 = vector.broadcast %shift_right_logical3A : i32 to vector<16xi32>
        %shift_right_logical3A_351 = arith.shrui %rem3A_349, %shift_right_logical3A_350 : vector<16xi32>
        %rem3A_352 = arith.constant 64 : i32
        %rem3A_353 = vector.broadcast %rem3A_352 : i32 to vector<16xi32>
        %rem3A_354 = arith.remsi %rem3A_349, %rem3A_353 : vector<16xi32>
        %add3A_355 = arith.constant 0 : i32
        %add3A_356 = arith.addi %mul3A_328, %add3A_355 : i32
        %add3A_357 = vector.broadcast %add3A_356 : i32 to vector<16xi32>
        %add3A_358 = arith.addi %add3A_357, %iota3A : vector<16xi32>
        tpu.vector_store_idx %arg8[%shift_right_logical3A_351, %rem3A_354], %add3A_358 masked %and3A : memref<2x64xi32, #tpu.memory_space<vmem>>[vector<16xi32>, vector<16xi32>], vector<16xi32>, vector<16xi1>
        %sub3A_359 = vector.broadcast %mul3A_164 : i32 to vector<16xi32>
        %sub3A_360 = arith.subi %get3A_330, %sub3A_359 : vector<16xi32>
        tpu.vector_store_idx %arg9[%shift_right_logical3A_351, %rem3A_354], %sub3A_360 masked %and3A : memref<2x64xi32, #tpu.memory_space<vmem>>[vector<16xi32>, vector<16xi32>], vector<16xi32>, vector<16xi1>
        %reduce_sum3A = arith.constant true
        %reduce_sum3A_361 = vector.broadcast %reduce_sum3A : i1 to vector<16xi1>
        %reduce_sum3A_362 = tpu.scan <sum>, %select_n3A_340 masked %reduce_sum3A_361 : vector<16xi32>, vector<16xi1> -> vector<16xi32>
        %reduce_sum3A_363 = vector.extract %reduce_sum3A_362[15] : i32 from vector<16xi32>
        %add3A_364 = arith.addi %while3A_321, %reduce_sum3A_363 : i32
        %sub3A_365 = arith.subi %add3A_364, %while3A_322 : i32
        %ge3A_366 = arith.constant 64 : i32
        %ge3A_367 = arith.cmpi sge, %sub3A_365, %ge3A_366 : i32
        %shift_right_logical3A_368 = arith.constant 6 : i32
        %shift_right_logical3A_369 = arith.shrui %while3A_322, %shift_right_logical3A_368 : i32
        %rem3A_370 = arith.constant 2 : i32
        %rem3A_371 = arith.remsi %shift_right_logical3A_369, %rem3A_370 : i32
        %convert_element_type3A_372 = arith.extui %ge3A_367 : i1 to i32
        %cond3A_373 = arith.constant 0 : i32
        %cond3A_374 = arith.cmpi ne, %convert_element_type3A_372, %cond3A_373 : i32
        scf.if %cond3A_374 {
          %dma_start3A = arith.constant 0 : i32
          %dma_start3A_778 = tpu.memref_slice %arg8[%rem3A_371, %dma_start3A] : memref<2x64xi32, #tpu.memory_space<vmem>> -> memref<1x64xi32, #tpu.memory_space<vmem>>
          %dma_start3A_779 = tpu.memref_squeeze %dma_start3A_778 : memref<1x64xi32, #tpu.memory_space<vmem>> -> memref<64xi32, #tpu.memory_space<vmem>>
          %dma_start3A_780 = arith.constant 0 : i32
          %dma_start3A_781 = arith.constant 0 : i32
          %dma_start3A_782 = tpu.memref_slice %arg2[%dma_start3A_780, %dma_start3A_781] : memref<800000x128xf32, #tpu.memory_space<hbm>> -> memref<800000x128xf32, #tpu.memory_space<hbm>>
          tpu.enqueue_indirect_dma source(%dma_start3A_782 : memref<800000x128xf32, #tpu.memory_space<hbm>>) target(%arg7 : memref<64x128xf32, #tpu.memory_space<vmem>>) offsets(%dma_start3A_779 : memref<64xi32, #tpu.memory_space<vmem>>) semaphore(%arg11 : memref<!tpu.dma_semaphore, #tpu.memory_space<semaphore_mem>>)
          %dma_wait3A = arith.constant 0 : i32
          %dma_wait3A_783 = tpu.memref_slice %arg8[%rem3A_371, %dma_wait3A] : memref<2x64xi32, #tpu.memory_space<vmem>> -> memref<1x64xi32, #tpu.memory_space<vmem>>
          %dma_wait3A_784 = tpu.memref_squeeze %dma_wait3A_783 : memref<1x64xi32, #tpu.memory_space<vmem>> -> memref<64xi32, #tpu.memory_space<vmem>>
          %dma_wait3A_785 = arith.constant 0 : i32
          %dma_wait3A_786 = arith.constant 0 : i32
          %dma_wait3A_787 = tpu.memref_slice %arg2[%dma_wait3A_785, %dma_wait3A_786] : memref<800000x128xf32, #tpu.memory_space<hbm>> -> memref<800000x128xf32, #tpu.memory_space<hbm>>
          tpu.wait_indirect_dma semaphore(%arg11 : memref<!tpu.dma_semaphore, #tpu.memory_space<semaphore_mem>>) src(%dma_wait3A_787 : memref<800000x128xf32, #tpu.memory_space<hbm>>) dst(%arg7 : memref<64x128xf32, #tpu.memory_space<vmem>>)
          "tpu.region"() ({
            %run_scoped3A = tpu.sem_alloc : memref<!tpu.dma_semaphore, #tpu.memory_space<semaphore_mem>>
            %dma_start3A_788 = arith.constant 0 : i32
            %dma_start3A_789 = tpu.memref_slice %arg9[%rem3A_371, %dma_start3A_788] : memref<2x64xi32, #tpu.memory_space<vmem>> -> memref<1x64xi32, #tpu.memory_space<vmem>>
            %dma_start3A_790 = tpu.memref_squeeze %dma_start3A_789 : memref<1x64xi32, #tpu.memory_space<vmem>> -> memref<64xi32, #tpu.memory_space<vmem>>
            %dma_start3A_791 = arith.constant 0 : i32
            %dma_start3A_792 = arith.constant 0 : i32
            %dma_start3A_793 = tpu.memref_slice %arg5[%dma_start3A_791, %dma_start3A_792] : memref<12520x128xf32, #tpu.memory_space<vmem_shared>> -> memref<12520x128xf32, #tpu.memory_space<vmem_shared>>
            tpu.enqueue_indirect_dma source(%arg7 : memref<64x128xf32, #tpu.memory_space<vmem>>) target(%dma_start3A_793 : memref<12520x128xf32, #tpu.memory_space<vmem_shared>>) offsets(%dma_start3A_790 : memref<64xi32, #tpu.memory_space<vmem>>) semaphore(%run_scoped3A : memref<!tpu.dma_semaphore, #tpu.memory_space<semaphore_mem>>) {add = true}
            %dma_wait3A_794 = arith.constant 0 : i32
            %dma_wait3A_795 = tpu.memref_slice %arg9[%rem3A_371, %dma_wait3A_794] : memref<2x64xi32, #tpu.memory_space<vmem>> -> memref<1x64xi32, #tpu.memory_space<vmem>>
            %dma_wait3A_796 = tpu.memref_squeeze %dma_wait3A_795 : memref<1x64xi32, #tpu.memory_space<vmem>> -> memref<64xi32, #tpu.memory_space<vmem>>
            %dma_wait3A_797 = arith.constant 0 : i32
            %dma_wait3A_798 = arith.constant 0 : i32
            %dma_wait3A_799 = tpu.memref_slice %arg5[%dma_wait3A_797, %dma_wait3A_798] : memref<12520x128xf32, #tpu.memory_space<vmem_shared>> -> memref<12520x128xf32, #tpu.memory_space<vmem_shared>>
            tpu.wait_indirect_dma semaphore(%run_scoped3A : memref<!tpu.dma_semaphore, #tpu.memory_space<semaphore_mem>>) src(%arg7 : memref<64x128xf32, #tpu.memory_space<vmem>>) dst(%dma_wait3A_799 : memref<12520x128xf32, #tpu.memory_space<vmem_shared>>)
            tpu.yield
          }) : () -> ()
        } else {
        }
        %jit3A_375 = arith.constant 64 : i32
        %jit3A_376 = arith.constant 0 : i32
        %select_n3A_377 = arith.select %ge3A_367, %jit3A_375, %jit3A_376 : i32
        %add3A_378 = arith.addi %while3A_322, %select_n3A_377 : i32
        %get3A_379 = arith.index_cast %while3A_320 : i32 to index
        %get3A_380 = arith.constant 16 : index
        %get3A_381 = tpu.vector_load %arg6[%get3A_379, %get3A_380] {strides = array<i32>} : memref<56x128xi32, #tpu.memory_space<vmem>>, vector<16xi32>,
        %ge3A_382 = vector.broadcast %mul3A_164 : i32 to vector<16xi32>
        %ge3A_383 = arith.cmpi sge, %get3A_381, %ge3A_382 : vector<16xi32>
        %add3A_384 = arith.constant 12512 : i32
        %add3A_385 = arith.addi %mul3A_164, %add3A_384 : i32
        %lt3A_386 = vector.broadcast %add3A_385 : i32 to vector<16xi32>
        %lt3A_387 = arith.cmpi slt, %get3A_381, %lt3A_386 : vector<16xi32>
        %and3A_388 = arith.andi %ge3A_383, %lt3A_387 : vector<16xi1>
        %jit3A_389 = arith.constant 1 : i32
        %jit3A_390 = arith.constant 0 : i32
        %broadcast_in_dim3A_391 = vector.broadcast %jit3A_389 : i32 to vector<16xi32>
        %broadcast_in_dim3A_392 = vector.broadcast %jit3A_390 : i32 to vector<16xi32>
        %select_n3A_393 = arith.select %and3A_388, %broadcast_in_dim3A_391, %broadcast_in_dim3A_392 : vector<16xi1>, vector<16xi32>
        %cumsum3A_394 = arith.constant true
        %cumsum3A_395 = vector.broadcast %cumsum3A_394 : i1 to vector<16xi1>
        %cumsum3A_396 = tpu.scan <sum>, %select_n3A_393 masked %cumsum3A_395 : vector<16xi32>, vector<16xi1> -> vector<16xi32>
        %add3A_397 = vector.broadcast %add3A_364 : i32 to vector<16xi32>
        %add3A_398 = arith.addi %add3A_397, %cumsum3A_396 : vector<16xi32>
        %sub3A_399 = arith.constant 1 : i32
        %sub3A_400 = vector.broadcast %sub3A_399 : i32 to vector<16xi32>
        %sub3A_401 = arith.subi %add3A_398, %sub3A_400 : vector<16xi32>
        %rem3A_402 = arith.constant 128 : i32
        %rem3A_403 = vector.broadcast %rem3A_402 : i32 to vector<16xi32>
        %rem3A_404 = arith.remsi %sub3A_401, %rem3A_403 : vector<16xi32>
        %shift_right_logical3A_405 = arith.constant 6 : i32
        %shift_right_logical3A_406 = vector.broadcast %shift_right_logical3A_405 : i32 to vector<16xi32>
        %shift_right_logical3A_407 = arith.shrui %rem3A_404, %shift_right_logical3A_406 : vector<16xi32>
        %rem3A_408 = arith.constant 64 : i32
        %rem3A_409 = vector.broadcast %rem3A_408 : i32 to vector<16xi32>
        %rem3A_410 = arith.remsi %rem3A_404, %rem3A_409 : vector<16xi32>
        %add3A_411 = arith.constant 16 : i32
        %add3A_412 = arith.addi %mul3A_328, %add3A_411 : i32
        %add3A_413 = vector.broadcast %add3A_412 : i32 to vector<16xi32>
        %add3A_414 = arith.addi %add3A_413, %iota3A : vector<16xi32>
        tpu.vector_store_idx %arg8[%shift_right_logical3A_407, %rem3A_410], %add3A_414 masked %and3A_388 : memref<2x64xi32, #tpu.memory_space<vmem>>[vector<16xi32>, vector<16xi32>], vector<16xi32>, vector<16xi1>
        %sub3A_415 = vector.broadcast %mul3A_164 : i32 to vector<16xi32>
        %sub3A_416 = arith.subi %get3A_381, %sub3A_415 : vector<16xi32>
        tpu.vector_store_idx %arg9[%shift_right_logical3A_407, %rem3A_410], %sub3A_416 masked %and3A_388 : memref<2x64xi32, #tpu.memory_space<vmem>>[vector<16xi32>, vector<16xi32>], vector<16xi32>, vector<16xi1>
        %reduce_sum3A_417 = arith.constant true
        %reduce_sum3A_418 = vector.broadcast %reduce_sum3A_417 : i1 to vector<16xi1>
        %reduce_sum3A_419 = tpu.scan <sum>, %select_n3A_393 masked %reduce_sum3A_418 : vector<16xi32>, vector<16xi1> -> vector<16xi32>
        %reduce_sum3A_420 = vector.extract %reduce_sum3A_419[15] : i32 from vector<16xi32>
        %add3A_421 = arith.addi %add3A_364, %reduce_sum3A_420 : i32
        %sub3A_422 = arith.subi %add3A_421, %add3A_378 : i32
        %ge3A_423 = arith.constant 64 : i32
        %ge3A_424 = arith.cmpi sge, %sub3A_422, %ge3A_423 : i32
        %shift_right_logical3A_425 = arith.constant 6 : i32
        %shift_right_logical3A_426 = arith.shrui %add3A_378, %shift_right_logical3A_425 : i32
        %rem3A_427 = arith.constant 2 : i32
        %rem3A_428 = arith.remsi %shift_right_logical3A_426, %rem3A_427 : i32
        %convert_element_type3A_429 = arith.extui %ge3A_424 : i1 to i32
        %cond3A_430 = arith.constant 0 : i32
        %cond3A_431 = arith.cmpi ne, %convert_element_type3A_429, %cond3A_430 : i32
        scf.if %cond3A_431 {
          %dma_start3A = arith.constant 0 : i32
          %dma_start3A_778 = tpu.memref_slice %arg8[%rem3A_428, %dma_start3A] : memref<2x64xi32, #tpu.memory_space<vmem>> -> memref<1x64xi32, #tpu.memory_space<vmem>>
          %dma_start3A_779 = tpu.memref_squeeze %dma_start3A_778 : memref<1x64xi32, #tpu.memory_space<vmem>> -> memref<64xi32, #tpu.memory_space<vmem>>
          %dma_start3A_780 = arith.constant 0 : i32
          %dma_start3A_781 = arith.constant 0 : i32
          %dma_start3A_782 = tpu.memref_slice %arg2[%dma_start3A_780, %dma_start3A_781] : memref<800000x128xf32, #tpu.memory_space<hbm>> -> memref<800000x128xf32, #tpu.memory_space<hbm>>
          tpu.enqueue_indirect_dma source(%dma_start3A_782 : memref<800000x128xf32, #tpu.memory_space<hbm>>) target(%arg7 : memref<64x128xf32, #tpu.memory_space<vmem>>) offsets(%dma_start3A_779 : memref<64xi32, #tpu.memory_space<vmem>>) semaphore(%arg11 : memref<!tpu.dma_semaphore, #tpu.memory_space<semaphore_mem>>)
          %dma_wait3A = arith.constant 0 : i32
          %dma_wait3A_783 = tpu.memref_slice %arg8[%rem3A_428, %dma_wait3A] : memref<2x64xi32, #tpu.memory_space<vmem>> -> memref<1x64xi32, #tpu.memory_space<vmem>>
          %dma_wait3A_784 = tpu.memref_squeeze %dma_wait3A_783 : memref<1x64xi32, #tpu.memory_space<vmem>> -> memref<64xi32, #tpu.memory_space<vmem>>
          %dma_wait3A_785 = arith.constant 0 : i32
          %dma_wait3A_786 = arith.constant 0 : i32
          %dma_wait3A_787 = tpu.memref_slice %arg2[%dma_wait3A_785, %dma_wait3A_786] : memref<800000x128xf32, #tpu.memory_space<hbm>> -> memref<800000x128xf32, #tpu.memory_space<hbm>>
          tpu.wait_indirect_dma semaphore(%arg11 : memref<!tpu.dma_semaphore, #tpu.memory_space<semaphore_mem>>) src(%dma_wait3A_787 : memref<800000x128xf32, #tpu.memory_space<hbm>>) dst(%arg7 : memref<64x128xf32, #tpu.memory_space<vmem>>)
          "tpu.region"() ({
            %run_scoped3A = tpu.sem_alloc : memref<!tpu.dma_semaphore, #tpu.memory_space<semaphore_mem>>
            %dma_start3A_788 = arith.constant 0 : i32
            %dma_start3A_789 = tpu.memref_slice %arg9[%rem3A_428, %dma_start3A_788] : memref<2x64xi32, #tpu.memory_space<vmem>> -> memref<1x64xi32, #tpu.memory_space<vmem>>
            %dma_start3A_790 = tpu.memref_squeeze %dma_start3A_789 : memref<1x64xi32, #tpu.memory_space<vmem>> -> memref<64xi32, #tpu.memory_space<vmem>>
            %dma_start3A_791 = arith.constant 0 : i32
            %dma_start3A_792 = arith.constant 0 : i32
            %dma_start3A_793 = tpu.memref_slice %arg5[%dma_start3A_791, %dma_start3A_792] : memref<12520x128xf32, #tpu.memory_space<vmem_shared>> -> memref<12520x128xf32, #tpu.memory_space<vmem_shared>>
            tpu.enqueue_indirect_dma source(%arg7 : memref<64x128xf32, #tpu.memory_space<vmem>>) target(%dma_start3A_793 : memref<12520x128xf32, #tpu.memory_space<vmem_shared>>) offsets(%dma_start3A_790 : memref<64xi32, #tpu.memory_space<vmem>>) semaphore(%run_scoped3A : memref<!tpu.dma_semaphore, #tpu.memory_space<semaphore_mem>>) {add = true}
            %dma_wait3A_794 = arith.constant 0 : i32
            %dma_wait3A_795 = tpu.memref_slice %arg9[%rem3A_428, %dma_wait3A_794] : memref<2x64xi32, #tpu.memory_space<vmem>> -> memref<1x64xi32, #tpu.memory_space<vmem>>
            %dma_wait3A_796 = tpu.memref_squeeze %dma_wait3A_795 : memref<1x64xi32, #tpu.memory_space<vmem>> -> memref<64xi32, #tpu.memory_space<vmem>>
            %dma_wait3A_797 = arith.constant 0 : i32
            %dma_wait3A_798 = arith.constant 0 : i32
            %dma_wait3A_799 = tpu.memref_slice %arg5[%dma_wait3A_797, %dma_wait3A_798] : memref<12520x128xf32, #tpu.memory_space<vmem_shared>> -> memref<12520x128xf32, #tpu.memory_space<vmem_shared>>
            tpu.wait_indirect_dma semaphore(%run_scoped3A : memref<!tpu.dma_semaphore, #tpu.memory_space<semaphore_mem>>) src(%arg7 : memref<64x128xf32, #tpu.memory_space<vmem>>) dst(%dma_wait3A_799 : memref<12520x128xf32, #tpu.memory_space<vmem_shared>>)
            tpu.yield
          }) : () -> ()
        } else {
        }
        %jit3A_432 = arith.constant 64 : i32
        %jit3A_433 = arith.constant 0 : i32
        %select_n3A_434 = arith.select %ge3A_424, %jit3A_432, %jit3A_433 : i32
        %add3A_435 = arith.addi %add3A_378, %select_n3A_434 : i32
        %get3A_436 = arith.index_cast %while3A_320 : i32 to index
        %get3A_437 = arith.constant 32 : index
        %get3A_438 = tpu.vector_load %arg6[%get3A_436, %get3A_437] {strides = array<i32>} : memref<56x128xi32, #tpu.memory_space<vmem>>, vector<16xi32>,
        %ge3A_439 = vector.broadcast %mul3A_164 : i32 to vector<16xi32>
        %ge3A_440 = arith.cmpi sge, %get3A_438, %ge3A_439 : vector<16xi32>
        %add3A_441 = arith.constant 12512 : i32
        %add3A_442 = arith.addi %mul3A_164, %add3A_441 : i32
        %lt3A_443 = vector.broadcast %add3A_442 : i32 to vector<16xi32>
        %lt3A_444 = arith.cmpi slt, %get3A_438, %lt3A_443 : vector<16xi32>
        %and3A_445 = arith.andi %ge3A_440, %lt3A_444 : vector<16xi1>
        %jit3A_446 = arith.constant 1 : i32
        %jit3A_447 = arith.constant 0 : i32
        %broadcast_in_dim3A_448 = vector.broadcast %jit3A_446 : i32 to vector<16xi32>
        %broadcast_in_dim3A_449 = vector.broadcast %jit3A_447 : i32 to vector<16xi32>
        %select_n3A_450 = arith.select %and3A_445, %broadcast_in_dim3A_448, %broadcast_in_dim3A_449 : vector<16xi1>, vector<16xi32>
        %cumsum3A_451 = arith.constant true
        %cumsum3A_452 = vector.broadcast %cumsum3A_451 : i1 to vector<16xi1>
        %cumsum3A_453 = tpu.scan <sum>, %select_n3A_450 masked %cumsum3A_452 : vector<16xi32>, vector<16xi1> -> vector<16xi32>
        %add3A_454 = vector.broadcast %add3A_421 : i32 to vector<16xi32>
        %add3A_455 = arith.addi %add3A_454, %cumsum3A_453 : vector<16xi32>
        %sub3A_456 = arith.constant 1 : i32
        %sub3A_457 = vector.broadcast %sub3A_456 : i32 to vector<16xi32>
        %sub3A_458 = arith.subi %add3A_455, %sub3A_457 : vector<16xi32>
        %rem3A_459 = arith.constant 128 : i32
        %rem3A_460 = vector.broadcast %rem3A_459 : i32 to vector<16xi32>
        %rem3A_461 = arith.remsi %sub3A_458, %rem3A_460 : vector<16xi32>
        %shift_right_logical3A_462 = arith.constant 6 : i32
        %shift_right_logical3A_463 = vector.broadcast %shift_right_logical3A_462 : i32 to vector<16xi32>
        %shift_right_logical3A_464 = arith.shrui %rem3A_461, %shift_right_logical3A_463 : vector<16xi32>
        %rem3A_465 = arith.constant 64 : i32
        %rem3A_466 = vector.broadcast %rem3A_465 : i32 to vector<16xi32>
        %rem3A_467 = arith.remsi %rem3A_461, %rem3A_466 : vector<16xi32>
        %add3A_468 = arith.constant 32 : i32
        %add3A_469 = arith.addi %mul3A_328, %add3A_468 : i32
        %add3A_470 = vector.broadcast %add3A_469 : i32 to vector<16xi32>
        %add3A_471 = arith.addi %add3A_470, %iota3A : vector<16xi32>
        tpu.vector_store_idx %arg8[%shift_right_logical3A_464, %rem3A_467], %add3A_471 masked %and3A_445 : memref<2x64xi32, #tpu.memory_space<vmem>>[vector<16xi32>, vector<16xi32>], vector<16xi32>, vector<16xi1>
        %sub3A_472 = vector.broadcast %mul3A_164 : i32 to vector<16xi32>
        %sub3A_473 = arith.subi %get3A_438, %sub3A_472 : vector<16xi32>
        tpu.vector_store_idx %arg9[%shift_right_logical3A_464, %rem3A_467], %sub3A_473 masked %and3A_445 : memref<2x64xi32, #tpu.memory_space<vmem>>[vector<16xi32>, vector<16xi32>], vector<16xi32>, vector<16xi1>
        %reduce_sum3A_474 = arith.constant true
        %reduce_sum3A_475 = vector.broadcast %reduce_sum3A_474 : i1 to vector<16xi1>
        %reduce_sum3A_476 = tpu.scan <sum>, %select_n3A_450 masked %reduce_sum3A_475 : vector<16xi32>, vector<16xi1> -> vector<16xi32>
        %reduce_sum3A_477 = vector.extract %reduce_sum3A_476[15] : i32 from vector<16xi32>
        %add3A_478 = arith.addi %add3A_421, %reduce_sum3A_477 : i32
        %sub3A_479 = arith.subi %add3A_478, %add3A_435 : i32
        %ge3A_480 = arith.constant 64 : i32
        %ge3A_481 = arith.cmpi sge, %sub3A_479, %ge3A_480 : i32
        %shift_right_logical3A_482 = arith.constant 6 : i32
        %shift_right_logical3A_483 = arith.shrui %add3A_435, %shift_right_logical3A_482 : i32
        %rem3A_484 = arith.constant 2 : i32
        %rem3A_485 = arith.remsi %shift_right_logical3A_483, %rem3A_484 : i32
        %convert_element_type3A_486 = arith.extui %ge3A_481 : i1 to i32
        %cond3A_487 = arith.constant 0 : i32
        %cond3A_488 = arith.cmpi ne, %convert_element_type3A_486, %cond3A_487 : i32
        scf.if %cond3A_488 {
          %dma_start3A = arith.constant 0 : i32
          %dma_start3A_778 = tpu.memref_slice %arg8[%rem3A_485, %dma_start3A] : memref<2x64xi32, #tpu.memory_space<vmem>> -> memref<1x64xi32, #tpu.memory_space<vmem>>
          %dma_start3A_779 = tpu.memref_squeeze %dma_start3A_778 : memref<1x64xi32, #tpu.memory_space<vmem>> -> memref<64xi32, #tpu.memory_space<vmem>>
          %dma_start3A_780 = arith.constant 0 : i32
          %dma_start3A_781 = arith.constant 0 : i32
          %dma_start3A_782 = tpu.memref_slice %arg2[%dma_start3A_780, %dma_start3A_781] : memref<800000x128xf32, #tpu.memory_space<hbm>> -> memref<800000x128xf32, #tpu.memory_space<hbm>>
          tpu.enqueue_indirect_dma source(%dma_start3A_782 : memref<800000x128xf32, #tpu.memory_space<hbm>>) target(%arg7 : memref<64x128xf32, #tpu.memory_space<vmem>>) offsets(%dma_start3A_779 : memref<64xi32, #tpu.memory_space<vmem>>) semaphore(%arg11 : memref<!tpu.dma_semaphore, #tpu.memory_space<semaphore_mem>>)
          %dma_wait3A = arith.constant 0 : i32
          %dma_wait3A_783 = tpu.memref_slice %arg8[%rem3A_485, %dma_wait3A] : memref<2x64xi32, #tpu.memory_space<vmem>> -> memref<1x64xi32, #tpu.memory_space<vmem>>
          %dma_wait3A_784 = tpu.memref_squeeze %dma_wait3A_783 : memref<1x64xi32, #tpu.memory_space<vmem>> -> memref<64xi32, #tpu.memory_space<vmem>>
          %dma_wait3A_785 = arith.constant 0 : i32
          %dma_wait3A_786 = arith.constant 0 : i32
          %dma_wait3A_787 = tpu.memref_slice %arg2[%dma_wait3A_785, %dma_wait3A_786] : memref<800000x128xf32, #tpu.memory_space<hbm>> -> memref<800000x128xf32, #tpu.memory_space<hbm>>
          tpu.wait_indirect_dma semaphore(%arg11 : memref<!tpu.dma_semaphore, #tpu.memory_space<semaphore_mem>>) src(%dma_wait3A_787 : memref<800000x128xf32, #tpu.memory_space<hbm>>) dst(%arg7 : memref<64x128xf32, #tpu.memory_space<vmem>>)
          "tpu.region"() ({
            %run_scoped3A = tpu.sem_alloc : memref<!tpu.dma_semaphore, #tpu.memory_space<semaphore_mem>>
            %dma_start3A_788 = arith.constant 0 : i32
            %dma_start3A_789 = tpu.memref_slice %arg9[%rem3A_485, %dma_start3A_788] : memref<2x64xi32, #tpu.memory_space<vmem>> -> memref<1x64xi32, #tpu.memory_space<vmem>>
            %dma_start3A_790 = tpu.memref_squeeze %dma_start3A_789 : memref<1x64xi32, #tpu.memory_space<vmem>> -> memref<64xi32, #tpu.memory_space<vmem>>
            %dma_start3A_791 = arith.constant 0 : i32
            %dma_start3A_792 = arith.constant 0 : i32
            %dma_start3A_793 = tpu.memref_slice %arg5[%dma_start3A_791, %dma_start3A_792] : memref<12520x128xf32, #tpu.memory_space<vmem_shared>> -> memref<12520x128xf32, #tpu.memory_space<vmem_shared>>
            tpu.enqueue_indirect_dma source(%arg7 : memref<64x128xf32, #tpu.memory_space<vmem>>) target(%dma_start3A_793 : memref<12520x128xf32, #tpu.memory_space<vmem_shared>>) offsets(%dma_start3A_790 : memref<64xi32, #tpu.memory_space<vmem>>) semaphore(%run_scoped3A : memref<!tpu.dma_semaphore, #tpu.memory_space<semaphore_mem>>) {add = true}
            %dma_wait3A_794 = arith.constant 0 : i32
            %dma_wait3A_795 = tpu.memref_slice %arg9[%rem3A_485, %dma_wait3A_794] : memref<2x64xi32, #tpu.memory_space<vmem>> -> memref<1x64xi32, #tpu.memory_space<vmem>>
            %dma_wait3A_796 = tpu.memref_squeeze %dma_wait3A_795 : memref<1x64xi32, #tpu.memory_space<vmem>> -> memref<64xi32, #tpu.memory_space<vmem>>
            %dma_wait3A_797 = arith.constant 0 : i32
            %dma_wait3A_798 = arith.constant 0 : i32
            %dma_wait3A_799 = tpu.memref_slice %arg5[%dma_wait3A_797, %dma_wait3A_798] : memref<12520x128xf32, #tpu.memory_space<vmem_shared>> -> memref<12520x128xf32, #tpu.memory_space<vmem_shared>>
            tpu.wait_indirect_dma semaphore(%run_scoped3A : memref<!tpu.dma_semaphore, #tpu.memory_space<semaphore_mem>>) src(%arg7 : memref<64x128xf32, #tpu.memory_space<vmem>>) dst(%dma_wait3A_799 : memref<12520x128xf32, #tpu.memory_space<vmem_shared>>)
            tpu.yield
          }) : () -> ()
        } else {
        }
        %jit3A_489 = arith.constant 64 : i32
        %jit3A_490 = arith.constant 0 : i32
        %select_n3A_491 = arith.select %ge3A_481, %jit3A_489, %jit3A_490 : i32
        %add3A_492 = arith.addi %add3A_435, %select_n3A_491 : i32
        %get3A_493 = arith.index_cast %while3A_320 : i32 to index
        %get3A_494 = arith.constant 48 : index
        %get3A_495 = tpu.vector_load %arg6[%get3A_493, %get3A_494] {strides = array<i32>} : memref<56x128xi32, #tpu.memory_space<vmem>>, vector<16xi32>,
        %ge3A_496 = vector.broadcast %mul3A_164 : i32 to vector<16xi32>
        %ge3A_497 = arith.cmpi sge, %get3A_495, %ge3A_496 : vector<16xi32>
        %add3A_498 = arith.constant 12512 : i32
        %add3A_499 = arith.addi %mul3A_164, %add3A_498 : i32
        %lt3A_500 = vector.broadcast %add3A_499 : i32 to vector<16xi32>
        %lt3A_501 = arith.cmpi slt, %get3A_495, %lt3A_500 : vector<16xi32>
        %and3A_502 = arith.andi %ge3A_497, %lt3A_501 : vector<16xi1>
        %jit3A_503 = arith.constant 1 : i32
        %jit3A_504 = arith.constant 0 : i32
        %broadcast_in_dim3A_505 = vector.broadcast %jit3A_503 : i32 to vector<16xi32>
        %broadcast_in_dim3A_506 = vector.broadcast %jit3A_504 : i32 to vector<16xi32>
        %select_n3A_507 = arith.select %and3A_502, %broadcast_in_dim3A_505, %broadcast_in_dim3A_506 : vector<16xi1>, vector<16xi32>
        %cumsum3A_508 = arith.constant true
        %cumsum3A_509 = vector.broadcast %cumsum3A_508 : i1 to vector<16xi1>
        %cumsum3A_510 = tpu.scan <sum>, %select_n3A_507 masked %cumsum3A_509 : vector<16xi32>, vector<16xi1> -> vector<16xi32>
        %add3A_511 = vector.broadcast %add3A_478 : i32 to vector<16xi32>
        %add3A_512 = arith.addi %add3A_511, %cumsum3A_510 : vector<16xi32>
        %sub3A_513 = arith.constant 1 : i32
        %sub3A_514 = vector.broadcast %sub3A_513 : i32 to vector<16xi32>
        %sub3A_515 = arith.subi %add3A_512, %sub3A_514 : vector<16xi32>
        %rem3A_516 = arith.constant 128 : i32
        %rem3A_517 = vector.broadcast %rem3A_516 : i32 to vector<16xi32>
        %rem3A_518 = arith.remsi %sub3A_515, %rem3A_517 : vector<16xi32>
        %shift_right_logical3A_519 = arith.constant 6 : i32
        %shift_right_logical3A_520 = vector.broadcast %shift_right_logical3A_519 : i32 to vector<16xi32>
        %shift_right_logical3A_521 = arith.shrui %rem3A_518, %shift_right_logical3A_520 : vector<16xi32>
        %rem3A_522 = arith.constant 64 : i32
        %rem3A_523 = vector.broadcast %rem3A_522 : i32 to vector<16xi32>
        %rem3A_524 = arith.remsi %rem3A_518, %rem3A_523 : vector<16xi32>
        %add3A_525 = arith.constant 48 : i32
        %add3A_526 = arith.addi %mul3A_328, %add3A_525 : i32
        %add3A_527 = vector.broadcast %add3A_526 : i32 to vector<16xi32>
        %add3A_528 = arith.addi %add3A_527, %iota3A : vector<16xi32>
        tpu.vector_store_idx %arg8[%shift_right_logical3A_521, %rem3A_524], %add3A_528 masked %and3A_502 : memref<2x64xi32, #tpu.memory_space<vmem>>[vector<16xi32>, vector<16xi32>], vector<16xi32>, vector<16xi1>
        %sub3A_529 = vector.broadcast %mul3A_164 : i32 to vector<16xi32>
        %sub3A_530 = arith.subi %get3A_495, %sub3A_529 : vector<16xi32>
        tpu.vector_store_idx %arg9[%shift_right_logical3A_521, %rem3A_524], %sub3A_530 masked %and3A_502 : memref<2x64xi32, #tpu.memory_space<vmem>>[vector<16xi32>, vector<16xi32>], vector<16xi32>, vector<16xi1>
        %reduce_sum3A_531 = arith.constant true
        %reduce_sum3A_532 = vector.broadcast %reduce_sum3A_531 : i1 to vector<16xi1>
        %reduce_sum3A_533 = tpu.scan <sum>, %select_n3A_507 masked %reduce_sum3A_532 : vector<16xi32>, vector<16xi1> -> vector<16xi32>
        %reduce_sum3A_534 = vector.extract %reduce_sum3A_533[15] : i32 from vector<16xi32>
        %add3A_535 = arith.addi %add3A_478, %reduce_sum3A_534 : i32
        %sub3A_536 = arith.subi %add3A_535, %add3A_492 : i32
        %ge3A_537 = arith.constant 64 : i32
        %ge3A_538 = arith.cmpi sge, %sub3A_536, %ge3A_537 : i32
        %shift_right_logical3A_539 = arith.constant 6 : i32
        %shift_right_logical3A_540 = arith.shrui %add3A_492, %shift_right_logical3A_539 : i32
        %rem3A_541 = arith.constant 2 : i32
        %rem3A_542 = arith.remsi %shift_right_logical3A_540, %rem3A_541 : i32
        %convert_element_type3A_543 = arith.extui %ge3A_538 : i1 to i32
        %cond3A_544 = arith.constant 0 : i32
        %cond3A_545 = arith.cmpi ne, %convert_element_type3A_543, %cond3A_544 : i32
        scf.if %cond3A_545 {
          %dma_start3A = arith.constant 0 : i32
          %dma_start3A_778 = tpu.memref_slice %arg8[%rem3A_542, %dma_start3A] : memref<2x64xi32, #tpu.memory_space<vmem>> -> memref<1x64xi32, #tpu.memory_space<vmem>>
          %dma_start3A_779 = tpu.memref_squeeze %dma_start3A_778 : memref<1x64xi32, #tpu.memory_space<vmem>> -> memref<64xi32, #tpu.memory_space<vmem>>
          %dma_start3A_780 = arith.constant 0 : i32
          %dma_start3A_781 = arith.constant 0 : i32
          %dma_start3A_782 = tpu.memref_slice %arg2[%dma_start3A_780, %dma_start3A_781] : memref<800000x128xf32, #tpu.memory_space<hbm>> -> memref<800000x128xf32, #tpu.memory_space<hbm>>
          tpu.enqueue_indirect_dma source(%dma_start3A_782 : memref<800000x128xf32, #tpu.memory_space<hbm>>) target(%arg7 : memref<64x128xf32, #tpu.memory_space<vmem>>) offsets(%dma_start3A_779 : memref<64xi32, #tpu.memory_space<vmem>>) semaphore(%arg11 : memref<!tpu.dma_semaphore, #tpu.memory_space<semaphore_mem>>)
          %dma_wait3A = arith.constant 0 : i32
          %dma_wait3A_783 = tpu.memref_slice %arg8[%rem3A_542, %dma_wait3A] : memref<2x64xi32, #tpu.memory_space<vmem>> -> memref<1x64xi32, #tpu.memory_space<vmem>>
          %dma_wait3A_784 = tpu.memref_squeeze %dma_wait3A_783 : memref<1x64xi32, #tpu.memory_space<vmem>> -> memref<64xi32, #tpu.memory_space<vmem>>
          %dma_wait3A_785 = arith.constant 0 : i32
          %dma_wait3A_786 = arith.constant 0 : i32
          %dma_wait3A_787 = tpu.memref_slice %arg2[%dma_wait3A_785, %dma_wait3A_786] : memref<800000x128xf32, #tpu.memory_space<hbm>> -> memref<800000x128xf32, #tpu.memory_space<hbm>>
          tpu.wait_indirect_dma semaphore(%arg11 : memref<!tpu.dma_semaphore, #tpu.memory_space<semaphore_mem>>) src(%dma_wait3A_787 : memref<800000x128xf32, #tpu.memory_space<hbm>>) dst(%arg7 : memref<64x128xf32, #tpu.memory_space<vmem>>)
          "tpu.region"() ({
            %run_scoped3A = tpu.sem_alloc : memref<!tpu.dma_semaphore, #tpu.memory_space<semaphore_mem>>
            %dma_start3A_788 = arith.constant 0 : i32
            %dma_start3A_789 = tpu.memref_slice %arg9[%rem3A_542, %dma_start3A_788] : memref<2x64xi32, #tpu.memory_space<vmem>> -> memref<1x64xi32, #tpu.memory_space<vmem>>
            %dma_start3A_790 = tpu.memref_squeeze %dma_start3A_789 : memref<1x64xi32, #tpu.memory_space<vmem>> -> memref<64xi32, #tpu.memory_space<vmem>>
            %dma_start3A_791 = arith.constant 0 : i32
            %dma_start3A_792 = arith.constant 0 : i32
            %dma_start3A_793 = tpu.memref_slice %arg5[%dma_start3A_791, %dma_start3A_792] : memref<12520x128xf32, #tpu.memory_space<vmem_shared>> -> memref<12520x128xf32, #tpu.memory_space<vmem_shared>>
            tpu.enqueue_indirect_dma source(%arg7 : memref<64x128xf32, #tpu.memory_space<vmem>>) target(%dma_start3A_793 : memref<12520x128xf32, #tpu.memory_space<vmem_shared>>) offsets(%dma_start3A_790 : memref<64xi32, #tpu.memory_space<vmem>>) semaphore(%run_scoped3A : memref<!tpu.dma_semaphore, #tpu.memory_space<semaphore_mem>>) {add = true}
            %dma_wait3A_794 = arith.constant 0 : i32
            %dma_wait3A_795 = tpu.memref_slice %arg9[%rem3A_542, %dma_wait3A_794] : memref<2x64xi32, #tpu.memory_space<vmem>> -> memref<1x64xi32, #tpu.memory_space<vmem>>
            %dma_wait3A_796 = tpu.memref_squeeze %dma_wait3A_795 : memref<1x64xi32, #tpu.memory_space<vmem>> -> memref<64xi32, #tpu.memory_space<vmem>>
            %dma_wait3A_797 = arith.constant 0 : i32
            %dma_wait3A_798 = arith.constant 0 : i32
            %dma_wait3A_799 = tpu.memref_slice %arg5[%dma_wait3A_797, %dma_wait3A_798] : memref<12520x128xf32, #tpu.memory_space<vmem_shared>> -> memref<12520x128xf32, #tpu.memory_space<vmem_shared>>
            tpu.wait_indirect_dma semaphore(%run_scoped3A : memref<!tpu.dma_semaphore, #tpu.memory_space<semaphore_mem>>) src(%arg7 : memref<64x128xf32, #tpu.memory_space<vmem>>) dst(%dma_wait3A_799 : memref<12520x128xf32, #tpu.memory_space<vmem_shared>>)
            tpu.yield
          }) : () -> ()
        } else {
        }
        %jit3A_546 = arith.constant 64 : i32
        %jit3A_547 = arith.constant 0 : i32
        %select_n3A_548 = arith.select %ge3A_538, %jit3A_546, %jit3A_547 : i32
        %add3A_549 = arith.addi %add3A_492, %select_n3A_548 : i32
        %get3A_550 = arith.index_cast %while3A_320 : i32 to index
        %get3A_551 = arith.constant 64 : index
        %get3A_552 = tpu.vector_load %arg6[%get3A_550, %get3A_551] {strides = array<i32>} : memref<56x128xi32, #tpu.memory_space<vmem>>, vector<16xi32>,
        %ge3A_553 = vector.broadcast %mul3A_164 : i32 to vector<16xi32>
        %ge3A_554 = arith.cmpi sge, %get3A_552, %ge3A_553 : vector<16xi32>
        %add3A_555 = arith.constant 12512 : i32
        %add3A_556 = arith.addi %mul3A_164, %add3A_555 : i32
        %lt3A_557 = vector.broadcast %add3A_556 : i32 to vector<16xi32>
        %lt3A_558 = arith.cmpi slt, %get3A_552, %lt3A_557 : vector<16xi32>
        %and3A_559 = arith.andi %ge3A_554, %lt3A_558 : vector<16xi1>
        %jit3A_560 = arith.constant 1 : i32
        %jit3A_561 = arith.constant 0 : i32
        %broadcast_in_dim3A_562 = vector.broadcast %jit3A_560 : i32 to vector<16xi32>
        %broadcast_in_dim3A_563 = vector.broadcast %jit3A_561 : i32 to vector<16xi32>
        %select_n3A_564 = arith.select %and3A_559, %broadcast_in_dim3A_562, %broadcast_in_dim3A_563 : vector<16xi1>, vector<16xi32>
        %cumsum3A_565 = arith.constant true
        %cumsum3A_566 = vector.broadcast %cumsum3A_565 : i1 to vector<16xi1>
        %cumsum3A_567 = tpu.scan <sum>, %select_n3A_564 masked %cumsum3A_566 : vector<16xi32>, vector<16xi1> -> vector<16xi32>
        %add3A_568 = vector.broadcast %add3A_535 : i32 to vector<16xi32>
        %add3A_569 = arith.addi %add3A_568, %cumsum3A_567 : vector<16xi32>
        %sub3A_570 = arith.constant 1 : i32
        %sub3A_571 = vector.broadcast %sub3A_570 : i32 to vector<16xi32>
        %sub3A_572 = arith.subi %add3A_569, %sub3A_571 : vector<16xi32>
        %rem3A_573 = arith.constant 128 : i32
        %rem3A_574 = vector.broadcast %rem3A_573 : i32 to vector<16xi32>
        %rem3A_575 = arith.remsi %sub3A_572, %rem3A_574 : vector<16xi32>
        %shift_right_logical3A_576 = arith.constant 6 : i32
        %shift_right_logical3A_577 = vector.broadcast %shift_right_logical3A_576 : i32 to vector<16xi32>
        %shift_right_logical3A_578 = arith.shrui %rem3A_575, %shift_right_logical3A_577 : vector<16xi32>
        %rem3A_579 = arith.constant 64 : i32
        %rem3A_580 = vector.broadcast %rem3A_579 : i32 to vector<16xi32>
        %rem3A_581 = arith.remsi %rem3A_575, %rem3A_580 : vector<16xi32>
        %add3A_582 = arith.constant 64 : i32
        %add3A_583 = arith.addi %mul3A_328, %add3A_582 : i32
        %add3A_584 = vector.broadcast %add3A_583 : i32 to vector<16xi32>
        %add3A_585 = arith.addi %add3A_584, %iota3A : vector<16xi32>
        tpu.vector_store_idx %arg8[%shift_right_logical3A_578, %rem3A_581], %add3A_585 masked %and3A_559 : memref<2x64xi32, #tpu.memory_space<vmem>>[vector<16xi32>, vector<16xi32>], vector<16xi32>, vector<16xi1>
        %sub3A_586 = vector.broadcast %mul3A_164 : i32 to vector<16xi32>
        %sub3A_587 = arith.subi %get3A_552, %sub3A_586 : vector<16xi32>
        tpu.vector_store_idx %arg9[%shift_right_logical3A_578, %rem3A_581], %sub3A_587 masked %and3A_559 : memref<2x64xi32, #tpu.memory_space<vmem>>[vector<16xi32>, vector<16xi32>], vector<16xi32>, vector<16xi1>
        %reduce_sum3A_588 = arith.constant true
        %reduce_sum3A_589 = vector.broadcast %reduce_sum3A_588 : i1 to vector<16xi1>
        %reduce_sum3A_590 = tpu.scan <sum>, %select_n3A_564 masked %reduce_sum3A_589 : vector<16xi32>, vector<16xi1> -> vector<16xi32>
        %reduce_sum3A_591 = vector.extract %reduce_sum3A_590[15] : i32 from vector<16xi32>
        %add3A_592 = arith.addi %add3A_535, %reduce_sum3A_591 : i32
        %sub3A_593 = arith.subi %add3A_592, %add3A_549 : i32
        %ge3A_594 = arith.constant 64 : i32
        %ge3A_595 = arith.cmpi sge, %sub3A_593, %ge3A_594 : i32
        %shift_right_logical3A_596 = arith.constant 6 : i32
        %shift_right_logical3A_597 = arith.shrui %add3A_549, %shift_right_logical3A_596 : i32
        %rem3A_598 = arith.constant 2 : i32
        %rem3A_599 = arith.remsi %shift_right_logical3A_597, %rem3A_598 : i32
        %convert_element_type3A_600 = arith.extui %ge3A_595 : i1 to i32
        %cond3A_601 = arith.constant 0 : i32
        %cond3A_602 = arith.cmpi ne, %convert_element_type3A_600, %cond3A_601 : i32
        scf.if %cond3A_602 {
          %dma_start3A = arith.constant 0 : i32
          %dma_start3A_778 = tpu.memref_slice %arg8[%rem3A_599, %dma_start3A] : memref<2x64xi32, #tpu.memory_space<vmem>> -> memref<1x64xi32, #tpu.memory_space<vmem>>
          %dma_start3A_779 = tpu.memref_squeeze %dma_start3A_778 : memref<1x64xi32, #tpu.memory_space<vmem>> -> memref<64xi32, #tpu.memory_space<vmem>>
          %dma_start3A_780 = arith.constant 0 : i32
          %dma_start3A_781 = arith.constant 0 : i32
          %dma_start3A_782 = tpu.memref_slice %arg2[%dma_start3A_780, %dma_start3A_781] : memref<800000x128xf32, #tpu.memory_space<hbm>> -> memref<800000x128xf32, #tpu.memory_space<hbm>>
          tpu.enqueue_indirect_dma source(%dma_start3A_782 : memref<800000x128xf32, #tpu.memory_space<hbm>>) target(%arg7 : memref<64x128xf32, #tpu.memory_space<vmem>>) offsets(%dma_start3A_779 : memref<64xi32, #tpu.memory_space<vmem>>) semaphore(%arg11 : memref<!tpu.dma_semaphore, #tpu.memory_space<semaphore_mem>>)
          %dma_wait3A = arith.constant 0 : i32
          %dma_wait3A_783 = tpu.memref_slice %arg8[%rem3A_599, %dma_wait3A] : memref<2x64xi32, #tpu.memory_space<vmem>> -> memref<1x64xi32, #tpu.memory_space<vmem>>
          %dma_wait3A_784 = tpu.memref_squeeze %dma_wait3A_783 : memref<1x64xi32, #tpu.memory_space<vmem>> -> memref<64xi32, #tpu.memory_space<vmem>>
          %dma_wait3A_785 = arith.constant 0 : i32
          %dma_wait3A_786 = arith.constant 0 : i32
          %dma_wait3A_787 = tpu.memref_slice %arg2[%dma_wait3A_785, %dma_wait3A_786] : memref<800000x128xf32, #tpu.memory_space<hbm>> -> memref<800000x128xf32, #tpu.memory_space<hbm>>
          tpu.wait_indirect_dma semaphore(%arg11 : memref<!tpu.dma_semaphore, #tpu.memory_space<semaphore_mem>>) src(%dma_wait3A_787 : memref<800000x128xf32, #tpu.memory_space<hbm>>) dst(%arg7 : memref<64x128xf32, #tpu.memory_space<vmem>>)
          "tpu.region"() ({
            %run_scoped3A = tpu.sem_alloc : memref<!tpu.dma_semaphore, #tpu.memory_space<semaphore_mem>>
            %dma_start3A_788 = arith.constant 0 : i32
            %dma_start3A_789 = tpu.memref_slice %arg9[%rem3A_599, %dma_start3A_788] : memref<2x64xi32, #tpu.memory_space<vmem>> -> memref<1x64xi32, #tpu.memory_space<vmem>>
            %dma_start3A_790 = tpu.memref_squeeze %dma_start3A_789 : memref<1x64xi32, #tpu.memory_space<vmem>> -> memref<64xi32, #tpu.memory_space<vmem>>
            %dma_start3A_791 = arith.constant 0 : i32
            %dma_start3A_792 = arith.constant 0 : i32
            %dma_start3A_793 = tpu.memref_slice %arg5[%dma_start3A_791, %dma_start3A_792] : memref<12520x128xf32, #tpu.memory_space<vmem_shared>> -> memref<12520x128xf32, #tpu.memory_space<vmem_shared>>
            tpu.enqueue_indirect_dma source(%arg7 : memref<64x128xf32, #tpu.memory_space<vmem>>) target(%dma_start3A_793 : memref<12520x128xf32, #tpu.memory_space<vmem_shared>>) offsets(%dma_start3A_790 : memref<64xi32, #tpu.memory_space<vmem>>) semaphore(%run_scoped3A : memref<!tpu.dma_semaphore, #tpu.memory_space<semaphore_mem>>) {add = true}
            %dma_wait3A_794 = arith.constant 0 : i32
            %dma_wait3A_795 = tpu.memref_slice %arg9[%rem3A_599, %dma_wait3A_794] : memref<2x64xi32, #tpu.memory_space<vmem>> -> memref<1x64xi32, #tpu.memory_space<vmem>>
            %dma_wait3A_796 = tpu.memref_squeeze %dma_wait3A_795 : memref<1x64xi32, #tpu.memory_space<vmem>> -> memref<64xi32, #tpu.memory_space<vmem>>
            %dma_wait3A_797 = arith.constant 0 : i32
            %dma_wait3A_798 = arith.constant 0 : i32
            %dma_wait3A_799 = tpu.memref_slice %arg5[%dma_wait3A_797, %dma_wait3A_798] : memref<12520x128xf32, #tpu.memory_space<vmem_shared>> -> memref<12520x128xf32, #tpu.memory_space<vmem_shared>>
            tpu.wait_indirect_dma semaphore(%run_scoped3A : memref<!tpu.dma_semaphore, #tpu.memory_space<semaphore_mem>>) src(%arg7 : memref<64x128xf32, #tpu.memory_space<vmem>>) dst(%dma_wait3A_799 : memref<12520x128xf32, #tpu.memory_space<vmem_shared>>)
            tpu.yield
          }) : () -> ()
        } else {
        }
        %jit3A_603 = arith.constant 64 : i32
        %jit3A_604 = arith.constant 0 : i32
        %select_n3A_605 = arith.select %ge3A_595, %jit3A_603, %jit3A_604 : i32
        %add3A_606 = arith.addi %add3A_549, %select_n3A_605 : i32
        %get3A_607 = arith.index_cast %while3A_320 : i32 to index
        %get3A_608 = arith.constant 80 : index
        %get3A_609 = tpu.vector_load %arg6[%get3A_607, %get3A_608] {strides = array<i32>} : memref<56x128xi32, #tpu.memory_space<vmem>>, vector<16xi32>,
        %ge3A_610 = vector.broadcast %mul3A_164 : i32 to vector<16xi32>
        %ge3A_611 = arith.cmpi sge, %get3A_609, %ge3A_610 : vector<16xi32>
        %add3A_612 = arith.constant 12512 : i32
        %add3A_613 = arith.addi %mul3A_164, %add3A_612 : i32
        %lt3A_614 = vector.broadcast %add3A_613 : i32 to vector<16xi32>
        %lt3A_615 = arith.cmpi slt, %get3A_609, %lt3A_614 : vector<16xi32>
        %and3A_616 = arith.andi %ge3A_611, %lt3A_615 : vector<16xi1>
        %jit3A_617 = arith.constant 1 : i32
        %jit3A_618 = arith.constant 0 : i32
        %broadcast_in_dim3A_619 = vector.broadcast %jit3A_617 : i32 to vector<16xi32>
        %broadcast_in_dim3A_620 = vector.broadcast %jit3A_618 : i32 to vector<16xi32>
        %select_n3A_621 = arith.select %and3A_616, %broadcast_in_dim3A_619, %broadcast_in_dim3A_620 : vector<16xi1>, vector<16xi32>
        %cumsum3A_622 = arith.constant true
        %cumsum3A_623 = vector.broadcast %cumsum3A_622 : i1 to vector<16xi1>
        %cumsum3A_624 = tpu.scan <sum>, %select_n3A_621 masked %cumsum3A_623 : vector<16xi32>, vector<16xi1> -> vector<16xi32>
        %add3A_625 = vector.broadcast %add3A_592 : i32 to vector<16xi32>
        %add3A_626 = arith.addi %add3A_625, %cumsum3A_624 : vector<16xi32>
        %sub3A_627 = arith.constant 1 : i32
        %sub3A_628 = vector.broadcast %sub3A_627 : i32 to vector<16xi32>
        %sub3A_629 = arith.subi %add3A_626, %sub3A_628 : vector<16xi32>
        %rem3A_630 = arith.constant 128 : i32
        %rem3A_631 = vector.broadcast %rem3A_630 : i32 to vector<16xi32>
        %rem3A_632 = arith.remsi %sub3A_629, %rem3A_631 : vector<16xi32>
        %shift_right_logical3A_633 = arith.constant 6 : i32
        %shift_right_logical3A_634 = vector.broadcast %shift_right_logical3A_633 : i32 to vector<16xi32>
        %shift_right_logical3A_635 = arith.shrui %rem3A_632, %shift_right_logical3A_634 : vector<16xi32>
        %rem3A_636 = arith.constant 64 : i32
        %rem3A_637 = vector.broadcast %rem3A_636 : i32 to vector<16xi32>
        %rem3A_638 = arith.remsi %rem3A_632, %rem3A_637 : vector<16xi32>
        %add3A_639 = arith.constant 80 : i32
        %add3A_640 = arith.addi %mul3A_328, %add3A_639 : i32
        %add3A_641 = vector.broadcast %add3A_640 : i32 to vector<16xi32>
        %add3A_642 = arith.addi %add3A_641, %iota3A : vector<16xi32>
        tpu.vector_store_idx %arg8[%shift_right_logical3A_635, %rem3A_638], %add3A_642 masked %and3A_616 : memref<2x64xi32, #tpu.memory_space<vmem>>[vector<16xi32>, vector<16xi32>], vector<16xi32>, vector<16xi1>
        %sub3A_643 = vector.broadcast %mul3A_164 : i32 to vector<16xi32>
        %sub3A_644 = arith.subi %get3A_609, %sub3A_643 : vector<16xi32>
        tpu.vector_store_idx %arg9[%shift_right_logical3A_635, %rem3A_638], %sub3A_644 masked %and3A_616 : memref<2x64xi32, #tpu.memory_space<vmem>>[vector<16xi32>, vector<16xi32>], vector<16xi32>, vector<16xi1>
        %reduce_sum3A_645 = arith.constant true
        %reduce_sum3A_646 = vector.broadcast %reduce_sum3A_645 : i1 to vector<16xi1>
        %reduce_sum3A_647 = tpu.scan <sum>, %select_n3A_621 masked %reduce_sum3A_646 : vector<16xi32>, vector<16xi1> -> vector<16xi32>
        %reduce_sum3A_648 = vector.extract %reduce_sum3A_647[15] : i32 from vector<16xi32>
        %add3A_649 = arith.addi %add3A_592, %reduce_sum3A_648 : i32
        %sub3A_650 = arith.subi %add3A_649, %add3A_606 : i32
        %ge3A_651 = arith.constant 64 : i32
        %ge3A_652 = arith.cmpi sge, %sub3A_650, %ge3A_651 : i32
        %shift_right_logical3A_653 = arith.constant 6 : i32
        %shift_right_logical3A_654 = arith.shrui %add3A_606, %shift_right_logical3A_653 : i32
        %rem3A_655 = arith.constant 2 : i32
        %rem3A_656 = arith.remsi %shift_right_logical3A_654, %rem3A_655 : i32
        %convert_element_type3A_657 = arith.extui %ge3A_652 : i1 to i32
        %cond3A_658 = arith.constant 0 : i32
        %cond3A_659 = arith.cmpi ne, %convert_element_type3A_657, %cond3A_658 : i32
        scf.if %cond3A_659 {
          %dma_start3A = arith.constant 0 : i32
          %dma_start3A_778 = tpu.memref_slice %arg8[%rem3A_656, %dma_start3A] : memref<2x64xi32, #tpu.memory_space<vmem>> -> memref<1x64xi32, #tpu.memory_space<vmem>>
          %dma_start3A_779 = tpu.memref_squeeze %dma_start3A_778 : memref<1x64xi32, #tpu.memory_space<vmem>> -> memref<64xi32, #tpu.memory_space<vmem>>
          %dma_start3A_780 = arith.constant 0 : i32
          %dma_start3A_781 = arith.constant 0 : i32
          %dma_start3A_782 = tpu.memref_slice %arg2[%dma_start3A_780, %dma_start3A_781] : memref<800000x128xf32, #tpu.memory_space<hbm>> -> memref<800000x128xf32, #tpu.memory_space<hbm>>
          tpu.enqueue_indirect_dma source(%dma_start3A_782 : memref<800000x128xf32, #tpu.memory_space<hbm>>) target(%arg7 : memref<64x128xf32, #tpu.memory_space<vmem>>) offsets(%dma_start3A_779 : memref<64xi32, #tpu.memory_space<vmem>>) semaphore(%arg11 : memref<!tpu.dma_semaphore, #tpu.memory_space<semaphore_mem>>)
          %dma_wait3A = arith.constant 0 : i32
          %dma_wait3A_783 = tpu.memref_slice %arg8[%rem3A_656, %dma_wait3A] : memref<2x64xi32, #tpu.memory_space<vmem>> -> memref<1x64xi32, #tpu.memory_space<vmem>>
          %dma_wait3A_784 = tpu.memref_squeeze %dma_wait3A_783 : memref<1x64xi32, #tpu.memory_space<vmem>> -> memref<64xi32, #tpu.memory_space<vmem>>
          %dma_wait3A_785 = arith.constant 0 : i32
          %dma_wait3A_786 = arith.constant 0 : i32
          %dma_wait3A_787 = tpu.memref_slice %arg2[%dma_wait3A_785, %dma_wait3A_786] : memref<800000x128xf32, #tpu.memory_space<hbm>> -> memref<800000x128xf32, #tpu.memory_space<hbm>>
          tpu.wait_indirect_dma semaphore(%arg11 : memref<!tpu.dma_semaphore, #tpu.memory_space<semaphore_mem>>) src(%dma_wait3A_787 : memref<800000x128xf32, #tpu.memory_space<hbm>>) dst(%arg7 : memref<64x128xf32, #tpu.memory_space<vmem>>)
          "tpu.region"() ({
            %run_scoped3A = tpu.sem_alloc : memref<!tpu.dma_semaphore, #tpu.memory_space<semaphore_mem>>
            %dma_start3A_788 = arith.constant 0 : i32
            %dma_start3A_789 = tpu.memref_slice %arg9[%rem3A_656, %dma_start3A_788] : memref<2x64xi32, #tpu.memory_space<vmem>> -> memref<1x64xi32, #tpu.memory_space<vmem>>
            %dma_start3A_790 = tpu.memref_squeeze %dma_start3A_789 : memref<1x64xi32, #tpu.memory_space<vmem>> -> memref<64xi32, #tpu.memory_space<vmem>>
            %dma_start3A_791 = arith.constant 0 : i32
            %dma_start3A_792 = arith.constant 0 : i32
            %dma_start3A_793 = tpu.memref_slice %arg5[%dma_start3A_791, %dma_start3A_792] : memref<12520x128xf32, #tpu.memory_space<vmem_shared>> -> memref<12520x128xf32, #tpu.memory_space<vmem_shared>>
            tpu.enqueue_indirect_dma source(%arg7 : memref<64x128xf32, #tpu.memory_space<vmem>>) target(%dma_start3A_793 : memref<12520x128xf32, #tpu.memory_space<vmem_shared>>) offsets(%dma_start3A_790 : memref<64xi32, #tpu.memory_space<vmem>>) semaphore(%run_scoped3A : memref<!tpu.dma_semaphore, #tpu.memory_space<semaphore_mem>>) {add = true}
            %dma_wait3A_794 = arith.constant 0 : i32
            %dma_wait3A_795 = tpu.memref_slice %arg9[%rem3A_656, %dma_wait3A_794] : memref<2x64xi32, #tpu.memory_space<vmem>> -> memref<1x64xi32, #tpu.memory_space<vmem>>
            %dma_wait3A_796 = tpu.memref_squeeze %dma_wait3A_795 : memref<1x64xi32, #tpu.memory_space<vmem>> -> memref<64xi32, #tpu.memory_space<vmem>>
            %dma_wait3A_797 = arith.constant 0 : i32
            %dma_wait3A_798 = arith.constant 0 : i32
            %dma_wait3A_799 = tpu.memref_slice %arg5[%dma_wait3A_797, %dma_wait3A_798] : memref<12520x128xf32, #tpu.memory_space<vmem_shared>> -> memref<12520x128xf32, #tpu.memory_space<vmem_shared>>
            tpu.wait_indirect_dma semaphore(%run_scoped3A : memref<!tpu.dma_semaphore, #tpu.memory_space<semaphore_mem>>) src(%arg7 : memref<64x128xf32, #tpu.memory_space<vmem>>) dst(%dma_wait3A_799 : memref<12520x128xf32, #tpu.memory_space<vmem_shared>>)
            tpu.yield
          }) : () -> ()
        } else {
        }
        %jit3A_660 = arith.constant 64 : i32
        %jit3A_661 = arith.constant 0 : i32
        %select_n3A_662 = arith.select %ge3A_652, %jit3A_660, %jit3A_661 : i32
        %add3A_663 = arith.addi %add3A_606, %select_n3A_662 : i32
        %get3A_664 = arith.index_cast %while3A_320 : i32 to index
        %get3A_665 = arith.constant 96 : index
        %get3A_666 = tpu.vector_load %arg6[%get3A_664, %get3A_665] {strides = array<i32>} : memref<56x128xi32, #tpu.memory_space<vmem>>, vector<16xi32>,
        %ge3A_667 = vector.broadcast %mul3A_164 : i32 to vector<16xi32>
        %ge3A_668 = arith.cmpi sge, %get3A_666, %ge3A_667 : vector<16xi32>
        %add3A_669 = arith.constant 12512 : i32
        %add3A_670 = arith.addi %mul3A_164, %add3A_669 : i32
        %lt3A_671 = vector.broadcast %add3A_670 : i32 to vector<16xi32>
        %lt3A_672 = arith.cmpi slt, %get3A_666, %lt3A_671 : vector<16xi32>
        %and3A_673 = arith.andi %ge3A_668, %lt3A_672 : vector<16xi1>
        %jit3A_674 = arith.constant 1 : i32
        %jit3A_675 = arith.constant 0 : i32
        %broadcast_in_dim3A_676 = vector.broadcast %jit3A_674 : i32 to vector<16xi32>
        %broadcast_in_dim3A_677 = vector.broadcast %jit3A_675 : i32 to vector<16xi32>
        %select_n3A_678 = arith.select %and3A_673, %broadcast_in_dim3A_676, %broadcast_in_dim3A_677 : vector<16xi1>, vector<16xi32>
        %cumsum3A_679 = arith.constant true
        %cumsum3A_680 = vector.broadcast %cumsum3A_679 : i1 to vector<16xi1>
        %cumsum3A_681 = tpu.scan <sum>, %select_n3A_678 masked %cumsum3A_680 : vector<16xi32>, vector<16xi1> -> vector<16xi32>
        %add3A_682 = vector.broadcast %add3A_649 : i32 to vector<16xi32>
        %add3A_683 = arith.addi %add3A_682, %cumsum3A_681 : vector<16xi32>
        %sub3A_684 = arith.constant 1 : i32
        %sub3A_685 = vector.broadcast %sub3A_684 : i32 to vector<16xi32>
        %sub3A_686 = arith.subi %add3A_683, %sub3A_685 : vector<16xi32>
        %rem3A_687 = arith.constant 128 : i32
        %rem3A_688 = vector.broadcast %rem3A_687 : i32 to vector<16xi32>
        %rem3A_689 = arith.remsi %sub3A_686, %rem3A_688 : vector<16xi32>
        %shift_right_logical3A_690 = arith.constant 6 : i32
        %shift_right_logical3A_691 = vector.broadcast %shift_right_logical3A_690 : i32 to vector<16xi32>
        %shift_right_logical3A_692 = arith.shrui %rem3A_689, %shift_right_logical3A_691 : vector<16xi32>
        %rem3A_693 = arith.constant 64 : i32
        %rem3A_694 = vector.broadcast %rem3A_693 : i32 to vector<16xi32>
        %rem3A_695 = arith.remsi %rem3A_689, %rem3A_694 : vector<16xi32>
        %add3A_696 = arith.constant 96 : i32
        %add3A_697 = arith.addi %mul3A_328, %add3A_696 : i32
        %add3A_698 = vector.broadcast %add3A_697 : i32 to vector<16xi32>
        %add3A_699 = arith.addi %add3A_698, %iota3A : vector<16xi32>
        tpu.vector_store_idx %arg8[%shift_right_logical3A_692, %rem3A_695], %add3A_699 masked %and3A_673 : memref<2x64xi32, #tpu.memory_space<vmem>>[vector<16xi32>, vector<16xi32>], vector<16xi32>, vector<16xi1>
        %sub3A_700 = vector.broadcast %mul3A_164 : i32 to vector<16xi32>
        %sub3A_701 = arith.subi %get3A_666, %sub3A_700 : vector<16xi32>
        tpu.vector_store_idx %arg9[%shift_right_logical3A_692, %rem3A_695], %sub3A_701 masked %and3A_673 : memref<2x64xi32, #tpu.memory_space<vmem>>[vector<16xi32>, vector<16xi32>], vector<16xi32>, vector<16xi1>
        %reduce_sum3A_702 = arith.constant true
        %reduce_sum3A_703 = vector.broadcast %reduce_sum3A_702 : i1 to vector<16xi1>
        %reduce_sum3A_704 = tpu.scan <sum>, %select_n3A_678 masked %reduce_sum3A_703 : vector<16xi32>, vector<16xi1> -> vector<16xi32>
        %reduce_sum3A_705 = vector.extract %reduce_sum3A_704[15] : i32 from vector<16xi32>
        %add3A_706 = arith.addi %add3A_649, %reduce_sum3A_705 : i32
        %sub3A_707 = arith.subi %add3A_706, %add3A_663 : i32
        %ge3A_708 = arith.constant 64 : i32
        %ge3A_709 = arith.cmpi sge, %sub3A_707, %ge3A_708 : i32
        %shift_right_logical3A_710 = arith.constant 6 : i32
        %shift_right_logical3A_711 = arith.shrui %add3A_663, %shift_right_logical3A_710 : i32
        %rem3A_712 = arith.constant 2 : i32
        %rem3A_713 = arith.remsi %shift_right_logical3A_711, %rem3A_712 : i32
        %convert_element_type3A_714 = arith.extui %ge3A_709 : i1 to i32
        %cond3A_715 = arith.constant 0 : i32
        %cond3A_716 = arith.cmpi ne, %convert_element_type3A_714, %cond3A_715 : i32
        scf.if %cond3A_716 {
          %dma_start3A = arith.constant 0 : i32
          %dma_start3A_778 = tpu.memref_slice %arg8[%rem3A_713, %dma_start3A] : memref<2x64xi32, #tpu.memory_space<vmem>> -> memref<1x64xi32, #tpu.memory_space<vmem>>
          %dma_start3A_779 = tpu.memref_squeeze %dma_start3A_778 : memref<1x64xi32, #tpu.memory_space<vmem>> -> memref<64xi32, #tpu.memory_space<vmem>>
          %dma_start3A_780 = arith.constant 0 : i32
          %dma_start3A_781 = arith.constant 0 : i32
          %dma_start3A_782 = tpu.memref_slice %arg2[%dma_start3A_780, %dma_start3A_781] : memref<800000x128xf32, #tpu.memory_space<hbm>> -> memref<800000x128xf32, #tpu.memory_space<hbm>>
          tpu.enqueue_indirect_dma source(%dma_start3A_782 : memref<800000x128xf32, #tpu.memory_space<hbm>>) target(%arg7 : memref<64x128xf32, #tpu.memory_space<vmem>>) offsets(%dma_start3A_779 : memref<64xi32, #tpu.memory_space<vmem>>) semaphore(%arg11 : memref<!tpu.dma_semaphore, #tpu.memory_space<semaphore_mem>>)
          %dma_wait3A = arith.constant 0 : i32
          %dma_wait3A_783 = tpu.memref_slice %arg8[%rem3A_713, %dma_wait3A] : memref<2x64xi32, #tpu.memory_space<vmem>> -> memref<1x64xi32, #tpu.memory_space<vmem>>
          %dma_wait3A_784 = tpu.memref_squeeze %dma_wait3A_783 : memref<1x64xi32, #tpu.memory_space<vmem>> -> memref<64xi32, #tpu.memory_space<vmem>>
          %dma_wait3A_785 = arith.constant 0 : i32
          %dma_wait3A_786 = arith.constant 0 : i32
          %dma_wait3A_787 = tpu.memref_slice %arg2[%dma_wait3A_785, %dma_wait3A_786] : memref<800000x128xf32, #tpu.memory_space<hbm>> -> memref<800000x128xf32, #tpu.memory_space<hbm>>
          tpu.wait_indirect_dma semaphore(%arg11 : memref<!tpu.dma_semaphore, #tpu.memory_space<semaphore_mem>>) src(%dma_wait3A_787 : memref<800000x128xf32, #tpu.memory_space<hbm>>) dst(%arg7 : memref<64x128xf32, #tpu.memory_space<vmem>>)
          "tpu.region"() ({
            %run_scoped3A = tpu.sem_alloc : memref<!tpu.dma_semaphore, #tpu.memory_space<semaphore_mem>>
            %dma_start3A_788 = arith.constant 0 : i32
            %dma_start3A_789 = tpu.memref_slice %arg9[%rem3A_713, %dma_start3A_788] : memref<2x64xi32, #tpu.memory_space<vmem>> -> memref<1x64xi32, #tpu.memory_space<vmem>>
            %dma_start3A_790 = tpu.memref_squeeze %dma_start3A_789 : memref<1x64xi32, #tpu.memory_space<vmem>> -> memref<64xi32, #tpu.memory_space<vmem>>
            %dma_start3A_791 = arith.constant 0 : i32
            %dma_start3A_792 = arith.constant 0 : i32
            %dma_start3A_793 = tpu.memref_slice %arg5[%dma_start3A_791, %dma_start3A_792] : memref<12520x128xf32, #tpu.memory_space<vmem_shared>> -> memref<12520x128xf32, #tpu.memory_space<vmem_shared>>
            tpu.enqueue_indirect_dma source(%arg7 : memref<64x128xf32, #tpu.memory_space<vmem>>) target(%dma_start3A_793 : memref<12520x128xf32, #tpu.memory_space<vmem_shared>>) offsets(%dma_start3A_790 : memref<64xi32, #tpu.memory_space<vmem>>) semaphore(%run_scoped3A : memref<!tpu.dma_semaphore, #tpu.memory_space<semaphore_mem>>) {add = true}
            %dma_wait3A_794 = arith.constant 0 : i32
            %dma_wait3A_795 = tpu.memref_slice %arg9[%rem3A_713, %dma_wait3A_794] : memref<2x64xi32, #tpu.memory_space<vmem>> -> memref<1x64xi32, #tpu.memory_space<vmem>>
            %dma_wait3A_796 = tpu.memref_squeeze %dma_wait3A_795 : memref<1x64xi32, #tpu.memory_space<vmem>> -> memref<64xi32, #tpu.memory_space<vmem>>
            %dma_wait3A_797 = arith.constant 0 : i32
            %dma_wait3A_798 = arith.constant 0 : i32
            %dma_wait3A_799 = tpu.memref_slice %arg5[%dma_wait3A_797, %dma_wait3A_798] : memref<12520x128xf32, #tpu.memory_space<vmem_shared>> -> memref<12520x128xf32, #tpu.memory_space<vmem_shared>>
            tpu.wait_indirect_dma semaphore(%run_scoped3A : memref<!tpu.dma_semaphore, #tpu.memory_space<semaphore_mem>>) src(%arg7 : memref<64x128xf32, #tpu.memory_space<vmem>>) dst(%dma_wait3A_799 : memref<12520x128xf32, #tpu.memory_space<vmem_shared>>)
            tpu.yield
          }) : () -> ()
        } else {
        }
        %jit3A_717 = arith.constant 64 : i32
        %jit3A_718 = arith.constant 0 : i32
        %select_n3A_719 = arith.select %ge3A_709, %jit3A_717, %jit3A_718 : i32
        %add3A_720 = arith.addi %add3A_663, %select_n3A_719 : i32
        %get3A_721 = arith.index_cast %while3A_320 : i32 to index
        %get3A_722 = arith.constant 112 : index
        %get3A_723 = tpu.vector_load %arg6[%get3A_721, %get3A_722] {strides = array<i32>} : memref<56x128xi32, #tpu.memory_space<vmem>>, vector<16xi32>,
        %ge3A_724 = vector.broadcast %mul3A_164 : i32 to vector<16xi32>
        %ge3A_725 = arith.cmpi sge, %get3A_723, %ge3A_724 : vector<16xi32>
        %add3A_726 = arith.constant 12512 : i32
        %add3A_727 = arith.addi %mul3A_164, %add3A_726 : i32
        %lt3A_728 = vector.broadcast %add3A_727 : i32 to vector<16xi32>
        %lt3A_729 = arith.cmpi slt, %get3A_723, %lt3A_728 : vector<16xi32>
        %and3A_730 = arith.andi %ge3A_725, %lt3A_729 : vector<16xi1>
        %jit3A_731 = arith.constant 1 : i32
        %jit3A_732 = arith.constant 0 : i32
        %broadcast_in_dim3A_733 = vector.broadcast %jit3A_731 : i32 to vector<16xi32>
        %broadcast_in_dim3A_734 = vector.broadcast %jit3A_732 : i32 to vector<16xi32>
        %select_n3A_735 = arith.select %and3A_730, %broadcast_in_dim3A_733, %broadcast_in_dim3A_734 : vector<16xi1>, vector<16xi32>
        %cumsum3A_736 = arith.constant true
        %cumsum3A_737 = vector.broadcast %cumsum3A_736 : i1 to vector<16xi1>
        %cumsum3A_738 = tpu.scan <sum>, %select_n3A_735 masked %cumsum3A_737 : vector<16xi32>, vector<16xi1> -> vector<16xi32>
        %add3A_739 = vector.broadcast %add3A_706 : i32 to vector<16xi32>
        %add3A_740 = arith.addi %add3A_739, %cumsum3A_738 : vector<16xi32>
        %sub3A_741 = arith.constant 1 : i32
        %sub3A_742 = vector.broadcast %sub3A_741 : i32 to vector<16xi32>
        %sub3A_743 = arith.subi %add3A_740, %sub3A_742 : vector<16xi32>
        %rem3A_744 = arith.constant 128 : i32
        %rem3A_745 = vector.broadcast %rem3A_744 : i32 to vector<16xi32>
        %rem3A_746 = arith.remsi %sub3A_743, %rem3A_745 : vector<16xi32>
        %shift_right_logical3A_747 = arith.constant 6 : i32
        %shift_right_logical3A_748 = vector.broadcast %shift_right_logical3A_747 : i32 to vector<16xi32>
        %shift_right_logical3A_749 = arith.shrui %rem3A_746, %shift_right_logical3A_748 : vector<16xi32>
        %rem3A_750 = arith.constant 64 : i32
        %rem3A_751 = vector.broadcast %rem3A_750 : i32 to vector<16xi32>
        %rem3A_752 = arith.remsi %rem3A_746, %rem3A_751 : vector<16xi32>
        %add3A_753 = arith.constant 112 : i32
        %add3A_754 = arith.addi %mul3A_328, %add3A_753 : i32
        %add3A_755 = vector.broadcast %add3A_754 : i32 to vector<16xi32>
        %add3A_756 = arith.addi %add3A_755, %iota3A : vector<16xi32>
        tpu.vector_store_idx %arg8[%shift_right_logical3A_749, %rem3A_752], %add3A_756 masked %and3A_730 : memref<2x64xi32, #tpu.memory_space<vmem>>[vector<16xi32>, vector<16xi32>], vector<16xi32>, vector<16xi1>
        %sub3A_757 = vector.broadcast %mul3A_164 : i32 to vector<16xi32>
        %sub3A_758 = arith.subi %get3A_723, %sub3A_757 : vector<16xi32>
        tpu.vector_store_idx %arg9[%shift_right_logical3A_749, %rem3A_752], %sub3A_758 masked %and3A_730 : memref<2x64xi32, #tpu.memory_space<vmem>>[vector<16xi32>, vector<16xi32>], vector<16xi32>, vector<16xi1>
        %reduce_sum3A_759 = arith.constant true
        %reduce_sum3A_760 = vector.broadcast %reduce_sum3A_759 : i1 to vector<16xi1>
        %reduce_sum3A_761 = tpu.scan <sum>, %select_n3A_735 masked %reduce_sum3A_760 : vector<16xi32>, vector<16xi1> -> vector<16xi32>
        %reduce_sum3A_762 = vector.extract %reduce_sum3A_761[15] : i32 from vector<16xi32>
        %add3A_763 = arith.addi %add3A_706, %reduce_sum3A_762 : i32
        %sub3A_764 = arith.subi %add3A_763, %add3A_720 : i32
        %ge3A_765 = arith.constant 64 : i32
        %ge3A_766 = arith.cmpi sge, %sub3A_764, %ge3A_765 : i32
        %shift_right_logical3A_767 = arith.constant 6 : i32
        %shift_right_logical3A_768 = arith.shrui %add3A_720, %shift_right_logical3A_767 : i32
        %rem3A_769 = arith.constant 2 : i32
        %rem3A_770 = arith.remsi %shift_right_logical3A_768, %rem3A_769 : i32
        %convert_element_type3A_771 = arith.extui %ge3A_766 : i1 to i32
        %cond3A_772 = arith.constant 0 : i32
        %cond3A_773 = arith.cmpi ne, %convert_element_type3A_771, %cond3A_772 : i32
        scf.if %cond3A_773 {
          %dma_start3A = arith.constant 0 : i32
          %dma_start3A_778 = tpu.memref_slice %arg8[%rem3A_770, %dma_start3A] : memref<2x64xi32, #tpu.memory_space<vmem>> -> memref<1x64xi32, #tpu.memory_space<vmem>>
          %dma_start3A_779 = tpu.memref_squeeze %dma_start3A_778 : memref<1x64xi32, #tpu.memory_space<vmem>> -> memref<64xi32, #tpu.memory_space<vmem>>
          %dma_start3A_780 = arith.constant 0 : i32
          %dma_start3A_781 = arith.constant 0 : i32
          %dma_start3A_782 = tpu.memref_slice %arg2[%dma_start3A_780, %dma_start3A_781] : memref<800000x128xf32, #tpu.memory_space<hbm>> -> memref<800000x128xf32, #tpu.memory_space<hbm>>
          tpu.enqueue_indirect_dma source(%dma_start3A_782 : memref<800000x128xf32, #tpu.memory_space<hbm>>) target(%arg7 : memref<64x128xf32, #tpu.memory_space<vmem>>) offsets(%dma_start3A_779 : memref<64xi32, #tpu.memory_space<vmem>>) semaphore(%arg11 : memref<!tpu.dma_semaphore, #tpu.memory_space<semaphore_mem>>)
          %dma_wait3A = arith.constant 0 : i32
          %dma_wait3A_783 = tpu.memref_slice %arg8[%rem3A_770, %dma_wait3A] : memref<2x64xi32, #tpu.memory_space<vmem>> -> memref<1x64xi32, #tpu.memory_space<vmem>>
          %dma_wait3A_784 = tpu.memref_squeeze %dma_wait3A_783 : memref<1x64xi32, #tpu.memory_space<vmem>> -> memref<64xi32, #tpu.memory_space<vmem>>
          %dma_wait3A_785 = arith.constant 0 : i32
          %dma_wait3A_786 = arith.constant 0 : i32
          %dma_wait3A_787 = tpu.memref_slice %arg2[%dma_wait3A_785, %dma_wait3A_786] : memref<800000x128xf32, #tpu.memory_space<hbm>> -> memref<800000x128xf32, #tpu.memory_space<hbm>>
          tpu.wait_indirect_dma semaphore(%arg11 : memref<!tpu.dma_semaphore, #tpu.memory_space<semaphore_mem>>) src(%dma_wait3A_787 : memref<800000x128xf32, #tpu.memory_space<hbm>>) dst(%arg7 : memref<64x128xf32, #tpu.memory_space<vmem>>)
          "tpu.region"() ({
            %run_scoped3A = tpu.sem_alloc : memref<!tpu.dma_semaphore, #tpu.memory_space<semaphore_mem>>
            %dma_start3A_788 = arith.constant 0 : i32
            %dma_start3A_789 = tpu.memref_slice %arg9[%rem3A_770, %dma_start3A_788] : memref<2x64xi32, #tpu.memory_space<vmem>> -> memref<1x64xi32, #tpu.memory_space<vmem>>
            %dma_start3A_790 = tpu.memref_squeeze %dma_start3A_789 : memref<1x64xi32, #tpu.memory_space<vmem>> -> memref<64xi32, #tpu.memory_space<vmem>>
            %dma_start3A_791 = arith.constant 0 : i32
            %dma_start3A_792 = arith.constant 0 : i32
            %dma_start3A_793 = tpu.memref_slice %arg5[%dma_start3A_791, %dma_start3A_792] : memref<12520x128xf32, #tpu.memory_space<vmem_shared>> -> memref<12520x128xf32, #tpu.memory_space<vmem_shared>>
            tpu.enqueue_indirect_dma source(%arg7 : memref<64x128xf32, #tpu.memory_space<vmem>>) target(%dma_start3A_793 : memref<12520x128xf32, #tpu.memory_space<vmem_shared>>) offsets(%dma_start3A_790 : memref<64xi32, #tpu.memory_space<vmem>>) semaphore(%run_scoped3A : memref<!tpu.dma_semaphore, #tpu.memory_space<semaphore_mem>>) {add = true}
            %dma_wait3A_794 = arith.constant 0 : i32
            %dma_wait3A_795 = tpu.memref_slice %arg9[%rem3A_770, %dma_wait3A_794] : memref<2x64xi32, #tpu.memory_space<vmem>> -> memref<1x64xi32, #tpu.memory_space<vmem>>
            %dma_wait3A_796 = tpu.memref_squeeze %dma_wait3A_795 : memref<1x64xi32, #tpu.memory_space<vmem>> -> memref<64xi32, #tpu.memory_space<vmem>>
            %dma_wait3A_797 = arith.constant 0 : i32
            %dma_wait3A_798 = arith.constant 0 : i32
            %dma_wait3A_799 = tpu.memref_slice %arg5[%dma_wait3A_797, %dma_wait3A_798] : memref<12520x128xf32, #tpu.memory_space<vmem_shared>> -> memref<12520x128xf32, #tpu.memory_space<vmem_shared>>
            tpu.wait_indirect_dma semaphore(%run_scoped3A : memref<!tpu.dma_semaphore, #tpu.memory_space<semaphore_mem>>) src(%arg7 : memref<64x128xf32, #tpu.memory_space<vmem>>) dst(%dma_wait3A_799 : memref<12520x128xf32, #tpu.memory_space<vmem_shared>>)
            tpu.yield
          }) : () -> ()
        } else {
        }
        %jit3A_774 = arith.constant 64 : i32
        %jit3A_775 = arith.constant 0 : i32
        %select_n3A_776 = arith.select %ge3A_766, %jit3A_774, %jit3A_775 : i32
        %add3A_777 = arith.addi %add3A_720, %select_n3A_776 : i32
        scf.yield %add3A_763, %add3A_777 : i32, i32
      }
      %while3A_318 = arith.constant 1 : i32
      %while3A_319:2 = scf.for %while3A_320 = %while3A_315 to %while3A_311 step %while3A_318 iter_args(%while3A_321 = %while3A_317#0, %while3A_322 = %while3A_317#1) -> (i32, i32)  : i32 {
        %mul3A_323 = arith.constant 56 : i32
        %mul3A_324 = arith.muli %scan3A_296, %mul3A_323 : i32
        %add3A_325 = arith.addi %mul3A_3, %mul3A_324 : i32
        %add3A_326 = arith.addi %add3A_325, %while3A_320 : i32
        %mul3A_327 = arith.constant 128 : i32
        %mul3A_328 = arith.muli %add3A_326, %mul3A_327 : i32
        %get3A = arith.index_cast %while3A_320 : i32 to index
        %get3A_329 = arith.constant 0 : index
        %get3A_330 = tpu.vector_load %arg6[%get3A, %get3A_329] {strides = array<i32>} : memref<56x128xi32, #tpu.memory_space<vmem>>, vector<16xi32>,
        %ge3A = vector.broadcast %mul3A_164 : i32 to vector<16xi32>
        %ge3A_331 = arith.cmpi sge, %get3A_330, %ge3A : vector<16xi32>
        %add3A_332 = arith.constant 12512 : i32
        %add3A_333 = arith.addi %mul3A_164, %add3A_332 : i32
        %lt3A_334 = vector.broadcast %add3A_333 : i32 to vector<16xi32>
        %lt3A_335 = arith.cmpi slt, %get3A_330, %lt3A_334 : vector<16xi32>
        %and3A = arith.andi %ge3A_331, %lt3A_335 : vector<16xi1>
        %jit3A_336 = arith.constant 1 : i32
        %jit3A_337 = arith.constant 0 : i32
        %broadcast_in_dim3A_338 = vector.broadcast %jit3A_336 : i32 to vector<16xi32>
        %broadcast_in_dim3A_339 = vector.broadcast %jit3A_337 : i32 to vector<16xi32>
        %select_n3A_340 = arith.select %and3A, %broadcast_in_dim3A_338, %broadcast_in_dim3A_339 : vector<16xi1>, vector<16xi32>
        %cumsum3A = arith.constant true
        %cumsum3A_341 = vector.broadcast %cumsum3A : i1 to vector<16xi1>
        %cumsum3A_342 = tpu.scan <sum>, %select_n3A_340 masked %cumsum3A_341 : vector<16xi32>, vector<16xi1> -> vector<16xi32>
        %add3A_343 = vector.broadcast %while3A_321 : i32 to vector<16xi32>
        %add3A_344 = arith.addi %add3A_343, %cumsum3A_342 : vector<16xi32>
        %sub3A_345 = arith.constant 1 : i32
        %sub3A_346 = vector.broadcast %sub3A_345 : i32 to vector<16xi32>
        %sub3A_347 = arith.subi %add3A_344, %sub3A_346 : vector<16xi32>
        %rem3A = arith.constant 128 : i32
        %rem3A_348 = vector.broadcast %rem3A : i32 to vector<16xi32>
        %rem3A_349 = arith.remsi %sub3A_347, %rem3A_348 : vector<16xi32>
        %shift_right_logical3A = arith.constant 6 : i32
        %shift_right_logical3A_350 = vector.broadcast %shift_right_logical3A : i32 to vector<16xi32>
        %shift_right_logical3A_351 = arith.shrui %rem3A_349, %shift_right_logical3A_350 : vector<16xi32>
        %rem3A_352 = arith.constant 64 : i32
        %rem3A_353 = vector.broadcast %rem3A_352 : i32 to vector<16xi32>
        %rem3A_354 = arith.remsi %rem3A_349, %rem3A_353 : vector<16xi32>
        %add3A_355 = arith.constant 0 : i32
        %add3A_356 = arith.addi %mul3A_328, %add3A_355 : i32
        %add3A_357 = vector.broadcast %add3A_356 : i32 to vector<16xi32>
        %add3A_358 = arith.addi %add3A_357, %iota3A : vector<16xi32>
        tpu.vector_store_idx %arg8[%shift_right_logical3A_351, %rem3A_354], %add3A_358 masked %and3A : memref<2x64xi32, #tpu.memory_space<vmem>>[vector<16xi32>, vector<16xi32>], vector<16xi32>, vector<16xi1>
        %sub3A_359 = vector.broadcast %mul3A_164 : i32 to vector<16xi32>
        %sub3A_360 = arith.subi %get3A_330, %sub3A_359 : vector<16xi32>
        tpu.vector_store_idx %arg9[%shift_right_logical3A_351, %rem3A_354], %sub3A_360 masked %and3A : memref<2x64xi32, #tpu.memory_space<vmem>>[vector<16xi32>, vector<16xi32>], vector<16xi32>, vector<16xi1>
        %reduce_sum3A = arith.constant true
        %reduce_sum3A_361 = vector.broadcast %reduce_sum3A : i1 to vector<16xi1>
        %reduce_sum3A_362 = tpu.scan <sum>, %select_n3A_340 masked %reduce_sum3A_361 : vector<16xi32>, vector<16xi1> -> vector<16xi32>
        %reduce_sum3A_363 = vector.extract %reduce_sum3A_362[15] : i32 from vector<16xi32>
        %add3A_364 = arith.addi %while3A_321, %reduce_sum3A_363 : i32
        %sub3A_365 = arith.subi %add3A_364, %while3A_322 : i32
        %ge3A_366 = arith.constant 64 : i32
        %ge3A_367 = arith.cmpi sge, %sub3A_365, %ge3A_366 : i32
        %shift_right_logical3A_368 = arith.constant 6 : i32
        %shift_right_logical3A_369 = arith.shrui %while3A_322, %shift_right_logical3A_368 : i32
        %rem3A_370 = arith.constant 2 : i32
        %rem3A_371 = arith.remsi %shift_right_logical3A_369, %rem3A_370 : i32
        %convert_element_type3A_372 = arith.extui %ge3A_367 : i1 to i32
        %cond3A_373 = arith.constant 0 : i32
        %cond3A_374 = arith.cmpi ne, %convert_element_type3A_372, %cond3A_373 : i32
        scf.if %cond3A_374 {
          %dma_start3A = arith.constant 0 : i32
          %dma_start3A_778 = tpu.memref_slice %arg8[%rem3A_371, %dma_start3A] : memref<2x64xi32, #tpu.memory_space<vmem>> -> memref<1x64xi32, #tpu.memory_space<vmem>>
          %dma_start3A_779 = tpu.memref_squeeze %dma_start3A_778 : memref<1x64xi32, #tpu.memory_space<vmem>> -> memref<64xi32, #tpu.memory_space<vmem>>
          %dma_start3A_780 = arith.constant 0 : i32
          %dma_start3A_781 = arith.constant 0 : i32
          %dma_start3A_782 = tpu.memref_slice %arg2[%dma_start3A_780, %dma_start3A_781] : memref<800000x128xf32, #tpu.memory_space<hbm>> -> memref<800000x128xf32, #tpu.memory_space<hbm>>
          tpu.enqueue_indirect_dma source(%dma_start3A_782 : memref<800000x128xf32, #tpu.memory_space<hbm>>) target(%arg7 : memref<64x128xf32, #tpu.memory_space<vmem>>) offsets(%dma_start3A_779 : memref<64xi32, #tpu.memory_space<vmem>>) semaphore(%arg11 : memref<!tpu.dma_semaphore, #tpu.memory_space<semaphore_mem>>)
          %dma_wait3A = arith.constant 0 : i32
          %dma_wait3A_783 = tpu.memref_slice %arg8[%rem3A_371, %dma_wait3A] : memref<2x64xi32, #tpu.memory_space<vmem>> -> memref<1x64xi32, #tpu.memory_space<vmem>>
          %dma_wait3A_784 = tpu.memref_squeeze %dma_wait3A_783 : memref<1x64xi32, #tpu.memory_space<vmem>> -> memref<64xi32, #tpu.memory_space<vmem>>
          %dma_wait3A_785 = arith.constant 0 : i32
          %dma_wait3A_786 = arith.constant 0 : i32
          %dma_wait3A_787 = tpu.memref_slice %arg2[%dma_wait3A_785, %dma_wait3A_786] : memref<800000x128xf32, #tpu.memory_space<hbm>> -> memref<800000x128xf32, #tpu.memory_space<hbm>>
          tpu.wait_indirect_dma semaphore(%arg11 : memref<!tpu.dma_semaphore, #tpu.memory_space<semaphore_mem>>) src(%dma_wait3A_787 : memref<800000x128xf32, #tpu.memory_space<hbm>>) dst(%arg7 : memref<64x128xf32, #tpu.memory_space<vmem>>)
          "tpu.region"() ({
            %run_scoped3A = tpu.sem_alloc : memref<!tpu.dma_semaphore, #tpu.memory_space<semaphore_mem>>
            %dma_start3A_788 = arith.constant 0 : i32
            %dma_start3A_789 = tpu.memref_slice %arg9[%rem3A_371, %dma_start3A_788] : memref<2x64xi32, #tpu.memory_space<vmem>> -> memref<1x64xi32, #tpu.memory_space<vmem>>
            %dma_start3A_790 = tpu.memref_squeeze %dma_start3A_789 : memref<1x64xi32, #tpu.memory_space<vmem>> -> memref<64xi32, #tpu.memory_space<vmem>>
            %dma_start3A_791 = arith.constant 0 : i32
            %dma_start3A_792 = arith.constant 0 : i32
            %dma_start3A_793 = tpu.memref_slice %arg5[%dma_start3A_791, %dma_start3A_792] : memref<12520x128xf32, #tpu.memory_space<vmem_shared>> -> memref<12520x128xf32, #tpu.memory_space<vmem_shared>>
            tpu.enqueue_indirect_dma source(%arg7 : memref<64x128xf32, #tpu.memory_space<vmem>>) target(%dma_start3A_793 : memref<12520x128xf32, #tpu.memory_space<vmem_shared>>) offsets(%dma_start3A_790 : memref<64xi32, #tpu.memory_space<vmem>>) semaphore(%run_scoped3A : memref<!tpu.dma_semaphore, #tpu.memory_space<semaphore_mem>>) {add = true}
            %dma_wait3A_794 = arith.constant 0 : i32
            %dma_wait3A_795 = tpu.memref_slice %arg9[%rem3A_371, %dma_wait3A_794] : memref<2x64xi32, #tpu.memory_space<vmem>> -> memref<1x64xi32, #tpu.memory_space<vmem>>
            %dma_wait3A_796 = tpu.memref_squeeze %dma_wait3A_795 : memref<1x64xi32, #tpu.memory_space<vmem>> -> memref<64xi32, #tpu.memory_space<vmem>>
            %dma_wait3A_797 = arith.constant 0 : i32
            %dma_wait3A_798 = arith.constant 0 : i32
            %dma_wait3A_799 = tpu.memref_slice %arg5[%dma_wait3A_797, %dma_wait3A_798] : memref<12520x128xf32, #tpu.memory_space<vmem_shared>> -> memref<12520x128xf32, #tpu.memory_space<vmem_shared>>
            tpu.wait_indirect_dma semaphore(%run_scoped3A : memref<!tpu.dma_semaphore, #tpu.memory_space<semaphore_mem>>) src(%arg7 : memref<64x128xf32, #tpu.memory_space<vmem>>) dst(%dma_wait3A_799 : memref<12520x128xf32, #tpu.memory_space<vmem_shared>>)
            tpu.yield
          }) : () -> ()
        } else {
        }
        %jit3A_375 = arith.constant 64 : i32
        %jit3A_376 = arith.constant 0 : i32
        %select_n3A_377 = arith.select %ge3A_367, %jit3A_375, %jit3A_376 : i32
        %add3A_378 = arith.addi %while3A_322, %select_n3A_377 : i32
        %get3A_379 = arith.index_cast %while3A_320 : i32 to index
        %get3A_380 = arith.constant 16 : index
        %get3A_381 = tpu.vector_load %arg6[%get3A_379, %get3A_380] {strides = array<i32>} : memref<56x128xi32, #tpu.memory_space<vmem>>, vector<16xi32>,
        %ge3A_382 = vector.broadcast %mul3A_164 : i32 to vector<16xi32>
        %ge3A_383 = arith.cmpi sge, %get3A_381, %ge3A_382 : vector<16xi32>
        %add3A_384 = arith.constant 12512 : i32
        %add3A_385 = arith.addi %mul3A_164, %add3A_384 : i32
        %lt3A_386 = vector.broadcast %add3A_385 : i32 to vector<16xi32>
        %lt3A_387 = arith.cmpi slt, %get3A_381, %lt3A_386 : vector<16xi32>
        %and3A_388 = arith.andi %ge3A_383, %lt3A_387 : vector<16xi1>
        %jit3A_389 = arith.constant 1 : i32
        %jit3A_390 = arith.constant 0 : i32
        %broadcast_in_dim3A_391 = vector.broadcast %jit3A_389 : i32 to vector<16xi32>
        %broadcast_in_dim3A_392 = vector.broadcast %jit3A_390 : i32 to vector<16xi32>
        %select_n3A_393 = arith.select %and3A_388, %broadcast_in_dim3A_391, %broadcast_in_dim3A_392 : vector<16xi1>, vector<16xi32>
        %cumsum3A_394 = arith.constant true
        %cumsum3A_395 = vector.broadcast %cumsum3A_394 : i1 to vector<16xi1>
        %cumsum3A_396 = tpu.scan <sum>, %select_n3A_393 masked %cumsum3A_395 : vector<16xi32>, vector<16xi1> -> vector<16xi32>
        %add3A_397 = vector.broadcast %add3A_364 : i32 to vector<16xi32>
        %add3A_398 = arith.addi %add3A_397, %cumsum3A_396 : vector<16xi32>
        %sub3A_399 = arith.constant 1 : i32
        %sub3A_400 = vector.broadcast %sub3A_399 : i32 to vector<16xi32>
        %sub3A_401 = arith.subi %add3A_398, %sub3A_400 : vector<16xi32>
        %rem3A_402 = arith.constant 128 : i32
        %rem3A_403 = vector.broadcast %rem3A_402 : i32 to vector<16xi32>
        %rem3A_404 = arith.remsi %sub3A_401, %rem3A_403 : vector<16xi32>
        %shift_right_logical3A_405 = arith.constant 6 : i32
        %shift_right_logical3A_406 = vector.broadcast %shift_right_logical3A_405 : i32 to vector<16xi32>
        %shift_right_logical3A_407 = arith.shrui %rem3A_404, %shift_right_logical3A_406 : vector<16xi32>
        %rem3A_408 = arith.constant 64 : i32
        %rem3A_409 = vector.broadcast %rem3A_408 : i32 to vector<16xi32>
        %rem3A_410 = arith.remsi %rem3A_404, %rem3A_409 : vector<16xi32>
        %add3A_411 = arith.constant 16 : i32
        %add3A_412 = arith.addi %mul3A_328, %add3A_411 : i32
        %add3A_413 = vector.broadcast %add3A_412 : i32 to vector<16xi32>
        %add3A_414 = arith.addi %add3A_413, %iota3A : vector<16xi32>
        tpu.vector_store_idx %arg8[%shift_right_logical3A_407, %rem3A_410], %add3A_414 masked %and3A_388 : memref<2x64xi32, #tpu.memory_space<vmem>>[vector<16xi32>, vector<16xi32>], vector<16xi32>, vector<16xi1>
        %sub3A_415 = vector.broadcast %mul3A_164 : i32 to vector<16xi32>
        %sub3A_416 = arith.subi %get3A_381, %sub3A_415 : vector<16xi32>
        tpu.vector_store_idx %arg9[%shift_right_logical3A_407, %rem3A_410], %sub3A_416 masked %and3A_388 : memref<2x64xi32, #tpu.memory_space<vmem>>[vector<16xi32>, vector<16xi32>], vector<16xi32>, vector<16xi1>
        %reduce_sum3A_417 = arith.constant true
        %reduce_sum3A_418 = vector.broadcast %reduce_sum3A_417 : i1 to vector<16xi1>
        %reduce_sum3A_419 = tpu.scan <sum>, %select_n3A_393 masked %reduce_sum3A_418 : vector<16xi32>, vector<16xi1> -> vector<16xi32>
        %reduce_sum3A_420 = vector.extract %reduce_sum3A_419[15] : i32 from vector<16xi32>
        %add3A_421 = arith.addi %add3A_364, %reduce_sum3A_420 : i32
        %sub3A_422 = arith.subi %add3A_421, %add3A_378 : i32
        %ge3A_423 = arith.constant 64 : i32
        %ge3A_424 = arith.cmpi sge, %sub3A_422, %ge3A_423 : i32
        %shift_right_logical3A_425 = arith.constant 6 : i32
        %shift_right_logical3A_426 = arith.shrui %add3A_378, %shift_right_logical3A_425 : i32
        %rem3A_427 = arith.constant 2 : i32
        %rem3A_428 = arith.remsi %shift_right_logical3A_426, %rem3A_427 : i32
        %convert_element_type3A_429 = arith.extui %ge3A_424 : i1 to i32
        %cond3A_430 = arith.constant 0 : i32
        %cond3A_431 = arith.cmpi ne, %convert_element_type3A_429, %cond3A_430 : i32
        scf.if %cond3A_431 {
          %dma_start3A = arith.constant 0 : i32
          %dma_start3A_778 = tpu.memref_slice %arg8[%rem3A_428, %dma_start3A] : memref<2x64xi32, #tpu.memory_space<vmem>> -> memref<1x64xi32, #tpu.memory_space<vmem>>
          %dma_start3A_779 = tpu.memref_squeeze %dma_start3A_778 : memref<1x64xi32, #tpu.memory_space<vmem>> -> memref<64xi32, #tpu.memory_space<vmem>>
          %dma_start3A_780 = arith.constant 0 : i32
          %dma_start3A_781 = arith.constant 0 : i32
          %dma_start3A_782 = tpu.memref_slice %arg2[%dma_start3A_780, %dma_start3A_781] : memref<800000x128xf32, #tpu.memory_space<hbm>> -> memref<800000x128xf32, #tpu.memory_space<hbm>>
          tpu.enqueue_indirect_dma source(%dma_start3A_782 : memref<800000x128xf32, #tpu.memory_space<hbm>>) target(%arg7 : memref<64x128xf32, #tpu.memory_space<vmem>>) offsets(%dma_start3A_779 : memref<64xi32, #tpu.memory_space<vmem>>) semaphore(%arg11 : memref<!tpu.dma_semaphore, #tpu.memory_space<semaphore_mem>>)
          %dma_wait3A = arith.constant 0 : i32
          %dma_wait3A_783 = tpu.memref_slice %arg8[%rem3A_428, %dma_wait3A] : memref<2x64xi32, #tpu.memory_space<vmem>> -> memref<1x64xi32, #tpu.memory_space<vmem>>
          %dma_wait3A_784 = tpu.memref_squeeze %dma_wait3A_783 : memref<1x64xi32, #tpu.memory_space<vmem>> -> memref<64xi32, #tpu.memory_space<vmem>>
          %dma_wait3A_785 = arith.constant 0 : i32
          %dma_wait3A_786 = arith.constant 0 : i32
          %dma_wait3A_787 = tpu.memref_slice %arg2[%dma_wait3A_785, %dma_wait3A_786] : memref<800000x128xf32, #tpu.memory_space<hbm>> -> memref<800000x128xf32, #tpu.memory_space<hbm>>
          tpu.wait_indirect_dma semaphore(%arg11 : memref<!tpu.dma_semaphore, #tpu.memory_space<semaphore_mem>>) src(%dma_wait3A_787 : memref<800000x128xf32, #tpu.memory_space<hbm>>) dst(%arg7 : memref<64x128xf32, #tpu.memory_space<vmem>>)
          "tpu.region"() ({
            %run_scoped3A = tpu.sem_alloc : memref<!tpu.dma_semaphore, #tpu.memory_space<semaphore_mem>>
            %dma_start3A_788 = arith.constant 0 : i32
            %dma_start3A_789 = tpu.memref_slice %arg9[%rem3A_428, %dma_start3A_788] : memref<2x64xi32, #tpu.memory_space<vmem>> -> memref<1x64xi32, #tpu.memory_space<vmem>>
            %dma_start3A_790 = tpu.memref_squeeze %dma_start3A_789 : memref<1x64xi32, #tpu.memory_space<vmem>> -> memref<64xi32, #tpu.memory_space<vmem>>
            %dma_start3A_791 = arith.constant 0 : i32
            %dma_start3A_792 = arith.constant 0 : i32
            %dma_start3A_793 = tpu.memref_slice %arg5[%dma_start3A_791, %dma_start3A_792] : memref<12520x128xf32, #tpu.memory_space<vmem_shared>> -> memref<12520x128xf32, #tpu.memory_space<vmem_shared>>
            tpu.enqueue_indirect_dma source(%arg7 : memref<64x128xf32, #tpu.memory_space<vmem>>) target(%dma_start3A_793 : memref<12520x128xf32, #tpu.memory_space<vmem_shared>>) offsets(%dma_start3A_790 : memref<64xi32, #tpu.memory_space<vmem>>) semaphore(%run_scoped3A : memref<!tpu.dma_semaphore, #tpu.memory_space<semaphore_mem>>) {add = true}
            %dma_wait3A_794 = arith.constant 0 : i32
            %dma_wait3A_795 = tpu.memref_slice %arg9[%rem3A_428, %dma_wait3A_794] : memref<2x64xi32, #tpu.memory_space<vmem>> -> memref<1x64xi32, #tpu.memory_space<vmem>>
            %dma_wait3A_796 = tpu.memref_squeeze %dma_wait3A_795 : memref<1x64xi32, #tpu.memory_space<vmem>> -> memref<64xi32, #tpu.memory_space<vmem>>
            %dma_wait3A_797 = arith.constant 0 : i32
            %dma_wait3A_798 = arith.constant 0 : i32
            %dma_wait3A_799 = tpu.memref_slice %arg5[%dma_wait3A_797, %dma_wait3A_798] : memref<12520x128xf32, #tpu.memory_space<vmem_shared>> -> memref<12520x128xf32, #tpu.memory_space<vmem_shared>>
            tpu.wait_indirect_dma semaphore(%run_scoped3A : memref<!tpu.dma_semaphore, #tpu.memory_space<semaphore_mem>>) src(%arg7 : memref<64x128xf32, #tpu.memory_space<vmem>>) dst(%dma_wait3A_799 : memref<12520x128xf32, #tpu.memory_space<vmem_shared>>)
            tpu.yield
          }) : () -> ()
        } else {
        }
        %jit3A_432 = arith.constant 64 : i32
        %jit3A_433 = arith.constant 0 : i32
        %select_n3A_434 = arith.select %ge3A_424, %jit3A_432, %jit3A_433 : i32
        %add3A_435 = arith.addi %add3A_378, %select_n3A_434 : i32
        %get3A_436 = arith.index_cast %while3A_320 : i32 to index
        %get3A_437 = arith.constant 32 : index
        %get3A_438 = tpu.vector_load %arg6[%get3A_436, %get3A_437] {strides = array<i32>} : memref<56x128xi32, #tpu.memory_space<vmem>>, vector<16xi32>,
        %ge3A_439 = vector.broadcast %mul3A_164 : i32 to vector<16xi32>
        %ge3A_440 = arith.cmpi sge, %get3A_438, %ge3A_439 : vector<16xi32>
        %add3A_441 = arith.constant 12512 : i32
        %add3A_442 = arith.addi %mul3A_164, %add3A_441 : i32
        %lt3A_443 = vector.broadcast %add3A_442 : i32 to vector<16xi32>
        %lt3A_444 = arith.cmpi slt, %get3A_438, %lt3A_443 : vector<16xi32>
        %and3A_445 = arith.andi %ge3A_440, %lt3A_444 : vector<16xi1>
        %jit3A_446 = arith.constant 1 : i32
        %jit3A_447 = arith.constant 0 : i32
        %broadcast_in_dim3A_448 = vector.broadcast %jit3A_446 : i32 to vector<16xi32>
        %broadcast_in_dim3A_449 = vector.broadcast %jit3A_447 : i32 to vector<16xi32>
        %select_n3A_450 = arith.select %and3A_445, %broadcast_in_dim3A_448, %broadcast_in_dim3A_449 : vector<16xi1>, vector<16xi32>
        %cumsum3A_451 = arith.constant true
        %cumsum3A_452 = vector.broadcast %cumsum3A_451 : i1 to vector<16xi1>
        %cumsum3A_453 = tpu.scan <sum>, %select_n3A_450 masked %cumsum3A_452 : vector<16xi32>, vector<16xi1> -> vector<16xi32>
        %add3A_454 = vector.broadcast %add3A_421 : i32 to vector<16xi32>
        %add3A_455 = arith.addi %add3A_454, %cumsum3A_453 : vector<16xi32>
        %sub3A_456 = arith.constant 1 : i32
        %sub3A_457 = vector.broadcast %sub3A_456 : i32 to vector<16xi32>
        %sub3A_458 = arith.subi %add3A_455, %sub3A_457 : vector<16xi32>
        %rem3A_459 = arith.constant 128 : i32
        %rem3A_460 = vector.broadcast %rem3A_459 : i32 to vector<16xi32>
        %rem3A_461 = arith.remsi %sub3A_458, %rem3A_460 : vector<16xi32>
        %shift_right_logical3A_462 = arith.constant 6 : i32
        %shift_right_logical3A_463 = vector.broadcast %shift_right_logical3A_462 : i32 to vector<16xi32>
        %shift_right_logical3A_464 = arith.shrui %rem3A_461, %shift_right_logical3A_463 : vector<16xi32>
        %rem3A_465 = arith.constant 64 : i32
        %rem3A_466 = vector.broadcast %rem3A_465 : i32 to vector<16xi32>
        %rem3A_467 = arith.remsi %rem3A_461, %rem3A_466 : vector<16xi32>
        %add3A_468 = arith.constant 32 : i32
        %add3A_469 = arith.addi %mul3A_328, %add3A_468 : i32
        %add3A_470 = vector.broadcast %add3A_469 : i32 to vector<16xi32>
        %add3A_471 = arith.addi %add3A_470, %iota3A : vector<16xi32>
        tpu.vector_store_idx %arg8[%shift_right_logical3A_464, %rem3A_467], %add3A_471 masked %and3A_445 : memref<2x64xi32, #tpu.memory_space<vmem>>[vector<16xi32>, vector<16xi32>], vector<16xi32>, vector<16xi1>
        %sub3A_472 = vector.broadcast %mul3A_164 : i32 to vector<16xi32>
        %sub3A_473 = arith.subi %get3A_438, %sub3A_472 : vector<16xi32>
        tpu.vector_store_idx %arg9[%shift_right_logical3A_464, %rem3A_467], %sub3A_473 masked %and3A_445 : memref<2x64xi32, #tpu.memory_space<vmem>>[vector<16xi32>, vector<16xi32>], vector<16xi32>, vector<16xi1>
        %reduce_sum3A_474 = arith.constant true
        %reduce_sum3A_475 = vector.broadcast %reduce_sum3A_474 : i1 to vector<16xi1>
        %reduce_sum3A_476 = tpu.scan <sum>, %select_n3A_450 masked %reduce_sum3A_475 : vector<16xi32>, vector<16xi1> -> vector<16xi32>
        %reduce_sum3A_477 = vector.extract %reduce_sum3A_476[15] : i32 from vector<16xi32>
        %add3A_478 = arith.addi %add3A_421, %reduce_sum3A_477 : i32
        %sub3A_479 = arith.subi %add3A_478, %add3A_435 : i32
        %ge3A_480 = arith.constant 64 : i32
        %ge3A_481 = arith.cmpi sge, %sub3A_479, %ge3A_480 : i32
        %shift_right_logical3A_482 = arith.constant 6 : i32
        %shift_right_logical3A_483 = arith.shrui %add3A_435, %shift_right_logical3A_482 : i32
        %rem3A_484 = arith.constant 2 : i32
        %rem3A_485 = arith.remsi %shift_right_logical3A_483, %rem3A_484 : i32
        %convert_element_type3A_486 = arith.extui %ge3A_481 : i1 to i32
        %cond3A_487 = arith.constant 0 : i32
        %cond3A_488 = arith.cmpi ne, %convert_element_type3A_486, %cond3A_487 : i32
        scf.if %cond3A_488 {
          %dma_start3A = arith.constant 0 : i32
          %dma_start3A_778 = tpu.memref_slice %arg8[%rem3A_485, %dma_start3A] : memref<2x64xi32, #tpu.memory_space<vmem>> -> memref<1x64xi32, #tpu.memory_space<vmem>>
          %dma_start3A_779 = tpu.memref_squeeze %dma_start3A_778 : memref<1x64xi32, #tpu.memory_space<vmem>> -> memref<64xi32, #tpu.memory_space<vmem>>
          %dma_start3A_780 = arith.constant 0 : i32
          %dma_start3A_781 = arith.constant 0 : i32
          %dma_start3A_782 = tpu.memref_slice %arg2[%dma_start3A_780, %dma_start3A_781] : memref<800000x128xf32, #tpu.memory_space<hbm>> -> memref<800000x128xf32, #tpu.memory_space<hbm>>
          tpu.enqueue_indirect_dma source(%dma_start3A_782 : memref<800000x128xf32, #tpu.memory_space<hbm>>) target(%arg7 : memref<64x128xf32, #tpu.memory_space<vmem>>) offsets(%dma_start3A_779 : memref<64xi32, #tpu.memory_space<vmem>>) semaphore(%arg11 : memref<!tpu.dma_semaphore, #tpu.memory_space<semaphore_mem>>)
          %dma_wait3A = arith.constant 0 : i32
          %dma_wait3A_783 = tpu.memref_slice %arg8[%rem3A_485, %dma_wait3A] : memref<2x64xi32, #tpu.memory_space<vmem>> -> memref<1x64xi32, #tpu.memory_space<vmem>>
          %dma_wait3A_784 = tpu.memref_squeeze %dma_wait3A_783 : memref<1x64xi32, #tpu.memory_space<vmem>> -> memref<64xi32, #tpu.memory_space<vmem>>
          %dma_wait3A_785 = arith.constant 0 : i32
          %dma_wait3A_786 = arith.constant 0 : i32
          %dma_wait3A_787 = tpu.memref_slice %arg2[%dma_wait3A_785, %dma_wait3A_786] : memref<800000x128xf32, #tpu.memory_space<hbm>> -> memref<800000x128xf32, #tpu.memory_space<hbm>>
          tpu.wait_indirect_dma semaphore(%arg11 : memref<!tpu.dma_semaphore, #tpu.memory_space<semaphore_mem>>) src(%dma_wait3A_787 : memref<800000x128xf32, #tpu.memory_space<hbm>>) dst(%arg7 : memref<64x128xf32, #tpu.memory_space<vmem>>)
          "tpu.region"() ({
            %run_scoped3A = tpu.sem_alloc : memref<!tpu.dma_semaphore, #tpu.memory_space<semaphore_mem>>
            %dma_start3A_788 = arith.constant 0 : i32
            %dma_start3A_789 = tpu.memref_slice %arg9[%rem3A_485, %dma_start3A_788] : memref<2x64xi32, #tpu.memory_space<vmem>> -> memref<1x64xi32, #tpu.memory_space<vmem>>
            %dma_start3A_790 = tpu.memref_squeeze %dma_start3A_789 : memref<1x64xi32, #tpu.memory_space<vmem>> -> memref<64xi32, #tpu.memory_space<vmem>>
            %dma_start3A_791 = arith.constant 0 : i32
            %dma_start3A_792 = arith.constant 0 : i32
            %dma_start3A_793 = tpu.memref_slice %arg5[%dma_start3A_791, %dma_start3A_792] : memref<12520x128xf32, #tpu.memory_space<vmem_shared>> -> memref<12520x128xf32, #tpu.memory_space<vmem_shared>>
            tpu.enqueue_indirect_dma source(%arg7 : memref<64x128xf32, #tpu.memory_space<vmem>>) target(%dma_start3A_793 : memref<12520x128xf32, #tpu.memory_space<vmem_shared>>) offsets(%dma_start3A_790 : memref<64xi32, #tpu.memory_space<vmem>>) semaphore(%run_scoped3A : memref<!tpu.dma_semaphore, #tpu.memory_space<semaphore_mem>>) {add = true}
            %dma_wait3A_794 = arith.constant 0 : i32
            %dma_wait3A_795 = tpu.memref_slice %arg9[%rem3A_485, %dma_wait3A_794] : memref<2x64xi32, #tpu.memory_space<vmem>> -> memref<1x64xi32, #tpu.memory_space<vmem>>
            %dma_wait3A_796 = tpu.memref_squeeze %dma_wait3A_795 : memref<1x64xi32, #tpu.memory_space<vmem>> -> memref<64xi32, #tpu.memory_space<vmem>>
            %dma_wait3A_797 = arith.constant 0 : i32
            %dma_wait3A_798 = arith.constant 0 : i32
            %dma_wait3A_799 = tpu.memref_slice %arg5[%dma_wait3A_797, %dma_wait3A_798] : memref<12520x128xf32, #tpu.memory_space<vmem_shared>> -> memref<12520x128xf32, #tpu.memory_space<vmem_shared>>
            tpu.wait_indirect_dma semaphore(%run_scoped3A : memref<!tpu.dma_semaphore, #tpu.memory_space<semaphore_mem>>) src(%arg7 : memref<64x128xf32, #tpu.memory_space<vmem>>) dst(%dma_wait3A_799 : memref<12520x128xf32, #tpu.memory_space<vmem_shared>>)
            tpu.yield
          }) : () -> ()
        } else {
        }
        %jit3A_489 = arith.constant 64 : i32
        %jit3A_490 = arith.constant 0 : i32
        %select_n3A_491 = arith.select %ge3A_481, %jit3A_489, %jit3A_490 : i32
        %add3A_492 = arith.addi %add3A_435, %select_n3A_491 : i32
        %get3A_493 = arith.index_cast %while3A_320 : i32 to index
        %get3A_494 = arith.constant 48 : index
        %get3A_495 = tpu.vector_load %arg6[%get3A_493, %get3A_494] {strides = array<i32>} : memref<56x128xi32, #tpu.memory_space<vmem>>, vector<16xi32>,
        %ge3A_496 = vector.broadcast %mul3A_164 : i32 to vector<16xi32>
        %ge3A_497 = arith.cmpi sge, %get3A_495, %ge3A_496 : vector<16xi32>
        %add3A_498 = arith.constant 12512 : i32
        %add3A_499 = arith.addi %mul3A_164, %add3A_498 : i32
        %lt3A_500 = vector.broadcast %add3A_499 : i32 to vector<16xi32>
        %lt3A_501 = arith.cmpi slt, %get3A_495, %lt3A_500 : vector<16xi32>
        %and3A_502 = arith.andi %ge3A_497, %lt3A_501 : vector<16xi1>
        %jit3A_503 = arith.constant 1 : i32
        %jit3A_504 = arith.constant 0 : i32
        %broadcast_in_dim3A_505 = vector.broadcast %jit3A_503 : i32 to vector<16xi32>
        %broadcast_in_dim3A_506 = vector.broadcast %jit3A_504 : i32 to vector<16xi32>
        %select_n3A_507 = arith.select %and3A_502, %broadcast_in_dim3A_505, %broadcast_in_dim3A_506 : vector<16xi1>, vector<16xi32>
        %cumsum3A_508 = arith.constant true
        %cumsum3A_509 = vector.broadcast %cumsum3A_508 : i1 to vector<16xi1>
        %cumsum3A_510 = tpu.scan <sum>, %select_n3A_507 masked %cumsum3A_509 : vector<16xi32>, vector<16xi1> -> vector<16xi32>
        %add3A_511 = vector.broadcast %add3A_478 : i32 to vector<16xi32>
        %add3A_512 = arith.addi %add3A_511, %cumsum3A_510 : vector<16xi32>
        %sub3A_513 = arith.constant 1 : i32
        %sub3A_514 = vector.broadcast %sub3A_513 : i32 to vector<16xi32>
        %sub3A_515 = arith.subi %add3A_512, %sub3A_514 : vector<16xi32>
        %rem3A_516 = arith.constant 128 : i32
        %rem3A_517 = vector.broadcast %rem3A_516 : i32 to vector<16xi32>
        %rem3A_518 = arith.remsi %sub3A_515, %rem3A_517 : vector<16xi32>
        %shift_right_logical3A_519 = arith.constant 6 : i32
        %shift_right_logical3A_520 = vector.broadcast %shift_right_logical3A_519 : i32 to vector<16xi32>
        %shift_right_logical3A_521 = arith.shrui %rem3A_518, %shift_right_logical3A_520 : vector<16xi32>
        %rem3A_522 = arith.constant 64 : i32
        %rem3A_523 = vector.broadcast %rem3A_522 : i32 to vector<16xi32>
        %rem3A_524 = arith.remsi %rem3A_518, %rem3A_523 : vector<16xi32>
        %add3A_525 = arith.constant 48 : i32
        %add3A_526 = arith.addi %mul3A_328, %add3A_525 : i32
        %add3A_527 = vector.broadcast %add3A_526 : i32 to vector<16xi32>
        %add3A_528 = arith.addi %add3A_527, %iota3A : vector<16xi32>
        tpu.vector_store_idx %arg8[%shift_right_logical3A_521, %rem3A_524], %add3A_528 masked %and3A_502 : memref<2x64xi32, #tpu.memory_space<vmem>>[vector<16xi32>, vector<16xi32>], vector<16xi32>, vector<16xi1>
        %sub3A_529 = vector.broadcast %mul3A_164 : i32 to vector<16xi32>
        %sub3A_530 = arith.subi %get3A_495, %sub3A_529 : vector<16xi32>
        tpu.vector_store_idx %arg9[%shift_right_logical3A_521, %rem3A_524], %sub3A_530 masked %and3A_502 : memref<2x64xi32, #tpu.memory_space<vmem>>[vector<16xi32>, vector<16xi32>], vector<16xi32>, vector<16xi1>
        %reduce_sum3A_531 = arith.constant true
        %reduce_sum3A_532 = vector.broadcast %reduce_sum3A_531 : i1 to vector<16xi1>
        %reduce_sum3A_533 = tpu.scan <sum>, %select_n3A_507 masked %reduce_sum3A_532 : vector<16xi32>, vector<16xi1> -> vector<16xi32>
        %reduce_sum3A_534 = vector.extract %reduce_sum3A_533[15] : i32 from vector<16xi32>
        %add3A_535 = arith.addi %add3A_478, %reduce_sum3A_534 : i32
        %sub3A_536 = arith.subi %add3A_535, %add3A_492 : i32
        %ge3A_537 = arith.constant 64 : i32
        %ge3A_538 = arith.cmpi sge, %sub3A_536, %ge3A_537 : i32
        %shift_right_logical3A_539 = arith.constant 6 : i32
        %shift_right_logical3A_540 = arith.shrui %add3A_492, %shift_right_logical3A_539 : i32
        %rem3A_541 = arith.constant 2 : i32
        %rem3A_542 = arith.remsi %shift_right_logical3A_540, %rem3A_541 : i32
        %convert_element_type3A_543 = arith.extui %ge3A_538 : i1 to i32
        %cond3A_544 = arith.constant 0 : i32
        %cond3A_545 = arith.cmpi ne, %convert_element_type3A_543, %cond3A_544 : i32
        scf.if %cond3A_545 {
          %dma_start3A = arith.constant 0 : i32
          %dma_start3A_778 = tpu.memref_slice %arg8[%rem3A_542, %dma_start3A] : memref<2x64xi32, #tpu.memory_space<vmem>> -> memref<1x64xi32, #tpu.memory_space<vmem>>
          %dma_start3A_779 = tpu.memref_squeeze %dma_start3A_778 : memref<1x64xi32, #tpu.memory_space<vmem>> -> memref<64xi32, #tpu.memory_space<vmem>>
          %dma_start3A_780 = arith.constant 0 : i32
          %dma_start3A_781 = arith.constant 0 : i32
          %dma_start3A_782 = tpu.memref_slice %arg2[%dma_start3A_780, %dma_start3A_781] : memref<800000x128xf32, #tpu.memory_space<hbm>> -> memref<800000x128xf32, #tpu.memory_space<hbm>>
          tpu.enqueue_indirect_dma source(%dma_start3A_782 : memref<800000x128xf32, #tpu.memory_space<hbm>>) target(%arg7 : memref<64x128xf32, #tpu.memory_space<vmem>>) offsets(%dma_start3A_779 : memref<64xi32, #tpu.memory_space<vmem>>) semaphore(%arg11 : memref<!tpu.dma_semaphore, #tpu.memory_space<semaphore_mem>>)
          %dma_wait3A = arith.constant 0 : i32
          %dma_wait3A_783 = tpu.memref_slice %arg8[%rem3A_542, %dma_wait3A] : memref<2x64xi32, #tpu.memory_space<vmem>> -> memref<1x64xi32, #tpu.memory_space<vmem>>
          %dma_wait3A_784 = tpu.memref_squeeze %dma_wait3A_783 : memref<1x64xi32, #tpu.memory_space<vmem>> -> memref<64xi32, #tpu.memory_space<vmem>>
          %dma_wait3A_785 = arith.constant 0 : i32
          %dma_wait3A_786 = arith.constant 0 : i32
          %dma_wait3A_787 = tpu.memref_slice %arg2[%dma_wait3A_785, %dma_wait3A_786] : memref<800000x128xf32, #tpu.memory_space<hbm>> -> memref<800000x128xf32, #tpu.memory_space<hbm>>
          tpu.wait_indirect_dma semaphore(%arg11 : memref<!tpu.dma_semaphore, #tpu.memory_space<semaphore_mem>>) src(%dma_wait3A_787 : memref<800000x128xf32, #tpu.memory_space<hbm>>) dst(%arg7 : memref<64x128xf32, #tpu.memory_space<vmem>>)
          "tpu.region"() ({
            %run_scoped3A = tpu.sem_alloc : memref<!tpu.dma_semaphore, #tpu.memory_space<semaphore_mem>>
            %dma_start3A_788 = arith.constant 0 : i32
            %dma_start3A_789 = tpu.memref_slice %arg9[%rem3A_542, %dma_start3A_788] : memref<2x64xi32, #tpu.memory_space<vmem>> -> memref<1x64xi32, #tpu.memory_space<vmem>>
            %dma_start3A_790 = tpu.memref_squeeze %dma_start3A_789 : memref<1x64xi32, #tpu.memory_space<vmem>> -> memref<64xi32, #tpu.memory_space<vmem>>
            %dma_start3A_791 = arith.constant 0 : i32
            %dma_start3A_792 = arith.constant 0 : i32
            %dma_start3A_793 = tpu.memref_slice %arg5[%dma_start3A_791, %dma_start3A_792] : memref<12520x128xf32, #tpu.memory_space<vmem_shared>> -> memref<12520x128xf32, #tpu.memory_space<vmem_shared>>
            tpu.enqueue_indirect_dma source(%arg7 : memref<64x128xf32, #tpu.memory_space<vmem>>) target(%dma_start3A_793 : memref<12520x128xf32, #tpu.memory_space<vmem_shared>>) offsets(%dma_start3A_790 : memref<64xi32, #tpu.memory_space<vmem>>) semaphore(%run_scoped3A : memref<!tpu.dma_semaphore, #tpu.memory_space<semaphore_mem>>) {add = true}
            %dma_wait3A_794 = arith.constant 0 : i32
            %dma_wait3A_795 = tpu.memref_slice %arg9[%rem3A_542, %dma_wait3A_794] : memref<2x64xi32, #tpu.memory_space<vmem>> -> memref<1x64xi32, #tpu.memory_space<vmem>>
            %dma_wait3A_796 = tpu.memref_squeeze %dma_wait3A_795 : memref<1x64xi32, #tpu.memory_space<vmem>> -> memref<64xi32, #tpu.memory_space<vmem>>
            %dma_wait3A_797 = arith.constant 0 : i32
            %dma_wait3A_798 = arith.constant 0 : i32
            %dma_wait3A_799 = tpu.memref_slice %arg5[%dma_wait3A_797, %dma_wait3A_798] : memref<12520x128xf32, #tpu.memory_space<vmem_shared>> -> memref<12520x128xf32, #tpu.memory_space<vmem_shared>>
            tpu.wait_indirect_dma semaphore(%run_scoped3A : memref<!tpu.dma_semaphore, #tpu.memory_space<semaphore_mem>>) src(%arg7 : memref<64x128xf32, #tpu.memory_space<vmem>>) dst(%dma_wait3A_799 : memref<12520x128xf32, #tpu.memory_space<vmem_shared>>)
            tpu.yield
          }) : () -> ()
        } else {
        }
        %jit3A_546 = arith.constant 64 : i32
        %jit3A_547 = arith.constant 0 : i32
        %select_n3A_548 = arith.select %ge3A_538, %jit3A_546, %jit3A_547 : i32
        %add3A_549 = arith.addi %add3A_492, %select_n3A_548 : i32
        %get3A_550 = arith.index_cast %while3A_320 : i32 to index
        %get3A_551 = arith.constant 64 : index
        %get3A_552 = tpu.vector_load %arg6[%get3A_550, %get3A_551] {strides = array<i32>} : memref<56x128xi32, #tpu.memory_space<vmem>>, vector<16xi32>,
        %ge3A_553 = vector.broadcast %mul3A_164 : i32 to vector<16xi32>
        %ge3A_554 = arith.cmpi sge, %get3A_552, %ge3A_553 : vector<16xi32>
        %add3A_555 = arith.constant 12512 : i32
        %add3A_556 = arith.addi %mul3A_164, %add3A_555 : i32
        %lt3A_557 = vector.broadcast %add3A_556 : i32 to vector<16xi32>
        %lt3A_558 = arith.cmpi slt, %get3A_552, %lt3A_557 : vector<16xi32>
        %and3A_559 = arith.andi %ge3A_554, %lt3A_558 : vector<16xi1>
        %jit3A_560 = arith.constant 1 : i32
        %jit3A_561 = arith.constant 0 : i32
        %broadcast_in_dim3A_562 = vector.broadcast %jit3A_560 : i32 to vector<16xi32>
        %broadcast_in_dim3A_563 = vector.broadcast %jit3A_561 : i32 to vector<16xi32>
        %select_n3A_564 = arith.select %and3A_559, %broadcast_in_dim3A_562, %broadcast_in_dim3A_563 : vector<16xi1>, vector<16xi32>
        %cumsum3A_565 = arith.constant true
        %cumsum3A_566 = vector.broadcast %cumsum3A_565 : i1 to vector<16xi1>
        %cumsum3A_567 = tpu.scan <sum>, %select_n3A_564 masked %cumsum3A_566 : vector<16xi32>, vector<16xi1> -> vector<16xi32>
        %add3A_568 = vector.broadcast %add3A_535 : i32 to vector<16xi32>
        %add3A_569 = arith.addi %add3A_568, %cumsum3A_567 : vector<16xi32>
        %sub3A_570 = arith.constant 1 : i32
        %sub3A_571 = vector.broadcast %sub3A_570 : i32 to vector<16xi32>
        %sub3A_572 = arith.subi %add3A_569, %sub3A_571 : vector<16xi32>
        %rem3A_573 = arith.constant 128 : i32
        %rem3A_574 = vector.broadcast %rem3A_573 : i32 to vector<16xi32>
        %rem3A_575 = arith.remsi %sub3A_572, %rem3A_574 : vector<16xi32>
        %shift_right_logical3A_576 = arith.constant 6 : i32
        %shift_right_logical3A_577 = vector.broadcast %shift_right_logical3A_576 : i32 to vector<16xi32>
        %shift_right_logical3A_578 = arith.shrui %rem3A_575, %shift_right_logical3A_577 : vector<16xi32>
        %rem3A_579 = arith.constant 64 : i32
        %rem3A_580 = vector.broadcast %rem3A_579 : i32 to vector<16xi32>
        %rem3A_581 = arith.remsi %rem3A_575, %rem3A_580 : vector<16xi32>
        %add3A_582 = arith.constant 64 : i32
        %add3A_583 = arith.addi %mul3A_328, %add3A_582 : i32
        %add3A_584 = vector.broadcast %add3A_583 : i32 to vector<16xi32>
        %add3A_585 = arith.addi %add3A_584, %iota3A : vector<16xi32>
        tpu.vector_store_idx %arg8[%shift_right_logical3A_578, %rem3A_581], %add3A_585 masked %and3A_559 : memref<2x64xi32, #tpu.memory_space<vmem>>[vector<16xi32>, vector<16xi32>], vector<16xi32>, vector<16xi1>
        %sub3A_586 = vector.broadcast %mul3A_164 : i32 to vector<16xi32>
        %sub3A_587 = arith.subi %get3A_552, %sub3A_586 : vector<16xi32>
        tpu.vector_store_idx %arg9[%shift_right_logical3A_578, %rem3A_581], %sub3A_587 masked %and3A_559 : memref<2x64xi32, #tpu.memory_space<vmem>>[vector<16xi32>, vector<16xi32>], vector<16xi32>, vector<16xi1>
        %reduce_sum3A_588 = arith.constant true
        %reduce_sum3A_589 = vector.broadcast %reduce_sum3A_588 : i1 to vector<16xi1>
        %reduce_sum3A_590 = tpu.scan <sum>, %select_n3A_564 masked %reduce_sum3A_589 : vector<16xi32>, vector<16xi1> -> vector<16xi32>
        %reduce_sum3A_591 = vector.extract %reduce_sum3A_590[15] : i32 from vector<16xi32>
        %add3A_592 = arith.addi %add3A_535, %reduce_sum3A_591 : i32
        %sub3A_593 = arith.subi %add3A_592, %add3A_549 : i32
        %ge3A_594 = arith.constant 64 : i32
        %ge3A_595 = arith.cmpi sge, %sub3A_593, %ge3A_594 : i32
        %shift_right_logical3A_596 = arith.constant 6 : i32
        %shift_right_logical3A_597 = arith.shrui %add3A_549, %shift_right_logical3A_596 : i32
        %rem3A_598 = arith.constant 2 : i32
        %rem3A_599 = arith.remsi %shift_right_logical3A_597, %rem3A_598 : i32
        %convert_element_type3A_600 = arith.extui %ge3A_595 : i1 to i32
        %cond3A_601 = arith.constant 0 : i32
        %cond3A_602 = arith.cmpi ne, %convert_element_type3A_600, %cond3A_601 : i32
        scf.if %cond3A_602 {
          %dma_start3A = arith.constant 0 : i32
          %dma_start3A_778 = tpu.memref_slice %arg8[%rem3A_599, %dma_start3A] : memref<2x64xi32, #tpu.memory_space<vmem>> -> memref<1x64xi32, #tpu.memory_space<vmem>>
          %dma_start3A_779 = tpu.memref_squeeze %dma_start3A_778 : memref<1x64xi32, #tpu.memory_space<vmem>> -> memref<64xi32, #tpu.memory_space<vmem>>
          %dma_start3A_780 = arith.constant 0 : i32
          %dma_start3A_781 = arith.constant 0 : i32
          %dma_start3A_782 = tpu.memref_slice %arg2[%dma_start3A_780, %dma_start3A_781] : memref<800000x128xf32, #tpu.memory_space<hbm>> -> memref<800000x128xf32, #tpu.memory_space<hbm>>
          tpu.enqueue_indirect_dma source(%dma_start3A_782 : memref<800000x128xf32, #tpu.memory_space<hbm>>) target(%arg7 : memref<64x128xf32, #tpu.memory_space<vmem>>) offsets(%dma_start3A_779 : memref<64xi32, #tpu.memory_space<vmem>>) semaphore(%arg11 : memref<!tpu.dma_semaphore, #tpu.memory_space<semaphore_mem>>)
          %dma_wait3A = arith.constant 0 : i32
          %dma_wait3A_783 = tpu.memref_slice %arg8[%rem3A_599, %dma_wait3A] : memref<2x64xi32, #tpu.memory_space<vmem>> -> memref<1x64xi32, #tpu.memory_space<vmem>>
          %dma_wait3A_784 = tpu.memref_squeeze %dma_wait3A_783 : memref<1x64xi32, #tpu.memory_space<vmem>> -> memref<64xi32, #tpu.memory_space<vmem>>
          %dma_wait3A_785 = arith.constant 0 : i32
          %dma_wait3A_786 = arith.constant 0 : i32
          %dma_wait3A_787 = tpu.memref_slice %arg2[%dma_wait3A_785, %dma_wait3A_786] : memref<800000x128xf32, #tpu.memory_space<hbm>> -> memref<800000x128xf32, #tpu.memory_space<hbm>>
          tpu.wait_indirect_dma semaphore(%arg11 : memref<!tpu.dma_semaphore, #tpu.memory_space<semaphore_mem>>) src(%dma_wait3A_787 : memref<800000x128xf32, #tpu.memory_space<hbm>>) dst(%arg7 : memref<64x128xf32, #tpu.memory_space<vmem>>)
          "tpu.region"() ({
            %run_scoped3A = tpu.sem_alloc : memref<!tpu.dma_semaphore, #tpu.memory_space<semaphore_mem>>
            %dma_start3A_788 = arith.constant 0 : i32
            %dma_start3A_789 = tpu.memref_slice %arg9[%rem3A_599, %dma_start3A_788] : memref<2x64xi32, #tpu.memory_space<vmem>> -> memref<1x64xi32, #tpu.memory_space<vmem>>
            %dma_start3A_790 = tpu.memref_squeeze %dma_start3A_789 : memref<1x64xi32, #tpu.memory_space<vmem>> -> memref<64xi32, #tpu.memory_space<vmem>>
            %dma_start3A_791 = arith.constant 0 : i32
            %dma_start3A_792 = arith.constant 0 : i32
            %dma_start3A_793 = tpu.memref_slice %arg5[%dma_start3A_791, %dma_start3A_792] : memref<12520x128xf32, #tpu.memory_space<vmem_shared>> -> memref<12520x128xf32, #tpu.memory_space<vmem_shared>>
            tpu.enqueue_indirect_dma source(%arg7 : memref<64x128xf32, #tpu.memory_space<vmem>>) target(%dma_start3A_793 : memref<12520x128xf32, #tpu.memory_space<vmem_shared>>) offsets(%dma_start3A_790 : memref<64xi32, #tpu.memory_space<vmem>>) semaphore(%run_scoped3A : memref<!tpu.dma_semaphore, #tpu.memory_space<semaphore_mem>>) {add = true}
            %dma_wait3A_794 = arith.constant 0 : i32
            %dma_wait3A_795 = tpu.memref_slice %arg9[%rem3A_599, %dma_wait3A_794] : memref<2x64xi32, #tpu.memory_space<vmem>> -> memref<1x64xi32, #tpu.memory_space<vmem>>
            %dma_wait3A_796 = tpu.memref_squeeze %dma_wait3A_795 : memref<1x64xi32, #tpu.memory_space<vmem>> -> memref<64xi32, #tpu.memory_space<vmem>>
            %dma_wait3A_797 = arith.constant 0 : i32
            %dma_wait3A_798 = arith.constant 0 : i32
            %dma_wait3A_799 = tpu.memref_slice %arg5[%dma_wait3A_797, %dma_wait3A_798] : memref<12520x128xf32, #tpu.memory_space<vmem_shared>> -> memref<12520x128xf32, #tpu.memory_space<vmem_shared>>
            tpu.wait_indirect_dma semaphore(%run_scoped3A : memref<!tpu.dma_semaphore, #tpu.memory_space<semaphore_mem>>) src(%arg7 : memref<64x128xf32, #tpu.memory_space<vmem>>) dst(%dma_wait3A_799 : memref<12520x128xf32, #tpu.memory_space<vmem_shared>>)
            tpu.yield
          }) : () -> ()
        } else {
        }
        %jit3A_603 = arith.constant 64 : i32
        %jit3A_604 = arith.constant 0 : i32
        %select_n3A_605 = arith.select %ge3A_595, %jit3A_603, %jit3A_604 : i32
        %add3A_606 = arith.addi %add3A_549, %select_n3A_605 : i32
        %get3A_607 = arith.index_cast %while3A_320 : i32 to index
        %get3A_608 = arith.constant 80 : index
        %get3A_609 = tpu.vector_load %arg6[%get3A_607, %get3A_608] {strides = array<i32>} : memref<56x128xi32, #tpu.memory_space<vmem>>, vector<16xi32>,
        %ge3A_610 = vector.broadcast %mul3A_164 : i32 to vector<16xi32>
        %ge3A_611 = arith.cmpi sge, %get3A_609, %ge3A_610 : vector<16xi32>
        %add3A_612 = arith.constant 12512 : i32
        %add3A_613 = arith.addi %mul3A_164, %add3A_612 : i32
        %lt3A_614 = vector.broadcast %add3A_613 : i32 to vector<16xi32>
        %lt3A_615 = arith.cmpi slt, %get3A_609, %lt3A_614 : vector<16xi32>
        %and3A_616 = arith.andi %ge3A_611, %lt3A_615 : vector<16xi1>
        %jit3A_617 = arith.constant 1 : i32
        %jit3A_618 = arith.constant 0 : i32
        %broadcast_in_dim3A_619 = vector.broadcast %jit3A_617 : i32 to vector<16xi32>
        %broadcast_in_dim3A_620 = vector.broadcast %jit3A_618 : i32 to vector<16xi32>
        %select_n3A_621 = arith.select %and3A_616, %broadcast_in_dim3A_619, %broadcast_in_dim3A_620 : vector<16xi1>, vector<16xi32>
        %cumsum3A_622 = arith.constant true
        %cumsum3A_623 = vector.broadcast %cumsum3A_622 : i1 to vector<16xi1>
        %cumsum3A_624 = tpu.scan <sum>, %select_n3A_621 masked %cumsum3A_623 : vector<16xi32>, vector<16xi1> -> vector<16xi32>
        %add3A_625 = vector.broadcast %add3A_592 : i32 to vector<16xi32>
        %add3A_626 = arith.addi %add3A_625, %cumsum3A_624 : vector<16xi32>
        %sub3A_627 = arith.constant 1 : i32
        %sub3A_628 = vector.broadcast %sub3A_627 : i32 to vector<16xi32>
        %sub3A_629 = arith.subi %add3A_626, %sub3A_628 : vector<16xi32>
        %rem3A_630 = arith.constant 128 : i32
        %rem3A_631 = vector.broadcast %rem3A_630 : i32 to vector<16xi32>
        %rem3A_632 = arith.remsi %sub3A_629, %rem3A_631 : vector<16xi32>
        %shift_right_logical3A_633 = arith.constant 6 : i32
        %shift_right_logical3A_634 = vector.broadcast %shift_right_logical3A_633 : i32 to vector<16xi32>
        %shift_right_logical3A_635 = arith.shrui %rem3A_632, %shift_right_logical3A_634 : vector<16xi32>
        %rem3A_636 = arith.constant 64 : i32
        %rem3A_637 = vector.broadcast %rem3A_636 : i32 to vector<16xi32>
        %rem3A_638 = arith.remsi %rem3A_632, %rem3A_637 : vector<16xi32>
        %add3A_639 = arith.constant 80 : i32
        %add3A_640 = arith.addi %mul3A_328, %add3A_639 : i32
        %add3A_641 = vector.broadcast %add3A_640 : i32 to vector<16xi32>
        %add3A_642 = arith.addi %add3A_641, %iota3A : vector<16xi32>
        tpu.vector_store_idx %arg8[%shift_right_logical3A_635, %rem3A_638], %add3A_642 masked %and3A_616 : memref<2x64xi32, #tpu.memory_space<vmem>>[vector<16xi32>, vector<16xi32>], vector<16xi32>, vector<16xi1>
        %sub3A_643 = vector.broadcast %mul3A_164 : i32 to vector<16xi32>
        %sub3A_644 = arith.subi %get3A_609, %sub3A_643 : vector<16xi32>
        tpu.vector_store_idx %arg9[%shift_right_logical3A_635, %rem3A_638], %sub3A_644 masked %and3A_616 : memref<2x64xi32, #tpu.memory_space<vmem>>[vector<16xi32>, vector<16xi32>], vector<16xi32>, vector<16xi1>
        %reduce_sum3A_645 = arith.constant true
        %reduce_sum3A_646 = vector.broadcast %reduce_sum3A_645 : i1 to vector<16xi1>
        %reduce_sum3A_647 = tpu.scan <sum>, %select_n3A_621 masked %reduce_sum3A_646 : vector<16xi32>, vector<16xi1> -> vector<16xi32>
        %reduce_sum3A_648 = vector.extract %reduce_sum3A_647[15] : i32 from vector<16xi32>
        %add3A_649 = arith.addi %add3A_592, %reduce_sum3A_648 : i32
        %sub3A_650 = arith.subi %add3A_649, %add3A_606 : i32
        %ge3A_651 = arith.constant 64 : i32
        %ge3A_652 = arith.cmpi sge, %sub3A_650, %ge3A_651 : i32
        %shift_right_logical3A_653 = arith.constant 6 : i32
        %shift_right_logical3A_654 = arith.shrui %add3A_606, %shift_right_logical3A_653 : i32
        %rem3A_655 = arith.constant 2 : i32
        %rem3A_656 = arith.remsi %shift_right_logical3A_654, %rem3A_655 : i32
        %convert_element_type3A_657 = arith.extui %ge3A_652 : i1 to i32
        %cond3A_658 = arith.constant 0 : i32
        %cond3A_659 = arith.cmpi ne, %convert_element_type3A_657, %cond3A_658 : i32
        scf.if %cond3A_659 {
          %dma_start3A = arith.constant 0 : i32
          %dma_start3A_778 = tpu.memref_slice %arg8[%rem3A_656, %dma_start3A] : memref<2x64xi32, #tpu.memory_space<vmem>> -> memref<1x64xi32, #tpu.memory_space<vmem>>
          %dma_start3A_779 = tpu.memref_squeeze %dma_start3A_778 : memref<1x64xi32, #tpu.memory_space<vmem>> -> memref<64xi32, #tpu.memory_space<vmem>>
          %dma_start3A_780 = arith.constant 0 : i32
          %dma_start3A_781 = arith.constant 0 : i32
          %dma_start3A_782 = tpu.memref_slice %arg2[%dma_start3A_780, %dma_start3A_781] : memref<800000x128xf32, #tpu.memory_space<hbm>> -> memref<800000x128xf32, #tpu.memory_space<hbm>>
          tpu.enqueue_indirect_dma source(%dma_start3A_782 : memref<800000x128xf32, #tpu.memory_space<hbm>>) target(%arg7 : memref<64x128xf32, #tpu.memory_space<vmem>>) offsets(%dma_start3A_779 : memref<64xi32, #tpu.memory_space<vmem>>) semaphore(%arg11 : memref<!tpu.dma_semaphore, #tpu.memory_space<semaphore_mem>>)
          %dma_wait3A = arith.constant 0 : i32
          %dma_wait3A_783 = tpu.memref_slice %arg8[%rem3A_656, %dma_wait3A] : memref<2x64xi32, #tpu.memory_space<vmem>> -> memref<1x64xi32, #tpu.memory_space<vmem>>
          %dma_wait3A_784 = tpu.memref_squeeze %dma_wait3A_783 : memref<1x64xi32, #tpu.memory_space<vmem>> -> memref<64xi32, #tpu.memory_space<vmem>>
          %dma_wait3A_785 = arith.constant 0 : i32
          %dma_wait3A_786 = arith.constant 0 : i32
          %dma_wait3A_787 = tpu.memref_slice %arg2[%dma_wait3A_785, %dma_wait3A_786] : memref<800000x128xf32, #tpu.memory_space<hbm>> -> memref<800000x128xf32, #tpu.memory_space<hbm>>
          tpu.wait_indirect_dma semaphore(%arg11 : memref<!tpu.dma_semaphore, #tpu.memory_space<semaphore_mem>>) src(%dma_wait3A_787 : memref<800000x128xf32, #tpu.memory_space<hbm>>) dst(%arg7 : memref<64x128xf32, #tpu.memory_space<vmem>>)
          "tpu.region"() ({
            %run_scoped3A = tpu.sem_alloc : memref<!tpu.dma_semaphore, #tpu.memory_space<semaphore_mem>>
            %dma_start3A_788 = arith.constant 0 : i32
            %dma_start3A_789 = tpu.memref_slice %arg9[%rem3A_656, %dma_start3A_788] : memref<2x64xi32, #tpu.memory_space<vmem>> -> memref<1x64xi32, #tpu.memory_space<vmem>>
            %dma_start3A_790 = tpu.memref_squeeze %dma_start3A_789 : memref<1x64xi32, #tpu.memory_space<vmem>> -> memref<64xi32, #tpu.memory_space<vmem>>
            %dma_start3A_791 = arith.constant 0 : i32
            %dma_start3A_792 = arith.constant 0 : i32
            %dma_start3A_793 = tpu.memref_slice %arg5[%dma_start3A_791, %dma_start3A_792] : memref<12520x128xf32, #tpu.memory_space<vmem_shared>> -> memref<12520x128xf32, #tpu.memory_space<vmem_shared>>
            tpu.enqueue_indirect_dma source(%arg7 : memref<64x128xf32, #tpu.memory_space<vmem>>) target(%dma_start3A_793 : memref<12520x128xf32, #tpu.memory_space<vmem_shared>>) offsets(%dma_start3A_790 : memref<64xi32, #tpu.memory_space<vmem>>) semaphore(%run_scoped3A : memref<!tpu.dma_semaphore, #tpu.memory_space<semaphore_mem>>) {add = true}
            %dma_wait3A_794 = arith.constant 0 : i32
            %dma_wait3A_795 = tpu.memref_slice %arg9[%rem3A_656, %dma_wait3A_794] : memref<2x64xi32, #tpu.memory_space<vmem>> -> memref<1x64xi32, #tpu.memory_space<vmem>>
            %dma_wait3A_796 = tpu.memref_squeeze %dma_wait3A_795 : memref<1x64xi32, #tpu.memory_space<vmem>> -> memref<64xi32, #tpu.memory_space<vmem>>
            %dma_wait3A_797 = arith.constant 0 : i32
            %dma_wait3A_798 = arith.constant 0 : i32
            %dma_wait3A_799 = tpu.memref_slice %arg5[%dma_wait3A_797, %dma_wait3A_798] : memref<12520x128xf32, #tpu.memory_space<vmem_shared>> -> memref<12520x128xf32, #tpu.memory_space<vmem_shared>>
            tpu.wait_indirect_dma semaphore(%run_scoped3A : memref<!tpu.dma_semaphore, #tpu.memory_space<semaphore_mem>>) src(%arg7 : memref<64x128xf32, #tpu.memory_space<vmem>>) dst(%dma_wait3A_799 : memref<12520x128xf32, #tpu.memory_space<vmem_shared>>)
            tpu.yield
          }) : () -> ()
        } else {
        }
        %jit3A_660 = arith.constant 64 : i32
        %jit3A_661 = arith.constant 0 : i32
        %select_n3A_662 = arith.select %ge3A_652, %jit3A_660, %jit3A_661 : i32
        %add3A_663 = arith.addi %add3A_606, %select_n3A_662 : i32
        %get3A_664 = arith.index_cast %while3A_320 : i32 to index
        %get3A_665 = arith.constant 96 : index
        %get3A_666 = tpu.vector_load %arg6[%get3A_664, %get3A_665] {strides = array<i32>} : memref<56x128xi32, #tpu.memory_space<vmem>>, vector<16xi32>,
        %ge3A_667 = vector.broadcast %mul3A_164 : i32 to vector<16xi32>
        %ge3A_668 = arith.cmpi sge, %get3A_666, %ge3A_667 : vector<16xi32>
        %add3A_669 = arith.constant 12512 : i32
        %add3A_670 = arith.addi %mul3A_164, %add3A_669 : i32
        %lt3A_671 = vector.broadcast %add3A_670 : i32 to vector<16xi32>
        %lt3A_672 = arith.cmpi slt, %get3A_666, %lt3A_671 : vector<16xi32>
        %and3A_673 = arith.andi %ge3A_668, %lt3A_672 : vector<16xi1>
        %jit3A_674 = arith.constant 1 : i32
        %jit3A_675 = arith.constant 0 : i32
        %broadcast_in_dim3A_676 = vector.broadcast %jit3A_674 : i32 to vector<16xi32>
        %broadcast_in_dim3A_677 = vector.broadcast %jit3A_675 : i32 to vector<16xi32>
        %select_n3A_678 = arith.select %and3A_673, %broadcast_in_dim3A_676, %broadcast_in_dim3A_677 : vector<16xi1>, vector<16xi32>
        %cumsum3A_679 = arith.constant true
        %cumsum3A_680 = vector.broadcast %cumsum3A_679 : i1 to vector<16xi1>
        %cumsum3A_681 = tpu.scan <sum>, %select_n3A_678 masked %cumsum3A_680 : vector<16xi32>, vector<16xi1> -> vector<16xi32>
        %add3A_682 = vector.broadcast %add3A_649 : i32 to vector<16xi32>
        %add3A_683 = arith.addi %add3A_682, %cumsum3A_681 : vector<16xi32>
        %sub3A_684 = arith.constant 1 : i32
        %sub3A_685 = vector.broadcast %sub3A_684 : i32 to vector<16xi32>
        %sub3A_686 = arith.subi %add3A_683, %sub3A_685 : vector<16xi32>
        %rem3A_687 = arith.constant 128 : i32
        %rem3A_688 = vector.broadcast %rem3A_687 : i32 to vector<16xi32>
        %rem3A_689 = arith.remsi %sub3A_686, %rem3A_688 : vector<16xi32>
        %shift_right_logical3A_690 = arith.constant 6 : i32
        %shift_right_logical3A_691 = vector.broadcast %shift_right_logical3A_690 : i32 to vector<16xi32>
        %shift_right_logical3A_692 = arith.shrui %rem3A_689, %shift_right_logical3A_691 : vector<16xi32>
        %rem3A_693 = arith.constant 64 : i32
        %rem3A_694 = vector.broadcast %rem3A_693 : i32 to vector<16xi32>
        %rem3A_695 = arith.remsi %rem3A_689, %rem3A_694 : vector<16xi32>
        %add3A_696 = arith.constant 96 : i32
        %add3A_697 = arith.addi %mul3A_328, %add3A_696 : i32
        %add3A_698 = vector.broadcast %add3A_697 : i32 to vector<16xi32>
        %add3A_699 = arith.addi %add3A_698, %iota3A : vector<16xi32>
        tpu.vector_store_idx %arg8[%shift_right_logical3A_692, %rem3A_695], %add3A_699 masked %and3A_673 : memref<2x64xi32, #tpu.memory_space<vmem>>[vector<16xi32>, vector<16xi32>], vector<16xi32>, vector<16xi1>
        %sub3A_700 = vector.broadcast %mul3A_164 : i32 to vector<16xi32>
        %sub3A_701 = arith.subi %get3A_666, %sub3A_700 : vector<16xi32>
        tpu.vector_store_idx %arg9[%shift_right_logical3A_692, %rem3A_695], %sub3A_701 masked %and3A_673 : memref<2x64xi32, #tpu.memory_space<vmem>>[vector<16xi32>, vector<16xi32>], vector<16xi32>, vector<16xi1>
        %reduce_sum3A_702 = arith.constant true
        %reduce_sum3A_703 = vector.broadcast %reduce_sum3A_702 : i1 to vector<16xi1>
        %reduce_sum3A_704 = tpu.scan <sum>, %select_n3A_678 masked %reduce_sum3A_703 : vector<16xi32>, vector<16xi1> -> vector<16xi32>
        %reduce_sum3A_705 = vector.extract %reduce_sum3A_704[15] : i32 from vector<16xi32>
        %add3A_706 = arith.addi %add3A_649, %reduce_sum3A_705 : i32
        %sub3A_707 = arith.subi %add3A_706, %add3A_663 : i32
        %ge3A_708 = arith.constant 64 : i32
        %ge3A_709 = arith.cmpi sge, %sub3A_707, %ge3A_708 : i32
        %shift_right_logical3A_710 = arith.constant 6 : i32
        %shift_right_logical3A_711 = arith.shrui %add3A_663, %shift_right_logical3A_710 : i32
        %rem3A_712 = arith.constant 2 : i32
        %rem3A_713 = arith.remsi %shift_right_logical3A_711, %rem3A_712 : i32
        %convert_element_type3A_714 = arith.extui %ge3A_709 : i1 to i32
        %cond3A_715 = arith.constant 0 : i32
        %cond3A_716 = arith.cmpi ne, %convert_element_type3A_714, %cond3A_715 : i32
        scf.if %cond3A_716 {
          %dma_start3A = arith.constant 0 : i32
          %dma_start3A_778 = tpu.memref_slice %arg8[%rem3A_713, %dma_start3A] : memref<2x64xi32, #tpu.memory_space<vmem>> -> memref<1x64xi32, #tpu.memory_space<vmem>>
          %dma_start3A_779 = tpu.memref_squeeze %dma_start3A_778 : memref<1x64xi32, #tpu.memory_space<vmem>> -> memref<64xi32, #tpu.memory_space<vmem>>
          %dma_start3A_780 = arith.constant 0 : i32
          %dma_start3A_781 = arith.constant 0 : i32
          %dma_start3A_782 = tpu.memref_slice %arg2[%dma_start3A_780, %dma_start3A_781] : memref<800000x128xf32, #tpu.memory_space<hbm>> -> memref<800000x128xf32, #tpu.memory_space<hbm>>
          tpu.enqueue_indirect_dma source(%dma_start3A_782 : memref<800000x128xf32, #tpu.memory_space<hbm>>) target(%arg7 : memref<64x128xf32, #tpu.memory_space<vmem>>) offsets(%dma_start3A_779 : memref<64xi32, #tpu.memory_space<vmem>>) semaphore(%arg11 : memref<!tpu.dma_semaphore, #tpu.memory_space<semaphore_mem>>)
          %dma_wait3A = arith.constant 0 : i32
          %dma_wait3A_783 = tpu.memref_slice %arg8[%rem3A_713, %dma_wait3A] : memref<2x64xi32, #tpu.memory_space<vmem>> -> memref<1x64xi32, #tpu.memory_space<vmem>>
          %dma_wait3A_784 = tpu.memref_squeeze %dma_wait3A_783 : memref<1x64xi32, #tpu.memory_space<vmem>> -> memref<64xi32, #tpu.memory_space<vmem>>
          %dma_wait3A_785 = arith.constant 0 : i32
          %dma_wait3A_786 = arith.constant 0 : i32
          %dma_wait3A_787 = tpu.memref_slice %arg2[%dma_wait3A_785, %dma_wait3A_786] : memref<800000x128xf32, #tpu.memory_space<hbm>> -> memref<800000x128xf32, #tpu.memory_space<hbm>>
          tpu.wait_indirect_dma semaphore(%arg11 : memref<!tpu.dma_semaphore, #tpu.memory_space<semaphore_mem>>) src(%dma_wait3A_787 : memref<800000x128xf32, #tpu.memory_space<hbm>>) dst(%arg7 : memref<64x128xf32, #tpu.memory_space<vmem>>)
          "tpu.region"() ({
            %run_scoped3A = tpu.sem_alloc : memref<!tpu.dma_semaphore, #tpu.memory_space<semaphore_mem>>
            %dma_start3A_788 = arith.constant 0 : i32
            %dma_start3A_789 = tpu.memref_slice %arg9[%rem3A_713, %dma_start3A_788] : memref<2x64xi32, #tpu.memory_space<vmem>> -> memref<1x64xi32, #tpu.memory_space<vmem>>
            %dma_start3A_790 = tpu.memref_squeeze %dma_start3A_789 : memref<1x64xi32, #tpu.memory_space<vmem>> -> memref<64xi32, #tpu.memory_space<vmem>>
            %dma_start3A_791 = arith.constant 0 : i32
            %dma_start3A_792 = arith.constant 0 : i32
            %dma_start3A_793 = tpu.memref_slice %arg5[%dma_start3A_791, %dma_start3A_792] : memref<12520x128xf32, #tpu.memory_space<vmem_shared>> -> memref<12520x128xf32, #tpu.memory_space<vmem_shared>>
            tpu.enqueue_indirect_dma source(%arg7 : memref<64x128xf32, #tpu.memory_space<vmem>>) target(%dma_start3A_793 : memref<12520x128xf32, #tpu.memory_space<vmem_shared>>) offsets(%dma_start3A_790 : memref<64xi32, #tpu.memory_space<vmem>>) semaphore(%run_scoped3A : memref<!tpu.dma_semaphore, #tpu.memory_space<semaphore_mem>>) {add = true}
            %dma_wait3A_794 = arith.constant 0 : i32
            %dma_wait3A_795 = tpu.memref_slice %arg9[%rem3A_713, %dma_wait3A_794] : memref<2x64xi32, #tpu.memory_space<vmem>> -> memref<1x64xi32, #tpu.memory_space<vmem>>
            %dma_wait3A_796 = tpu.memref_squeeze %dma_wait3A_795 : memref<1x64xi32, #tpu.memory_space<vmem>> -> memref<64xi32, #tpu.memory_space<vmem>>
            %dma_wait3A_797 = arith.constant 0 : i32
            %dma_wait3A_798 = arith.constant 0 : i32
            %dma_wait3A_799 = tpu.memref_slice %arg5[%dma_wait3A_797, %dma_wait3A_798] : memref<12520x128xf32, #tpu.memory_space<vmem_shared>> -> memref<12520x128xf32, #tpu.memory_space<vmem_shared>>
            tpu.wait_indirect_dma semaphore(%run_scoped3A : memref<!tpu.dma_semaphore, #tpu.memory_space<semaphore_mem>>) src(%arg7 : memref<64x128xf32, #tpu.memory_space<vmem>>) dst(%dma_wait3A_799 : memref<12520x128xf32, #tpu.memory_space<vmem_shared>>)
            tpu.yield
          }) : () -> ()
        } else {
        }
        %jit3A_717 = arith.constant 64 : i32
        %jit3A_718 = arith.constant 0 : i32
        %select_n3A_719 = arith.select %ge3A_709, %jit3A_717, %jit3A_718 : i32
        %add3A_720 = arith.addi %add3A_663, %select_n3A_719 : i32
        %get3A_721 = arith.index_cast %while3A_320 : i32 to index
        %get3A_722 = arith.constant 112 : index
        %get3A_723 = tpu.vector_load %arg6[%get3A_721, %get3A_722] {strides = array<i32>} : memref<56x128xi32, #tpu.memory_space<vmem>>, vector<16xi32>,
        %ge3A_724 = vector.broadcast %mul3A_164 : i32 to vector<16xi32>
        %ge3A_725 = arith.cmpi sge, %get3A_723, %ge3A_724 : vector<16xi32>
        %add3A_726 = arith.constant 12512 : i32
        %add3A_727 = arith.addi %mul3A_164, %add3A_726 : i32
        %lt3A_728 = vector.broadcast %add3A_727 : i32 to vector<16xi32>
        %lt3A_729 = arith.cmpi slt, %get3A_723, %lt3A_728 : vector<16xi32>
        %and3A_730 = arith.andi %ge3A_725, %lt3A_729 : vector<16xi1>
        %jit3A_731 = arith.constant 1 : i32
        %jit3A_732 = arith.constant 0 : i32
        %broadcast_in_dim3A_733 = vector.broadcast %jit3A_731 : i32 to vector<16xi32>
        %broadcast_in_dim3A_734 = vector.broadcast %jit3A_732 : i32 to vector<16xi32>
        %select_n3A_735 = arith.select %and3A_730, %broadcast_in_dim3A_733, %broadcast_in_dim3A_734 : vector<16xi1>, vector<16xi32>
        %cumsum3A_736 = arith.constant true
        %cumsum3A_737 = vector.broadcast %cumsum3A_736 : i1 to vector<16xi1>
        %cumsum3A_738 = tpu.scan <sum>, %select_n3A_735 masked %cumsum3A_737 : vector<16xi32>, vector<16xi1> -> vector<16xi32>
        %add3A_739 = vector.broadcast %add3A_706 : i32 to vector<16xi32>
        %add3A_740 = arith.addi %add3A_739, %cumsum3A_738 : vector<16xi32>
        %sub3A_741 = arith.constant 1 : i32
        %sub3A_742 = vector.broadcast %sub3A_741 : i32 to vector<16xi32>
        %sub3A_743 = arith.subi %add3A_740, %sub3A_742 : vector<16xi32>
        %rem3A_744 = arith.constant 128 : i32
        %rem3A_745 = vector.broadcast %rem3A_744 : i32 to vector<16xi32>
        %rem3A_746 = arith.remsi %sub3A_743, %rem3A_745 : vector<16xi32>
        %shift_right_logical3A_747 = arith.constant 6 : i32
        %shift_right_logical3A_748 = vector.broadcast %shift_right_logical3A_747 : i32 to vector<16xi32>
        %shift_right_logical3A_749 = arith.shrui %rem3A_746, %shift_right_logical3A_748 : vector<16xi32>
        %rem3A_750 = arith.constant 64 : i32
        %rem3A_751 = vector.broadcast %rem3A_750 : i32 to vector<16xi32>
        %rem3A_752 = arith.remsi %rem3A_746, %rem3A_751 : vector<16xi32>
        %add3A_753 = arith.constant 112 : i32
        %add3A_754 = arith.addi %mul3A_328, %add3A_753 : i32
        %add3A_755 = vector.broadcast %add3A_754 : i32 to vector<16xi32>
        %add3A_756 = arith.addi %add3A_755, %iota3A : vector<16xi32>
        tpu.vector_store_idx %arg8[%shift_right_logical3A_749, %rem3A_752], %add3A_756 masked %and3A_730 : memref<2x64xi32, #tpu.memory_space<vmem>>[vector<16xi32>, vector<16xi32>], vector<16xi32>, vector<16xi1>
        %sub3A_757 = vector.broadcast %mul3A_164 : i32 to vector<16xi32>
        %sub3A_758 = arith.subi %get3A_723, %sub3A_757 : vector<16xi32>
        tpu.vector_store_idx %arg9[%shift_right_logical3A_749, %rem3A_752], %sub3A_758 masked %and3A_730 : memref<2x64xi32, #tpu.memory_space<vmem>>[vector<16xi32>, vector<16xi32>], vector<16xi32>, vector<16xi1>
        %reduce_sum3A_759 = arith.constant true
        %reduce_sum3A_760 = vector.broadcast %reduce_sum3A_759 : i1 to vector<16xi1>
        %reduce_sum3A_761 = tpu.scan <sum>, %select_n3A_735 masked %reduce_sum3A_760 : vector<16xi32>, vector<16xi1> -> vector<16xi32>
        %reduce_sum3A_762 = vector.extract %reduce_sum3A_761[15] : i32 from vector<16xi32>
        %add3A_763 = arith.addi %add3A_706, %reduce_sum3A_762 : i32
        %sub3A_764 = arith.subi %add3A_763, %add3A_720 : i32
        %ge3A_765 = arith.constant 64 : i32
        %ge3A_766 = arith.cmpi sge, %sub3A_764, %ge3A_765 : i32
        %shift_right_logical3A_767 = arith.constant 6 : i32
        %shift_right_logical3A_768 = arith.shrui %add3A_720, %shift_right_logical3A_767 : i32
        %rem3A_769 = arith.constant 2 : i32
        %rem3A_770 = arith.remsi %shift_right_logical3A_768, %rem3A_769 : i32
        %convert_element_type3A_771 = arith.extui %ge3A_766 : i1 to i32
        %cond3A_772 = arith.constant 0 : i32
        %cond3A_773 = arith.cmpi ne, %convert_element_type3A_771, %cond3A_772 : i32
        scf.if %cond3A_773 {
          %dma_start3A = arith.constant 0 : i32
          %dma_start3A_778 = tpu.memref_slice %arg8[%rem3A_770, %dma_start3A] : memref<2x64xi32, #tpu.memory_space<vmem>> -> memref<1x64xi32, #tpu.memory_space<vmem>>
          %dma_start3A_779 = tpu.memref_squeeze %dma_start3A_778 : memref<1x64xi32, #tpu.memory_space<vmem>> -> memref<64xi32, #tpu.memory_space<vmem>>
          %dma_start3A_780 = arith.constant 0 : i32
          %dma_start3A_781 = arith.constant 0 : i32
          %dma_start3A_782 = tpu.memref_slice %arg2[%dma_start3A_780, %dma_start3A_781] : memref<800000x128xf32, #tpu.memory_space<hbm>> -> memref<800000x128xf32, #tpu.memory_space<hbm>>
          tpu.enqueue_indirect_dma source(%dma_start3A_782 : memref<800000x128xf32, #tpu.memory_space<hbm>>) target(%arg7 : memref<64x128xf32, #tpu.memory_space<vmem>>) offsets(%dma_start3A_779 : memref<64xi32, #tpu.memory_space<vmem>>) semaphore(%arg11 : memref<!tpu.dma_semaphore, #tpu.memory_space<semaphore_mem>>)
          %dma_wait3A = arith.constant 0 : i32
          %dma_wait3A_783 = tpu.memref_slice %arg8[%rem3A_770, %dma_wait3A] : memref<2x64xi32, #tpu.memory_space<vmem>> -> memref<1x64xi32, #tpu.memory_space<vmem>>
          %dma_wait3A_784 = tpu.memref_squeeze %dma_wait3A_783 : memref<1x64xi32, #tpu.memory_space<vmem>> -> memref<64xi32, #tpu.memory_space<vmem>>
          %dma_wait3A_785 = arith.constant 0 : i32
          %dma_wait3A_786 = arith.constant 0 : i32
          %dma_wait3A_787 = tpu.memref_slice %arg2[%dma_wait3A_785, %dma_wait3A_786] : memref<800000x128xf32, #tpu.memory_space<hbm>> -> memref<800000x128xf32, #tpu.memory_space<hbm>>
          tpu.wait_indirect_dma semaphore(%arg11 : memref<!tpu.dma_semaphore, #tpu.memory_space<semaphore_mem>>) src(%dma_wait3A_787 : memref<800000x128xf32, #tpu.memory_space<hbm>>) dst(%arg7 : memref<64x128xf32, #tpu.memory_space<vmem>>)
          "tpu.region"() ({
            %run_scoped3A = tpu.sem_alloc : memref<!tpu.dma_semaphore, #tpu.memory_space<semaphore_mem>>
            %dma_start3A_788 = arith.constant 0 : i32
            %dma_start3A_789 = tpu.memref_slice %arg9[%rem3A_770, %dma_start3A_788] : memref<2x64xi32, #tpu.memory_space<vmem>> -> memref<1x64xi32, #tpu.memory_space<vmem>>
            %dma_start3A_790 = tpu.memref_squeeze %dma_start3A_789 : memref<1x64xi32, #tpu.memory_space<vmem>> -> memref<64xi32, #tpu.memory_space<vmem>>
            %dma_start3A_791 = arith.constant 0 : i32
            %dma_start3A_792 = arith.constant 0 : i32
            %dma_start3A_793 = tpu.memref_slice %arg5[%dma_start3A_791, %dma_start3A_792] : memref<12520x128xf32, #tpu.memory_space<vmem_shared>> -> memref<12520x128xf32, #tpu.memory_space<vmem_shared>>
            tpu.enqueue_indirect_dma source(%arg7 : memref<64x128xf32, #tpu.memory_space<vmem>>) target(%dma_start3A_793 : memref<12520x128xf32, #tpu.memory_space<vmem_shared>>) offsets(%dma_start3A_790 : memref<64xi32, #tpu.memory_space<vmem>>) semaphore(%run_scoped3A : memref<!tpu.dma_semaphore, #tpu.memory_space<semaphore_mem>>) {add = true}
            %dma_wait3A_794 = arith.constant 0 : i32
            %dma_wait3A_795 = tpu.memref_slice %arg9[%rem3A_770, %dma_wait3A_794] : memref<2x64xi32, #tpu.memory_space<vmem>> -> memref<1x64xi32, #tpu.memory_space<vmem>>
            %dma_wait3A_796 = tpu.memref_squeeze %dma_wait3A_795 : memref<1x64xi32, #tpu.memory_space<vmem>> -> memref<64xi32, #tpu.memory_space<vmem>>
            %dma_wait3A_797 = arith.constant 0 : i32
            %dma_wait3A_798 = arith.constant 0 : i32
            %dma_wait3A_799 = tpu.memref_slice %arg5[%dma_wait3A_797, %dma_wait3A_798] : memref<12520x128xf32, #tpu.memory_space<vmem_shared>> -> memref<12520x128xf32, #tpu.memory_space<vmem_shared>>
            tpu.wait_indirect_dma semaphore(%run_scoped3A : memref<!tpu.dma_semaphore, #tpu.memory_space<semaphore_mem>>) src(%arg7 : memref<64x128xf32, #tpu.memory_space<vmem>>) dst(%dma_wait3A_799 : memref<12520x128xf32, #tpu.memory_space<vmem_shared>>)
            tpu.yield
          }) : () -> ()
        } else {
        }
        %jit3A_774 = arith.constant 64 : i32
        %jit3A_775 = arith.constant 0 : i32
        %select_n3A_776 = arith.select %ge3A_766, %jit3A_774, %jit3A_775 : i32
        %add3A_777 = arith.addi %add3A_720, %select_n3A_776 : i32
        scf.yield %add3A_763, %add3A_777 : i32, i32
      }
      scf.yield %while3A_319#0, %while3A_319#1 : i32, i32
    }
    %scan3A_277 = arith.constant 7 : i32
    %sub3A_278 = arith.subi %scan3A_276#0, %scan3A_276#1 : i32
    %gt3A_279 = arith.constant 0 : i32
    %gt3A_280 = arith.cmpi sgt, %sub3A_278, %gt3A_279 : i32
    %convert_element_type3A_281 = arith.extui %gt3A_280 : i1 to i32
    %cond3A_282 = arith.constant 0 : i32
    %cond3A_283 = arith.cmpi ne, %convert_element_type3A_281, %cond3A_282 : i32
    scf.if %cond3A_283 {
      %shift_right_logical3A = arith.constant 6 : i32
      %shift_right_logical3A_296 = arith.shrui %scan3A_276#1, %shift_right_logical3A : i32
      %rem3A = arith.constant 2 : i32
      %rem3A_297 = arith.remsi %shift_right_logical3A_296, %rem3A : i32
      %add3A_298 = arith.constant 0 : i32
      %add3A_299 = vector.broadcast %add3A_298 : i32 to vector<16xi32>
      %add3A_300 = arith.addi %add3A_299, %iota3A : vector<16xi32>
      %get3A = arith.index_cast %rem3A_297 : i32 to index
      %get3A_301 = arith.constant 0 : index
      %get3A_302 = tpu.vector_load %arg9[%get3A, %get3A_301] {strides = array<i32>} : memref<2x64xi32, #tpu.memory_space<vmem>>, vector<16xi32>,
      %lt3A_303 = vector.broadcast %sub3A_278 : i32 to vector<16xi32>
      %lt3A_304 = arith.cmpi slt, %add3A_300, %lt3A_303 : vector<16xi32>
      %jit3A_305 = arith.constant 12512 : i32
      %broadcast_in_dim3A_306 = vector.broadcast %jit3A_305 : i32 to vector<16xi32>
      %select_n3A_307 = arith.select %lt3A_304, %get3A_302, %broadcast_in_dim3A_306 : vector<16xi1>, vector<16xi32>
      %swap3A_308 = arith.index_cast %rem3A_297 : i32 to index
      %swap3A_309 = arith.constant 0 : index
      %swap3A_310 = tpu.vector_load %arg9[%swap3A_308, %swap3A_309] {strides = array<i32>} : memref<2x64xi32, #tpu.memory_space<vmem>>, vector<16xi32>,
      tpu.vector_store %arg9[%swap3A_308, %swap3A_309], %select_n3A_307 {strides = array<i32>} : memref<2x64xi32, #tpu.memory_space<vmem>>, vector<16xi32>,
      %add3A_311 = arith.constant 16 : i32
      %add3A_312 = vector.broadcast %add3A_311 : i32 to vector<16xi32>
      %add3A_313 = arith.addi %add3A_312, %iota3A : vector<16xi32>
      %get3A_314 = arith.index_cast %rem3A_297 : i32 to index
      %get3A_315 = arith.constant 16 : index
      %get3A_316 = tpu.vector_load %arg9[%get3A_314, %get3A_315] {strides = array<i32>} : memref<2x64xi32, #tpu.memory_space<vmem>>, vector<16xi32>,
      %lt3A_317 = vector.broadcast %sub3A_278 : i32 to vector<16xi32>
      %lt3A_318 = arith.cmpi slt, %add3A_313, %lt3A_317 : vector<16xi32>
      %jit3A_319 = arith.constant 12512 : i32
      %broadcast_in_dim3A_320 = vector.broadcast %jit3A_319 : i32 to vector<16xi32>
      %select_n3A_321 = arith.select %lt3A_318, %get3A_316, %broadcast_in_dim3A_320 : vector<16xi1>, vector<16xi32>
      %swap3A_322 = arith.index_cast %rem3A_297 : i32 to index
      %swap3A_323 = arith.constant 16 : index
      %swap3A_324 = tpu.vector_load %arg9[%swap3A_322, %swap3A_323] {strides = array<i32>} : memref<2x64xi32, #tpu.memory_space<vmem>>, vector<16xi32>,
      tpu.vector_store %arg9[%swap3A_322, %swap3A_323], %select_n3A_321 {strides = array<i32>} : memref<2x64xi32, #tpu.memory_space<vmem>>, vector<16xi32>,
      %add3A_325 = arith.constant 32 : i32
      %add3A_326 = vector.broadcast %add3A_325 : i32 to vector<16xi32>
      %add3A_327 = arith.addi %add3A_326, %iota3A : vector<16xi32>
      %get3A_328 = arith.index_cast %rem3A_297 : i32 to index
      %get3A_329 = arith.constant 32 : index
      %get3A_330 = tpu.vector_load %arg9[%get3A_328, %get3A_329] {strides = array<i32>} : memref<2x64xi32, #tpu.memory_space<vmem>>, vector<16xi32>,
      %lt3A_331 = vector.broadcast %sub3A_278 : i32 to vector<16xi32>
      %lt3A_332 = arith.cmpi slt, %add3A_327, %lt3A_331 : vector<16xi32>
      %jit3A_333 = arith.constant 12512 : i32
      %broadcast_in_dim3A_334 = vector.broadcast %jit3A_333 : i32 to vector<16xi32>
      %select_n3A_335 = arith.select %lt3A_332, %get3A_330, %broadcast_in_dim3A_334 : vector<16xi1>, vector<16xi32>
      %swap3A_336 = arith.index_cast %rem3A_297 : i32 to index
      %swap3A_337 = arith.constant 32 : index
      %swap3A_338 = tpu.vector_load %arg9[%swap3A_336, %swap3A_337] {strides = array<i32>} : memref<2x64xi32, #tpu.memory_space<vmem>>, vector<16xi32>,
      tpu.vector_store %arg9[%swap3A_336, %swap3A_337], %select_n3A_335 {strides = array<i32>} : memref<2x64xi32, #tpu.memory_space<vmem>>, vector<16xi32>,
      %add3A_339 = arith.constant 48 : i32
      %add3A_340 = vector.broadcast %add3A_339 : i32 to vector<16xi32>
      %add3A_341 = arith.addi %add3A_340, %iota3A : vector<16xi32>
      %get3A_342 = arith.index_cast %rem3A_297 : i32 to index
      %get3A_343 = arith.constant 48 : index
      %get3A_344 = tpu.vector_load %arg9[%get3A_342, %get3A_343] {strides = array<i32>} : memref<2x64xi32, #tpu.memory_space<vmem>>, vector<16xi32>,
      %lt3A_345 = vector.broadcast %sub3A_278 : i32 to vector<16xi32>
      %lt3A_346 = arith.cmpi slt, %add3A_341, %lt3A_345 : vector<16xi32>
      %jit3A_347 = arith.constant 12512 : i32
      %broadcast_in_dim3A_348 = vector.broadcast %jit3A_347 : i32 to vector<16xi32>
      %select_n3A_349 = arith.select %lt3A_346, %get3A_344, %broadcast_in_dim3A_348 : vector<16xi1>, vector<16xi32>
      %swap3A_350 = arith.index_cast %rem3A_297 : i32 to index
      %swap3A_351 = arith.constant 48 : index
      %swap3A_352 = tpu.vector_load %arg9[%swap3A_350, %swap3A_351] {strides = array<i32>} : memref<2x64xi32, #tpu.memory_space<vmem>>, vector<16xi32>,
      tpu.vector_store %arg9[%swap3A_350, %swap3A_351], %select_n3A_349 {strides = array<i32>} : memref<2x64xi32, #tpu.memory_space<vmem>>, vector<16xi32>,
      %dma_start3A = arith.constant 0 : i32
      %dma_start3A_353 = tpu.memref_slice %arg8[%rem3A_297, %dma_start3A] : memref<2x64xi32, #tpu.memory_space<vmem>> -> memref<1x64xi32, #tpu.memory_space<vmem>>
      %dma_start3A_354 = tpu.memref_squeeze %dma_start3A_353 : memref<1x64xi32, #tpu.memory_space<vmem>> -> memref<64xi32, #tpu.memory_space<vmem>>
      %dma_start3A_355 = arith.constant 0 : i32
      %dma_start3A_356 = arith.constant 0 : i32
      %dma_start3A_357 = tpu.memref_slice %arg2[%dma_start3A_355, %dma_start3A_356] : memref<800000x128xf32, #tpu.memory_space<hbm>> -> memref<800000x128xf32, #tpu.memory_space<hbm>>
      tpu.enqueue_indirect_dma source(%dma_start3A_357 : memref<800000x128xf32, #tpu.memory_space<hbm>>) target(%arg7 : memref<64x128xf32, #tpu.memory_space<vmem>>) offsets(%dma_start3A_354 : memref<64xi32, #tpu.memory_space<vmem>>) semaphore(%arg11 : memref<!tpu.dma_semaphore, #tpu.memory_space<semaphore_mem>>)
      %dma_wait3A = arith.constant 0 : i32
      %dma_wait3A_358 = tpu.memref_slice %arg8[%rem3A_297, %dma_wait3A] : memref<2x64xi32, #tpu.memory_space<vmem>> -> memref<1x64xi32, #tpu.memory_space<vmem>>
      %dma_wait3A_359 = tpu.memref_squeeze %dma_wait3A_358 : memref<1x64xi32, #tpu.memory_space<vmem>> -> memref<64xi32, #tpu.memory_space<vmem>>
      %dma_wait3A_360 = arith.constant 0 : i32
      %dma_wait3A_361 = arith.constant 0 : i32
      %dma_wait3A_362 = tpu.memref_slice %arg2[%dma_wait3A_360, %dma_wait3A_361] : memref<800000x128xf32, #tpu.memory_space<hbm>> -> memref<800000x128xf32, #tpu.memory_space<hbm>>
      tpu.wait_indirect_dma semaphore(%arg11 : memref<!tpu.dma_semaphore, #tpu.memory_space<semaphore_mem>>) src(%dma_wait3A_362 : memref<800000x128xf32, #tpu.memory_space<hbm>>) dst(%arg7 : memref<64x128xf32, #tpu.memory_space<vmem>>)
      "tpu.region"() ({
        %run_scoped3A = tpu.sem_alloc : memref<!tpu.dma_semaphore, #tpu.memory_space<semaphore_mem>>
        %dma_start3A_363 = arith.constant 0 : i32
        %dma_start3A_364 = tpu.memref_slice %arg9[%rem3A_297, %dma_start3A_363] : memref<2x64xi32, #tpu.memory_space<vmem>> -> memref<1x64xi32, #tpu.memory_space<vmem>>
        %dma_start3A_365 = tpu.memref_squeeze %dma_start3A_364 : memref<1x64xi32, #tpu.memory_space<vmem>> -> memref<64xi32, #tpu.memory_space<vmem>>
        %dma_start3A_366 = arith.constant 0 : i32
        %dma_start3A_367 = arith.constant 0 : i32
        %dma_start3A_368 = tpu.memref_slice %arg5[%dma_start3A_366, %dma_start3A_367] : memref<12520x128xf32, #tpu.memory_space<vmem_shared>> -> memref<12520x128xf32, #tpu.memory_space<vmem_shared>>
        tpu.enqueue_indirect_dma source(%arg7 : memref<64x128xf32, #tpu.memory_space<vmem>>) target(%dma_start3A_368 : memref<12520x128xf32, #tpu.memory_space<vmem_shared>>) offsets(%dma_start3A_365 : memref<64xi32, #tpu.memory_space<vmem>>) semaphore(%run_scoped3A : memref<!tpu.dma_semaphore, #tpu.memory_space<semaphore_mem>>) {add = true}
        %dma_wait3A_369 = arith.constant 0 : i32
        %dma_wait3A_370 = tpu.memref_slice %arg9[%rem3A_297, %dma_wait3A_369] : memref<2x64xi32, #tpu.memory_space<vmem>> -> memref<1x64xi32, #tpu.memory_space<vmem>>
        %dma_wait3A_371 = tpu.memref_squeeze %dma_wait3A_370 : memref<1x64xi32, #tpu.memory_space<vmem>> -> memref<64xi32, #tpu.memory_space<vmem>>
        %dma_wait3A_372 = arith.constant 0 : i32
        %dma_wait3A_373 = arith.constant 0 : i32
        %dma_wait3A_374 = tpu.memref_slice %arg5[%dma_wait3A_372, %dma_wait3A_373] : memref<12520x128xf32, #tpu.memory_space<vmem_shared>> -> memref<12520x128xf32, #tpu.memory_space<vmem_shared>>
        tpu.wait_indirect_dma semaphore(%run_scoped3A : memref<!tpu.dma_semaphore, #tpu.memory_space<semaphore_mem>>) src(%arg7 : memref<64x128xf32, #tpu.memory_space<vmem>>) dst(%dma_wait3A_374 : memref<12520x128xf32, #tpu.memory_space<vmem_shared>>)
        tpu.yield
      }) : () -> ()
    } else {
    }
    %barrier3A_284 = arith.constant 0 : index
    tpu.barrier barrier_id(%barrier3A_284)
    %while3A_285 = arith.constant 0 : i32
    %while3A_286 = arith.constant 0 : i32
    %while3A_287 = arith.subi %add3A_25, %while3A_286 : i32
    %while3A_288 = arith.addi %while3A_286, %while3A_287 : i32
    %while3A_289 = arith.constant 1 : i32
    %while3A_290 = arith.divsi %while3A_287, %while3A_289 : i32
    %while3A_291 = arith.muli %while3A_290, %while3A_289 : i32
    %while3A_292 = arith.addi %while3A_286, %while3A_291 : i32
    %while3A_293 = arith.constant 1 : i32
    scf.for %while3A_296 = %while3A_286 to %while3A_292 step %while3A_293  : i32 {
      %add3A_297 = arith.addi %add3A_18, %while3A_296 : i32
      %mul3A_298 = arith.constant 32 : i32
      %mul3A_299 = arith.muli %add3A_297, %mul3A_298 : i32
      "tpu.region"() ({
        %run_scoped3A = tpu.sem_alloc : memref<!tpu.dma_semaphore, #tpu.memory_space<semaphore_mem>>
        %dma_start3A = arith.constant 0 : i32
        %dma_start3A_301 = tpu.memref_slice %arg5[%mul3A_299, %dma_start3A] : memref<12520x128xf32, #tpu.memory_space<vmem_shared>> -> memref<32x128xf32, #tpu.memory_space<vmem_shared>>
        %dma_start3A_302 = arith.constant 0 : i32
        %dma_start3A_303 = tpu.memref_slice %arg5[%mul3A_299, %dma_start3A_302] : memref<12520x128xf32, #tpu.memory_space<vmem_shared>> -> memref<32x128xf32, #tpu.memory_space<vmem_shared>>
        tpu.enqueue_dma source(%dma_start3A_303 : memref<32x128xf32, #tpu.memory_space<vmem_shared>>) target(%arg10 : memref<32x128xf32, #tpu.memory_space<vmem>>) target_semaphore(%run_scoped3A : memref<!tpu.dma_semaphore, #tpu.memory_space<semaphore_mem>>)
        %dma_wait3A = arith.constant 0 : i32
        %dma_wait3A_304 = tpu.memref_slice %arg5[%mul3A_299, %dma_wait3A] : memref<12520x128xf32, #tpu.memory_space<vmem_shared>> -> memref<32x128xf32, #tpu.memory_space<vmem_shared>>
        %dma_wait3A_305 = arith.constant 0 : i32
        %dma_wait3A_306 = tpu.memref_slice %arg5[%mul3A_299, %dma_wait3A_305] : memref<12520x128xf32, #tpu.memory_space<vmem_shared>> -> memref<32x128xf32, #tpu.memory_space<vmem_shared>>
        tpu.wait_dma2 semaphore(%run_scoped3A : memref<!tpu.dma_semaphore, #tpu.memory_space<semaphore_mem>>) src(%dma_wait3A_306 : memref<32x128xf32, #tpu.memory_space<vmem_shared>>) dst(%arg10 : memref<32x128xf32, #tpu.memory_space<vmem>>)
        tpu.yield
      }) : () -> ()
      %add3A_300 = arith.addi %mul3A_164, %mul3A_299 : i32
      "tpu.region"() ({
        %run_scoped3A = tpu.sem_alloc : memref<!tpu.dma_semaphore, #tpu.memory_space<semaphore_mem>>
        %dma_start3A = arith.constant 0 : i32
        %dma_start3A_301 = tpu.memref_slice %arg4[%add3A_300, %dma_start3A] : memref<50048x128xf32, #tpu.memory_space<hbm>> -> memref<32x128xf32, #tpu.memory_space<hbm>>
        %dma_start3A_302 = arith.constant 0 : i32
        %dma_start3A_303 = tpu.memref_slice %arg4[%add3A_300, %dma_start3A_302] : memref<50048x128xf32, #tpu.memory_space<hbm>> -> memref<32x128xf32, #tpu.memory_space<hbm>>
        tpu.enqueue_dma source(%arg10 : memref<32x128xf32, #tpu.memory_space<vmem>>) target(%dma_start3A_303 : memref<32x128xf32, #tpu.memory_space<hbm>>) target_semaphore(%run_scoped3A : memref<!tpu.dma_semaphore, #tpu.memory_space<semaphore_mem>>)
        %dma_wait3A = arith.constant 0 : i32
        %dma_wait3A_304 = tpu.memref_slice %arg4[%add3A_300, %dma_wait3A] : memref<50048x128xf32, #tpu.memory_space<hbm>> -> memref<32x128xf32, #tpu.memory_space<hbm>>
        %dma_wait3A_305 = arith.constant 0 : i32
        %dma_wait3A_306 = tpu.memref_slice %arg4[%add3A_300, %dma_wait3A_305] : memref<50048x128xf32, #tpu.memory_space<hbm>> -> memref<32x128xf32, #tpu.memory_space<hbm>>
        tpu.wait_dma2 semaphore(%run_scoped3A : memref<!tpu.dma_semaphore, #tpu.memory_space<semaphore_mem>>) src(%arg10 : memref<32x128xf32, #tpu.memory_space<vmem>>) dst(%dma_wait3A_306 : memref<32x128xf32, #tpu.memory_space<hbm>>)
        tpu.yield
      }) : () -> ()
    }
    %while3A_294 = arith.constant 1 : i32
    scf.for %while3A_296 = %while3A_292 to %while3A_288 step %while3A_294  : i32 {
      %add3A_297 = arith.addi %add3A_18, %while3A_296 : i32
      %mul3A_298 = arith.constant 32 : i32
      %mul3A_299 = arith.muli %add3A_297, %mul3A_298 : i32
      "tpu.region"() ({
        %run_scoped3A = tpu.sem_alloc : memref<!tpu.dma_semaphore, #tpu.memory_space<semaphore_mem>>
        %dma_start3A = arith.constant 0 : i32
        %dma_start3A_301 = tpu.memref_slice %arg5[%mul3A_299, %dma_start3A] : memref<12520x128xf32, #tpu.memory_space<vmem_shared>> -> memref<32x128xf32, #tpu.memory_space<vmem_shared>>
        %dma_start3A_302 = arith.constant 0 : i32
        %dma_start3A_303 = tpu.memref_slice %arg5[%mul3A_299, %dma_start3A_302] : memref<12520x128xf32, #tpu.memory_space<vmem_shared>> -> memref<32x128xf32, #tpu.memory_space<vmem_shared>>
        tpu.enqueue_dma source(%dma_start3A_303 : memref<32x128xf32, #tpu.memory_space<vmem_shared>>) target(%arg10 : memref<32x128xf32, #tpu.memory_space<vmem>>) target_semaphore(%run_scoped3A : memref<!tpu.dma_semaphore, #tpu.memory_space<semaphore_mem>>)
        %dma_wait3A = arith.constant 0 : i32
        %dma_wait3A_304 = tpu.memref_slice %arg5[%mul3A_299, %dma_wait3A] : memref<12520x128xf32, #tpu.memory_space<vmem_shared>> -> memref<32x128xf32, #tpu.memory_space<vmem_shared>>
        %dma_wait3A_305 = arith.constant 0 : i32
        %dma_wait3A_306 = tpu.memref_slice %arg5[%mul3A_299, %dma_wait3A_305] : memref<12520x128xf32, #tpu.memory_space<vmem_shared>> -> memref<32x128xf32, #tpu.memory_space<vmem_shared>>
        tpu.wait_dma2 semaphore(%run_scoped3A : memref<!tpu.dma_semaphore, #tpu.memory_space<semaphore_mem>>) src(%dma_wait3A_306 : memref<32x128xf32, #tpu.memory_space<vmem_shared>>) dst(%arg10 : memref<32x128xf32, #tpu.memory_space<vmem>>)
        tpu.yield
      }) : () -> ()
      %add3A_300 = arith.addi %mul3A_164, %mul3A_299 : i32
      "tpu.region"() ({
        %run_scoped3A = tpu.sem_alloc : memref<!tpu.dma_semaphore, #tpu.memory_space<semaphore_mem>>
        %dma_start3A = arith.constant 0 : i32
        %dma_start3A_301 = tpu.memref_slice %arg4[%add3A_300, %dma_start3A] : memref<50048x128xf32, #tpu.memory_space<hbm>> -> memref<32x128xf32, #tpu.memory_space<hbm>>
        %dma_start3A_302 = arith.constant 0 : i32
        %dma_start3A_303 = tpu.memref_slice %arg4[%add3A_300, %dma_start3A_302] : memref<50048x128xf32, #tpu.memory_space<hbm>> -> memref<32x128xf32, #tpu.memory_space<hbm>>
        tpu.enqueue_dma source(%arg10 : memref<32x128xf32, #tpu.memory_space<vmem>>) target(%dma_start3A_303 : memref<32x128xf32, #tpu.memory_space<hbm>>) target_semaphore(%run_scoped3A : memref<!tpu.dma_semaphore, #tpu.memory_space<semaphore_mem>>)
        %dma_wait3A = arith.constant 0 : i32
        %dma_wait3A_304 = tpu.memref_slice %arg4[%add3A_300, %dma_wait3A] : memref<50048x128xf32, #tpu.memory_space<hbm>> -> memref<32x128xf32, #tpu.memory_space<hbm>>
        %dma_wait3A_305 = arith.constant 0 : i32
        %dma_wait3A_306 = tpu.memref_slice %arg4[%add3A_300, %dma_wait3A_305] : memref<50048x128xf32, #tpu.memory_space<hbm>> -> memref<32x128xf32, #tpu.memory_space<hbm>>
        tpu.wait_dma2 semaphore(%run_scoped3A : memref<!tpu.dma_semaphore, #tpu.memory_space<semaphore_mem>>) src(%arg10 : memref<32x128xf32, #tpu.memory_space<vmem>>) dst(%dma_wait3A_306 : memref<32x128xf32, #tpu.memory_space<hbm>>)
        tpu.yield
      }) : () -> ()
    }
    %barrier3A_295 = arith.constant 0 : index
    tpu.barrier barrier_id(%barrier3A_295)
    return
  }
}

#map = affine_map<(d0, d1) -> (0, 0)>
module attributes {stable_mosaic.version = 14 : i64} {
  func.func @k(%arg0: i32, %arg1: i32, %arg2: memref<50000x64xf32, #tpu.memory_space<hbm>>, %arg3: memref<6283x128xi32, #tpu.memory_space<hbm>>, %arg4: memref<6283x128xi32, #tpu.memory_space<hbm>>, %arg5: memref<800000x64xf32, #tpu.memory_space<hbm>>, %arg6: memref<800000x64xf32, #tpu.memory_space<hbm>>, %arg7: memref<200x128xi32, #tpu.memory_space<vmem>>, %arg8: memref<200x128xi32, #tpu.memory_space<vmem>>, %arg9: memref<128x64xf32, #tpu.memory_space<vmem>>, %arg10: memref<128x64xf32, #tpu.memory_space<vmem>>, %arg11: memref<128x64xf32, #tpu.memory_space<vmem>>, %arg12: memref<128x64xf32, #tpu.memory_space<vmem>>, %arg13: memref<!tpu.dma_semaphore, #tpu.memory_space<semaphore_mem>>, %arg14: memref<!tpu.dma_semaphore, #tpu.memory_space<semaphore_mem>>, %arg15: memref<!tpu.dma_semaphore, #tpu.memory_space<semaphore_mem>>, %arg16: memref<!tpu.dma_semaphore, #tpu.memory_space<semaphore_mem>>) attributes {dimension_semantics = [#tpu.dimension_semantics<core_parallel>, #tpu.dimension_semantics<subcore_parallel>], iteration_bounds = array<i64: 2, 16>, scalar_prefetch = 0 : i64, scratch_operands = 10 : i64, tpu.core_type = #tpu.core_type<sc_vector_subcore>, window_params = [{transform_indices = #map}, {transform_indices = #map}, {transform_indices = #map}, {transform_indices = #map}, {transform_indices = #map}]} {
    %mul3A = arith.constant 16 : i32
    %mul3A_0 = arith.muli %arg0, %mul3A : i32
    %add3A = arith.addi %mul3A_0, %arg1 : i32
    %mul3A_1 = arith.constant 24 : i32
    %mul3A_2 = arith.muli %add3A, %mul3A_1 : i32
    %min3A = arith.constant 14 : i32
    %min3A_3 = arith.minsi %add3A, %min3A : i32
    %add3A_4 = arith.addi %mul3A_2, %min3A_3 : i32
    %mul3A_5 = arith.constant 8 : i32
    %mul3A_6 = arith.muli %add3A_4, %mul3A_5 : i32
    %lt3A = arith.constant 14 : i32
    %lt3A_7 = arith.cmpi slt, %add3A, %lt3A : i32
    %jit3A = arith.constant 1 : i32
    %jit3A_8 = arith.constant 0 : i32
    %select_n3A = arith.select %lt3A_7, %jit3A, %jit3A_8 : i32
    %add3A_9 = arith.constant 24 : i32
    %add3A_10 = arith.addi %add3A_9, %select_n3A : i32
    %mul3A_11 = arith.constant 8 : i32
    %mul3A_12 = arith.muli %add3A_10, %mul3A_11 : i32
    %add3A_13 = arith.addi %mul3A_6, %mul3A_12 : i32
    %min3A_14 = arith.constant 6250 : i32
    %min3A_15 = arith.minsi %add3A_13, %min3A_14 : i32
    %sub3A = arith.subi %min3A_15, %mul3A_6 : i32
    %max3A = arith.constant 0 : i32
    %max3A_16 = arith.maxsi %sub3A, %max3A : i32
    "tpu.region"() ({
      %run_scoped3A = tpu.sem_alloc : memref<!tpu.dma_semaphore, #tpu.memory_space<semaphore_mem>>
      %dma_start3A = arith.constant 0 : i32
      %dma_start3A_49 = tpu.memref_slice %arg3[%mul3A_6, %dma_start3A] : memref<6283x128xi32, #tpu.memory_space<hbm>> -> memref<200x128xi32, #tpu.memory_space<hbm>>
      %dma_start3A_50 = arith.constant 0 : i32
      %dma_start3A_51 = tpu.memref_slice %arg3[%mul3A_6, %dma_start3A_50] : memref<6283x128xi32, #tpu.memory_space<hbm>> -> memref<200x128xi32, #tpu.memory_space<hbm>>
      tpu.enqueue_dma source(%dma_start3A_51 : memref<200x128xi32, #tpu.memory_space<hbm>>) target(%arg7 : memref<200x128xi32, #tpu.memory_space<vmem>>) target_semaphore(%run_scoped3A : memref<!tpu.dma_semaphore, #tpu.memory_space<semaphore_mem>>)
      %dma_wait3A = arith.constant 0 : i32
      %dma_wait3A_52 = tpu.memref_slice %arg3[%mul3A_6, %dma_wait3A] : memref<6283x128xi32, #tpu.memory_space<hbm>> -> memref<200x128xi32, #tpu.memory_space<hbm>>
      %dma_wait3A_53 = arith.constant 0 : i32
      %dma_wait3A_54 = tpu.memref_slice %arg3[%mul3A_6, %dma_wait3A_53] : memref<6283x128xi32, #tpu.memory_space<hbm>> -> memref<200x128xi32, #tpu.memory_space<hbm>>
      tpu.wait_dma2 semaphore(%run_scoped3A : memref<!tpu.dma_semaphore, #tpu.memory_space<semaphore_mem>>) src(%dma_wait3A_54 : memref<200x128xi32, #tpu.memory_space<hbm>>) dst(%arg7 : memref<200x128xi32, #tpu.memory_space<vmem>>)
      tpu.yield
    }) : () -> ()
    "tpu.region"() ({
      %run_scoped3A = tpu.sem_alloc : memref<!tpu.dma_semaphore, #tpu.memory_space<semaphore_mem>>
      %dma_start3A = arith.constant 0 : i32
      %dma_start3A_49 = tpu.memref_slice %arg4[%mul3A_6, %dma_start3A] : memref<6283x128xi32, #tpu.memory_space<hbm>> -> memref<200x128xi32, #tpu.memory_space<hbm>>
      %dma_start3A_50 = arith.constant 0 : i32
      %dma_start3A_51 = tpu.memref_slice %arg4[%mul3A_6, %dma_start3A_50] : memref<6283x128xi32, #tpu.memory_space<hbm>> -> memref<200x128xi32, #tpu.memory_space<hbm>>
      tpu.enqueue_dma source(%dma_start3A_51 : memref<200x128xi32, #tpu.memory_space<hbm>>) target(%arg8 : memref<200x128xi32, #tpu.memory_space<vmem>>) target_semaphore(%run_scoped3A : memref<!tpu.dma_semaphore, #tpu.memory_space<semaphore_mem>>)
      %dma_wait3A = arith.constant 0 : i32
      %dma_wait3A_52 = tpu.memref_slice %arg4[%mul3A_6, %dma_wait3A] : memref<6283x128xi32, #tpu.memory_space<hbm>> -> memref<200x128xi32, #tpu.memory_space<hbm>>
      %dma_wait3A_53 = arith.constant 0 : i32
      %dma_wait3A_54 = tpu.memref_slice %arg4[%mul3A_6, %dma_wait3A_53] : memref<6283x128xi32, #tpu.memory_space<hbm>> -> memref<200x128xi32, #tpu.memory_space<hbm>>
      tpu.wait_dma2 semaphore(%run_scoped3A : memref<!tpu.dma_semaphore, #tpu.memory_space<semaphore_mem>>) src(%dma_wait3A_54 : memref<200x128xi32, #tpu.memory_space<hbm>>) dst(%arg8 : memref<200x128xi32, #tpu.memory_space<vmem>>)
      tpu.yield
    }) : () -> ()
    %gt3A = arith.constant 0 : i32
    %gt3A_17 = arith.cmpi sgt, %max3A_16, %gt3A : i32
    %convert_element_type3A = arith.extui %gt3A_17 : i1 to i32
    %cond3A = arith.constant 0 : i32
    %cond3A_18 = arith.cmpi ne, %convert_element_type3A, %cond3A : i32
    scf.if %cond3A_18 {
      %dma_start3A = arith.constant 0 : i32
      %dma_start3A_49 = arith.constant 0 : i32
      %dma_start3A_50 = tpu.memref_slice %arg7[%dma_start3A, %dma_start3A_49] : memref<200x128xi32, #tpu.memory_space<vmem>> -> memref<1x128xi32, #tpu.memory_space<vmem>>
      %dma_start3A_51 = tpu.memref_squeeze %dma_start3A_50 : memref<1x128xi32, #tpu.memory_space<vmem>> -> memref<128xi32, #tpu.memory_space<vmem>>
      %dma_start3A_52 = arith.constant 0 : i32
      %dma_start3A_53 = arith.constant 0 : i32
      %dma_start3A_54 = tpu.memref_slice %arg2[%dma_start3A_52, %dma_start3A_53] : memref<50000x64xf32, #tpu.memory_space<hbm>> -> memref<50000x64xf32, #tpu.memory_space<hbm>>
      tpu.enqueue_indirect_dma source(%dma_start3A_54 : memref<50000x64xf32, #tpu.memory_space<hbm>>) target(%arg9 : memref<128x64xf32, #tpu.memory_space<vmem>>) offsets(%dma_start3A_51 : memref<128xi32, #tpu.memory_space<vmem>>) semaphore(%arg13 : memref<!tpu.dma_semaphore, #tpu.memory_space<semaphore_mem>>)
      %dma_start3A_55 = arith.constant 0 : i32
      %dma_start3A_56 = arith.constant 0 : i32
      %dma_start3A_57 = tpu.memref_slice %arg8[%dma_start3A_55, %dma_start3A_56] : memref<200x128xi32, #tpu.memory_space<vmem>> -> memref<1x128xi32, #tpu.memory_space<vmem>>
      %dma_start3A_58 = tpu.memref_squeeze %dma_start3A_57 : memref<1x128xi32, #tpu.memory_space<vmem>> -> memref<128xi32, #tpu.memory_space<vmem>>
      %dma_start3A_59 = arith.constant 0 : i32
      %dma_start3A_60 = arith.constant 0 : i32
      %dma_start3A_61 = tpu.memref_slice %arg2[%dma_start3A_59, %dma_start3A_60] : memref<50000x64xf32, #tpu.memory_space<hbm>> -> memref<50000x64xf32, #tpu.memory_space<hbm>>
      tpu.enqueue_indirect_dma source(%dma_start3A_61 : memref<50000x64xf32, #tpu.memory_space<hbm>>) target(%arg10 : memref<128x64xf32, #tpu.memory_space<vmem>>) offsets(%dma_start3A_58 : memref<128xi32, #tpu.memory_space<vmem>>) semaphore(%arg14 : memref<!tpu.dma_semaphore, #tpu.memory_space<semaphore_mem>>)
    } else {
    }
    %add3A_19 = arith.constant 1 : i32
    %add3A_20 = arith.addi %max3A_16, %add3A_19 : i32
    %jit3A_21 = arith.constant 2 : i32
    %div3A = arith.divsi %add3A_20, %jit3A_21 : i32
    %sign3A = arith.constant 0 : i32
    %sign3A_22 = arith.cmpi sgt, %add3A_20, %sign3A : i32
    %sign3A_23 = arith.extui %sign3A_22 : i1 to i32
    %sign3A_24 = arith.constant 0 : i32
    %sign3A_25 = arith.cmpi slt, %add3A_20, %sign3A_24 : i32
    %sign3A_26 = arith.extui %sign3A_25 : i1 to i32
    %sign3A_27 = arith.subi %sign3A_23, %sign3A_26 : i32
    %sign3A_28 = arith.constant 0 : i32
    %sign3A_29 = arith.cmpi sgt, %jit3A_21, %sign3A_28 : i32
    %sign3A_30 = arith.extui %sign3A_29 : i1 to i32
    %sign3A_31 = arith.constant 0 : i32
    %sign3A_32 = arith.cmpi slt, %jit3A_21, %sign3A_31 : i32
    %sign3A_33 = arith.extui %sign3A_32 : i1 to i32
    %sign3A_34 = arith.subi %sign3A_30, %sign3A_33 : i32
    %ne3A = arith.cmpi ne, %sign3A_27, %sign3A_34 : i32
    %rem3A = arith.remsi %add3A_20, %jit3A_21 : i32
    %ne3A_35 = arith.constant 0 : i32
    %ne3A_36 = arith.cmpi ne, %rem3A, %ne3A_35 : i32
    %and3A = arith.andi %ne3A, %ne3A_36 : i1
    %sub3A_37 = arith.constant 1 : i32
    %sub3A_38 = arith.subi %div3A, %sub3A_37 : i32
    %select_n3A_39 = arith.select %and3A, %sub3A_38, %div3A : i32
    %while3A = arith.constant 0 : i32
    %while3A_40 = arith.constant 0 : i32
    %while3A_41 = arith.subi %select_n3A_39, %while3A_40 : i32
    %while3A_42 = arith.addi %while3A_40, %while3A_41 : i32
    %while3A_43 = arith.constant 1 : i32
    %while3A_44 = arith.divsi %while3A_41, %while3A_43 : i32
    %while3A_45 = arith.muli %while3A_44, %while3A_43 : i32
    %while3A_46 = arith.addi %while3A_40, %while3A_45 : i32
    %while3A_47 = arith.constant 1 : i32
    scf.for %while3A_49 = %while3A_40 to %while3A_46 step %while3A_47  : i32 {
      %mul3A_50 = arith.constant 2 : i32
      %mul3A_51 = arith.muli %mul3A_50, %while3A_49 : i32
      %mul3A_52 = arith.constant 2 : i32
      %mul3A_53 = arith.muli %mul3A_52, %while3A_49 : i32
      %add3A_54 = arith.constant 1 : i32
      %add3A_55 = arith.addi %mul3A_53, %add3A_54 : i32
      %lt3A_56 = arith.cmpi slt, %mul3A_51, %max3A_16 : i32
      %convert_element_type3A_57 = arith.extui %lt3A_56 : i1 to i32
      %cond3A_58 = arith.constant 0 : i32
      %cond3A_59 = arith.cmpi ne, %convert_element_type3A_57, %cond3A_58 : i32
      scf.if %cond3A_59 {
        %dma_wait3A = arith.constant 0 : i32
        %dma_wait3A_64 = arith.constant 0 : i32
        %dma_wait3A_65 = tpu.memref_slice %arg7[%dma_wait3A, %dma_wait3A_64] : memref<200x128xi32, #tpu.memory_space<vmem>> -> memref<1x128xi32, #tpu.memory_space<vmem>>
        %dma_wait3A_66 = tpu.memref_squeeze %dma_wait3A_65 : memref<1x128xi32, #tpu.memory_space<vmem>> -> memref<128xi32, #tpu.memory_space<vmem>>
        %dma_wait3A_67 = arith.constant 0 : i32
        %dma_wait3A_68 = arith.constant 0 : i32
        %dma_wait3A_69 = tpu.memref_slice %arg2[%dma_wait3A_67, %dma_wait3A_68] : memref<50000x64xf32, #tpu.memory_space<hbm>> -> memref<50000x64xf32, #tpu.memory_space<hbm>>
        tpu.wait_indirect_dma semaphore(%arg13 : memref<!tpu.dma_semaphore, #tpu.memory_space<semaphore_mem>>) src(%dma_wait3A_69 : memref<50000x64xf32, #tpu.memory_space<hbm>>) dst(%arg9 : memref<128x64xf32, #tpu.memory_space<vmem>>)
        %dma_wait3A_70 = arith.constant 0 : i32
        %dma_wait3A_71 = arith.constant 0 : i32
        %dma_wait3A_72 = tpu.memref_slice %arg8[%dma_wait3A_70, %dma_wait3A_71] : memref<200x128xi32, #tpu.memory_space<vmem>> -> memref<1x128xi32, #tpu.memory_space<vmem>>
        %dma_wait3A_73 = tpu.memref_squeeze %dma_wait3A_72 : memref<1x128xi32, #tpu.memory_space<vmem>> -> memref<128xi32, #tpu.memory_space<vmem>>
        %dma_wait3A_74 = arith.constant 0 : i32
        %dma_wait3A_75 = arith.constant 0 : i32
        %dma_wait3A_76 = tpu.memref_slice %arg2[%dma_wait3A_74, %dma_wait3A_75] : memref<50000x64xf32, #tpu.memory_space<hbm>> -> memref<50000x64xf32, #tpu.memory_space<hbm>>
        tpu.wait_indirect_dma semaphore(%arg14 : memref<!tpu.dma_semaphore, #tpu.memory_space<semaphore_mem>>) src(%dma_wait3A_76 : memref<50000x64xf32, #tpu.memory_space<hbm>>) dst(%arg10 : memref<128x64xf32, #tpu.memory_space<vmem>>)
        %lt3A_77 = arith.cmpi slt, %add3A_55, %max3A_16 : i32
        %convert_element_type3A_78 = arith.extui %lt3A_77 : i1 to i32
        %cond3A_79 = arith.constant 0 : i32
        %cond3A_80 = arith.cmpi ne, %convert_element_type3A_78, %cond3A_79 : i32
        scf.if %cond3A_80 {
          %dma_start3A = arith.constant 0 : i32
          %dma_start3A_84 = tpu.memref_slice %arg7[%add3A_55, %dma_start3A] : memref<200x128xi32, #tpu.memory_space<vmem>> -> memref<1x128xi32, #tpu.memory_space<vmem>>
          %dma_start3A_85 = tpu.memref_squeeze %dma_start3A_84 : memref<1x128xi32, #tpu.memory_space<vmem>> -> memref<128xi32, #tpu.memory_space<vmem>>
          %dma_start3A_86 = arith.constant 0 : i32
          %dma_start3A_87 = arith.constant 0 : i32
          %dma_start3A_88 = tpu.memref_slice %arg2[%dma_start3A_86, %dma_start3A_87] : memref<50000x64xf32, #tpu.memory_space<hbm>> -> memref<50000x64xf32, #tpu.memory_space<hbm>>
          tpu.enqueue_indirect_dma source(%dma_start3A_88 : memref<50000x64xf32, #tpu.memory_space<hbm>>) target(%arg11 : memref<128x64xf32, #tpu.memory_space<vmem>>) offsets(%dma_start3A_85 : memref<128xi32, #tpu.memory_space<vmem>>) semaphore(%arg15 : memref<!tpu.dma_semaphore, #tpu.memory_space<semaphore_mem>>)
          %dma_start3A_89 = arith.constant 0 : i32
          %dma_start3A_90 = tpu.memref_slice %arg8[%add3A_55, %dma_start3A_89] : memref<200x128xi32, #tpu.memory_space<vmem>> -> memref<1x128xi32, #tpu.memory_space<vmem>>
          %dma_start3A_91 = tpu.memref_squeeze %dma_start3A_90 : memref<1x128xi32, #tpu.memory_space<vmem>> -> memref<128xi32, #tpu.memory_space<vmem>>
          %dma_start3A_92 = arith.constant 0 : i32
          %dma_start3A_93 = arith.constant 0 : i32
          %dma_start3A_94 = tpu.memref_slice %arg2[%dma_start3A_92, %dma_start3A_93] : memref<50000x64xf32, #tpu.memory_space<hbm>> -> memref<50000x64xf32, #tpu.memory_space<hbm>>
          tpu.enqueue_indirect_dma source(%dma_start3A_94 : memref<50000x64xf32, #tpu.memory_space<hbm>>) target(%arg12 : memref<128x64xf32, #tpu.memory_space<vmem>>) offsets(%dma_start3A_91 : memref<128xi32, #tpu.memory_space<vmem>>) semaphore(%arg16 : memref<!tpu.dma_semaphore, #tpu.memory_space<semaphore_mem>>)
        } else {
        }
        %add3A_81 = arith.addi %mul3A_6, %mul3A_51 : i32
        %mul3A_82 = arith.constant 128 : i32
        %mul3A_83 = arith.muli %add3A_81, %mul3A_82 : i32
        "tpu.region"() ({
          %run_scoped3A = tpu.sem_alloc : memref<!tpu.dma_semaphore, #tpu.memory_space<semaphore_mem>>
          %dma_start3A = arith.constant 0 : i32
          %dma_start3A_84 = tpu.memref_slice %arg5[%mul3A_83, %dma_start3A] : memref<800000x64xf32, #tpu.memory_space<hbm>> -> memref<128x64xf32, #tpu.memory_space<hbm>>
          %dma_start3A_85 = arith.constant 0 : i32
          %dma_start3A_86 = tpu.memref_slice %arg5[%mul3A_83, %dma_start3A_85] : memref<800000x64xf32, #tpu.memory_space<hbm>> -> memref<128x64xf32, #tpu.memory_space<hbm>>
          tpu.enqueue_dma source(%arg9 : memref<128x64xf32, #tpu.memory_space<vmem>>) target(%dma_start3A_86 : memref<128x64xf32, #tpu.memory_space<hbm>>) target_semaphore(%run_scoped3A : memref<!tpu.dma_semaphore, #tpu.memory_space<semaphore_mem>>)
          %dma_wait3A_87 = arith.constant 0 : i32
          %dma_wait3A_88 = tpu.memref_slice %arg5[%mul3A_83, %dma_wait3A_87] : memref<800000x64xf32, #tpu.memory_space<hbm>> -> memref<128x64xf32, #tpu.memory_space<hbm>>
          %dma_wait3A_89 = arith.constant 0 : i32
          %dma_wait3A_90 = tpu.memref_slice %arg5[%mul3A_83, %dma_wait3A_89] : memref<800000x64xf32, #tpu.memory_space<hbm>> -> memref<128x64xf32, #tpu.memory_space<hbm>>
          tpu.wait_dma2 semaphore(%run_scoped3A : memref<!tpu.dma_semaphore, #tpu.memory_space<semaphore_mem>>) src(%arg9 : memref<128x64xf32, #tpu.memory_space<vmem>>) dst(%dma_wait3A_90 : memref<128x64xf32, #tpu.memory_space<hbm>>)
          tpu.yield
        }) : () -> ()
        "tpu.region"() ({
          %run_scoped3A = tpu.sem_alloc : memref<!tpu.dma_semaphore, #tpu.memory_space<semaphore_mem>>
          %dma_start3A = arith.constant 0 : i32
          %dma_start3A_84 = tpu.memref_slice %arg6[%mul3A_83, %dma_start3A] : memref<800000x64xf32, #tpu.memory_space<hbm>> -> memref<128x64xf32, #tpu.memory_space<hbm>>
          %dma_start3A_85 = arith.constant 0 : i32
          %dma_start3A_86 = tpu.memref_slice %arg6[%mul3A_83, %dma_start3A_85] : memref<800000x64xf32, #tpu.memory_space<hbm>> -> memref<128x64xf32, #tpu.memory_space<hbm>>
          tpu.enqueue_dma source(%arg10 : memref<128x64xf32, #tpu.memory_space<vmem>>) target(%dma_start3A_86 : memref<128x64xf32, #tpu.memory_space<hbm>>) target_semaphore(%run_scoped3A : memref<!tpu.dma_semaphore, #tpu.memory_space<semaphore_mem>>)
          %dma_wait3A_87 = arith.constant 0 : i32
          %dma_wait3A_88 = tpu.memref_slice %arg6[%mul3A_83, %dma_wait3A_87] : memref<800000x64xf32, #tpu.memory_space<hbm>> -> memref<128x64xf32, #tpu.memory_space<hbm>>
          %dma_wait3A_89 = arith.constant 0 : i32
          %dma_wait3A_90 = tpu.memref_slice %arg6[%mul3A_83, %dma_wait3A_89] : memref<800000x64xf32, #tpu.memory_space<hbm>> -> memref<128x64xf32, #tpu.memory_space<hbm>>
          tpu.wait_dma2 semaphore(%run_scoped3A : memref<!tpu.dma_semaphore, #tpu.memory_space<semaphore_mem>>) src(%arg10 : memref<128x64xf32, #tpu.memory_space<vmem>>) dst(%dma_wait3A_90 : memref<128x64xf32, #tpu.memory_space<hbm>>)
          tpu.yield
        }) : () -> ()
      } else {
      }
      %lt3A_60 = arith.cmpi slt, %add3A_55, %max3A_16 : i32
      %convert_element_type3A_61 = arith.extui %lt3A_60 : i1 to i32
      %cond3A_62 = arith.constant 0 : i32
      %cond3A_63 = arith.cmpi ne, %convert_element_type3A_61, %cond3A_62 : i32
      scf.if %cond3A_63 {
        %dma_wait3A = arith.constant 0 : i32
        %dma_wait3A_64 = arith.constant 0 : i32
        %dma_wait3A_65 = tpu.memref_slice %arg7[%dma_wait3A, %dma_wait3A_64] : memref<200x128xi32, #tpu.memory_space<vmem>> -> memref<1x128xi32, #tpu.memory_space<vmem>>
        %dma_wait3A_66 = tpu.memref_squeeze %dma_wait3A_65 : memref<1x128xi32, #tpu.memory_space<vmem>> -> memref<128xi32, #tpu.memory_space<vmem>>
        %dma_wait3A_67 = arith.constant 0 : i32
        %dma_wait3A_68 = arith.constant 0 : i32
        %dma_wait3A_69 = tpu.memref_slice %arg2[%dma_wait3A_67, %dma_wait3A_68] : memref<50000x64xf32, #tpu.memory_space<hbm>> -> memref<50000x64xf32, #tpu.memory_space<hbm>>
        tpu.wait_indirect_dma semaphore(%arg15 : memref<!tpu.dma_semaphore, #tpu.memory_space<semaphore_mem>>) src(%dma_wait3A_69 : memref<50000x64xf32, #tpu.memory_space<hbm>>) dst(%arg11 : memref<128x64xf32, #tpu.memory_space<vmem>>)
        %dma_wait3A_70 = arith.constant 0 : i32
        %dma_wait3A_71 = arith.constant 0 : i32
        %dma_wait3A_72 = tpu.memref_slice %arg8[%dma_wait3A_70, %dma_wait3A_71] : memref<200x128xi32, #tpu.memory_space<vmem>> -> memref<1x128xi32, #tpu.memory_space<vmem>>
        %dma_wait3A_73 = tpu.memref_squeeze %dma_wait3A_72 : memref<1x128xi32, #tpu.memory_space<vmem>> -> memref<128xi32, #tpu.memory_space<vmem>>
        %dma_wait3A_74 = arith.constant 0 : i32
        %dma_wait3A_75 = arith.constant 0 : i32
        %dma_wait3A_76 = tpu.memref_slice %arg2[%dma_wait3A_74, %dma_wait3A_75] : memref<50000x64xf32, #tpu.memory_space<hbm>> -> memref<50000x64xf32, #tpu.memory_space<hbm>>
        tpu.wait_indirect_dma semaphore(%arg16 : memref<!tpu.dma_semaphore, #tpu.memory_space<semaphore_mem>>) src(%dma_wait3A_76 : memref<50000x64xf32, #tpu.memory_space<hbm>>) dst(%arg12 : memref<128x64xf32, #tpu.memory_space<vmem>>)
        %add3A_77 = arith.constant 1 : i32
        %add3A_78 = arith.addi %add3A_55, %add3A_77 : i32
        %lt3A_79 = arith.cmpi slt, %add3A_78, %max3A_16 : i32
        %convert_element_type3A_80 = arith.extui %lt3A_79 : i1 to i32
        %cond3A_81 = arith.constant 0 : i32
        %cond3A_82 = arith.cmpi ne, %convert_element_type3A_80, %cond3A_81 : i32
        scf.if %cond3A_82 {
          %add3A_86 = arith.constant 1 : i32
          %add3A_87 = arith.addi %add3A_55, %add3A_86 : i32
          %dma_start3A = arith.constant 0 : i32
          %dma_start3A_88 = tpu.memref_slice %arg7[%add3A_87, %dma_start3A] : memref<200x128xi32, #tpu.memory_space<vmem>> -> memref<1x128xi32, #tpu.memory_space<vmem>>
          %dma_start3A_89 = tpu.memref_squeeze %dma_start3A_88 : memref<1x128xi32, #tpu.memory_space<vmem>> -> memref<128xi32, #tpu.memory_space<vmem>>
          %dma_start3A_90 = arith.constant 0 : i32
          %dma_start3A_91 = arith.constant 0 : i32
          %dma_start3A_92 = tpu.memref_slice %arg2[%dma_start3A_90, %dma_start3A_91] : memref<50000x64xf32, #tpu.memory_space<hbm>> -> memref<50000x64xf32, #tpu.memory_space<hbm>>
          tpu.enqueue_indirect_dma source(%dma_start3A_92 : memref<50000x64xf32, #tpu.memory_space<hbm>>) target(%arg9 : memref<128x64xf32, #tpu.memory_space<vmem>>) offsets(%dma_start3A_89 : memref<128xi32, #tpu.memory_space<vmem>>) semaphore(%arg13 : memref<!tpu.dma_semaphore, #tpu.memory_space<semaphore_mem>>)
          %dma_start3A_93 = arith.constant 0 : i32
          %dma_start3A_94 = tpu.memref_slice %arg8[%add3A_87, %dma_start3A_93] : memref<200x128xi32, #tpu.memory_space<vmem>> -> memref<1x128xi32, #tpu.memory_space<vmem>>
          %dma_start3A_95 = tpu.memref_squeeze %dma_start3A_94 : memref<1x128xi32, #tpu.memory_space<vmem>> -> memref<128xi32, #tpu.memory_space<vmem>>
          %dma_start3A_96 = arith.constant 0 : i32
          %dma_start3A_97 = arith.constant 0 : i32
          %dma_start3A_98 = tpu.memref_slice %arg2[%dma_start3A_96, %dma_start3A_97] : memref<50000x64xf32, #tpu.memory_space<hbm>> -> memref<50000x64xf32, #tpu.memory_space<hbm>>
          tpu.enqueue_indirect_dma source(%dma_start3A_98 : memref<50000x64xf32, #tpu.memory_space<hbm>>) target(%arg10 : memref<128x64xf32, #tpu.memory_space<vmem>>) offsets(%dma_start3A_95 : memref<128xi32, #tpu.memory_space<vmem>>) semaphore(%arg14 : memref<!tpu.dma_semaphore, #tpu.memory_space<semaphore_mem>>)
        } else {
        }
        %add3A_83 = arith.addi %mul3A_6, %add3A_55 : i32
        %mul3A_84 = arith.constant 128 : i32
        %mul3A_85 = arith.muli %add3A_83, %mul3A_84 : i32
        "tpu.region"() ({
          %run_scoped3A = tpu.sem_alloc : memref<!tpu.dma_semaphore, #tpu.memory_space<semaphore_mem>>
          %dma_start3A = arith.constant 0 : i32
          %dma_start3A_86 = tpu.memref_slice %arg5[%mul3A_85, %dma_start3A] : memref<800000x64xf32, #tpu.memory_space<hbm>> -> memref<128x64xf32, #tpu.memory_space<hbm>>
          %dma_start3A_87 = arith.constant 0 : i32
          %dma_start3A_88 = tpu.memref_slice %arg5[%mul3A_85, %dma_start3A_87] : memref<800000x64xf32, #tpu.memory_space<hbm>> -> memref<128x64xf32, #tpu.memory_space<hbm>>
          tpu.enqueue_dma source(%arg11 : memref<128x64xf32, #tpu.memory_space<vmem>>) target(%dma_start3A_88 : memref<128x64xf32, #tpu.memory_space<hbm>>) target_semaphore(%run_scoped3A : memref<!tpu.dma_semaphore, #tpu.memory_space<semaphore_mem>>)
          %dma_wait3A_89 = arith.constant 0 : i32
          %dma_wait3A_90 = tpu.memref_slice %arg5[%mul3A_85, %dma_wait3A_89] : memref<800000x64xf32, #tpu.memory_space<hbm>> -> memref<128x64xf32, #tpu.memory_space<hbm>>
          %dma_wait3A_91 = arith.constant 0 : i32
          %dma_wait3A_92 = tpu.memref_slice %arg5[%mul3A_85, %dma_wait3A_91] : memref<800000x64xf32, #tpu.memory_space<hbm>> -> memref<128x64xf32, #tpu.memory_space<hbm>>
          tpu.wait_dma2 semaphore(%run_scoped3A : memref<!tpu.dma_semaphore, #tpu.memory_space<semaphore_mem>>) src(%arg11 : memref<128x64xf32, #tpu.memory_space<vmem>>) dst(%dma_wait3A_92 : memref<128x64xf32, #tpu.memory_space<hbm>>)
          tpu.yield
        }) : () -> ()
        "tpu.region"() ({
          %run_scoped3A = tpu.sem_alloc : memref<!tpu.dma_semaphore, #tpu.memory_space<semaphore_mem>>
          %dma_start3A = arith.constant 0 : i32
          %dma_start3A_86 = tpu.memref_slice %arg6[%mul3A_85, %dma_start3A] : memref<800000x64xf32, #tpu.memory_space<hbm>> -> memref<128x64xf32, #tpu.memory_space<hbm>>
          %dma_start3A_87 = arith.constant 0 : i32
          %dma_start3A_88 = tpu.memref_slice %arg6[%mul3A_85, %dma_start3A_87] : memref<800000x64xf32, #tpu.memory_space<hbm>> -> memref<128x64xf32, #tpu.memory_space<hbm>>
          tpu.enqueue_dma source(%arg12 : memref<128x64xf32, #tpu.memory_space<vmem>>) target(%dma_start3A_88 : memref<128x64xf32, #tpu.memory_space<hbm>>) target_semaphore(%run_scoped3A : memref<!tpu.dma_semaphore, #tpu.memory_space<semaphore_mem>>)
          %dma_wait3A_89 = arith.constant 0 : i32
          %dma_wait3A_90 = tpu.memref_slice %arg6[%mul3A_85, %dma_wait3A_89] : memref<800000x64xf32, #tpu.memory_space<hbm>> -> memref<128x64xf32, #tpu.memory_space<hbm>>
          %dma_wait3A_91 = arith.constant 0 : i32
          %dma_wait3A_92 = tpu.memref_slice %arg6[%mul3A_85, %dma_wait3A_91] : memref<800000x64xf32, #tpu.memory_space<hbm>> -> memref<128x64xf32, #tpu.memory_space<hbm>>
          tpu.wait_dma2 semaphore(%run_scoped3A : memref<!tpu.dma_semaphore, #tpu.memory_space<semaphore_mem>>) src(%arg12 : memref<128x64xf32, #tpu.memory_space<vmem>>) dst(%dma_wait3A_92 : memref<128x64xf32, #tpu.memory_space<hbm>>)
          tpu.yield
        }) : () -> ()
      } else {
      }
    }
    %while3A_48 = arith.constant 1 : i32
    scf.for %while3A_49 = %while3A_46 to %while3A_42 step %while3A_48  : i32 {
      %mul3A_50 = arith.constant 2 : i32
      %mul3A_51 = arith.muli %mul3A_50, %while3A_49 : i32
      %mul3A_52 = arith.constant 2 : i32
      %mul3A_53 = arith.muli %mul3A_52, %while3A_49 : i32
      %add3A_54 = arith.constant 1 : i32
      %add3A_55 = arith.addi %mul3A_53, %add3A_54 : i32
      %lt3A_56 = arith.cmpi slt, %mul3A_51, %max3A_16 : i32
      %convert_element_type3A_57 = arith.extui %lt3A_56 : i1 to i32
      %cond3A_58 = arith.constant 0 : i32
      %cond3A_59 = arith.cmpi ne, %convert_element_type3A_57, %cond3A_58 : i32
      scf.if %cond3A_59 {
        %dma_wait3A = arith.constant 0 : i32
        %dma_wait3A_64 = arith.constant 0 : i32
        %dma_wait3A_65 = tpu.memref_slice %arg7[%dma_wait3A, %dma_wait3A_64] : memref<200x128xi32, #tpu.memory_space<vmem>> -> memref<1x128xi32, #tpu.memory_space<vmem>>
        %dma_wait3A_66 = tpu.memref_squeeze %dma_wait3A_65 : memref<1x128xi32, #tpu.memory_space<vmem>> -> memref<128xi32, #tpu.memory_space<vmem>>
        %dma_wait3A_67 = arith.constant 0 : i32
        %dma_wait3A_68 = arith.constant 0 : i32
        %dma_wait3A_69 = tpu.memref_slice %arg2[%dma_wait3A_67, %dma_wait3A_68] : memref<50000x64xf32, #tpu.memory_space<hbm>> -> memref<50000x64xf32, #tpu.memory_space<hbm>>
        tpu.wait_indirect_dma semaphore(%arg13 : memref<!tpu.dma_semaphore, #tpu.memory_space<semaphore_mem>>) src(%dma_wait3A_69 : memref<50000x64xf32, #tpu.memory_space<hbm>>) dst(%arg9 : memref<128x64xf32, #tpu.memory_space<vmem>>)
        %dma_wait3A_70 = arith.constant 0 : i32
        %dma_wait3A_71 = arith.constant 0 : i32
        %dma_wait3A_72 = tpu.memref_slice %arg8[%dma_wait3A_70, %dma_wait3A_71] : memref<200x128xi32, #tpu.memory_space<vmem>> -> memref<1x128xi32, #tpu.memory_space<vmem>>
        %dma_wait3A_73 = tpu.memref_squeeze %dma_wait3A_72 : memref<1x128xi32, #tpu.memory_space<vmem>> -> memref<128xi32, #tpu.memory_space<vmem>>
        %dma_wait3A_74 = arith.constant 0 : i32
        %dma_wait3A_75 = arith.constant 0 : i32
        %dma_wait3A_76 = tpu.memref_slice %arg2[%dma_wait3A_74, %dma_wait3A_75] : memref<50000x64xf32, #tpu.memory_space<hbm>> -> memref<50000x64xf32, #tpu.memory_space<hbm>>
        tpu.wait_indirect_dma semaphore(%arg14 : memref<!tpu.dma_semaphore, #tpu.memory_space<semaphore_mem>>) src(%dma_wait3A_76 : memref<50000x64xf32, #tpu.memory_space<hbm>>) dst(%arg10 : memref<128x64xf32, #tpu.memory_space<vmem>>)
        %lt3A_77 = arith.cmpi slt, %add3A_55, %max3A_16 : i32
        %convert_element_type3A_78 = arith.extui %lt3A_77 : i1 to i32
        %cond3A_79 = arith.constant 0 : i32
        %cond3A_80 = arith.cmpi ne, %convert_element_type3A_78, %cond3A_79 : i32
        scf.if %cond3A_80 {
          %dma_start3A = arith.constant 0 : i32
          %dma_start3A_84 = tpu.memref_slice %arg7[%add3A_55, %dma_start3A] : memref<200x128xi32, #tpu.memory_space<vmem>> -> memref<1x128xi32, #tpu.memory_space<vmem>>
          %dma_start3A_85 = tpu.memref_squeeze %dma_start3A_84 : memref<1x128xi32, #tpu.memory_space<vmem>> -> memref<128xi32, #tpu.memory_space<vmem>>
          %dma_start3A_86 = arith.constant 0 : i32
          %dma_start3A_87 = arith.constant 0 : i32
          %dma_start3A_88 = tpu.memref_slice %arg2[%dma_start3A_86, %dma_start3A_87] : memref<50000x64xf32, #tpu.memory_space<hbm>> -> memref<50000x64xf32, #tpu.memory_space<hbm>>
          tpu.enqueue_indirect_dma source(%dma_start3A_88 : memref<50000x64xf32, #tpu.memory_space<hbm>>) target(%arg11 : memref<128x64xf32, #tpu.memory_space<vmem>>) offsets(%dma_start3A_85 : memref<128xi32, #tpu.memory_space<vmem>>) semaphore(%arg15 : memref<!tpu.dma_semaphore, #tpu.memory_space<semaphore_mem>>)
          %dma_start3A_89 = arith.constant 0 : i32
          %dma_start3A_90 = tpu.memref_slice %arg8[%add3A_55, %dma_start3A_89] : memref<200x128xi32, #tpu.memory_space<vmem>> -> memref<1x128xi32, #tpu.memory_space<vmem>>
          %dma_start3A_91 = tpu.memref_squeeze %dma_start3A_90 : memref<1x128xi32, #tpu.memory_space<vmem>> -> memref<128xi32, #tpu.memory_space<vmem>>
          %dma_start3A_92 = arith.constant 0 : i32
          %dma_start3A_93 = arith.constant 0 : i32
          %dma_start3A_94 = tpu.memref_slice %arg2[%dma_start3A_92, %dma_start3A_93] : memref<50000x64xf32, #tpu.memory_space<hbm>> -> memref<50000x64xf32, #tpu.memory_space<hbm>>
          tpu.enqueue_indirect_dma source(%dma_start3A_94 : memref<50000x64xf32, #tpu.memory_space<hbm>>) target(%arg12 : memref<128x64xf32, #tpu.memory_space<vmem>>) offsets(%dma_start3A_91 : memref<128xi32, #tpu.memory_space<vmem>>) semaphore(%arg16 : memref<!tpu.dma_semaphore, #tpu.memory_space<semaphore_mem>>)
        } else {
        }
        %add3A_81 = arith.addi %mul3A_6, %mul3A_51 : i32
        %mul3A_82 = arith.constant 128 : i32
        %mul3A_83 = arith.muli %add3A_81, %mul3A_82 : i32
        "tpu.region"() ({
          %run_scoped3A = tpu.sem_alloc : memref<!tpu.dma_semaphore, #tpu.memory_space<semaphore_mem>>
          %dma_start3A = arith.constant 0 : i32
          %dma_start3A_84 = tpu.memref_slice %arg5[%mul3A_83, %dma_start3A] : memref<800000x64xf32, #tpu.memory_space<hbm>> -> memref<128x64xf32, #tpu.memory_space<hbm>>
          %dma_start3A_85 = arith.constant 0 : i32
          %dma_start3A_86 = tpu.memref_slice %arg5[%mul3A_83, %dma_start3A_85] : memref<800000x64xf32, #tpu.memory_space<hbm>> -> memref<128x64xf32, #tpu.memory_space<hbm>>
          tpu.enqueue_dma source(%arg9 : memref<128x64xf32, #tpu.memory_space<vmem>>) target(%dma_start3A_86 : memref<128x64xf32, #tpu.memory_space<hbm>>) target_semaphore(%run_scoped3A : memref<!tpu.dma_semaphore, #tpu.memory_space<semaphore_mem>>)
          %dma_wait3A_87 = arith.constant 0 : i32
          %dma_wait3A_88 = tpu.memref_slice %arg5[%mul3A_83, %dma_wait3A_87] : memref<800000x64xf32, #tpu.memory_space<hbm>> -> memref<128x64xf32, #tpu.memory_space<hbm>>
          %dma_wait3A_89 = arith.constant 0 : i32
          %dma_wait3A_90 = tpu.memref_slice %arg5[%mul3A_83, %dma_wait3A_89] : memref<800000x64xf32, #tpu.memory_space<hbm>> -> memref<128x64xf32, #tpu.memory_space<hbm>>
          tpu.wait_dma2 semaphore(%run_scoped3A : memref<!tpu.dma_semaphore, #tpu.memory_space<semaphore_mem>>) src(%arg9 : memref<128x64xf32, #tpu.memory_space<vmem>>) dst(%dma_wait3A_90 : memref<128x64xf32, #tpu.memory_space<hbm>>)
          tpu.yield
        }) : () -> ()
        "tpu.region"() ({
          %run_scoped3A = tpu.sem_alloc : memref<!tpu.dma_semaphore, #tpu.memory_space<semaphore_mem>>
          %dma_start3A = arith.constant 0 : i32
          %dma_start3A_84 = tpu.memref_slice %arg6[%mul3A_83, %dma_start3A] : memref<800000x64xf32, #tpu.memory_space<hbm>> -> memref<128x64xf32, #tpu.memory_space<hbm>>
          %dma_start3A_85 = arith.constant 0 : i32
          %dma_start3A_86 = tpu.memref_slice %arg6[%mul3A_83, %dma_start3A_85] : memref<800000x64xf32, #tpu.memory_space<hbm>> -> memref<128x64xf32, #tpu.memory_space<hbm>>
          tpu.enqueue_dma source(%arg10 : memref<128x64xf32, #tpu.memory_space<vmem>>) target(%dma_start3A_86 : memref<128x64xf32, #tpu.memory_space<hbm>>) target_semaphore(%run_scoped3A : memref<!tpu.dma_semaphore, #tpu.memory_space<semaphore_mem>>)
          %dma_wait3A_87 = arith.constant 0 : i32
          %dma_wait3A_88 = tpu.memref_slice %arg6[%mul3A_83, %dma_wait3A_87] : memref<800000x64xf32, #tpu.memory_space<hbm>> -> memref<128x64xf32, #tpu.memory_space<hbm>>
          %dma_wait3A_89 = arith.constant 0 : i32
          %dma_wait3A_90 = tpu.memref_slice %arg6[%mul3A_83, %dma_wait3A_89] : memref<800000x64xf32, #tpu.memory_space<hbm>> -> memref<128x64xf32, #tpu.memory_space<hbm>>
          tpu.wait_dma2 semaphore(%run_scoped3A : memref<!tpu.dma_semaphore, #tpu.memory_space<semaphore_mem>>) src(%arg10 : memref<128x64xf32, #tpu.memory_space<vmem>>) dst(%dma_wait3A_90 : memref<128x64xf32, #tpu.memory_space<hbm>>)
          tpu.yield
        }) : () -> ()
      } else {
      }
      %lt3A_60 = arith.cmpi slt, %add3A_55, %max3A_16 : i32
      %convert_element_type3A_61 = arith.extui %lt3A_60 : i1 to i32
      %cond3A_62 = arith.constant 0 : i32
      %cond3A_63 = arith.cmpi ne, %convert_element_type3A_61, %cond3A_62 : i32
      scf.if %cond3A_63 {
        %dma_wait3A = arith.constant 0 : i32
        %dma_wait3A_64 = arith.constant 0 : i32
        %dma_wait3A_65 = tpu.memref_slice %arg7[%dma_wait3A, %dma_wait3A_64] : memref<200x128xi32, #tpu.memory_space<vmem>> -> memref<1x128xi32, #tpu.memory_space<vmem>>
        %dma_wait3A_66 = tpu.memref_squeeze %dma_wait3A_65 : memref<1x128xi32, #tpu.memory_space<vmem>> -> memref<128xi32, #tpu.memory_space<vmem>>
        %dma_wait3A_67 = arith.constant 0 : i32
        %dma_wait3A_68 = arith.constant 0 : i32
        %dma_wait3A_69 = tpu.memref_slice %arg2[%dma_wait3A_67, %dma_wait3A_68] : memref<50000x64xf32, #tpu.memory_space<hbm>> -> memref<50000x64xf32, #tpu.memory_space<hbm>>
        tpu.wait_indirect_dma semaphore(%arg15 : memref<!tpu.dma_semaphore, #tpu.memory_space<semaphore_mem>>) src(%dma_wait3A_69 : memref<50000x64xf32, #tpu.memory_space<hbm>>) dst(%arg11 : memref<128x64xf32, #tpu.memory_space<vmem>>)
        %dma_wait3A_70 = arith.constant 0 : i32
        %dma_wait3A_71 = arith.constant 0 : i32
        %dma_wait3A_72 = tpu.memref_slice %arg8[%dma_wait3A_70, %dma_wait3A_71] : memref<200x128xi32, #tpu.memory_space<vmem>> -> memref<1x128xi32, #tpu.memory_space<vmem>>
        %dma_wait3A_73 = tpu.memref_squeeze %dma_wait3A_72 : memref<1x128xi32, #tpu.memory_space<vmem>> -> memref<128xi32, #tpu.memory_space<vmem>>
        %dma_wait3A_74 = arith.constant 0 : i32
        %dma_wait3A_75 = arith.constant 0 : i32
        %dma_wait3A_76 = tpu.memref_slice %arg2[%dma_wait3A_74, %dma_wait3A_75] : memref<50000x64xf32, #tpu.memory_space<hbm>> -> memref<50000x64xf32, #tpu.memory_space<hbm>>
        tpu.wait_indirect_dma semaphore(%arg16 : memref<!tpu.dma_semaphore, #tpu.memory_space<semaphore_mem>>) src(%dma_wait3A_76 : memref<50000x64xf32, #tpu.memory_space<hbm>>) dst(%arg12 : memref<128x64xf32, #tpu.memory_space<vmem>>)
        %add3A_77 = arith.constant 1 : i32
        %add3A_78 = arith.addi %add3A_55, %add3A_77 : i32
        %lt3A_79 = arith.cmpi slt, %add3A_78, %max3A_16 : i32
        %convert_element_type3A_80 = arith.extui %lt3A_79 : i1 to i32
        %cond3A_81 = arith.constant 0 : i32
        %cond3A_82 = arith.cmpi ne, %convert_element_type3A_80, %cond3A_81 : i32
        scf.if %cond3A_82 {
          %add3A_86 = arith.constant 1 : i32
          %add3A_87 = arith.addi %add3A_55, %add3A_86 : i32
          %dma_start3A = arith.constant 0 : i32
          %dma_start3A_88 = tpu.memref_slice %arg7[%add3A_87, %dma_start3A] : memref<200x128xi32, #tpu.memory_space<vmem>> -> memref<1x128xi32, #tpu.memory_space<vmem>>
          %dma_start3A_89 = tpu.memref_squeeze %dma_start3A_88 : memref<1x128xi32, #tpu.memory_space<vmem>> -> memref<128xi32, #tpu.memory_space<vmem>>
          %dma_start3A_90 = arith.constant 0 : i32
          %dma_start3A_91 = arith.constant 0 : i32
          %dma_start3A_92 = tpu.memref_slice %arg2[%dma_start3A_90, %dma_start3A_91] : memref<50000x64xf32, #tpu.memory_space<hbm>> -> memref<50000x64xf32, #tpu.memory_space<hbm>>
          tpu.enqueue_indirect_dma source(%dma_start3A_92 : memref<50000x64xf32, #tpu.memory_space<hbm>>) target(%arg9 : memref<128x64xf32, #tpu.memory_space<vmem>>) offsets(%dma_start3A_89 : memref<128xi32, #tpu.memory_space<vmem>>) semaphore(%arg13 : memref<!tpu.dma_semaphore, #tpu.memory_space<semaphore_mem>>)
          %dma_start3A_93 = arith.constant 0 : i32
          %dma_start3A_94 = tpu.memref_slice %arg8[%add3A_87, %dma_start3A_93] : memref<200x128xi32, #tpu.memory_space<vmem>> -> memref<1x128xi32, #tpu.memory_space<vmem>>
          %dma_start3A_95 = tpu.memref_squeeze %dma_start3A_94 : memref<1x128xi32, #tpu.memory_space<vmem>> -> memref<128xi32, #tpu.memory_space<vmem>>
          %dma_start3A_96 = arith.constant 0 : i32
          %dma_start3A_97 = arith.constant 0 : i32
          %dma_start3A_98 = tpu.memref_slice %arg2[%dma_start3A_96, %dma_start3A_97] : memref<50000x64xf32, #tpu.memory_space<hbm>> -> memref<50000x64xf32, #tpu.memory_space<hbm>>
          tpu.enqueue_indirect_dma source(%dma_start3A_98 : memref<50000x64xf32, #tpu.memory_space<hbm>>) target(%arg10 : memref<128x64xf32, #tpu.memory_space<vmem>>) offsets(%dma_start3A_95 : memref<128xi32, #tpu.memory_space<vmem>>) semaphore(%arg14 : memref<!tpu.dma_semaphore, #tpu.memory_space<semaphore_mem>>)
        } else {
        }
        %add3A_83 = arith.addi %mul3A_6, %add3A_55 : i32
        %mul3A_84 = arith.constant 128 : i32
        %mul3A_85 = arith.muli %add3A_83, %mul3A_84 : i32
        "tpu.region"() ({
          %run_scoped3A = tpu.sem_alloc : memref<!tpu.dma_semaphore, #tpu.memory_space<semaphore_mem>>
          %dma_start3A = arith.constant 0 : i32
          %dma_start3A_86 = tpu.memref_slice %arg5[%mul3A_85, %dma_start3A] : memref<800000x64xf32, #tpu.memory_space<hbm>> -> memref<128x64xf32, #tpu.memory_space<hbm>>
          %dma_start3A_87 = arith.constant 0 : i32
          %dma_start3A_88 = tpu.memref_slice %arg5[%mul3A_85, %dma_start3A_87] : memref<800000x64xf32, #tpu.memory_space<hbm>> -> memref<128x64xf32, #tpu.memory_space<hbm>>
          tpu.enqueue_dma source(%arg11 : memref<128x64xf32, #tpu.memory_space<vmem>>) target(%dma_start3A_88 : memref<128x64xf32, #tpu.memory_space<hbm>>) target_semaphore(%run_scoped3A : memref<!tpu.dma_semaphore, #tpu.memory_space<semaphore_mem>>)
          %dma_wait3A_89 = arith.constant 0 : i32
          %dma_wait3A_90 = tpu.memref_slice %arg5[%mul3A_85, %dma_wait3A_89] : memref<800000x64xf32, #tpu.memory_space<hbm>> -> memref<128x64xf32, #tpu.memory_space<hbm>>
          %dma_wait3A_91 = arith.constant 0 : i32
          %dma_wait3A_92 = tpu.memref_slice %arg5[%mul3A_85, %dma_wait3A_91] : memref<800000x64xf32, #tpu.memory_space<hbm>> -> memref<128x64xf32, #tpu.memory_space<hbm>>
          tpu.wait_dma2 semaphore(%run_scoped3A : memref<!tpu.dma_semaphore, #tpu.memory_space<semaphore_mem>>) src(%arg11 : memref<128x64xf32, #tpu.memory_space<vmem>>) dst(%dma_wait3A_92 : memref<128x64xf32, #tpu.memory_space<hbm>>)
          tpu.yield
        }) : () -> ()
        "tpu.region"() ({
          %run_scoped3A = tpu.sem_alloc : memref<!tpu.dma_semaphore, #tpu.memory_space<semaphore_mem>>
          %dma_start3A = arith.constant 0 : i32
          %dma_start3A_86 = tpu.memref_slice %arg6[%mul3A_85, %dma_start3A] : memref<800000x64xf32, #tpu.memory_space<hbm>> -> memref<128x64xf32, #tpu.memory_space<hbm>>
          %dma_start3A_87 = arith.constant 0 : i32
          %dma_start3A_88 = tpu.memref_slice %arg6[%mul3A_85, %dma_start3A_87] : memref<800000x64xf32, #tpu.memory_space<hbm>> -> memref<128x64xf32, #tpu.memory_space<hbm>>
          tpu.enqueue_dma source(%arg12 : memref<128x64xf32, #tpu.memory_space<vmem>>) target(%dma_start3A_88 : memref<128x64xf32, #tpu.memory_space<hbm>>) target_semaphore(%run_scoped3A : memref<!tpu.dma_semaphore, #tpu.memory_space<semaphore_mem>>)
          %dma_wait3A_89 = arith.constant 0 : i32
          %dma_wait3A_90 = tpu.memref_slice %arg6[%mul3A_85, %dma_wait3A_89] : memref<800000x64xf32, #tpu.memory_space<hbm>> -> memref<128x64xf32, #tpu.memory_space<hbm>>
          %dma_wait3A_91 = arith.constant 0 : i32
          %dma_wait3A_92 = tpu.memref_slice %arg6[%mul3A_85, %dma_wait3A_91] : memref<800000x64xf32, #tpu.memory_space<hbm>> -> memref<128x64xf32, #tpu.memory_space<hbm>>
          tpu.wait_dma2 semaphore(%run_scoped3A : memref<!tpu.dma_semaphore, #tpu.memory_space<semaphore_mem>>) src(%arg12 : memref<128x64xf32, #tpu.memory_space<vmem>>) dst(%dma_wait3A_92 : memref<128x64xf32, #tpu.memory_space<hbm>>)
          tpu.yield
        }) : () -> ()
      } else {
      }
    }
    return
  }
}

module attributes {stable_mosaic.version = 14 : i64} {
  func.func @_down_body(%arg0: i32, %arg1: memref<2000x128xf32, #tpu.memory_space<vmem>>, %arg2: memref<128x64xf32, #tpu.memory_space<vmem>>, %arg3: memref<1x64xf32, #tpu.memory_space<vmem>>, %arg4: memref<2000x64xf32, #tpu.memory_space<vmem>>) attributes {dimension_semantics = [#tpu.dimension_semantics<arbitrary>], iteration_bounds = array<i64: 25>, scalar_prefetch = 0 : i64, scratch_operands = 0 : i64, tpu.core_type = #tpu.core_type<tc>, window_params = [{transform_indices = @transform_0, window_bounds = array<i64: 2000, 128>}, {pipeline_mode = #tpu.pipeline_mode<synchronous>, transform_indices = @transform_1, window_bounds = array<i64: 128, 64>}, {pipeline_mode = #tpu.pipeline_mode<synchronous>, transform_indices = @transform_2, window_bounds = array<i64: 1, 64>}, {transform_indices = @transform_3, window_bounds = array<i64: 2000, 64>}]} {
    %get3A = arith.constant 0 : index
    %get3A_0 = arith.constant 0 : index
    %get3A_1 = vector.load %arg1[%get3A, %get3A_0] : memref<2000x128xf32, #tpu.memory_space<vmem>>, vector<2000x128xf32>
    %get3A_2 = arith.constant 0 : index
    %get3A_3 = arith.constant 0 : index
    %get3A_4 = vector.load %arg2[%get3A_2, %get3A_3] : memref<128x64xf32, #tpu.memory_space<vmem>>, vector<128x64xf32>
    %dot_general3A = arith.constant dense<0.000000e+00> : vector<2000x64xf32>
    %dot_general3A_5 = tpu.matmul %get3A_1, %get3A_4, %dot_general3A {dimension_numbers = #tpu.dot_dimension_numbers<[1], [0], [0], [1], [0, 0, 1, 1], [], []>, transpose_lhs_hint = false} : vector<2000x128xf32>, vector<128x64xf32>, vector<2000x64xf32> -> vector<2000x64xf32>
    %get3A_6 = arith.constant 0 : index
    %get3A_7 = arith.constant 0 : index
    %get3A_8 = vector.load %arg3[%get3A_6, %get3A_7] : memref<1x64xf32, #tpu.memory_space<vmem>>, vector<1x64xf32>
    %add3A = vector.broadcast %get3A_8 : vector<1x64xf32> to vector<2000x64xf32>
    %add3A_9 = arith.addf %dot_general3A_5, %add3A : vector<2000x64xf32>
    %neg3A = arith.constant 0.000000e+00 : f32
    %neg3A_10 = vector.broadcast %neg3A : f32 to vector<2000x64xf32>
    %neg3A_11 = arith.subf %neg3A_10, %add3A_9 : vector<2000x64xf32>
    %exp3A = math.exp %neg3A_11 : vector<2000x64xf32>
    %add3A_12 = arith.constant 1.000000e+00 : f32
    %add3A_13 = vector.broadcast %add3A_12 : f32 to vector<2000x64xf32>
    %add3A_14 = arith.addf %add3A_13, %exp3A : vector<2000x64xf32>
    %div3A = arith.constant 1.000000e+00 : f32
    %div3A_15 = vector.broadcast %div3A : f32 to vector<2000x64xf32>
    %div3A_16 = arith.divf %div3A_15, %add3A_14 : vector<2000x64xf32>
    %mul3A = arith.mulf %add3A_9, %div3A_16 : vector<2000x64xf32>
    %swap3A = arith.constant 0 : index
    %swap3A_17 = arith.constant 0 : index
    %swap3A_18 = vector.load %arg4[%swap3A, %swap3A_17] : memref<2000x64xf32, #tpu.memory_space<vmem>>, vector<2000x64xf32>
    tpu.vector_store %arg4[%swap3A, %swap3A_17], %mul3A {strides = array<i32>} : memref<2000x64xf32, #tpu.memory_space<vmem>>, vector<2000x64xf32>,
    return
  }
  func.func @transform_0(%arg0: i32) -> (i32, i32) {
    %c0_i32 = arith.constant 0 : i32
    %c0_i32_0 = arith.constant 0 : i32
    return %arg0, %c0_i32 : i32, i32
  }
  func.func @transform_1(%arg0: i32) -> (i32, i32) {
    %c0_i32 = arith.constant 0 : i32
    %c0_i32_0 = arith.constant 0 : i32
    %c0_i32_1 = arith.constant 0 : i32
    return %c0_i32, %c0_i32_0 : i32, i32
  }
  func.func @transform_2(%arg0: i32) -> (i32, i32) {
    %c0_i32 = arith.constant 0 : i32
    %c0_i32_0 = arith.constant 0 : i32
    %c0_i32_1 = arith.constant 0 : i32
    return %c0_i32, %c0_i32_0 : i32, i32
  }
  func.func @transform_3(%arg0: i32) -> (i32, i32) {
    %c0_i32 = arith.constant 0 : i32
    %c0_i32_0 = arith.constant 0 : i32
    return %arg0, %c0_i32 : i32, i32
  }
}

module attributes {stable_mosaic.version = 14 : i64} {
  func.func @_edgeA_body(%arg0: i32, %arg1: memref<3200x64xf32, #tpu.memory_space<vmem>>, %arg2: memref<3200x64xf32, #tpu.memory_space<vmem>>, %arg3: memref<3200x64xf32, #tpu.memory_space<vmem>>, %arg4: memref<3200x64xf32, #tpu.memory_space<vmem>>, %arg5: memref<64x64xf32, #tpu.memory_space<vmem>>, %arg6: memref<4x64x64xf32, #tpu.memory_space<vmem>>, %arg7: memref<3200x64xf32, #tpu.memory_space<vmem>>, %arg8: memref<3200x4xf32, #tpu.memory_space<vmem>>, %arg9: memref<8x64xf32, #tpu.memory_space<vmem>>) attributes {dimension_semantics = [#tpu.dimension_semantics<arbitrary>], iteration_bounds = array<i64: 250>, scalar_prefetch = 0 : i64, scratch_operands = 0 : i64, tpu.core_type = #tpu.core_type<tc>, window_params = [{transform_indices = @transform_0, window_bounds = array<i64: 3200, 64>}, {transform_indices = @transform_1, window_bounds = array<i64: 3200, 64>}, {transform_indices = @transform_2, window_bounds = array<i64: 3200, 64>}, {transform_indices = @transform_3, window_bounds = array<i64: 3200, 64>}, {pipeline_mode = #tpu.pipeline_mode<synchronous>, transform_indices = @transform_4, window_bounds = array<i64: 64, 64>}, {pipeline_mode = #tpu.pipeline_mode<synchronous>, transform_indices = @transform_5, window_bounds = array<i64: 4, 64, 64>}, {transform_indices = @transform_6, window_bounds = array<i64: 3200, 64>}, {transform_indices = @transform_7, window_bounds = array<i64: 3200, 4>}, {pipeline_mode = #tpu.pipeline_mode<synchronous>, transform_indices = @transform_8, window_bounds = array<i64: 8, 64>}]} {
    %get3A = arith.constant 0 : index
    %get3A_0 = arith.constant 0 : index
    %get3A_1 = vector.load %arg1[%get3A, %get3A_0] : memref<3200x64xf32, #tpu.memory_space<vmem>>, vector<3200x64xf32>
    %get3A_2 = arith.constant 0 : index
    %get3A_3 = arith.constant 0 : index
    %get3A_4 = vector.load %arg2[%get3A_2, %get3A_3] : memref<3200x64xf32, #tpu.memory_space<vmem>>, vector<3200x64xf32>
    %get3A_5 = arith.constant 0 : index
    %get3A_6 = arith.constant 0 : index
    %get3A_7 = vector.load %arg3[%get3A_5, %get3A_6] : memref<3200x64xf32, #tpu.memory_space<vmem>>, vector<3200x64xf32>
    %mul3A = arith.mulf %get3A_1, %get3A_4 : vector<3200x64xf32>
    %mul3A_8 = arith.mulf %mul3A, %get3A_7 : vector<3200x64xf32>
    %get3A_9 = arith.constant 0 : index
    %get3A_10 = arith.constant 0 : index
    %get3A_11 = vector.load %arg5[%get3A_9, %get3A_10] : memref<64x64xf32, #tpu.memory_space<vmem>>, vector<64x64xf32>
    %dot_general3A = arith.constant dense<0.000000e+00> : vector<3200x64xf32>
    %dot_general3A_12 = tpu.matmul %mul3A_8, %get3A_11, %dot_general3A {dimension_numbers = #tpu.dot_dimension_numbers<[1], [0], [0], [1], [0, 0, 1, 1], [], []>, transpose_lhs_hint = false} : vector<3200x64xf32>, vector<64x64xf32>, vector<3200x64xf32> -> vector<3200x64xf32>
    %swap3A = arith.constant 0 : index
    %swap3A_13 = arith.constant 0 : index
    %swap3A_14 = vector.load %arg7[%swap3A, %swap3A_13] : memref<3200x64xf32, #tpu.memory_space<vmem>>, vector<3200x64xf32>
    tpu.vector_store %arg7[%swap3A, %swap3A_13], %dot_general3A_12 {strides = array<i32>} : memref<3200x64xf32, #tpu.memory_space<vmem>>, vector<3200x64xf32>,
    %reduce_sum3A = arith.constant dense<0.000000e+00> : vector<64xf32>
    %reduce_sum3A_15 = vector.multi_reduction <add>, %dot_general3A_12, %reduce_sum3A [0] : vector<3200x64xf32> to vector<64xf32>
    %broadcast_in_dim3A = vector.shape_cast %reduce_sum3A_15 : vector<64xf32> to vector<1x64xf32>
    %mul3A_16 = arith.mulf %dot_general3A_12, %dot_general3A_12 : vector<3200x64xf32>
    %reduce_sum3A_17 = arith.constant dense<0.000000e+00> : vector<64xf32>
    %reduce_sum3A_18 = vector.multi_reduction <add>, %mul3A_16, %reduce_sum3A_17 [0] : vector<3200x64xf32> to vector<64xf32>
    %broadcast_in_dim3A_19 = vector.shape_cast %reduce_sum3A_18 : vector<64xf32> to vector<1x64xf32>
    %broadcast_in_dim3A_20 = arith.constant 0.000000e+00 : f32
    %broadcast_in_dim3A_21 = vector.broadcast %broadcast_in_dim3A_20 : f32 to vector<6x64xf32>
    %concatenate3A = tpu.concatenate %broadcast_in_dim3A, %broadcast_in_dim3A_19, %broadcast_in_dim3A_21 in 0 : vector<1x64xf32>, vector<1x64xf32>, vector<6x64xf32> -> vector<8x64xf32>
    %eq3A = arith.constant 0 : i32
    %eq3A_22 = arith.cmpi eq, %arg0, %eq3A : i32
    %convert_element_type3A = arith.extui %eq3A_22 : i1 to i32
    %cond3A = arith.constant 0 : i32
    %cond3A_23 = arith.cmpi ne, %convert_element_type3A, %cond3A : i32
    scf.if %cond3A_23 {
      %broadcast_in_dim3A_125 = arith.constant 0.000000e+00 : f32
      %broadcast_in_dim3A_126 = vector.broadcast %broadcast_in_dim3A_125 : f32 to vector<8x64xf32>
      %swap3A_127 = arith.constant 0 : index
      %swap3A_128 = arith.constant 0 : index
      %swap3A_129 = vector.load %arg9[%swap3A_127, %swap3A_128] : memref<8x64xf32, #tpu.memory_space<vmem>>, vector<8x64xf32>
      tpu.vector_store %arg9[%swap3A_127, %swap3A_128], %broadcast_in_dim3A_126 {strides = array<i32>} : memref<8x64xf32, #tpu.memory_space<vmem>>, vector<8x64xf32>,
    } else {
    }
    %get3A_24 = arith.constant 0 : index
    %get3A_25 = arith.constant 0 : index
    %get3A_26 = vector.load %arg9[%get3A_24, %get3A_25] : memref<8x64xf32, #tpu.memory_space<vmem>>, vector<8x64xf32>
    %add3A = arith.addf %get3A_26, %concatenate3A : vector<8x64xf32>
    %swap3A_27 = arith.constant 0 : index
    %swap3A_28 = arith.constant 0 : index
    %swap3A_29 = vector.load %arg9[%swap3A_27, %swap3A_28] : memref<8x64xf32, #tpu.memory_space<vmem>>, vector<8x64xf32>
    tpu.vector_store %arg9[%swap3A_27, %swap3A_28], %add3A {strides = array<i32>} : memref<8x64xf32, #tpu.memory_space<vmem>>, vector<8x64xf32>,
    %get3A_30 = arith.constant 0 : index
    %get3A_31 = arith.constant 0 : index
    %get3A_32 = vector.load %arg4[%get3A_30, %get3A_31] : memref<3200x64xf32, #tpu.memory_space<vmem>>, vector<3200x64xf32>
    %mul3A_33 = arith.mulf %get3A_7, %get3A_32 : vector<3200x64xf32>
    %get3A_34 = arith.constant 0 : index
    %get3A_35 = arith.constant 0 : index
    %get3A_36 = arith.constant 0 : index
    %get3A_37 = vector.load %arg6[%get3A_34, %get3A_35, %get3A_36] : memref<4x64x64xf32, #tpu.memory_space<vmem>>, vector<1x64x64xf32>
    %get3A_38 = vector.shape_cast %get3A_37 : vector<1x64x64xf32> to vector<64x64xf32>
    %dot_general3A_39 = arith.constant dense<0.000000e+00> : vector<3200x64xf32>
    %dot_general3A_40 = tpu.matmul %get3A_1, %get3A_38, %dot_general3A_39 {dimension_numbers = #tpu.dot_dimension_numbers<[1], [0], [0], [1], [0, 0, 1, 1], [], []>, transpose_lhs_hint = false} : vector<3200x64xf32>, vector<64x64xf32>, vector<3200x64xf32> -> vector<3200x64xf32>
    %get3A_41 = arith.constant 0 : index
    %get3A_42 = arith.constant 0 : index
    %get3A_43 = arith.constant 0 : index
    %get3A_44 = vector.load %arg6[%get3A_41, %get3A_42, %get3A_43] : memref<4x64x64xf32, #tpu.memory_space<vmem>>, vector<1x64x64xf32>
    %get3A_45 = vector.shape_cast %get3A_44 : vector<1x64x64xf32> to vector<64x64xf32>
    %dot_general3A_46 = arith.constant dense<0.000000e+00> : vector<3200x64xf32>
    %dot_general3A_47 = tpu.matmul %get3A_4, %get3A_45, %dot_general3A_46 {dimension_numbers = #tpu.dot_dimension_numbers<[1], [0], [0], [1], [0, 0, 1, 1], [], []>, transpose_lhs_hint = false} : vector<3200x64xf32>, vector<64x64xf32>, vector<3200x64xf32> -> vector<3200x64xf32>
    %mul3A_48 = arith.mulf %dot_general3A_40, %dot_general3A_47 : vector<3200x64xf32>
    %mul3A_49 = arith.mulf %mul3A_48, %mul3A_33 : vector<3200x64xf32>
    %reduce_sum3A_50 = arith.constant dense<0.000000e+00> : vector<3200xf32>
    %reduce_sum3A_51 = vector.multi_reduction <add>, %mul3A_49, %reduce_sum3A_50 [1] : vector<3200x64xf32> to vector<3200xf32>
    %broadcast_in_dim3A_52 = vector.shape_cast %reduce_sum3A_51 : vector<3200xf32> to vector<3200x1xf32>
    %div3A = arith.constant 6.400000e+01 : f32
    %div3A_53 = vector.broadcast %div3A : f32 to vector<3200x1xf32>
    %div3A_54 = arith.divf %broadcast_in_dim3A_52, %div3A_53 : vector<3200x1xf32>
    %get3A_55 = arith.constant 1 : index
    %get3A_56 = arith.constant 0 : index
    %get3A_57 = arith.constant 0 : index
    %get3A_58 = vector.load %arg6[%get3A_55, %get3A_56, %get3A_57] : memref<4x64x64xf32, #tpu.memory_space<vmem>>, vector<1x64x64xf32>
    %get3A_59 = vector.shape_cast %get3A_58 : vector<1x64x64xf32> to vector<64x64xf32>
    %dot_general3A_60 = arith.constant dense<0.000000e+00> : vector<3200x64xf32>
    %dot_general3A_61 = tpu.matmul %get3A_1, %get3A_59, %dot_general3A_60 {dimension_numbers = #tpu.dot_dimension_numbers<[1], [0], [0], [1], [0, 0, 1, 1], [], []>, transpose_lhs_hint = false} : vector<3200x64xf32>, vector<64x64xf32>, vector<3200x64xf32> -> vector<3200x64xf32>
    %get3A_62 = arith.constant 1 : index
    %get3A_63 = arith.constant 0 : index
    %get3A_64 = arith.constant 0 : index
    %get3A_65 = vector.load %arg6[%get3A_62, %get3A_63, %get3A_64] : memref<4x64x64xf32, #tpu.memory_space<vmem>>, vector<1x64x64xf32>
    %get3A_66 = vector.shape_cast %get3A_65 : vector<1x64x64xf32> to vector<64x64xf32>
    %dot_general3A_67 = arith.constant dense<0.000000e+00> : vector<3200x64xf32>
    %dot_general3A_68 = tpu.matmul %get3A_4, %get3A_66, %dot_general3A_67 {dimension_numbers = #tpu.dot_dimension_numbers<[1], [0], [0], [1], [0, 0, 1, 1], [], []>, transpose_lhs_hint = false} : vector<3200x64xf32>, vector<64x64xf32>, vector<3200x64xf32> -> vector<3200x64xf32>
    %mul3A_69 = arith.mulf %dot_general3A_61, %dot_general3A_68 : vector<3200x64xf32>
    %mul3A_70 = arith.mulf %mul3A_69, %mul3A_33 : vector<3200x64xf32>
    %reduce_sum3A_71 = arith.constant dense<0.000000e+00> : vector<3200xf32>
    %reduce_sum3A_72 = vector.multi_reduction <add>, %mul3A_70, %reduce_sum3A_71 [1] : vector<3200x64xf32> to vector<3200xf32>
    %broadcast_in_dim3A_73 = vector.shape_cast %reduce_sum3A_72 : vector<3200xf32> to vector<3200x1xf32>
    %div3A_74 = arith.constant 6.400000e+01 : f32
    %div3A_75 = vector.broadcast %div3A_74 : f32 to vector<3200x1xf32>
    %div3A_76 = arith.divf %broadcast_in_dim3A_73, %div3A_75 : vector<3200x1xf32>
    %get3A_77 = arith.constant 2 : index
    %get3A_78 = arith.constant 0 : index
    %get3A_79 = arith.constant 0 : index
    %get3A_80 = vector.load %arg6[%get3A_77, %get3A_78, %get3A_79] : memref<4x64x64xf32, #tpu.memory_space<vmem>>, vector<1x64x64xf32>
    %get3A_81 = vector.shape_cast %get3A_80 : vector<1x64x64xf32> to vector<64x64xf32>
    %dot_general3A_82 = arith.constant dense<0.000000e+00> : vector<3200x64xf32>
    %dot_general3A_83 = tpu.matmul %get3A_1, %get3A_81, %dot_general3A_82 {dimension_numbers = #tpu.dot_dimension_numbers<[1], [0], [0], [1], [0, 0, 1, 1], [], []>, transpose_lhs_hint = false} : vector<3200x64xf32>, vector<64x64xf32>, vector<3200x64xf32> -> vector<3200x64xf32>
    %get3A_84 = arith.constant 2 : index
    %get3A_85 = arith.constant 0 : index
    %get3A_86 = arith.constant 0 : index
    %get3A_87 = vector.load %arg6[%get3A_84, %get3A_85, %get3A_86] : memref<4x64x64xf32, #tpu.memory_space<vmem>>, vector<1x64x64xf32>
    %get3A_88 = vector.shape_cast %get3A_87 : vector<1x64x64xf32> to vector<64x64xf32>
    %dot_general3A_89 = arith.constant dense<0.000000e+00> : vector<3200x64xf32>
    %dot_general3A_90 = tpu.matmul %get3A_4, %get3A_88, %dot_general3A_89 {dimension_numbers = #tpu.dot_dimension_numbers<[1], [0], [0], [1], [0, 0, 1, 1], [], []>, transpose_lhs_hint = false} : vector<3200x64xf32>, vector<64x64xf32>, vector<3200x64xf32> -> vector<3200x64xf32>
    %mul3A_91 = arith.mulf %dot_general3A_83, %dot_general3A_90 : vector<3200x64xf32>
    %mul3A_92 = arith.mulf %mul3A_91, %mul3A_33 : vector<3200x64xf32>
    %reduce_sum3A_93 = arith.constant dense<0.000000e+00> : vector<3200xf32>
    %reduce_sum3A_94 = vector.multi_reduction <add>, %mul3A_92, %reduce_sum3A_93 [1] : vector<3200x64xf32> to vector<3200xf32>
    %broadcast_in_dim3A_95 = vector.shape_cast %reduce_sum3A_94 : vector<3200xf32> to vector<3200x1xf32>
    %div3A_96 = arith.constant 6.400000e+01 : f32
    %div3A_97 = vector.broadcast %div3A_96 : f32 to vector<3200x1xf32>
    %div3A_98 = arith.divf %broadcast_in_dim3A_95, %div3A_97 : vector<3200x1xf32>
    %get3A_99 = arith.constant 3 : index
    %get3A_100 = arith.constant 0 : index
    %get3A_101 = arith.constant 0 : index
    %get3A_102 = vector.load %arg6[%get3A_99, %get3A_100, %get3A_101] : memref<4x64x64xf32, #tpu.memory_space<vmem>>, vector<1x64x64xf32>
    %get3A_103 = vector.shape_cast %get3A_102 : vector<1x64x64xf32> to vector<64x64xf32>
    %dot_general3A_104 = arith.constant dense<0.000000e+00> : vector<3200x64xf32>
    %dot_general3A_105 = tpu.matmul %get3A_1, %get3A_103, %dot_general3A_104 {dimension_numbers = #tpu.dot_dimension_numbers<[1], [0], [0], [1], [0, 0, 1, 1], [], []>, transpose_lhs_hint = false} : vector<3200x64xf32>, vector<64x64xf32>, vector<3200x64xf32> -> vector<3200x64xf32>
    %get3A_106 = arith.constant 3 : index
    %get3A_107 = arith.constant 0 : index
    %get3A_108 = arith.constant 0 : index
    %get3A_109 = vector.load %arg6[%get3A_106, %get3A_107, %get3A_108] : memref<4x64x64xf32, #tpu.memory_space<vmem>>, vector<1x64x64xf32>
    %get3A_110 = vector.shape_cast %get3A_109 : vector<1x64x64xf32> to vector<64x64xf32>
    %dot_general3A_111 = arith.constant dense<0.000000e+00> : vector<3200x64xf32>
    %dot_general3A_112 = tpu.matmul %get3A_4, %get3A_110, %dot_general3A_111 {dimension_numbers = #tpu.dot_dimension_numbers<[1], [0], [0], [1], [0, 0, 1, 1], [], []>, transpose_lhs_hint = false} : vector<3200x64xf32>, vector<64x64xf32>, vector<3200x64xf32> -> vector<3200x64xf32>
    %mul3A_113 = arith.mulf %dot_general3A_105, %dot_general3A_112 : vector<3200x64xf32>
    %mul3A_114 = arith.mulf %mul3A_113, %mul3A_33 : vector<3200x64xf32>
    %reduce_sum3A_115 = arith.constant dense<0.000000e+00> : vector<3200xf32>
    %reduce_sum3A_116 = vector.multi_reduction <add>, %mul3A_114, %reduce_sum3A_115 [1] : vector<3200x64xf32> to vector<3200xf32>
    %broadcast_in_dim3A_117 = vector.shape_cast %reduce_sum3A_116 : vector<3200xf32> to vector<3200x1xf32>
    %div3A_118 = arith.constant 6.400000e+01 : f32
    %div3A_119 = vector.broadcast %div3A_118 : f32 to vector<3200x1xf32>
    %div3A_120 = arith.divf %broadcast_in_dim3A_117, %div3A_119 : vector<3200x1xf32>
    %concatenate3A_121 = tpu.concatenate %div3A_54, %div3A_76, %div3A_98, %div3A_120 in 1 : vector<3200x1xf32>, vector<3200x1xf32>, vector<3200x1xf32>, vector<3200x1xf32> -> vector<3200x4xf32>
    %tanh3A = math.tanh %concatenate3A_121 : vector<3200x4xf32>
    %sub3A = arith.subf %concatenate3A_121, %tanh3A : vector<3200x4xf32>
    %swap3A_122 = arith.constant 0 : index
    %swap3A_123 = arith.constant 0 : index
    %swap3A_124 = vector.load %arg8[%swap3A_122, %swap3A_123] : memref<3200x4xf32, #tpu.memory_space<vmem>>, vector<3200x4xf32>
    tpu.vector_store %arg8[%swap3A_122, %swap3A_123], %sub3A {strides = array<i32>} : memref<3200x4xf32, #tpu.memory_space<vmem>>, vector<3200x4xf32>,
    return
  }
  func.func @transform_0(%arg0: i32) -> (i32, i32) {
    %c0_i32 = arith.constant 0 : i32
    %c0_i32_0 = arith.constant 0 : i32
    return %arg0, %c0_i32 : i32, i32
  }
  func.func @transform_1(%arg0: i32) -> (i32, i32) {
    %c0_i32 = arith.constant 0 : i32
    %c0_i32_0 = arith.constant 0 : i32
    return %arg0, %c0_i32 : i32, i32
  }
  func.func @transform_2(%arg0: i32) -> (i32, i32) {
    %c0_i32 = arith.constant 0 : i32
    %c0_i32_0 = arith.constant 0 : i32
    return %arg0, %c0_i32 : i32, i32
  }
  func.func @transform_3(%arg0: i32) -> (i32, i32) {
    %c0_i32 = arith.constant 0 : i32
    %c0_i32_0 = arith.constant 0 : i32
    return %arg0, %c0_i32 : i32, i32
  }
  func.func @transform_4(%arg0: i32) -> (i32, i32) {
    %c0_i32 = arith.constant 0 : i32
    %c0_i32_0 = arith.constant 0 : i32
    %c0_i32_1 = arith.constant 0 : i32
    return %c0_i32, %c0_i32_0 : i32, i32
  }
  func.func @transform_5(%arg0: i32) -> (i32, i32, i32) {
    %c0_i32 = arith.constant 0 : i32
    %c0_i32_0 = arith.constant 0 : i32
    %c0_i32_1 = arith.constant 0 : i32
    %c0_i32_2 = arith.constant 0 : i32
    return %c0_i32, %c0_i32_0, %c0_i32_1 : i32, i32, i32
  }
  func.func @transform_6(%arg0: i32) -> (i32, i32) {
    %c0_i32 = arith.constant 0 : i32
    %c0_i32_0 = arith.constant 0 : i32
    return %arg0, %c0_i32 : i32, i32
  }
  func.func @transform_7(%arg0: i32) -> (i32, i32) {
    %c0_i32 = arith.constant 0 : i32
    %c0_i32_0 = arith.constant 0 : i32
    return %arg0, %c0_i32 : i32, i32
  }
  func.func @transform_8(%arg0: i32) -> (i32, i32) {
    %c0_i32 = arith.constant 0 : i32
    %c0_i32_0 = arith.constant 0 : i32
    %c0_i32_1 = arith.constant 0 : i32
    return %c0_i32, %c0_i32_0 : i32, i32
  }
}

module attributes {stable_mosaic.version = 14 : i64} {
  func.func @_edgeB_body(%arg0: i32, %arg1: memref<3200x64xf32, #tpu.memory_space<vmem>>, %arg2: memref<3200x4xf32, #tpu.memory_space<vmem>>, %arg3: memref<64x64xf32, #tpu.memory_space<vmem>>, %arg4: memref<256x128xf32, #tpu.memory_space<vmem>>, %arg5: memref<2x64xf32, #tpu.memory_space<vmem>>, %arg6: memref<3200x64xf32, #tpu.memory_space<vmem>>, %arg7: memref<3200x128xf32, #tpu.memory_space<vmem>>, %arg8: memref<8x64xf32, #tpu.memory_space<vmem>>) attributes {dimension_semantics = [#tpu.dimension_semantics<arbitrary>], iteration_bounds = array<i64: 250>, scalar_prefetch = 0 : i64, scratch_operands = 0 : i64, tpu.core_type = #tpu.core_type<tc>, window_params = [{transform_indices = @transform_0, window_bounds = array<i64: 3200, 64>}, {transform_indices = @transform_1, window_bounds = array<i64: 3200, 4>}, {pipeline_mode = #tpu.pipeline_mode<synchronous>, transform_indices = @transform_2, window_bounds = array<i64: 64, 64>}, {pipeline_mode = #tpu.pipeline_mode<synchronous>, transform_indices = @transform_3, window_bounds = array<i64: 256, 128>}, {pipeline_mode = #tpu.pipeline_mode<synchronous>, transform_indices = @transform_4, window_bounds = array<i64: 2, 64>}, {transform_indices = @transform_5, window_bounds = array<i64: 3200, 64>}, {transform_indices = @transform_6, window_bounds = array<i64: 3200, 128>}, {pipeline_mode = #tpu.pipeline_mode<synchronous>, transform_indices = @transform_7, window_bounds = array<i64: 8, 64>}]} {
    %get3A = arith.constant 0 : index
    %get3A_0 = arith.constant 0 : index
    %get3A_1 = vector.load %arg1[%get3A, %get3A_0] : memref<3200x64xf32, #tpu.memory_space<vmem>>, vector<3200x64xf32>
    %get3A_2 = arith.constant 0 : index
    %get3A_3 = arith.constant 0 : index
    %get3A_4 = vector.load %arg5[%get3A_2, %get3A_3] : memref<2x64xf32, #tpu.memory_space<vmem>>, vector<1x64xf32>
    %mul3A = vector.broadcast %get3A_4 : vector<1x64xf32> to vector<3200x64xf32>
    %mul3A_5 = arith.mulf %mul3A, %get3A_1 : vector<3200x64xf32>
    %get3A_6 = arith.constant 1 : index
    %get3A_7 = arith.constant 0 : index
    %get3A_8 = vector.load %arg5[%get3A_6, %get3A_7] : memref<2x64xf32, #tpu.memory_space<vmem>>, vector<1x64xf32>
    %add3A = vector.broadcast %get3A_8 : vector<1x64xf32> to vector<3200x64xf32>
    %add3A_9 = arith.addf %mul3A_5, %add3A : vector<3200x64xf32>
    %neg3A = arith.constant 0.000000e+00 : f32
    %neg3A_10 = vector.broadcast %neg3A : f32 to vector<3200x64xf32>
    %neg3A_11 = arith.subf %neg3A_10, %add3A_9 : vector<3200x64xf32>
    %exp3A = math.exp %neg3A_11 : vector<3200x64xf32>
    %add3A_12 = arith.constant 1.000000e+00 : f32
    %add3A_13 = vector.broadcast %add3A_12 : f32 to vector<3200x64xf32>
    %add3A_14 = arith.addf %add3A_13, %exp3A : vector<3200x64xf32>
    %div3A = arith.constant 1.000000e+00 : f32
    %div3A_15 = vector.broadcast %div3A : f32 to vector<3200x64xf32>
    %div3A_16 = arith.divf %div3A_15, %add3A_14 : vector<3200x64xf32>
    %mul3A_17 = arith.mulf %add3A_9, %div3A_16 : vector<3200x64xf32>
    %get3A_18 = arith.constant 0 : index
    %get3A_19 = arith.constant 0 : index
    %get3A_20 = vector.load %arg3[%get3A_18, %get3A_19] : memref<64x64xf32, #tpu.memory_space<vmem>>, vector<64x64xf32>
    %dot_general3A = arith.constant dense<0.000000e+00> : vector<3200x64xf32>
    %dot_general3A_21 = tpu.matmul %mul3A_17, %get3A_20, %dot_general3A {dimension_numbers = #tpu.dot_dimension_numbers<[1], [0], [0], [1], [0, 0, 1, 1], [], []>, transpose_lhs_hint = false} : vector<3200x64xf32>, vector<64x64xf32>, vector<3200x64xf32> -> vector<3200x64xf32>
    %swap3A = arith.constant 0 : index
    %swap3A_22 = arith.constant 0 : index
    %swap3A_23 = vector.load %arg6[%swap3A, %swap3A_22] : memref<3200x64xf32, #tpu.memory_space<vmem>>, vector<3200x64xf32>
    tpu.vector_store %arg6[%swap3A, %swap3A_22], %dot_general3A_21 {strides = array<i32>} : memref<3200x64xf32, #tpu.memory_space<vmem>>, vector<3200x64xf32>,
    %reduce_sum3A = arith.constant dense<0.000000e+00> : vector<64xf32>
    %reduce_sum3A_24 = vector.multi_reduction <add>, %dot_general3A_21, %reduce_sum3A [0] : vector<3200x64xf32> to vector<64xf32>
    %broadcast_in_dim3A = vector.shape_cast %reduce_sum3A_24 : vector<64xf32> to vector<1x64xf32>
    %mul3A_25 = arith.mulf %dot_general3A_21, %dot_general3A_21 : vector<3200x64xf32>
    %reduce_sum3A_26 = arith.constant dense<0.000000e+00> : vector<64xf32>
    %reduce_sum3A_27 = vector.multi_reduction <add>, %mul3A_25, %reduce_sum3A_26 [0] : vector<3200x64xf32> to vector<64xf32>
    %broadcast_in_dim3A_28 = vector.shape_cast %reduce_sum3A_27 : vector<64xf32> to vector<1x64xf32>
    %broadcast_in_dim3A_29 = arith.constant 0.000000e+00 : f32
    %broadcast_in_dim3A_30 = vector.broadcast %broadcast_in_dim3A_29 : f32 to vector<6x64xf32>
    %concatenate3A = tpu.concatenate %broadcast_in_dim3A, %broadcast_in_dim3A_28, %broadcast_in_dim3A_30 in 0 : vector<1x64xf32>, vector<1x64xf32>, vector<6x64xf32> -> vector<8x64xf32>
    %eq3A = arith.constant 0 : i32
    %eq3A_31 = arith.cmpi eq, %arg0, %eq3A : i32
    %convert_element_type3A = arith.extui %eq3A_31 : i1 to i32
    %cond3A = arith.constant 0 : i32
    %cond3A_32 = arith.cmpi ne, %convert_element_type3A, %cond3A : i32
    scf.if %cond3A_32 {
      %broadcast_in_dim3A_63 = arith.constant 0.000000e+00 : f32
      %broadcast_in_dim3A_64 = vector.broadcast %broadcast_in_dim3A_63 : f32 to vector<8x64xf32>
      %swap3A_65 = arith.constant 0 : index
      %swap3A_66 = arith.constant 0 : index
      %swap3A_67 = vector.load %arg8[%swap3A_65, %swap3A_66] : memref<8x64xf32, #tpu.memory_space<vmem>>, vector<8x64xf32>
      tpu.vector_store %arg8[%swap3A_65, %swap3A_66], %broadcast_in_dim3A_64 {strides = array<i32>} : memref<8x64xf32, #tpu.memory_space<vmem>>, vector<8x64xf32>,
    } else {
    }
    %get3A_33 = arith.constant 0 : index
    %get3A_34 = arith.constant 0 : index
    %get3A_35 = vector.load %arg8[%get3A_33, %get3A_34] : memref<8x64xf32, #tpu.memory_space<vmem>>, vector<8x64xf32>
    %add3A_36 = arith.addf %get3A_35, %concatenate3A : vector<8x64xf32>
    %swap3A_37 = arith.constant 0 : index
    %swap3A_38 = arith.constant 0 : index
    %swap3A_39 = vector.load %arg8[%swap3A_37, %swap3A_38] : memref<8x64xf32, #tpu.memory_space<vmem>>, vector<8x64xf32>
    tpu.vector_store %arg8[%swap3A_37, %swap3A_38], %add3A_36 {strides = array<i32>} : memref<8x64xf32, #tpu.memory_space<vmem>>, vector<8x64xf32>,
    %get3A_40 = arith.constant 0 : index
    %get3A_41 = arith.constant 0 : index
    %get3A_42 = vector.load %arg2[%get3A_40, %get3A_41] : memref<3200x4xf32, #tpu.memory_space<vmem>>, vector<3200x4xf32>
    %slice3A = vector.extract_strided_slice %get3A_42 {offsets = [0, 0], sizes = [3200, 1], strides = [1, 1]} : vector<3200x4xf32> to vector<3200x1xf32>
    %mul3A_43 = vector.broadcast %slice3A : vector<3200x1xf32> to vector<3200x64xf32>
    %mul3A_44 = arith.mulf %mul3A_43, %mul3A_17 : vector<3200x64xf32>
    %slice3A_45 = vector.extract_strided_slice %get3A_42 {offsets = [0, 1], sizes = [3200, 1], strides = [1, 1]} : vector<3200x4xf32> to vector<3200x1xf32>
    %mul3A_46 = vector.broadcast %slice3A_45 : vector<3200x1xf32> to vector<3200x64xf32>
    %mul3A_47 = arith.mulf %mul3A_46, %mul3A_17 : vector<3200x64xf32>
    %slice3A_48 = vector.extract_strided_slice %get3A_42 {offsets = [0, 2], sizes = [3200, 1], strides = [1, 1]} : vector<3200x4xf32> to vector<3200x1xf32>
    %mul3A_49 = vector.broadcast %slice3A_48 : vector<3200x1xf32> to vector<3200x64xf32>
    %mul3A_50 = arith.mulf %mul3A_49, %mul3A_17 : vector<3200x64xf32>
    %slice3A_51 = vector.extract_strided_slice %get3A_42 {offsets = [0, 3], sizes = [3200, 1], strides = [1, 1]} : vector<3200x4xf32> to vector<3200x1xf32>
    %mul3A_52 = vector.broadcast %slice3A_51 : vector<3200x1xf32> to vector<3200x64xf32>
    %mul3A_53 = arith.mulf %mul3A_52, %mul3A_17 : vector<3200x64xf32>
    %concatenate3A_54 = tpu.concatenate %mul3A_44, %mul3A_47, %mul3A_50, %mul3A_53 in 1 : vector<3200x64xf32>, vector<3200x64xf32>, vector<3200x64xf32>, vector<3200x64xf32> -> vector<3200x256xf32>
    %get3A_55 = arith.constant 0 : index
    %get3A_56 = arith.constant 0 : index
    %get3A_57 = vector.load %arg4[%get3A_55, %get3A_56] : memref<256x128xf32, #tpu.memory_space<vmem>>, vector<256x128xf32>
    %dot_general3A_58 = arith.constant dense<0.000000e+00> : vector<3200x128xf32>
    %dot_general3A_59 = tpu.matmul %concatenate3A_54, %get3A_57, %dot_general3A_58 {dimension_numbers = #tpu.dot_dimension_numbers<[1], [0], [0], [1], [0, 0, 1, 1], [], []>, transpose_lhs_hint = false} : vector<3200x256xf32>, vector<256x128xf32>, vector<3200x128xf32> -> vector<3200x128xf32>
    %swap3A_60 = arith.constant 0 : index
    %swap3A_61 = arith.constant 0 : index
    %swap3A_62 = vector.load %arg7[%swap3A_60, %swap3A_61] : memref<3200x128xf32, #tpu.memory_space<vmem>>, vector<3200x128xf32>
    tpu.vector_store %arg7[%swap3A_60, %swap3A_61], %dot_general3A_59 {strides = array<i32>} : memref<3200x128xf32, #tpu.memory_space<vmem>>, vector<3200x128xf32>,
    return
  }
  func.func @transform_0(%arg0: i32) -> (i32, i32) {
    %c0_i32 = arith.constant 0 : i32
    %c0_i32_0 = arith.constant 0 : i32
    return %arg0, %c0_i32 : i32, i32
  }
  func.func @transform_1(%arg0: i32) -> (i32, i32) {
    %c0_i32 = arith.constant 0 : i32
    %c0_i32_0 = arith.constant 0 : i32
    return %arg0, %c0_i32 : i32, i32
  }
  func.func @transform_2(%arg0: i32) -> (i32, i32) {
    %c0_i32 = arith.constant 0 : i32
    %c0_i32_0 = arith.constant 0 : i32
    %c0_i32_1 = arith.constant 0 : i32
    return %c0_i32, %c0_i32_0 : i32, i32
  }
  func.func @transform_3(%arg0: i32) -> (i32, i32) {
    %c0_i32 = arith.constant 0 : i32
    %c0_i32_0 = arith.constant 0 : i32
    %c0_i32_1 = arith.constant 0 : i32
    return %c0_i32, %c0_i32_0 : i32, i32
  }
  func.func @transform_4(%arg0: i32) -> (i32, i32) {
    %c0_i32 = arith.constant 0 : i32
    %c0_i32_0 = arith.constant 0 : i32
    %c0_i32_1 = arith.constant 0 : i32
    return %c0_i32, %c0_i32_0 : i32, i32
  }
  func.func @transform_5(%arg0: i32) -> (i32, i32) {
    %c0_i32 = arith.constant 0 : i32
    %c0_i32_0 = arith.constant 0 : i32
    return %arg0, %c0_i32 : i32, i32
  }
  func.func @transform_6(%arg0: i32) -> (i32, i32) {
    %c0_i32 = arith.constant 0 : i32
    %c0_i32_0 = arith.constant 0 : i32
    return %arg0, %c0_i32 : i32, i32
  }
  func.func @transform_7(%arg0: i32) -> (i32, i32) {
    %c0_i32 = arith.constant 0 : i32
    %c0_i32_0 = arith.constant 0 : i32
    %c0_i32_1 = arith.constant 0 : i32
    return %c0_i32, %c0_i32_0 : i32, i32
  }
}

module attributes {stable_mosaic.version = 14 : i64} {
  func.func @_e_body(%arg0: i32, %arg1: memref<8000x64xf32, #tpu.memory_space<vmem>>, %arg2: memref<2x64xf32, #tpu.memory_space<vmem>>, %arg3: memref<8000x64xf32, #tpu.memory_space<vmem>>) attributes {dimension_semantics = [#tpu.dimension_semantics<arbitrary>], iteration_bounds = array<i64: 100>, scalar_prefetch = 0 : i64, scratch_operands = 0 : i64, tpu.core_type = #tpu.core_type<tc>, window_params = [{transform_indices = @transform_0, window_bounds = array<i64: 8000, 64>}, {pipeline_mode = #tpu.pipeline_mode<synchronous>, transform_indices = @transform_1, window_bounds = array<i64: 2, 64>}, {transform_indices = @transform_2, window_bounds = array<i64: 8000, 64>}]} {
    %get3A = arith.constant 0 : index
    %get3A_0 = arith.constant 0 : index
    %get3A_1 = vector.load %arg2[%get3A, %get3A_0] : memref<2x64xf32, #tpu.memory_space<vmem>>, vector<1x64xf32>
    %get3A_2 = arith.constant 0 : index
    %get3A_3 = arith.constant 0 : index
    %get3A_4 = vector.load %arg1[%get3A_2, %get3A_3] : memref<8000x64xf32, #tpu.memory_space<vmem>>, vector<8000x64xf32>
    %mul3A = vector.broadcast %get3A_1 : vector<1x64xf32> to vector<8000x64xf32>
    %mul3A_5 = arith.mulf %mul3A, %get3A_4 : vector<8000x64xf32>
    %get3A_6 = arith.constant 1 : index
    %get3A_7 = arith.constant 0 : index
    %get3A_8 = vector.load %arg2[%get3A_6, %get3A_7] : memref<2x64xf32, #tpu.memory_space<vmem>>, vector<1x64xf32>
    %add3A = vector.broadcast %get3A_8 : vector<1x64xf32> to vector<8000x64xf32>
    %add3A_9 = arith.addf %mul3A_5, %add3A : vector<8000x64xf32>
    %neg3A = arith.constant 0.000000e+00 : f32
    %neg3A_10 = vector.broadcast %neg3A : f32 to vector<8000x64xf32>
    %neg3A_11 = arith.subf %neg3A_10, %add3A_9 : vector<8000x64xf32>
    %exp3A = math.exp %neg3A_11 : vector<8000x64xf32>
    %add3A_12 = arith.constant 1.000000e+00 : f32
    %add3A_13 = vector.broadcast %add3A_12 : f32 to vector<8000x64xf32>
    %add3A_14 = arith.addf %add3A_13, %exp3A : vector<8000x64xf32>
    %div3A = arith.constant 1.000000e+00 : f32
    %div3A_15 = vector.broadcast %div3A : f32 to vector<8000x64xf32>
    %div3A_16 = arith.divf %div3A_15, %add3A_14 : vector<8000x64xf32>
    %mul3A_17 = arith.mulf %add3A_9, %div3A_16 : vector<8000x64xf32>
    %swap3A = arith.constant 0 : index
    %swap3A_18 = arith.constant 0 : index
    %swap3A_19 = vector.load %arg3[%swap3A, %swap3A_18] : memref<8000x64xf32, #tpu.memory_space<vmem>>, vector<8000x64xf32>
    tpu.vector_store %arg3[%swap3A, %swap3A_18], %mul3A_17 {strides = array<i32>} : memref<8000x64xf32, #tpu.memory_space<vmem>>, vector<8000x64xf32>,
    return
  }
  func.func @transform_0(%arg0: i32) -> (i32, i32) {
    %c0_i32 = arith.constant 0 : i32
    %c0_i32_0 = arith.constant 0 : i32
    return %arg0, %c0_i32 : i32, i32
  }
  func.func @transform_1(%arg0: i32) -> (i32, i32) {
    %c0_i32 = arith.constant 0 : i32
    %c0_i32_0 = arith.constant 0 : i32
    %c0_i32_1 = arith.constant 0 : i32
    return %c0_i32, %c0_i32_0 : i32, i32
  }
  func.func @transform_2(%arg0: i32) -> (i32, i32) {
    %c0_i32 = arith.constant 0 : i32
    %c0_i32_0 = arith.constant 0 : i32
    return %arg0, %c0_i32 : i32, i32
  }
}

module attributes {stable_mosaic.version = 14 : i64} {
  func.func @_ostats_body(%arg0: i32, %arg1: memref<3128x128xf32, #tpu.memory_space<vmem>>, %arg2: memref<8x128xf32, #tpu.memory_space<vmem>>) attributes {dimension_semantics = [#tpu.dimension_semantics<arbitrary>], iteration_bounds = array<i64: 16>, scalar_prefetch = 0 : i64, scratch_operands = 0 : i64, tpu.core_type = #tpu.core_type<tc>, window_params = [{transform_indices = @transform_0, window_bounds = array<i64: 3128, 128>}, {pipeline_mode = #tpu.pipeline_mode<synchronous>, transform_indices = @transform_1, window_bounds = array<i64: 8, 128>}]} {
    %get3A = arith.constant 0 : index
    %get3A_0 = arith.constant 0 : index
    %get3A_1 = vector.load %arg1[%get3A, %get3A_0] : memref<3128x128xf32, #tpu.memory_space<vmem>>, vector<3128x128xf32>
    %reduce_sum3A = arith.constant dense<0.000000e+00> : vector<128xf32>
    %reduce_sum3A_2 = vector.multi_reduction <add>, %get3A_1, %reduce_sum3A [0] : vector<3128x128xf32> to vector<128xf32>
    %broadcast_in_dim3A = vector.shape_cast %reduce_sum3A_2 : vector<128xf32> to vector<1x128xf32>
    %mul3A = arith.mulf %get3A_1, %get3A_1 : vector<3128x128xf32>
    %reduce_sum3A_3 = arith.constant dense<0.000000e+00> : vector<128xf32>
    %reduce_sum3A_4 = vector.multi_reduction <add>, %mul3A, %reduce_sum3A_3 [0] : vector<3128x128xf32> to vector<128xf32>
    %broadcast_in_dim3A_5 = vector.shape_cast %reduce_sum3A_4 : vector<128xf32> to vector<1x128xf32>
    %broadcast_in_dim3A_6 = arith.constant 0.000000e+00 : f32
    %broadcast_in_dim3A_7 = vector.broadcast %broadcast_in_dim3A_6 : f32 to vector<6x128xf32>
    %concatenate3A = tpu.concatenate %broadcast_in_dim3A, %broadcast_in_dim3A_5, %broadcast_in_dim3A_7 in 0 : vector<1x128xf32>, vector<1x128xf32>, vector<6x128xf32> -> vector<8x128xf32>
    %eq3A = arith.constant 0 : i32
    %eq3A_8 = arith.cmpi eq, %arg0, %eq3A : i32
    %convert_element_type3A = arith.extui %eq3A_8 : i1 to i32
    %cond3A = arith.constant 0 : i32
    %cond3A_9 = arith.cmpi ne, %convert_element_type3A, %cond3A : i32
    scf.if %cond3A_9 {
      %broadcast_in_dim3A_15 = arith.constant 0.000000e+00 : f32
      %broadcast_in_dim3A_16 = vector.broadcast %broadcast_in_dim3A_15 : f32 to vector<8x128xf32>
      %swap3A_17 = arith.constant 0 : index
      %swap3A_18 = arith.constant 0 : index
      %swap3A_19 = vector.load %arg2[%swap3A_17, %swap3A_18] : memref<8x128xf32, #tpu.memory_space<vmem>>, vector<8x128xf32>
      tpu.vector_store %arg2[%swap3A_17, %swap3A_18], %broadcast_in_dim3A_16 {strides = array<i32>} : memref<8x128xf32, #tpu.memory_space<vmem>>, vector<8x128xf32>,
    } else {
    }
    %get3A_10 = arith.constant 0 : index
    %get3A_11 = arith.constant 0 : index
    %get3A_12 = vector.load %arg2[%get3A_10, %get3A_11] : memref<8x128xf32, #tpu.memory_space<vmem>>, vector<8x128xf32>
    %add3A = arith.addf %get3A_12, %concatenate3A : vector<8x128xf32>
    %swap3A = arith.constant 0 : index
    %swap3A_13 = arith.constant 0 : index
    %swap3A_14 = vector.load %arg2[%swap3A, %swap3A_13] : memref<8x128xf32, #tpu.memory_space<vmem>>, vector<8x128xf32>
    tpu.vector_store %arg2[%swap3A, %swap3A_13], %add3A {strides = array<i32>} : memref<8x128xf32, #tpu.memory_space<vmem>>, vector<8x128xf32>,
    return
  }
  func.func @transform_0(%arg0: i32) -> (i32, i32) {
    %c0_i32 = arith.constant 0 : i32
    %c0_i32_0 = arith.constant 0 : i32
    return %arg0, %c0_i32 : i32, i32
  }
  func.func @transform_1(%arg0: i32) -> (i32, i32) {
    %c0_i32 = arith.constant 0 : i32
    %c0_i32_0 = arith.constant 0 : i32
    %c0_i32_1 = arith.constant 0 : i32
    return %c0_i32, %c0_i32_0 : i32, i32
  }
}

module attributes {stable_mosaic.version = 14 : i64} {
  func.func @_final_body(%arg0: i32, %arg1: memref<2000x128xf32, #tpu.memory_space<vmem>>, %arg2: memref<2000x128xf32, #tpu.memory_space<vmem>>, %arg3: memref<2x128xf32, #tpu.memory_space<vmem>>, %arg4: memref<2000x128xf32, #tpu.memory_space<vmem>>) attributes {dimension_semantics = [#tpu.dimension_semantics<arbitrary>], iteration_bounds = array<i64: 25>, scalar_prefetch = 0 : i64, scratch_operands = 0 : i64, tpu.core_type = #tpu.core_type<tc>, window_params = [{transform_indices = @transform_0, window_bounds = array<i64: 2000, 128>}, {transform_indices = @transform_1, window_bounds = array<i64: 2000, 128>}, {pipeline_mode = #tpu.pipeline_mode<synchronous>, transform_indices = @transform_2, window_bounds = array<i64: 2, 128>}, {transform_indices = @transform_3, window_bounds = array<i64: 2000, 128>}]} {
    %get3A = arith.constant 0 : index
    %get3A_0 = arith.constant 0 : index
    %get3A_1 = vector.load %arg3[%get3A, %get3A_0] : memref<2x128xf32, #tpu.memory_space<vmem>>, vector<1x128xf32>
    %get3A_2 = arith.constant 0 : index
    %get3A_3 = arith.constant 0 : index
    %get3A_4 = vector.load %arg1[%get3A_2, %get3A_3] : memref<2000x128xf32, #tpu.memory_space<vmem>>, vector<2000x128xf32>
    %mul3A = vector.broadcast %get3A_1 : vector<1x128xf32> to vector<2000x128xf32>
    %mul3A_5 = arith.mulf %mul3A, %get3A_4 : vector<2000x128xf32>
    %get3A_6 = arith.constant 1 : index
    %get3A_7 = arith.constant 0 : index
    %get3A_8 = vector.load %arg3[%get3A_6, %get3A_7] : memref<2x128xf32, #tpu.memory_space<vmem>>, vector<1x128xf32>
    %add3A = vector.broadcast %get3A_8 : vector<1x128xf32> to vector<2000x128xf32>
    %add3A_9 = arith.addf %mul3A_5, %add3A : vector<2000x128xf32>
    %neg3A = arith.constant 0.000000e+00 : f32
    %neg3A_10 = vector.broadcast %neg3A : f32 to vector<2000x128xf32>
    %neg3A_11 = arith.subf %neg3A_10, %add3A_9 : vector<2000x128xf32>
    %exp3A = math.exp %neg3A_11 : vector<2000x128xf32>
    %add3A_12 = arith.constant 1.000000e+00 : f32
    %add3A_13 = vector.broadcast %add3A_12 : f32 to vector<2000x128xf32>
    %add3A_14 = arith.addf %add3A_13, %exp3A : vector<2000x128xf32>
    %div3A = arith.constant 1.000000e+00 : f32
    %div3A_15 = vector.broadcast %div3A : f32 to vector<2000x128xf32>
    %div3A_16 = arith.divf %div3A_15, %add3A_14 : vector<2000x128xf32>
    %mul3A_17 = arith.mulf %add3A_9, %div3A_16 : vector<2000x128xf32>
    %get3A_18 = arith.constant 0 : index
    %get3A_19 = arith.constant 0 : index
    %get3A_20 = vector.load %arg2[%get3A_18, %get3A_19] : memref<2000x128xf32, #tpu.memory_space<vmem>>, vector<2000x128xf32>
    %add3A_21 = arith.addf %get3A_20, %mul3A_17 : vector<2000x128xf32>
    %swap3A = arith.constant 0 : index
    %swap3A_22 = arith.constant 0 : index
    %swap3A_23 = vector.load %arg4[%swap3A, %swap3A_22] : memref<2000x128xf32, #tpu.memory_space<vmem>>, vector<2000x128xf32>
    tpu.vector_store %arg4[%swap3A, %swap3A_22], %add3A_21 {strides = array<i32>} : memref<2000x128xf32, #tpu.memory_space<vmem>>, vector<2000x128xf32>,
    return
  }
  func.func @transform_0(%arg0: i32) -> (i32, i32) {
    %c0_i32 = arith.constant 0 : i32
    %c0_i32_0 = arith.constant 0 : i32
    return %arg0, %c0_i32 : i32, i32
  }
  func.func @transform_1(%arg0: i32) -> (i32, i32) {
    %c0_i32 = arith.constant 0 : i32
    %c0_i32_0 = arith.constant 0 : i32
    return %arg0, %c0_i32 : i32, i32
  }
  func.func @transform_2(%arg0: i32) -> (i32, i32) {
    %c0_i32 = arith.constant 0 : i32
    %c0_i32_0 = arith.constant 0 : i32
    %c0_i32_1 = arith.constant 0 : i32
    return %c0_i32, %c0_i32_0 : i32, i32
  }
  func.func @transform_3(%arg0: i32) -> (i32, i32) {
    %c0_i32 = arith.constant 0 : i32
    %c0_i32_0 = arith.constant 0 : i32
    return %arg0, %c0_i32 : i32, i32
  }
}

</mosaic_0001>

<sc_bundles>
// kernel: kernel.10.cloned.1.call-start
scs
__scs_entry_jumppad:
0x0: {  	(pc) =	sbr.rel $0x88, $3  }
0x1: {  	(tag) =	ssettag $0x0;
	lr =	simm.s32 $0x1  }
0x2: {  	[smem:$0x3F91] =	sst lr;
	_ =	strace $0xD0000000  }
0x3: {  	_ = 	snop  }
0x4: {  	_ = 	snop  }
0x5: {  	_ = 	snop  }
0x6: {  	_ = 	snop  }
0x7: {  	_ = 	snop  }
__scs_overlays_trampoline_lowered:
0x8: {  	[smem:$0x3FA0] =	sst s0  }
0x9: {  	[smem:$0x3FA1] =	sst s1  }
0xa: {  	[smem:$0x3FA2] =	sst s2  }
0xb: {  	[smem:$0x3FA3] =	sst s3  }
0xc: {  	[smem:$0x3FA4] =	sst s4  }
0xd: {  	[smem:$0x3FA5] =	sst s5  }
0xe: {  	[smem:$0x3FA6] =	sst s6  }
0xf: {  	[smem:$0x3FA7] =	sst s7  }
0x10: {  	[smem:$0x3FA8] =	sst s8  }
0x11: {  	[smem:$0x3FA9] =	sst s9;
	s0 =	simm.s32 @!p0 $0x0  }
0x12: {  	s1 =	sld [smem:$0x3F8F];
	s0 =	simm.s32 @p0 $0x1  }
0x13: {  	[smem:$0x3FAA] =	sst s0;
	s0 =	simm.s32 @!p1 $0x0  }
0x14: {  	s2 =	sld [smem:$0x3F8E];
	s0 =	simm.s32 @p1 $0x1  }
0x15: {  	[smem:$0x3FAB] =	sst s0;
	s0 =	simm.s32 @!p2 $0x0  }
0x16: {  	s3 =	sld [smem:$0x3FDB];
	s0 =	simm.s32 @p2 $0x1  }
0x17: {  	s4 =	simm.s32 $0x1BF5;
	[smem:$0x3FAD] =	sst s0  }
0x18: {  	s0 =	sld [smem:$0x3F90];
	_ =	swait.ge [sflag:s4], $0x0  }
0x19: {  	s7 =	sld [smem:$0x3F91]  }
0x1a: {  	s8 =	sadd.s32 $0xFFFFE003, lr  }
0x1b: {  	s9 =	sadd.s32 $0xFFFFFEF7, lr;
	s5 =	simm.s32 $0xFFFFFFFF;
	p2 =	slt.u32 s8, $0xFFFFF086  }
0x1c: {  	p1 =	slt.u32 s9, $0xF7A;
	s5 =	simm.s32 @!p2 $0x0  }
0x1d: {  	s5 =	simm.s32 @p1 $0x1;
	p0 =	seq.s32 s7, s2  }
0x1e: {  	s7 =	smul.u32 @!p0 $0xF7A, s2;
	p2 =	seq.s32 @!p0 s5, $0x0  }
0x1f: {  	s9 =	smul.u32 $0xF7A, s1;
	s8 =	simm.s32 @!p0 $0x1BF5;
	p2 =	por !p2, p0  }
0x20: {  	[sflag:s8] =	ssyncset.s32 @!p0 $0xFFFFF086;
	s6 =	sadd.s32 @!p0 s3, s7;
	s7 =	simm.s32 @!p0 $0x108  }
0x21: {  	s3 =	sadd.s32 s3, s9;
	s6 =	sadd.s32 @!p0 $0x88, s6;
	s7 =	simm.s32 @p2 $0x1082  }
0x22: {  	[simem:s7], [sflag:s8] =	dma.local @!p0 [hbm:s6], $0xF7A  }
0x23: {  	s9 =	sor.u32 $0xD0000000, s2;
	s6 =	simm.s32 $0x108;
	_ =	swait.ge @!p0 [sflag:s8], $0x0  }
0x24: {  	s3 =	sadd.s32 $0x88, s3;
	s6 =	simm.s32 @!p1 $0x1082;
	[sflag:s4] =	ssyncset.s32 $0xFFFFF086  }
0x25: {  	[simem:s6], [sflag:s4] =	dma.local [hbm:s3], $0xF7A  }
0x26: {  	[smem:$0x3F91] =	sst s1;
	(tag) =	ssettag s2;
	_ =	strace s9  }
0x27: {  	s1 =	sld [smem:$0x3FA1]  }
0x28: {  	s2 =	sld [smem:$0x3FA2]  }
0x29: {  	s4 =	sld [smem:$0x3FA4]  }
0x2a: {  	p0 =	seq.s32 s5, $0x0;
	s5 =	sld [smem:$0x3FA5]  }
0x2b: {  	s6 =	sld [smem:$0x3FA6]  }
0x2c: {  	s7 =	sld [smem:$0x3FA7]  }
0x2d: {  	s3 =	simm.s32 $0x108;
	s8 =	sld [smem:$0x3FA8]  }
0x2e: {  	s3 =	simm.s32 @!p0 $0x1082;
	s9 =	sld [smem:$0x3FA9]  }
0x2f: {  	lr =	sadd.s32 s0, s3;
	s0 =	sld [smem:$0x3FA0]  }
0x30: {  	s3 =	sld [smem:$0x3FA3]  }
0x31: {  	[smem:$0x3FAC] =	sst s10  }
0x32: {  	s10 =	sld [smem:$0x3FAA];
	_ =	sdelay $0x3  }
0x33: {  	p0 =	seq.s32 s10, $0x1;
	s10 =	sld [smem:$0x3FAC];
	_ =	sdelay $0x3  }
0x34: {  	[smem:$0x3FAC] =	sst s10  }
0x35: {  	s10 =	sld [smem:$0x3FAB];
	_ =	sdelay $0x3  }
0x36: {  	p1 =	seq.s32 s10, $0x1;
	s10 =	sld [smem:$0x3FAC];
	_ =	sdelay $0x3  }
0x37: {  	[smem:$0x3FAC] =	sst s10  }
0x38: {  	s10 =	sld [smem:$0x3FAD]  }
0x39: {  	_ = 	snop;
	(pc) =	sbr.ind lr, $3  }
0x3a: {  	_ = 	snop  }
0x3b: {  	_ = 	snop  }
0x3c: {  	p2 =	seq.s32 s10, $0x1;
	s10 =	sld [smem:$0x3FAC]  }
0x3d: {  	_ =	shalt  }
0x3e: {  	_ =	shalt  }
0x3f: {  	_ =	shalt  }
0x40: {  	_ =	shalt  }
0x41: {  	_ =	shalt  }
0x42: {  	_ =	shalt  }
0x43: {  	_ =	shalt  }
0x44: {  	_ =	shalt  }
0x45: {  	_ =	shalt  }
0x46: {  	_ =	shalt  }
0x47: {  	_ =	shalt  }
0x48: {  	_ =	shalt  }
0x49: {  	_ =	shalt  }
0x4a: {  	_ =	shalt  }
0x4b: {  	_ =	shalt  }
0x4c: {  	_ =	shalt  }
0x4d: {  	_ =	shalt  }
0x4e: {  	_ =	shalt  }
0x4f: {  	_ =	shalt  }
0x50: {  	_ =	shalt  }
0x51: {  	_ =	shalt  }
0x52: {  	_ =	shalt  }
0x53: {  	_ =	shalt  }
0x54: {  	_ =	shalt  }
0x55: {  	_ =	shalt  }
0x56: {  	_ =	shalt  }
0x57: {  	_ =	shalt  }
0x58: {  	_ =	shalt  }
0x59: {  	_ =	shalt  }
0x5a: {  	_ =	shalt  }
0x5b: {  	_ =	shalt  }
0x5c: {  	_ =	shalt  }
0x5d: {  	_ =	shalt  }
0x5e: {  	_ =	shalt  }
0x5f: {  	_ =	shalt  }
0x60: {  	_ =	shalt  }
0x61: {  	_ =	shalt  }
0x62: {  	_ =	shalt  }
0x63: {  	_ =	shalt  }
0x64: {  	_ =	shalt  }
0x65: {  	_ =	shalt  }
0x66: {  	_ =	shalt  }
0x67: {  	_ =	shalt  }
0x68: {  	_ =	shalt  }
0x69: {  	_ =	shalt  }
0x6a: {  	_ =	shalt  }
0x6b: {  	_ =	shalt  }
0x6c: {  	_ =	shalt  }
0x6d: {  	_ =	shalt  }
0x6e: {  	_ =	shalt  }
0x6f: {  	_ =	shalt  }
0x70: {  	_ =	shalt  }
0x71: {  	_ =	shalt  }
0x72: {  	_ =	shalt  }
0x73: {  	_ =	shalt  }
0x74: {  	_ =	shalt  }
0x75: {  	_ =	shalt  }
0x76: {  	_ =	shalt  }
0x77: {  	_ =	shalt  }
0x78: {  	_ =	shalt  }
0x79: {  	_ =	shalt  }
0x7a: {  	_ =	shalt  }
0x7b: {  	_ =	shalt  }
0x7c: {  	_ =	shalt  }
0x7d: {  	_ =	shalt  }
0x7e: {  	_ =	shalt  }
0x7f: {  	_ =	shalt  }
0x80: {  	_ =	shalt  }
0x81: {  	_ =	shalt  }
0x82: {  	_ =	shalt  }
0x83: {  	_ =	shalt  }
0x84: {  	_ =	shalt  }
0x85: {  	_ =	shalt  }
0x86: {  	_ =	shalt  }
0x87: {  	_ =	shalt  }
.Lfunc_end0:
.L_simem_size_0:
called_computation_lowered:
.L_overlay_start_0:
0x88: {  	s2 =	sld [smem:$0x3FD9]  }
0x89: {  	s3 =	sld [smem:$0x3FFE];
	_ =	sdelay $0x1  }
0x8a: {  	s1 =	srdreg.scid  }
0x8b: {  	s0 =	sand.u32 $0x1, s1  }
0x8c: {  	s14 =	sshll.u32 s0, $0xA;
	s2 =	sadd.s32 s3, s2  }
0x8d: {  	s2 =	sadd.s32 s2, s14  }
0x8e: {  	[smem:$0x3FB8] =	sst s2  }
0x8f: {  	_ = 	snop  }
0x90: {  	s2 =	sld [smem:$0x3FD0];
	_ =	sdelay $0x2  }
0x91: {  	s15 =	simm.s32 $0xA;
	s4 =	simm.s32 $0x10  }
0x92: {  	[smem:s4], [sflag:s15] =	dma.local [hbm:s2], $0x1  }
0x93: {  	_ =	swait.eq [sflag:s15], $0x1  }
0x94: {  	[sflag:s15] =	ssyncset.done $0x0  }
0x95: {  	[sflag:s15] =	ssyncadd.s32 $0xFFFFFFFF  }
0x96: {  	s16 =	sld [smem:$0x11];
	(tm) =	ssettm $0x1  }
0x97: {  	s17 =	sld [smem:$0x3FFB];
	_ =	sdelay $0x3  }
0x98: {  	_ =	strace s17  }
0x99: {  	s3 =	sld [smem:$0x3FFC];
	_ =	sdelay $0x3  }
0x9a: {  	_ =	strace s3  }
0x9b: {  	s3 =	sld [smem:$0x3FFD];
	_ =	sdelay $0x3  }
0x9c: {  	_ =	strace s3  }
0x9d: {  	_ =	strace $0x8FFFFFFF  }
0x9e: {  	s18 =	sld [smem:$0x3FDB];
	_ =	sdelay $0x1  }
0x9f: {  	s19 =	simm.s32 $_scs_section_size  }
0xa0: {  	s5 =	simm.s32 $_size__tile_overlayer_lowered;
	s6 =	simm.s32 $_tile_overlayer_lowered  }
0xa1: {  	s22 =	simm.s32 $0x1BFF;
	s21 =	sshll.u32 s6, $0x1;
	s3 =	sadd.s32 s19, s18  }
0xa2: {  	s7 =	simm.s32 $0x0;
	s20 =	sshll.u32 s5, $0x1;
	s5 =	sadd.s32 s21, s3  }
0xa3: {  	[timem:s7], [sflag:s22] =	dma.local [hbm:s5], s20  }
0xa4: {  	_ =	swait.ge [sflag:s22], s20  }
0xa5: {  	s4 =	ssub.s32 $0x0, s20;
	[sflag:s22] =	ssyncset.done $0x0  }
0xa6: {  	[sflag:s22] =	ssyncadd.s32 s4;
	_ =	sdelay $0x1  }
0xa7: {  	s23 =	simm.s32 $0x1B8B  }
0xa8: {  	_ =	swait.ge [sflag:s23], $0x1  }
0xa9: {  	[sflag:s23] =	ssyncset.done $0x0  }
0xaa: {  	s25 =	simm.s32 $0x1B8E;
	s24 =	sld [smem:$0x3FFE];
	[sflag:s23] =	ssyncadd.s32 $0xFFFFFFFF  }
0xab: {  	s26 =	simm.s32 $execute0_lowered;
	[smem:$0x3FD2] =	sst s25  }
0xac: {  	s5 =	sshll.u32 s26, $0x1;
	_ =	strace $0x80000046;
	[dreg:$0x1] =	wrdreg $0xFFFFFFFF  }
0xad: {  	s28 =	simm.s32 $_size_execute0_lowered;
	s3 =	sadd.s32 s3, s5;
	[dreg:$0x0] =	wrdreg $0x0  }
0xae: {  	s5 =	sshll.u32 s28, $0x1;
	[dreg:$0x2] =	wrdreg s3  }
0xaf: {  	[dreg:$0x3] =	wrdreg s5  }
0xb0: {  	[dreg:$0x4] =	wrdreg $0xC0  }
0xb1: {  	_ =	task [dreg:s7], $0x5FFFF  }
0xb2: {  	[dreg:$0x1] =	wrdreg $0xFFFFFFFF  }
0xb3: {  	[dreg:$0x0] =	wrdreg $0x60  }
0xb4: {  	[dreg:$0x2] =	wrdreg s24  }
0xb5: {  	[dreg:$0x3] =	wrdreg s16  }
0xb6: {  	[dreg:$0x4] =	wrdreg $0x9  }
0xb7: {  	_ =	task.clear_ibuf [dreg:s7], $0x5FFFF;
	_ =	strace $0x90000046  }
0xb8: {  	s29 =	simm.s32 $0x9;
	_ =	strace $0x80000048  }
0xb9: {  	_ =	swait.ge [sflag:s29], $0x1  }
0xba: {  	[sflag:s29] =	ssyncadd.s32 $0xFFFFFFFF  }
0xbb: {  	_ =	strace $0x90000048  }
0xbc: {  	_ =	sfence  }
0xbd: {  	s30 =	sld [smem:$0x0];
	_ =	sdelay $0x2  }
0xbe: {  	s31 =	sshll.u32 s1, $0xD;
	s1 =	sshrl.u32 s1, $0x2  }
0xbf: {  	s3 =	sand.u32 $0x4000, s31;
	s1 =	sadd.s32 s1, s30  }
0xc0: {  	s0 =	sor.u32 s3, s0;
	s1 =	sshll.u32 s1, $0x11  }
0xc1: {  	s0 =	sor.u32 s1, s0  }
0xc2: {  	s0 =	sadd.s32 $0x8F2B, s0  }
0xc3: {  	[sflag:s0] =	ssyncadd.remote.s32 $0x1  }
0xc4: {  	_ =	sfence.sel $0xFFFF  }
0xc5: {  	[dreg:$0x0] =	wrdreg $0xFFFFFFFF;
	(pc) =	sbr.abs _section_cstart, $3  }
0xc6: {  	[dreg:$0x1] =	wrdreg $0xFFFFFFFF  }
0xc7: {  	_ =	task.clear_ibuf [dreg:s7], $0x2FFFF;
	_ =	strace $0x9FFFFFFF  }
0xc8: {  	(tm) =	ssettm $0x7FFFFFFF  }
0xc9: {  	_ =	shalt  }
tec
execute0_lowered:
.L_overlay_start_1:
0x0: {  	(tag) =	ssettag $0x1  }
0x1: {  	s0 =	srdreg.scid;
	s5 =	rddreg [dreg:$0x0]  }
0x2: {  	s2 =	rddreg [dreg:$0x1];
	s1 =	stileid.u32;
	s11 =	simm.s32 $0xC8  }
0x3: {  	s14 =	simm.s32 $0xE800;
	s15 =	simm.s32 $0x0;
	s6 =	sand.u32 $0x1, s0  }
0x4: {  	s0 =	rddreg [dreg:$0x2];
	s9 =	smul.u32 $0x18, s1;
	s3 =	sshll.u32 s6, $0x4  }
0x5: {  	s7 =	smul.u32 $0x180, s6;
	s26 =	ssub.s32 $0x2, s6;
	s4 =	sor.u32 s1, s3  }
0x6: {  	s3 =	simm.s32 $0x0;
	s28 =	sshrl.u32 s26, $0x1;
	s8 =	smin.u32 s4, $0xE  }
0x7: {  	[smem:$0x7FF] =	sst s3;
	s10 =	smul.u32 $0x18, s4;
	p0 =	slt.u32 s4, $0xE  }
0x8: {  	s4 =	sadd.s32 $0x34400, s5;
	s29 =	ssub.s32 s26, s28;
	s7 =	sor.u32 s7, s8  }
0x9: {  	_ =	strace $0x80000047;
	s12 =	sadd.s32 s9, s7;
	s8 =	sadd.s32 s8, s10  }
0xa: {  	s11 =	simm.s32 @!p0 $0xC0;
	s7 =	sshll.u32 s12, $0x3;
	s10 =	sshll.u32 s8, $0x7  }
0xb: {  	s8 =	sshll.u32 s8, $0x3;
	s24 =	sadd.s32 s7, s11;
	s10 =	sadd.s32 s10, s5  }
0xc: {  	s11 =	sadd.s32 s11, s8;
	s5 =	sadd.s32 $0x96000, s5;
	s9 =	smin.u32 s24, $0x186A  }
0xd: {  	s25 =	smin.u32 s11, $0x186A;
	s11 =	simm.s32 $0x5;
	s7 =	ssub.s32 s9, s7  }
0xe: {  	s13 =	ssub.s32 s25, s8;
	s8 =	sadd.s32 $0x3000, s10;
	p0 =	sgt.s32 s7, $0x0  }
.Ltmp0:
0xf: {  	s9 =	smax.u32 s29, $0x1;
	s7 =	simm.s32 @!p0 $0x0;
	(pc) =	sbr.rel .LBB2_1-.Ltmp0, $4  }
0x10: {  	s6 =	smov.u32 s13;
	p0 =	sgt.s32 s13, $0x0;
	s7 =	sshrl.u32 s7, $0x1  }
0x11: {  	s6 =	simm.s32 @!p0 $0x0;
	p0 =	slt.s32 s13, $0x1;
	s30 =	smax.u32 s7, $0x1  }
0x12: {  	s13 =	simm.s32 $0xC800;
	s7 =	sadd.s32 $0x1BA00, s10;
	s31 =	sshll.u32 s30, $0x1  }
0x13: {  	s10 =	sshll.u32 s12, $0xD;
	s12 =	simm.s32 $0x6400;
	[dreg:$0x3] =	wrdreg s31  }
.LBB2_4:
0x14: {  	s15 =	sadd.s32 $0x1, s15  }
0x15: {  	p1 =	sne.s32 s15, s9  }
.Ltmp1:
0x16: {  	_ = 	snop;
	(pc) =	sbr.rel @!p1 .LBB2_5-.Ltmp1, $1  }
0x17: {  	_ =	sdelay $0x3  }
.LBB2_1:
0x18: {  	[tilespmem:s3], [sflag:$0x5] =	stream.linear.gather [hbm4b:s7+s3], $0x6400, $0x38;
	[tilespmem:$0x14800] =	vst v63  }
0x19: {  	_ =	swait.ge [sflag:s11], $0x6400  }
0x1a: {  	[sflag:s11] =	ssyncset.done $0x0  }
.Ltmp2:
0x1b: {  	[sflag:s11] =	ssyncadd.s32 $0xFFFF9C00;
	(pc) =	sbr.rel @p0 .LBB2_4-.Ltmp2, $4  }
0x1c: {  	[tilespmem:s12], [sflag:$0x5] =	stream.linear.gather [hbm4b:s8+s3], $0x6400, $0x38;
	[tilespmem:$0x14800] =	vst v63  }
0x1d: {  	_ =	swait.ge [sflag:s11], $0x6400  }
0x1e: {  	[sflag:s11] =	ssyncset.done $0x0  }
0x1f: {  	[sflag:s11] =	ssyncadd.s32 $0xFFFF9C00  }
0x20: {  	s16 =	simm.s32 $0x80;
	s17 =	simm.s32 $0x0  }
0x21: {  	[tilespmem:s13], [sflag:$0x1] =	stream.indirect.gather [hbm4b:s4+s16], $0x40, s17, s16, $0xb8;
	[tilespmem:$0x14800] =	vst v63  }
0x22: {  	s18 =	simm.s32 $0x6480;
	s19 =	smov.u32 s10  }
0x23: {  	[tilespmem:s14], [sflag:$0x2] =	stream.indirect.gather [hbm4b:s4+s16], $0x40, s12, s16, $0xb8;
	[tilespmem:$0x14800] =	vst v63  }
.LBB2_3:
0x24: {  	p2 =	sge.u32 s17, s6  }
0x25: {  	s20 =	simm.s32 @!p2 $0x1  }
0x26: {  	_ =	swait.ge @!p2 [sflag:s20], $0x2000  }
0x27: {  	[sflag:s20] =	ssyncset.done @!p2 $0x0  }
0x28: {  	s21 =	sadd.s32 $0x1, s17;
	[sflag:s20] =	ssyncadd.s32 @!p2 $0xFFFFE000;
	s20 =	simm.s32 @!p2 $0x2  }
0x29: {  	p1 =	sge.u32 @!p2 s21, s6;
	_ =	swait.ge @!p2 [sflag:s20], $0x2000  }
0x2a: {  	p1 =	por p1, p2;
	[sflag:s20] =	ssyncset.done @!p2 $0x0  }
0x2b: {  	s22 =	simm.s32 @!p1 $0x10800;
	[sflag:s20] =	ssyncadd.s32 @!p2 $0xFFFFE000;
	s20 =	simm.s32 @!p1 $0x80  }
0x2c: {  	[tilespmem:s22], [sflag:$0x3] =	stream.indirect.gather @!p1 [hbm4b:s4+s20], $0x40, s16, s20, $0xb8;
	[tilespmem:$0x14800] =	vst v63  }
0x2d: {  	s22 =	simm.s32 @!p1 $0x12800  }
0x2e: {  	[tilespmem:s22], [sflag:$0x4] =	stream.indirect.gather @!p1 [hbm4b:s4+s20], $0x40, s18, s20, $0xb8;
	[tilespmem:$0x14800] =	vst v63  }
0x2f: {  	s20 =	sand.u32 @!p2 $0x1FFFF800, s19  }
0x30: {  	s23 =	simm.s32 @!p2 $0x0;
	s24 =	simm.s32 @!p2 $0xC800;
	s22 =	sadd.s32 @!p2 s2, s20  }
0x31: {  	[hbm4b:s22+s23] =	stream.linear.scatter @!p2 [tilespmem:s24], [sflag:$0x6], $0x2000, $0x38;
	[tilespmem:$0x14800] =	vst v63  }
0x32: {  	s22 =	simm.s32 @!p2 $0x6  }
0x33: {  	_ =	swait.ge @!p2 [sflag:s22], $0x2000  }
0x34: {  	[sflag:s22] =	ssyncset.done @!p2 $0x0  }
0x35: {  	s20 =	sadd.s32 @!p2 s5, s20;
	s24 =	simm.s32 @!p2 $0xE800;
	[sflag:s22] =	ssyncadd.s32 @!p2 $0xFFFFE000  }
0x36: {  	[hbm4b:s20+s23] =	stream.linear.scatter @!p2 [tilespmem:s24], [sflag:$0x6], $0x2000, $0x38;
	[tilespmem:$0x14800] =	vst v63  }
0x37: {  	_ =	swait.ge @!p2 [sflag:s22], $0x2000  }
0x38: {  	p1 =	sge.u32 s21, s6;
	[sflag:s22] =	ssyncset.done @!p2 $0x0  }
0x39: {  	s20 =	simm.s32 @!p1 $0x3;
	[sflag:s22] =	ssyncadd.s32 @!p2 $0xFFFFE000  }
0x3a: {  	_ =	swait.ge @!p1 [sflag:s20], $0x2000  }
0x3b: {  	s21 =	sadd.s32 @!p1 $0x2, s17;
	[sflag:s20] =	ssyncset.done @!p1 $0x0  }
0x3c: {  	p2 =	sge.u32 @!p1 s21, s6;
	[sflag:s20] =	ssyncadd.s32 @!p1 $0xFFFFE000;
	s20 =	simm.s32 @!p1 $0x4  }
0x3d: {  	p2 =	por p2, p1;
	_ =	swait.ge @!p1 [sflag:s20], $0x2000  }
0x3e: {  	s21 =	simm.s32 @!p2 $0x80;
	[sflag:s20] =	ssyncset.done @!p1 $0x0  }
0x3f: {  	s22 =	simm.s32 @!p2 $0xC800;
	[sflag:s20] =	ssyncadd.s32 @!p1 $0xFFFFE000;
	s20 =	sadd.s32 @!p2 $0x80, s16  }
0x40: {  	[tilespmem:s22], [sflag:$0x1] =	stream.indirect.gather @!p2 [hbm4b:s4+s21], $0x40, s20, s21, $0xb8;
	[tilespmem:$0x14800] =	vst v63  }
0x41: {  	s20 =	sadd.s32 @!p2 $0x80, s18;
	s22 =	simm.s32 @!p2 $0xE800  }
0x42: {  	[tilespmem:s22], [sflag:$0x2] =	stream.indirect.gather @!p2 [hbm4b:s4+s21], $0x40, s20, s21, $0xb8;
	[tilespmem:$0x14800] =	vst v63  }
0x43: {  	s20 =	sadd.s32 @!p1 $0x400, s19  }
0x44: {  	s20 =	sand.u32 @!p1 $0x1FFFFC00, s20  }
0x45: {  	s23 =	simm.s32 @!p1 $0x10800;
	s22 =	simm.s32 @!p1 $0x0;
	s21 =	sadd.s32 @!p1 s2, s20  }
0x46: {  	[hbm4b:s21+s22] =	stream.linear.scatter @!p1 [tilespmem:s23], [sflag:$0x6], $0x2000, $0x38;
	[tilespmem:$0x14800] =	vst v63  }
0x47: {  	s21 =	simm.s32 @!p1 $0x6  }
0x48: {  	_ =	swait.ge @!p1 [sflag:s21], $0x2000  }
0x49: {  	[sflag:s21] =	ssyncset.done @!p1 $0x0  }
0x4a: {  	s20 =	sadd.s32 @!p1 s5, s20;
	[sflag:s21] =	ssyncadd.s32 @!p1 $0xFFFFE000;
	s21 =	simm.s32 @!p1 $0x12800  }
0x4b: {  	[hbm4b:s20+s22] =	stream.linear.scatter @!p1 [tilespmem:s21], [sflag:$0x5], $0x2000, $0x38;
	[tilespmem:$0x14800] =	vst v63  }
0x4c: {  	s20 =	simm.s32 @!p1 $0x5  }
0x4d: {  	_ =	swait.ge @!p1 [sflag:s20], $0x2000  }
0x4e: {  	s17 =	sadd.s32 $0x2, s17;
	s31 =	rddreg [dreg:$0x3];
	[sflag:s20] =	ssyncset.done @!p1 $0x0  }
0x4f: {  	[sflag:s20] =	ssyncadd.s32 @!p1 $0xFFFFE000;
	p1 =	sne.s32 s31, s17  }
.Ltmp3:
0x50: {  	_ = 	snop;
	(pc) =	sbr.rel @p1 .LBB2_3-.Ltmp3, $2  }
0x51: {  	_ =	sdelay $0x2  }
0x52: {  	s16 =	sadd.s32 $0x100, s16;
	s18 =	sadd.s32 $0x100, s18;
	s19 =	sadd.s32 $0x800, s19  }
.Ltmp4:
0x53: {  	_ = 	snop;
	(pc) =	sbr.rel .LBB2_4-.Ltmp4, $1  }
0x54: {  	_ =	sdelay $0x3  }
.LBB2_5:
0x55: {  	_ =	sfence.sel $0x180000  }
0x56: {  	[bflag:$0x0] =	sbarrier.arrive $0xFFFF  }
0x57: {  	p0 =	sne.s32 s1, $0x0;
	_ =	strace $0x90000047  }
0x58: {  	s0 =	sadd.s32 @!p0 $0x100000, s0;
	[bflag:$0x2] =	sbarrier.arrive $0xFFFF  }
0x59: {  	[sflag:s0] =	ssyncadd.tile.s32 @!p0 $0x1;
	_ =	shalt  }
.Lfunc_end2:
_tile_overlayer_lowered:
.L_overlay_start_2:
0x5a: {  	(tag) =	ssettag $0x2  }
0x5b: {  	s0 =	rddreg [dreg:$0x0];
	s2 =	stileid.u32  }
0x5c: {  	s1 =	rddreg [dreg:$0x1];
	p0 =	sne.s32 s2, $0x0  }
0x5d: {  	s3 =	rddreg [dreg:$0x2];
	[bflag:$0x3] =	sbarrier.arrive $0xFFFF;
	s2 =	simm.s32 @!p0 $0x1C05  }
0x5e: {  	[timem:s3], [sflag:s2] =	dma.local @!p0 [hbm:s0], s1  }
0x5f: {  	s0 =	simm.s32 @!p0 $0x5  }
0x60: {  	_ =	swait.ge @!p0 [sflag:s0], s1  }
0x61: {  	s1 =	ssub.s32 @!p0 $0x0, s1;
	[sflag:s0] =	ssyncset.done @!p0 $0x0  }
0x62: {  	[sflag:s0] =	ssyncadd.s32 @!p0 s1  }
0x63: {  	[bflag:$0x3] =	sbarrier.arrive $0xFFFF  }
0x64: {  	_ =	shalt  }

// kernel: kernel.13.cloned.1.call-start
scs
__scs_entry_jumppad:
0x0: {  	(pc) =	sbr.rel $0x88, $3  }
0x1: {  	(tag) =	ssettag $0x0;
	lr =	simm.s32 $0x1  }
0x2: {  	[smem:$0x3F91] =	sst lr;
	_ =	strace $0xD0000000  }
0x3: {  	_ = 	snop  }
0x4: {  	_ = 	snop  }
0x5: {  	_ = 	snop  }
0x6: {  	_ = 	snop  }
0x7: {  	_ = 	snop  }
__scs_overlays_trampoline_lowered:
0x8: {  	[smem:$0x3FA0] =	sst s0  }
0x9: {  	[smem:$0x3FA1] =	sst s1  }
0xa: {  	[smem:$0x3FA2] =	sst s2  }
0xb: {  	[smem:$0x3FA3] =	sst s3  }
0xc: {  	[smem:$0x3FA4] =	sst s4  }
0xd: {  	[smem:$0x3FA5] =	sst s5  }
0xe: {  	[smem:$0x3FA6] =	sst s6  }
0xf: {  	[smem:$0x3FA7] =	sst s7  }
0x10: {  	[smem:$0x3FA8] =	sst s8  }
0x11: {  	[smem:$0x3FA9] =	sst s9;
	s0 =	simm.s32 @!p0 $0x0  }
0x12: {  	s1 =	sld [smem:$0x3F8F];
	s0 =	simm.s32 @p0 $0x1  }
0x13: {  	[smem:$0x3FAA] =	sst s0;
	s0 =	simm.s32 @!p1 $0x0  }
0x14: {  	s2 =	sld [smem:$0x3F8E];
	s0 =	simm.s32 @p1 $0x1  }
0x15: {  	[smem:$0x3FAB] =	sst s0;
	s0 =	simm.s32 @!p2 $0x0  }
0x16: {  	s3 =	sld [smem:$0x3FDB];
	s0 =	simm.s32 @p2 $0x1  }
0x17: {  	s4 =	simm.s32 $0x1BF5;
	[smem:$0x3FAD] =	sst s0  }
0x18: {  	s0 =	sld [smem:$0x3F90];
	_ =	swait.ge [sflag:s4], $0x0  }
0x19: {  	s7 =	sld [smem:$0x3F91]  }
0x1a: {  	s8 =	sadd.s32 $0xFFFFE003, lr  }
0x1b: {  	s9 =	sadd.s32 $0xFFFFFEF7, lr;
	s5 =	simm.s32 $0xFFFFFFFF;
	p2 =	slt.u32 s8, $0xFFFFF086  }
0x1c: {  	p1 =	slt.u32 s9, $0xF7A;
	s5 =	simm.s32 @!p2 $0x0  }
0x1d: {  	s5 =	simm.s32 @p1 $0x1;
	p0 =	seq.s32 s7, s2  }
0x1e: {  	s7 =	smul.u32 @!p0 $0xF7A, s2;
	p2 =	seq.s32 @!p0 s5, $0x0  }
0x1f: {  	s9 =	smul.u32 $0xF7A, s1;
	s8 =	simm.s32 @!p0 $0x1BF5;
	p2 =	por !p2, p0  }
0x20: {  	[sflag:s8] =	ssyncset.s32 @!p0 $0xFFFFF086;
	s6 =	sadd.s32 @!p0 s3, s7;
	s7 =	simm.s32 @!p0 $0x108  }
0x21: {  	s3 =	sadd.s32 s3, s9;
	s6 =	sadd.s32 @!p0 $0x88, s6;
	s7 =	simm.s32 @p2 $0x1082  }
0x22: {  	[simem:s7], [sflag:s8] =	dma.local @!p0 [hbm:s6], $0xF7A  }
0x23: {  	s9 =	sor.u32 $0xD0000000, s2;
	s6 =	simm.s32 $0x108;
	_ =	swait.ge @!p0 [sflag:s8], $0x0  }
0x24: {  	s3 =	sadd.s32 $0x88, s3;
	s6 =	simm.s32 @!p1 $0x1082;
	[sflag:s4] =	ssyncset.s32 $0xFFFFF086  }
0x25: {  	[simem:s6], [sflag:s4] =	dma.local [hbm:s3], $0xF7A  }
0x26: {  	[smem:$0x3F91] =	sst s1;
	(tag) =	ssettag s2;
	_ =	strace s9  }
0x27: {  	s1 =	sld [smem:$0x3FA1]  }
0x28: {  	s2 =	sld [smem:$0x3FA2]  }
0x29: {  	s4 =	sld [smem:$0x3FA4]  }
0x2a: {  	p0 =	seq.s32 s5, $0x0;
	s5 =	sld [smem:$0x3FA5]  }
0x2b: {  	s6 =	sld [smem:$0x3FA6]  }
0x2c: {  	s7 =	sld [smem:$0x3FA7]  }
0x2d: {  	s3 =	simm.s32 $0x108;
	s8 =	sld [smem:$0x3FA8]  }
0x2e: {  	s3 =	simm.s32 @!p0 $0x1082;
	s9 =	sld [smem:$0x3FA9]  }
0x2f: {  	lr =	sadd.s32 s0, s3;
	s0 =	sld [smem:$0x3FA0]  }
0x30: {  	s3 =	sld [smem:$0x3FA3]  }
0x31: {  	[smem:$0x3FAC] =	sst s10  }
0x32: {  	s10 =	sld [smem:$0x3FAA];
	_ =	sdelay $0x3  }
0x33: {  	p0 =	seq.s32 s10, $0x1;
	s10 =	sld [smem:$0x3FAC];
	_ =	sdelay $0x3  }
0x34: {  	[smem:$0x3FAC] =	sst s10  }
0x35: {  	s10 =	sld [smem:$0x3FAB];
	_ =	sdelay $0x3  }
0x36: {  	p1 =	seq.s32 s10, $0x1;
	s10 =	sld [smem:$0x3FAC];
	_ =	sdelay $0x3  }
0x37: {  	[smem:$0x3FAC] =	sst s10  }
0x38: {  	s10 =	sld [smem:$0x3FAD]  }
0x39: {  	_ = 	snop;
	(pc) =	sbr.ind lr, $3  }
0x3a: {  	_ = 	snop  }
0x3b: {  	_ = 	snop  }
0x3c: {  	p2 =	seq.s32 s10, $0x1;
	s10 =	sld [smem:$0x3FAC]  }
0x3d: {  	_ =	shalt  }
0x3e: {  	_ =	shalt  }
0x3f: {  	_ =	shalt  }
0x40: {  	_ =	shalt  }
0x41: {  	_ =	shalt  }
0x42: {  	_ =	shalt  }
0x43: {  	_ =	shalt  }
0x44: {  	_ =	shalt  }
0x45: {  	_ =	shalt  }
0x46: {  	_ =	shalt  }
0x47: {  	_ =	shalt  }
0x48: {  	_ =	shalt  }
0x49: {  	_ =	shalt  }
0x4a: {  	_ =	shalt  }
0x4b: {  	_ =	shalt  }
0x4c: {  	_ =	shalt  }
0x4d: {  	_ =	shalt  }
0x4e: {  	_ =	shalt  }
0x4f: {  	_ =	shalt  }
0x50: {  	_ =	shalt  }
0x51: {  	_ =	shalt  }
0x52: {  	_ =	shalt  }
0x53: {  	_ =	shalt  }
0x54: {  	_ =	shalt  }
0x55: {  	_ =	shalt  }
0x56: {  	_ =	shalt  }
0x57: {  	_ =	shalt  }
0x58: {  	_ =	shalt  }
0x59: {  	_ =	shalt  }
0x5a: {  	_ =	shalt  }
0x5b: {  	_ =	shalt  }
0x5c: {  	_ =	shalt  }
0x5d: {  	_ =	shalt  }
0x5e: {  	_ =	shalt  }
0x5f: {  	_ =	shalt  }
0x60: {  	_ =	shalt  }
0x61: {  	_ =	shalt  }
0x62: {  	_ =	shalt  }
0x63: {  	_ =	shalt  }
0x64: {  	_ =	shalt  }
0x65: {  	_ =	shalt  }
0x66: {  	_ =	shalt  }
0x67: {  	_ =	shalt  }
0x68: {  	_ =	shalt  }
0x69: {  	_ =	shalt  }
0x6a: {  	_ =	shalt  }
0x6b: {  	_ =	shalt  }
0x6c: {  	_ =	shalt  }
0x6d: {  	_ =	shalt  }
0x6e: {  	_ =	shalt  }
0x6f: {  	_ =	shalt  }
0x70: {  	_ =	shalt  }
0x71: {  	_ =	shalt  }
0x72: {  	_ =	shalt  }
0x73: {  	_ =	shalt  }
0x74: {  	_ =	shalt  }
0x75: {  	_ =	shalt  }
0x76: {  	_ =	shalt  }
0x77: {  	_ =	shalt  }
0x78: {  	_ =	shalt  }
0x79: {  	_ =	shalt  }
0x7a: {  	_ =	shalt  }
0x7b: {  	_ =	shalt  }
0x7c: {  	_ =	shalt  }
0x7d: {  	_ =	shalt  }
0x7e: {  	_ =	shalt  }
0x7f: {  	_ =	shalt  }
0x80: {  	_ =	shalt  }
0x81: {  	_ =	shalt  }
0x82: {  	_ =	shalt  }
0x83: {  	_ =	shalt  }
0x84: {  	_ =	shalt  }
0x85: {  	_ =	shalt  }
0x86: {  	_ =	shalt  }
0x87: {  	_ =	shalt  }
.Lfunc_end0:
.L_simem_size_0:
called_computation.1_lowered:
.L_overlay_start_0:
0x88: {  	s2 =	sld [smem:$0x3FD9]  }
0x89: {  	s3 =	sld [smem:$0x3FFE];
	_ =	sdelay $0x1  }
0x8a: {  	s1 =	srdreg.scid  }
0x8b: {  	s0 =	sand.u32 $0x1, s1  }
0x8c: {  	s16 =	sshll.u32 s0, $0xA;
	s2 =	sadd.s32 s3, s2  }
0x8d: {  	s2 =	sadd.s32 s2, s16  }
0x8e: {  	[smem:$0x3FB8] =	sst s2  }
0x8f: {  	_ = 	snop  }
0x90: {  	(tm) =	ssettm $0x1  }
0x91: {  	s17 =	sld [smem:$0x3FFB];
	_ =	sdelay $0x3  }
0x92: {  	_ =	strace s17  }
0x93: {  	s2 =	sld [smem:$0x3FFC];
	_ =	sdelay $0x3  }
0x94: {  	_ =	strace s2  }
0x95: {  	s2 =	sld [smem:$0x3FFD];
	_ =	sdelay $0x3  }
0x96: {  	_ =	strace s2  }
0x97: {  	_ =	strace $0x8FFFFFFF  }
0x98: {  	s18 =	sld [smem:$0x3FDB];
	_ =	sdelay $0x1  }
0x99: {  	s19 =	simm.s32 $_scs_section_size  }
0x9a: {  	s4 =	simm.s32 $_size__tile_overlayer_lowered;
	s5 =	simm.s32 $_tile_overlayer_lowered  }
0x9b: {  	s22 =	simm.s32 $0x1BFF;
	s21 =	sshll.u32 s5, $0x1;
	s2 =	sadd.s32 s19, s18  }
0x9c: {  	s6 =	simm.s32 $0x0;
	s20 =	sshll.u32 s4, $0x1;
	s4 =	sadd.s32 s21, s2  }
0x9d: {  	[timem:s6], [sflag:s22] =	dma.local [hbm:s4], s20  }
0x9e: {  	_ =	swait.ge [sflag:s22], s20  }
0x9f: {  	s3 =	ssub.s32 $0x0, s20;
	[sflag:s22] =	ssyncset.done $0x0  }
0xa0: {  	[sflag:s22] =	ssyncadd.s32 s3;
	_ =	sdelay $0x1  }
0xa1: {  	s23 =	simm.s32 $0x1B8B  }
0xa2: {  	_ =	swait.ge [sflag:s23], $0x1  }
0xa3: {  	[sflag:s23] =	ssyncset.done $0x0  }
0xa4: {  	s25 =	simm.s32 $0x1B8E;
	s24 =	sld [smem:$0x3FFE];
	[sflag:s23] =	ssyncadd.s32 $0xFFFFFFFF  }
0xa5: {  	s26 =	simm.s32 $execute0_lowered;
	[smem:$0x3FD2] =	sst s25  }
0xa6: {  	s4 =	sshll.u32 s26, $0x1;
	_ =	strace $0x80000049;
	[dreg:$0x1] =	wrdreg $0xFFFFFFFF  }
0xa7: {  	s28 =	simm.s32 $_size_execute0_lowered;
	s2 =	sadd.s32 s2, s4;
	[dreg:$0x0] =	wrdreg $0x0  }
0xa8: {  	s4 =	sshll.u32 s28, $0x1;
	[dreg:$0x2] =	wrdreg s2  }
0xa9: {  	[dreg:$0x3] =	wrdreg s4  }
0xaa: {  	[dreg:$0x4] =	wrdreg $0xC0  }
0xab: {  	_ =	task [dreg:s6], $0x5FFFF  }
0xac: {  	[dreg:$0x1] =	wrdreg $0xFFFFFFFF  }
0xad: {  	[dreg:$0x0] =	wrdreg $0x60  }
0xae: {  	[dreg:$0x2] =	wrdreg s24  }
0xaf: {  	[dreg:$0x3] =	wrdreg $0x0  }
0xb0: {  	[dreg:$0x4] =	wrdreg $0x9  }
0xb1: {  	_ =	task.clear_ibuf [dreg:s6], $0x5FFFF;
	_ =	strace $0x90000049  }
0xb2: {  	s29 =	simm.s32 $0x9;
	_ =	strace $0x8000004B  }
0xb3: {  	_ =	swait.ge [sflag:s29], $0x1  }
0xb4: {  	[sflag:s29] =	ssyncadd.s32 $0xFFFFFFFF  }
0xb5: {  	_ =	strace $0x9000004B  }
0xb6: {  	_ =	sfence  }
0xb7: {  	s30 =	sld [smem:$0x0];
	_ =	sdelay $0x2  }
0xb8: {  	s31 =	sshll.u32 s1, $0xD;
	s1 =	sshrl.u32 s1, $0x2  }
0xb9: {  	s3 =	sand.u32 $0x4000, s31;
	s1 =	sadd.s32 s1, s30  }
0xba: {  	s0 =	sor.u32 s3, s0;
	s1 =	sshll.u32 s1, $0x11  }
0xbb: {  	s0 =	sor.u32 s1, s0  }
0xbc: {  	s0 =	sadd.s32 $0x8F2B, s0  }
0xbd: {  	[sflag:s0] =	ssyncadd.remote.s32 $0x1  }
0xbe: {  	_ =	sfence.sel $0xFFFF  }
0xbf: {  	[dreg:$0x0] =	wrdreg $0xFFFFFFFF;
	(pc) =	sbr.abs _section_cstart, $3  }
0xc0: {  	[dreg:$0x1] =	wrdreg $0xFFFFFFFF  }
0xc1: {  	_ =	task.clear_ibuf [dreg:s6], $0x2FFFF;
	_ =	strace $0x9FFFFFFF  }
0xc2: {  	(tm) =	ssettm $0x7FFFFFFF  }
0xc3: {  	_ =	shalt  }
tec
execute0_lowered:
.L_overlay_start_1:
0x0: {  	(tag) =	ssettag $0x1  }
0x1: {  	s7 =	rddreg [dreg:$0x0]  }
0x2: {  	s2 =	rddreg [dreg:$0x1];
	s3 =	simm.s32 $0x0  }
0x3: {  	s0 =	stileid.u32;
	s8 =	srdreg.scid;
	s9 =	simm.s32 $0x188  }
0x4: {  	[smem:$0x7FF] =	sst s3;
	s4 =	sadd.s32 $0xC50A00, s7;
	s6 =	smul.u32 $0x30, s0  }
0x5: {  	s5 =	sadd.s32 $0x3000, s7;
	s12 =	smin.u32 s0, $0xE;
	s13 =	smul.u32 $0x180, s0  }
0x6: {  	p0 =	slt.u32 s0, $0xE;
	s10 =	sand.u32 $0x1, s8;
	s26 =	smul.u32 $0x60000, s0  }
0x7: {  	s14 =	sadd.s32 $0x1885A00, s7;
	s15 =	smin.u32 s0, $0x7;
	s18 =	smul.u32 $0x18000, s0  }
0x8: {  	s31 =	smul.u32 $0xC000, s0;
	_ =	strace $0x8000004A;
	s9 =	simm.s32 @!p0 $0x180  }
0x9: {  	s24 =	ssub.s32 $0x2, s10;
	p0 =	slt.u32 s0, $0x7;
	s17 =	smul.u32 $0x61C0, s10  }
0xa: {  	s16 =	sshll.u32 s12, $0x3;
	s10 =	smul.u32 $0x30E000, s10;
	s20 =	sshll.u32 s15, $0xE  }
0xb: {  	s15 =	sshll.u32 s15, $0xC;
	s6 =	sor.u32 s12, s6;
	s11 =	sshrl.u32 s24, $0x1  }
0xc: {  	s12 =	sshll.u32 s12, $0xA;
	s6 =	sshll.u32 s6, $0x3;
	s11 =	ssub.s32 s24, s11  }
0xd: {  	s28 =	sadd.s32 $0x30E0, s17;
	s19 =	sadd.s32 $0x61C0, s17;
	s18 =	sadd.s32 s18, s10  }
0xe: {  	v0 =	vmov s17;
	s12 =	sor.u32 s12, s31;
	s17 =	simm.s32 $0x18740;
	s25 =	sadd.s32 s9, s6  }
0xf: {  	s9 =	sadd.s32 s13, s9;
	s13 =	sor.u32 s13, s16;
	s1 =	smax.u32 s11, $0x1  }
0x10: {  	s30 =	sadd.s32 s15, s18;
	v2 =	vmov s19;
	s15 =	simm.s32 $0x1C540;
	s19 =	simm.s32 $0x1C440  }
0x11: {  	s8 =	smin.u32 s25, $0x186A;
	s9 =	sadd.s32 s16, s9;
	[dreg:$0x5] =	wrdreg s1  }
0x12: {  	s18 =	sadd.s32 $0x187000, s30;
	s16 =	simm.s32 $0x2;
	s7 =	ssub.s32 s8, s6  }
0x13: {  	s8 =	simm.s32 $0x19;
	s9 =	smin.u32 s9, $0x186A;
	s18 =	sshrl.u32 s18, $0x3  }
0x14: {  	s8 =	simm.s32 @!p0 $0x18;
	s9 =	ssub.s32 s9, s13;
	s13 =	sor.u32 s20, s26  }
0x15: {  	s20 =	simm.s32 $0x0;
	p0 =	sgt.s32 s9, $0x0;
	s29 =	sshrl.u32 s13, $0x2  }
0x16: {  	v3 =	vimm.f32 $0.0e+00;
	v4 =	vimm.s32 $0x0;
	s13 =	sshrl.u32 s30, $0x3;
	s9 =	simm.s32 @!p0 $0x0;
	s11 =	sadd.s32 s29, s2  }
0x17: {  	v5 =	vimm.s32 $0x30E0;
	v6 =	vlaneseq.u32;
	v1 =	vmov s28;
	s13 =	sadd.s32 s13, s14;
	s14 =	sadd.s32 s18, s14;
	s18 =	simm.s32 $0x1C340  }
.LBB2_1:
0x18: {  	s21 =	simm.s32 $0x0;
	s22 =	simm.s32 $0x200  }
.LBB2_2:
0x19: {  	p0 =	sne.s32 s22, $0x3E00;
	[tilespmem:s21+$0x1C5B0] =	vst v3  }
0x1a: {  	[tilespmem:s21+$0x1C540] =	vst v3  }
0x1b: {  	[tilespmem:s21+$0x1C550] =	vst v3  }
.Ltmp0:
0x1c: {  	[tilespmem:s21+$0x1C560] =	vst v3;
	(pc) =	sbr.rel @p0 .LBB2_2-.Ltmp0, $4  }
0x1d: {  	[tilespmem:s21+$0x1C570] =	vst v3  }
0x1e: {  	[tilespmem:s21+$0x1C580] =	vst v3  }
0x1f: {  	[tilespmem:s21+$0x1C590] =	vst v3  }
0x20: {  	[tilespmem:s21+$0x1C5A0] =	vst v3;
	s21 =	sshra.s32 s22, $0x2;
	s22 =	sadd.s32 $0x200, s22  }
0x21: {  	[tilespmem:s21+$0x1C5B0] =	vst v3  }
0x22: {  	[tilespmem:s21+$0x1C540] =	vst v3  }
0x23: {  	[tilespmem:s21+$0x1C550] =	vst v3  }
0x24: {  	[tilespmem:s21+$0x1C560] =	vst v3  }
0x25: {  	[tilespmem:s21+$0x1C570] =	vst v3  }
0x26: {  	[tilespmem:s21+$0x1C580] =	vst v3;
	p0 =	sne.s32 s8, $0x1  }
.Ltmp1:
0x27: {  	[tilespmem:s21+$0x1C590] =	vst v3;
	(pc) =	sbr.rel @!p0 .LBB2_5-.Ltmp1, $4  }
0x28: {  	[tilespmem:s21+$0x1C5A0] =	vst v3  }
0x29: {  	[spmem:s11] =	stream.linear.scatter [tilespmem:s15], [sflag:$0x2], $0x1000, $0x38;
	[tilespmem:$0x1D540] =	vst v63  }
0x2a: {  	_ =	swait.ge [sflag:s16], $0x1000  }
0x2b: {  	s21 =	sadd.s32 $0xFFFFFFFF, s8;
	s22 =	smov.u32 s11;
	[sflag:s16] =	ssyncset.done $0x0  }
.LBB2_4:
0x2c: {  	p1 =	sne.s32 s21, $0x1;
	[sflag:s16] =	ssyncadd.s32 $0xFFFFF000;
	s22 =	sadd.s32 $0x1000, s22  }
.Ltmp2:
0x2d: {  	s21 =	sadd.s32 $0xFFFFFFFF, s21;
	(pc) =	sbr.rel @p1 .LBB2_4-.Ltmp2, $4  }
0x2e: {  	_ = 	snop  }
0x2f: {  	[spmem:s22] =	stream.linear.scatter [tilespmem:s15], [sflag:$0x2], $0x1000, $0x38;
	[tilespmem:$0x1D540] =	vst v63  }
0x30: {  	_ =	swait.ge [sflag:s16], $0x1000  }
0x31: {  	[sflag:s16] =	ssyncset.done $0x0  }
.LBB2_5:
0x32: {  	[sflag:s16] =	ssyncadd.s32 $0xFFFFF000  }
0x33: {  	[tilespmem:$0x1C340] =	vst v4  }
0x34: {  	[tilespmem:$0x1C440] =	vst v5  }
0x35: {  	[tilespmem:$0x1C350] =	vst v4  }
0x36: {  	[tilespmem:$0x1C450] =	vst v5  }
0x37: {  	[tilespmem:$0x1C360] =	vst v4  }
0x38: {  	[tilespmem:$0x1C460] =	vst v5  }
0x39: {  	[tilespmem:$0x1C370] =	vst v4  }
0x3a: {  	[tilespmem:$0x1C470] =	vst v5  }
0x3b: {  	[tilespmem:$0x1C3C0] =	vst v4  }
0x3c: {  	[tilespmem:$0x1C4C0] =	vst v5  }
0x3d: {  	[tilespmem:$0x1C3D0] =	vst v4  }
0x3e: {  	[tilespmem:$0x1C4D0] =	vst v5  }
0x3f: {  	[tilespmem:$0x1C3E0] =	vst v4  }
.Ltmp3:
0x40: {  	[tilespmem:$0x1C4E0] =	vst v5;
	(pc) =	sbr.rel .LBB2_6-.Ltmp3, $4  }
0x41: {  	[tilespmem:$0x1C3F0] =	vst v4  }
0x42: {  	s21 =	simm.s32 $0x0;
	[tilespmem:$0x1C4F0] =	vst v5  }
0x43: {  	s22 =	smov.u32 s12;
	s23 =	smov.u32 s9;
	[bflag:$0x0] =	sbarrier.arrive $0xFFFF  }
0x44: {  	s29 =	simm.s32 $0x0;
	s30 =	simm.s32 $0x0;
	s24 =	simm.s32 $0x0  }
.LBB2_9:
0x45: {  	s24 =	sadd.s32 $0x1, s24  }
0x46: {  	p1 =	sne.s32 s24, $0x7  }
.Ltmp4:
0x47: {  	_ = 	snop;
	(pc) =	sbr.rel @!p1 .LBB2_10-.Ltmp4, $2  }
0x48: {  	_ =	sdelay $0x2  }
0x49: {  	s23 =	sadd.s32 $0xFFFFFFC8, s23;
	s22 =	sadd.s32 $0x1C00, s22  }
.LBB2_6:
0x4a: {  	s25 =	smul.u32 $0x38, s24;
	_ =	sdelay $0x1  }
0x4b: {  	s26 =	sadd.s32 s6, s25  }
0x4c: {  	p1 =	sle.s32 s7, s25;
	s26 =	sshll.u32 s26, $0x4  }
.Ltmp5:
0x4d: {  	s26 =	sadd.s32 s5, s26;
	(pc) =	sbr.rel @p1 .LBB2_9-.Ltmp5, $4  }
0x4e: {  	[tilespmem:s17], [sflag:$0x2] =	stream.linear.gather [hbm4b:s26+s21], $0x1C00, $0x38;
	[tilespmem:$0x1D540] =	vst v63  }
0x4f: {  	_ =	swait.ge [sflag:s16], $0x1C00  }
0x50: {  	[sflag:s16] =	ssyncset.done $0x0  }
0x51: {  	[sflag:s16] =	ssyncadd.s32 $0xFFFFE400  }
0x52: {  	p1 =	sgt.s32 s23, $0x1;
	s25 =	smov.u32 s23  }
0x53: {  	s25 =	simm.s32 @!p1 $0x1  }
0x54: {  	s25 =	smin.u32 s25, $0x38  }
0x55: {  	s25 =	sshll.u32 s25, $0x7  }
0x56: {  	s26 =	simm.s32 $0x0;
	[dreg:$0x3] =	wrdreg s25;
	s25 =	simm.s32 $0x18780  }
.LBB2_8:
0x57: {  	v7 =	vld [tilespmem:s25+$0xFFFFFFC0];
	_ =	sdelay $0x4  }
0x58: {  	vm0 =	vge.s32 v7, v0;
	vm1 =	vlt.s32 v7, v1  }
0x59: {  	vm0 =	vmand vm0, vm1  }
0x5a: {  	v8 =	vsel vm0, $0x1, v4  }
0x5b: {  	(xrf0) =	vadd.scan.msk.s32 $0xffff, v8;
	_ =	sdelay $0x2  }
0x5c: {  	v8 =	vmov s30  }
0x5d: {  	v8 =	vadd.s32 $0xFFFFFFFF, v8  }
0x5e: {  	v8 =	vbroadcast v8, $0x0  }
0x5f: {  	v9, _, _ =	vpop (xrf0)  }
0x60: {  	v8 =	vadd.s32 v9, v8  }
0x61: {  	v10 =	vshra.s32 v8, $0x1F  }
0x62: {  	(v2sf) =	vpush v9, $0xF;
	v10 =	vshrl.u32 v10, $0x19  }
0x63: {  	v26 =	vadd.s32 v10, v8  }
0x64: {  	v9 =	vshrl.u32 v26, $0x7  }
0x65: {  	v9 =	vshll.u32 v9, $0x7  }
0x66: {  	v8 =	vsub.s32 v8, v9  }
0x67: {  	v9 =	vshll.u32 v8, $0x18  }
0x68: {  	v9 =	vshra.s32 v9, $0x1F  }
0x69: {  	v9 =	vand.u32 $0x3F, v9  }
0x6a: {  	v9 =	vadd.s32 v9, v8  }
0x6b: {  	v9 =	vand.u32 $0xC0, v9  }
0x6c: {  	v9 =	vsub.s32 v8, v9  }
0x6d: {  	v9 =	vshll.u32 v9, $0x18  }
0x6e: {  	v8 =	vshll.u32 v8, $0x1;
	v9 =	vshra.s32 v9, $0x18  }
0x6f: {  	v8 =	vand.u32 $0xFFFFFF80, v8;
	v27 =	vand.u32 $0xFFFFFF80, v9  }
0x70: {  	v9 =	vand.u32 $0x7F, v9;
	v8 =	vadd.s32 v8, v27  }
0x71: {  	s28 =	spop (v2sf);
	v8 =	vor.u32 v9, v8  }
0x72: {  	s30 =	sadd.s32 s30, s28  }
0x73: {  	s31 =	ssub.s32 s30, s29  }
0x74: {  	s28 =	sadd.s32 s26, s22;
	p1 =	slt.s32 s31, $0x40  }
0x75: {  	v28 =	vor.u32 s28, v6;
	s31 =	sshll.u32 @!p1 s29, $0x1  }
0x76: {  	v7 =	vsub.s32 v7, v0;
	s31 =	sand.u32 @!p1 $0x80, s31;
	[tilespmem:v8+s18+$0x0] =	vst.idx.msk vm0, v28  }
0x77: {  	s1 =	simm.s32 @!p1 $0x40;
	s10 =	simm.s32 @!p1 $0x1A340;
	s0 =	sor.u32 @!p1 $0x1C340, s31;
	[tilespmem:v8+s19+$0x0] =	vst.idx.msk vm0, v7  }
0x78: {  	[tilespmem:s10], [sflag:$0x1] =	stream.indirect.gather @!p1 [hbm4b:s4+s1], $0x80, s0, s1, $0xb8;
	[tilespmem:$0x1D540] =	vst v63  }
0x79: {  	s0 =	simm.s32 @!p1 $0x1  }
0x7a: {  	_ =	swait.ge @!p1 [sflag:s0], $0x2000  }
0x7b: {  	[sflag:s0] =	ssyncset.done @!p1 $0x0  }
0x7c: {  	[sflag:s0] =	ssyncadd.s32 @!p1 $0xFFFFE000;
	s0 =	sor.u32 @!p1 $0x1C440, s31  }
0x7d: {  	[spmem:s2] =	stream.indirect.scatter.add.f32 @!p1 [tilespmem:s10], [sflag:$0x2], $0x80, s0, s1, $0xb8;
	[tilespmem:$0x1D540] =	vst v63  }
0x7e: {  	s0 =	simm.s32 @!p1 $0x2  }
0x7f: {  	_ =	swait.ge @!p1 [sflag:s0], $0x2000  }
0x80: {  	[sflag:s0] =	ssyncset.done @!p1 $0x0  }
0x81: {  	[sflag:s0] =	ssyncadd.s32 @!p1 $0xFFFFE000  }
0x82: {  	v7 =	vld [tilespmem:s25+$0xFFFFFFD0];
	_ =	sdelay $0x4  }
0x83: {  	vm14 =	vge.s32 v7, v0;
	vm15 =	vlt.s32 v7, v1  }
0x84: {  	vm0 =	vmand vm14, vm15  }
0x85: {  	v8 =	vsel vm0, $0x1, v4  }
0x86: {  	(xrf0) =	vadd.scan.msk.s32 $0xffff, v8;
	_ =	sdelay $0x2  }
0x87: {  	v8 =	vmov s30  }
0x88: {  	v8 =	vadd.s32 $0xFFFFFFFF, v8  }
0x89: {  	v8 =	vbroadcast v8, $0x0  }
0x8a: {  	v29, _, _ =	vpop (xrf0)  }
0x8b: {  	v8 =	vadd.s32 v29, v8  }
0x8c: {  	v30 =	vshra.s32 v8, $0x1F  }
0x8d: {  	(v2sf) =	vpush v29, $0xF;
	v10 =	vshrl.u32 v30, $0x19  }
0x8e: {  	v31 =	vadd.s32 v10, v8  }
0x8f: {  	v9 =	vshrl.u32 v31, $0x7  }
0x90: {  	v9 =	vshll.u32 v9, $0x7  }
0x91: {  	v8 =	vsub.s32 v8, v9  }
0x92: {  	v9 =	vshll.u32 v8, $0x18  }
0x93: {  	v9 =	vshra.s32 v9, $0x1F  }
0x94: {  	v9 =	vand.u32 $0x3F, v9  }
0x95: {  	v9 =	vadd.s32 v9, v8  }
0x96: {  	v9 =	vand.u32 $0xC0, v9  }
0x97: {  	v9 =	vsub.s32 v8, v9  }
0x98: {  	v9 =	vshll.u32 v9, $0x18  }
0x99: {  	v8 =	vshll.u32 v8, $0x1;
	v9 =	vshra.s32 v9, $0x18  }
0x9a: {  	v8 =	vand.u32 $0xFFFFFF80, v8;
	v32 =	vand.u32 $0xFFFFFF80, v9  }
0x9b: {  	v9 =	vand.u32 $0x7F, v9;
	v8 =	vadd.s32 v8, v32  }
0x9c: {  	s1 =	simm.s32 @p1 $0x0;
	s10 =	spop (v2sf);
	v8 =	vor.u32 v9, v8  }
0x9d: {  	s1 =	sadd.s32 s29, s1;
	s0 =	sadd.s32 s30, s10  }
0x9e: {  	s31 =	ssub.s32 s0, s1  }
0x9f: {  	s29 =	sadd.s32 $0x10, s28;
	p1 =	slt.s32 s31, $0x40  }
0xa0: {  	v33 =	vor.u32 s29, v6;
	s10 =	sshll.u32 @!p1 s1, $0x1  }
0xa1: {  	v7 =	vsub.s32 v7, v0;
	s10 =	sand.u32 @!p1 $0x80, s10;
	[tilespmem:v8+s18+$0x0] =	vst.idx.msk vm0, v33  }
0xa2: {  	s30 =	simm.s32 @!p1 $0x40;
	s31 =	simm.s32 @!p1 $0x1A340;
	s29 =	sor.u32 @!p1 $0x1C340, s10;
	[tilespmem:v8+s19+$0x0] =	vst.idx.msk vm0, v7  }
0xa3: {  	[tilespmem:s31], [sflag:$0x1] =	stream.indirect.gather @!p1 [hbm4b:s4+s30], $0x80, s29, s30, $0xb8;
	[tilespmem:$0x1D540] =	vst v63  }
0xa4: {  	s29 =	simm.s32 @!p1 $0x1  }
0xa5: {  	_ =	swait.ge @!p1 [sflag:s29], $0x2000  }
0xa6: {  	[sflag:s29] =	ssyncset.done @!p1 $0x0  }
0xa7: {  	s10 =	sor.u32 @!p1 $0x1C440, s10;
	[sflag:s29] =	ssyncadd.s32 @!p1 $0xFFFFE000  }
0xa8: {  	[spmem:s2] =	stream.indirect.scatter.add.f32 @!p1 [tilespmem:s31], [sflag:$0x2], $0x80, s10, s30, $0xb8;
	[tilespmem:$0x1D540] =	vst v63  }
0xa9: {  	s10 =	simm.s32 @!p1 $0x2  }
0xaa: {  	_ =	swait.ge @!p1 [sflag:s10], $0x2000  }
0xab: {  	[sflag:s10] =	ssyncset.done @!p1 $0x0  }
0xac: {  	[sflag:s10] =	ssyncadd.s32 @!p1 $0xFFFFE000  }
0xad: {  	v7 =	vld [tilespmem:s25+$0xFFFFFFE0];
	_ =	sdelay $0x4  }
0xae: {  	vm4 =	vge.s32 v7, v0;
	vm5 =	vlt.s32 v7, v1  }
0xaf: {  	vm0 =	vmand vm4, vm5  }
0xb0: {  	v8 =	vsel vm0, $0x1, v4  }
0xb1: {  	(xrf0) =	vadd.scan.msk.s32 $0xffff, v8;
	_ =	sdelay $0x2  }
0xb2: {  	v8 =	vmov s0  }
0xb3: {  	v8 =	vadd.s32 $0xFFFFFFFF, v8  }
0xb4: {  	v8 =	vbroadcast v8, $0x0  }
0xb5: {  	v34, _, _ =	vpop (xrf0)  }
0xb6: {  	v8 =	vadd.s32 v34, v8  }
0xb7: {  	v35 =	vshra.s32 v8, $0x1F  }
0xb8: {  	(v2sf) =	vpush v34, $0xF;
	v10 =	vshrl.u32 v35, $0x19  }
0xb9: {  	v36 =	vadd.s32 v10, v8  }
0xba: {  	v9 =	vshrl.u32 v36, $0x7  }
0xbb: {  	v9 =	vshll.u32 v9, $0x7  }
0xbc: {  	v8 =	vsub.s32 v8, v9  }
0xbd: {  	v9 =	vshll.u32 v8, $0x18  }
0xbe: {  	v9 =	vshra.s32 v9, $0x1F  }
0xbf: {  	v9 =	vand.u32 $0x3F, v9  }
0xc0: {  	v9 =	vadd.s32 v9, v8  }
0xc1: {  	v9 =	vand.u32 $0xC0, v9  }
0xc2: {  	v9 =	vsub.s32 v8, v9  }
0xc3: {  	v9 =	vshll.u32 v9, $0x18  }
0xc4: {  	v8 =	vshll.u32 v8, $0x1;
	v9 =	vshra.s32 v9, $0x18  }
0xc5: {  	v8 =	vand.u32 $0xFFFFFF80, v8;
	v37 =	vand.u32 $0xFFFFFF80, v9  }
0xc6: {  	v9 =	vand.u32 $0x7F, v9;
	v8 =	vadd.s32 v8, v37  }
0xc7: {  	s30 =	simm.s32 @p1 $0x0;
	s31 =	spop (v2sf);
	v8 =	vor.u32 v9, v8  }
0xc8: {  	s1 =	sadd.s32 s1, s30;
	s0 =	sadd.s32 s0, s31  }
0xc9: {  	s10 =	ssub.s32 s0, s1  }
0xca: {  	s29 =	sadd.s32 $0x20, s28;
	p1 =	slt.s32 s10, $0x40  }
0xcb: {  	v38 =	vor.u32 s29, v6;
	s10 =	sshll.u32 @!p1 s1, $0x1  }
0xcc: {  	v7 =	vsub.s32 v7, v0;
	s10 =	sand.u32 @!p1 $0x80, s10;
	[tilespmem:v8+s18+$0x0] =	vst.idx.msk vm0, v38  }
0xcd: {  	s30 =	simm.s32 @!p1 $0x40;
	s31 =	simm.s32 @!p1 $0x1A340;
	s29 =	sor.u32 @!p1 $0x1C340, s10;
	[tilespmem:v8+s19+$0x0] =	vst.idx.msk vm0, v7  }
0xce: {  	[tilespmem:s31], [sflag:$0x1] =	stream.indirect.gather @!p1 [hbm4b:s4+s30], $0x80, s29, s30, $0xb8;
	[tilespmem:$0x1D540] =	vst v63  }
0xcf: {  	s29 =	simm.s32 @!p1 $0x1  }
0xd0: {  	_ =	swait.ge @!p1 [sflag:s29], $0x2000  }
0xd1: {  	[sflag:s29] =	ssyncset.done @!p1 $0x0  }
0xd2: {  	s10 =	sor.u32 @!p1 $0x1C440, s10;
	[sflag:s29] =	ssyncadd.s32 @!p1 $0xFFFFE000  }
0xd3: {  	[spmem:s2] =	stream.indirect.scatter.add.f32 @!p1 [tilespmem:s31], [sflag:$0x2], $0x80, s10, s30, $0xb8;
	[tilespmem:$0x1D540] =	vst v63  }
0xd4: {  	s10 =	simm.s32 @!p1 $0x2  }
0xd5: {  	_ =	swait.ge @!p1 [sflag:s10], $0x2000  }
0xd6: {  	[sflag:s10] =	ssyncset.done @!p1 $0x0  }
0xd7: {  	[sflag:s10] =	ssyncadd.s32 @!p1 $0xFFFFE000  }
0xd8: {  	v7 =	vld [tilespmem:s25+$0xFFFFFFF0];
	_ =	sdelay $0x4  }
0xd9: {  	vm6 =	vge.s32 v7, v0;
	vm7 =	vlt.s32 v7, v1  }
0xda: {  	vm0 =	vmand vm6, vm7  }
0xdb: {  	v8 =	vsel vm0, $0x1, v4  }
0xdc: {  	(xrf0) =	vadd.scan.msk.s32 $0xffff, v8;
	_ =	sdelay $0x2  }
0xdd: {  	v8 =	vmov s0  }
0xde: {  	v8 =	vadd.s32 $0xFFFFFFFF, v8  }
0xdf: {  	v8 =	vbroadcast v8, $0x0  }
0xe0: {  	v39, _, _ =	vpop (xrf0)  }
0xe1: {  	v8 =	vadd.s32 v39, v8  }
0xe2: {  	v40 =	vshra.s32 v8, $0x1F  }
0xe3: {  	(v2sf) =	vpush v39, $0xF;
	v10 =	vshrl.u32 v40, $0x19  }
0xe4: {  	v41 =	vadd.s32 v10, v8  }
0xe5: {  	v9 =	vshrl.u32 v41, $0x7  }
0xe6: {  	v9 =	vshll.u32 v9, $0x7  }
0xe7: {  	v8 =	vsub.s32 v8, v9  }
0xe8: {  	v9 =	vshll.u32 v8, $0x18  }
0xe9: {  	v9 =	vshra.s32 v9, $0x1F  }
0xea: {  	v9 =	vand.u32 $0x3F, v9  }
0xeb: {  	v9 =	vadd.s32 v9, v8  }
0xec: {  	v9 =	vand.u32 $0xC0, v9  }
0xed: {  	v9 =	vsub.s32 v8, v9  }
0xee: {  	v9 =	vshll.u32 v9, $0x18  }
0xef: {  	v8 =	vshll.u32 v8, $0x1;
	v9 =	vshra.s32 v9, $0x18  }
0xf0: {  	v8 =	vand.u32 $0xFFFFFF80, v8;
	v42 =	vand.u32 $0xFFFFFF80, v9  }
0xf1: {  	v9 =	vand.u32 $0x7F, v9;
	v8 =	vadd.s32 v8, v42  }
0xf2: {  	s30 =	simm.s32 @p1 $0x0;
	s31 =	spop (v2sf);
	v8 =	vor.u32 v9, v8  }
0xf3: {  	s1 =	sadd.s32 s1, s30;
	s0 =	sadd.s32 s0, s31  }
0xf4: {  	s10 =	ssub.s32 s0, s1  }
0xf5: {  	s29 =	sadd.s32 $0x30, s28;
	p1 =	slt.s32 s10, $0x40  }
0xf6: {  	v43 =	vor.u32 s29, v6;
	s10 =	sshll.u32 @!p1 s1, $0x1  }
0xf7: {  	v7 =	vsub.s32 v7, v0;
	s10 =	sand.u32 @!p1 $0x80, s10;
	[tilespmem:v8+s18+$0x0] =	vst.idx.msk vm0, v43  }
0xf8: {  	s30 =	simm.s32 @!p1 $0x40;
	s31 =	simm.s32 @!p1 $0x1A340;
	s29 =	sor.u32 @!p1 $0x1C340, s10;
	[tilespmem:v8+s19+$0x0] =	vst.idx.msk vm0, v7  }
0xf9: {  	[tilespmem:s31], [sflag:$0x1] =	stream.indirect.gather @!p1 [hbm4b:s4+s30], $0x80, s29, s30, $0xb8;
	[tilespmem:$0x1D540] =	vst v63  }
0xfa: {  	s29 =	simm.s32 @!p1 $0x1  }
0xfb: {  	_ =	swait.ge @!p1 [sflag:s29], $0x2000  }
0xfc: {  	[sflag:s29] =	ssyncset.done @!p1 $0x0  }
0xfd: {  	s10 =	sor.u32 @!p1 $0x1C440, s10;
	[sflag:s29] =	ssyncadd.s32 @!p1 $0xFFFFE000  }
0xfe: {  	[spmem:s2] =	stream.indirect.scatter.add.f32 @!p1 [tilespmem:s31], [sflag:$0x2], $0x80, s10, s30, $0xb8;
	[tilespmem:$0x1D540] =	vst v63  }
0xff: {  	s10 =	simm.s32 @!p1 $0x2  }
0x100: {  	_ =	swait.ge @!p1 [sflag:s10], $0x2000  }
0x101: {  	[sflag:s10] =	ssyncset.done @!p1 $0x0  }
0x102: {  	[sflag:s10] =	ssyncadd.s32 @!p1 $0xFFFFE000  }
0x103: {  	v7 =	vld [tilespmem:s25+$0x0];
	_ =	sdelay $0x4  }
0x104: {  	vm8 =	vge.s32 v7, v0;
	vm9 =	vlt.s32 v7, v1  }
0x105: {  	vm0 =	vmand vm8, vm9  }
0x106: {  	v8 =	vsel vm0, $0x1, v4  }
0x107: {  	(xrf0) =	vadd.scan.msk.s32 $0xffff, v8;
	_ =	sdelay $0x2  }
0x108: {  	v8 =	vmov s0  }
0x109: {  	v8 =	vadd.s32 $0xFFFFFFFF, v8  }
0x10a: {  	v8 =	vbroadcast v8, $0x0  }
0x10b: {  	v44, _, _ =	vpop (xrf0)  }
0x10c: {  	v8 =	vadd.s32 v44, v8  }
0x10d: {  	v45 =	vshra.s32 v8, $0x1F  }
0x10e: {  	(v2sf) =	vpush v44, $0xF;
	v10 =	vshrl.u32 v45, $0x19  }
0x10f: {  	v46 =	vadd.s32 v10, v8  }
0x110: {  	v9 =	vshrl.u32 v46, $0x7  }
0x111: {  	v9 =	vshll.u32 v9, $0x7  }
0x112: {  	v8 =	vsub.s32 v8, v9  }
0x113: {  	v9 =	vshll.u32 v8, $0x18  }
0x114: {  	v9 =	vshra.s32 v9, $0x1F  }
0x115: {  	v9 =	vand.u32 $0x3F, v9  }
0x116: {  	v9 =	vadd.s32 v9, v8  }
0x117: {  	v9 =	vand.u32 $0xC0, v9  }
0x118: {  	v9 =	vsub.s32 v8, v9  }
0x119: {  	v9 =	vshll.u32 v9, $0x18  }
0x11a: {  	v8 =	vshll.u32 v8, $0x1;
	v9 =	vshra.s32 v9, $0x18  }
0x11b: {  	v8 =	vand.u32 $0xFFFFFF80, v8;
	v47 =	vand.u32 $0xFFFFFF80, v9  }
0x11c: {  	v9 =	vand.u32 $0x7F, v9;
	v8 =	vadd.s32 v8, v47  }
0x11d: {  	s30 =	simm.s32 @p1 $0x0;
	s31 =	spop (v2sf);
	v8 =	vor.u32 v9, v8  }
0x11e: {  	s1 =	sadd.s32 s1, s30;
	s0 =	sadd.s32 s0, s31  }
0x11f: {  	s10 =	ssub.s32 s0, s1  }
0x120: {  	s29 =	sadd.s32 $0x40, s28;
	p1 =	slt.s32 s10, $0x40  }
0x121: {  	v48 =	vor.u32 s29, v6;
	s10 =	sshll.u32 @!p1 s1, $0x1  }
0x122: {  	v7 =	vsub.s32 v7, v0;
	s10 =	sand.u32 @!p1 $0x80, s10;
	[tilespmem:v8+s18+$0x0] =	vst.idx.msk vm0, v48  }
0x123: {  	s30 =	simm.s32 @!p1 $0x40;
	s31 =	simm.s32 @!p1 $0x1A340;
	s29 =	sor.u32 @!p1 $0x1C340, s10;
	[tilespmem:v8+s19+$0x0] =	vst.idx.msk vm0, v7  }
0x124: {  	[tilespmem:s31], [sflag:$0x1] =	stream.indirect.gather @!p1 [hbm4b:s4+s30], $0x80, s29, s30, $0xb8;
	[tilespmem:$0x1D540] =	vst v63  }
0x125: {  	s29 =	simm.s32 @!p1 $0x1  }
0x126: {  	_ =	swait.ge @!p1 [sflag:s29], $0x2000  }
0x127: {  	[sflag:s29] =	ssyncset.done @!p1 $0x0  }
0x128: {  	s10 =	sor.u32 @!p1 $0x1C440, s10;
	[sflag:s29] =	ssyncadd.s32 @!p1 $0xFFFFE000  }
0x129: {  	[spmem:s2] =	stream.indirect.scatter.add.f32 @!p1 [tilespmem:s31], [sflag:$0x2], $0x80, s10, s30, $0xb8;
	[tilespmem:$0x1D540] =	vst v63  }
0x12a: {  	s10 =	simm.s32 @!p1 $0x2  }
0x12b: {  	_ =	swait.ge @!p1 [sflag:s10], $0x2000  }
0x12c: {  	[sflag:s10] =	ssyncset.done @!p1 $0x0  }
0x12d: {  	[sflag:s10] =	ssyncadd.s32 @!p1 $0xFFFFE000  }
0x12e: {  	v7 =	vld [tilespmem:s25+$0x10];
	_ =	sdelay $0x4  }
0x12f: {  	vm10 =	vge.s32 v7, v0;
	vm11 =	vlt.s32 v7, v1  }
0x130: {  	vm0 =	vmand vm10, vm11  }
0x131: {  	v8 =	vsel vm0, $0x1, v4  }
0x132: {  	(xrf0) =	vadd.scan.msk.s32 $0xffff, v8;
	_ =	sdelay $0x2  }
0x133: {  	v8 =	vmov s0  }
0x134: {  	v8 =	vadd.s32 $0xFFFFFFFF, v8  }
0x135: {  	v8 =	vbroadcast v8, $0x0  }
0x136: {  	v49, _, _ =	vpop (xrf0)  }
0x137: {  	v8 =	vadd.s32 v49, v8  }
0x138: {  	v50 =	vshra.s32 v8, $0x1F  }
0x139: {  	(v2sf) =	vpush v49, $0xF;
	v10 =	vshrl.u32 v50, $0x19  }
0x13a: {  	v51 =	vadd.s32 v10, v8  }
0x13b: {  	v9 =	vshrl.u32 v51, $0x7  }
0x13c: {  	v9 =	vshll.u32 v9, $0x7  }
0x13d: {  	v8 =	vsub.s32 v8, v9  }
0x13e: {  	v9 =	vshll.u32 v8, $0x18  }
0x13f: {  	v9 =	vshra.s32 v9, $0x1F  }
0x140: {  	v9 =	vand.u32 $0x3F, v9  }
0x141: {  	v9 =	vadd.s32 v9, v8  }
0x142: {  	v9 =	vand.u32 $0xC0, v9  }
0x143: {  	v9 =	vsub.s32 v8, v9  }
0x144: {  	v9 =	vshll.u32 v9, $0x18  }
0x145: {  	v8 =	vshll.u32 v8, $0x1;
	v9 =	vshra.s32 v9, $0x18  }
0x146: {  	v8 =	vand.u32 $0xFFFFFF80, v8;
	v52 =	vand.u32 $0xFFFFFF80, v9  }
0x147: {  	v9 =	vand.u32 $0x7F, v9;
	v8 =	vadd.s32 v8, v52  }
0x148: {  	s30 =	simm.s32 @p1 $0x0;
	s31 =	spop (v2sf);
	v8 =	vor.u32 v9, v8  }
0x149: {  	s1 =	sadd.s32 s1, s30;
	s0 =	sadd.s32 s0, s31  }
0x14a: {  	s10 =	ssub.s32 s0, s1  }
0x14b: {  	s29 =	sadd.s32 $0x50, s28;
	p1 =	slt.s32 s10, $0x40  }
0x14c: {  	v53 =	vor.u32 s29, v6;
	s10 =	sshll.u32 @!p1 s1, $0x1  }
0x14d: {  	v7 =	vsub.s32 v7, v0;
	s10 =	sand.u32 @!p1 $0x80, s10;
	[tilespmem:v8+s18+$0x0] =	vst.idx.msk vm0, v53  }
0x14e: {  	s30 =	simm.s32 @!p1 $0x40;
	s31 =	simm.s32 @!p1 $0x1A340;
	s29 =	sor.u32 @!p1 $0x1C340, s10;
	[tilespmem:v8+s19+$0x0] =	vst.idx.msk vm0, v7  }
0x14f: {  	[tilespmem:s31], [sflag:$0x1] =	stream.indirect.gather @!p1 [hbm4b:s4+s30], $0x80, s29, s30, $0xb8;
	[tilespmem:$0x1D540] =	vst v63  }
0x150: {  	s29 =	simm.s32 @!p1 $0x1  }
0x151: {  	_ =	swait.ge @!p1 [sflag:s29], $0x2000  }
0x152: {  	[sflag:s29] =	ssyncset.done @!p1 $0x0  }
0x153: {  	s10 =	sor.u32 @!p1 $0x1C440, s10;
	[sflag:s29] =	ssyncadd.s32 @!p1 $0xFFFFE000  }
0x154: {  	[spmem:s2] =	stream.indirect.scatter.add.f32 @!p1 [tilespmem:s31], [sflag:$0x2], $0x80, s10, s30, $0xb8;
	[tilespmem:$0x1D540] =	vst v63  }
0x155: {  	s10 =	simm.s32 @!p1 $0x2  }
0x156: {  	_ =	swait.ge @!p1 [sflag:s10], $0x2000  }
0x157: {  	[sflag:s10] =	ssyncset.done @!p1 $0x0  }
0x158: {  	[sflag:s10] =	ssyncadd.s32 @!p1 $0xFFFFE000  }
0x159: {  	v7 =	vld [tilespmem:s25+$0x20];
	_ =	sdelay $0x4  }
0x15a: {  	vm12 =	vge.s32 v7, v0;
	vm13 =	vlt.s32 v7, v1  }
0x15b: {  	vm0 =	vmand vm12, vm13  }
0x15c: {  	v8 =	vsel vm0, $0x1, v4  }
0x15d: {  	(xrf0) =	vadd.scan.msk.s32 $0xffff, v8;
	_ =	sdelay $0x2  }
0x15e: {  	v8 =	vmov s0  }
0x15f: {  	v8 =	vadd.s32 $0xFFFFFFFF, v8  }
0x160: {  	v8 =	vbroadcast v8, $0x0  }
0x161: {  	v54, _, _ =	vpop (xrf0)  }
0x162: {  	v8 =	vadd.s32 v54, v8  }
0x163: {  	v55 =	vshra.s32 v8, $0x1F  }
0x164: {  	(v2sf) =	vpush v54, $0xF;
	v10 =	vshrl.u32 v55, $0x19  }
0x165: {  	v56 =	vadd.s32 v10, v8  }
0x166: {  	v9 =	vshrl.u32 v56, $0x7  }
0x167: {  	v9 =	vshll.u32 v9, $0x7  }
0x168: {  	v8 =	vsub.s32 v8, v9  }
0x169: {  	v9 =	vshll.u32 v8, $0x18  }
0x16a: {  	v9 =	vshra.s32 v9, $0x1F  }
0x16b: {  	v9 =	vand.u32 $0x3F, v9  }
0x16c: {  	v9 =	vadd.s32 v9, v8  }
0x16d: {  	v9 =	vand.u32 $0xC0, v9  }
0x16e: {  	v9 =	vsub.s32 v8, v9  }
0x16f: {  	v9 =	vshll.u32 v9, $0x18  }
0x170: {  	v8 =	vshll.u32 v8, $0x1;
	v9 =	vshra.s32 v9, $0x18  }
0x171: {  	v8 =	vand.u32 $0xFFFFFF80, v8;
	v57 =	vand.u32 $0xFFFFFF80, v9  }
0x172: {  	v9 =	vand.u32 $0x7F, v9;
	v8 =	vadd.s32 v8, v57  }
0x173: {  	s30 =	simm.s32 @p1 $0x0;
	s31 =	spop (v2sf);
	v8 =	vor.u32 v9, v8  }
0x174: {  	s1 =	sadd.s32 s1, s30;
	s0 =	sadd.s32 s0, s31  }
0x175: {  	s10 =	ssub.s32 s0, s1  }
0x176: {  	s29 =	sadd.s32 $0x60, s28;
	p1 =	slt.s32 s10, $0x40  }
0x177: {  	v58 =	vor.u32 s29, v6;
	s10 =	sshll.u32 @!p1 s1, $0x1  }
0x178: {  	v7 =	vsub.s32 v7, v0;
	s10 =	sand.u32 @!p1 $0x80, s10;
	[tilespmem:v8+s18+$0x0] =	vst.idx.msk vm0, v58  }
0x179: {  	s30 =	simm.s32 @!p1 $0x40;
	s31 =	simm.s32 @!p1 $0x1A340;
	s29 =	sor.u32 @!p1 $0x1C340, s10;
	[tilespmem:v8+s19+$0x0] =	vst.idx.msk vm0, v7  }
0x17a: {  	[tilespmem:s31], [sflag:$0x1] =	stream.indirect.gather @!p1 [hbm4b:s4+s30], $0x80, s29, s30, $0xb8;
	[tilespmem:$0x1D540] =	vst v63  }
0x17b: {  	s29 =	simm.s32 @!p1 $0x1  }
0x17c: {  	_ =	swait.ge @!p1 [sflag:s29], $0x2000  }
0x17d: {  	[sflag:s29] =	ssyncset.done @!p1 $0x0  }
0x17e: {  	s10 =	sor.u32 @!p1 $0x1C440, s10;
	[sflag:s29] =	ssyncadd.s32 @!p1 $0xFFFFE000  }
0x17f: {  	[spmem:s2] =	stream.indirect.scatter.add.f32 @!p1 [tilespmem:s31], [sflag:$0x2], $0x80, s10, s30, $0xb8;
	[tilespmem:$0x1D540] =	vst v63  }
0x180: {  	s10 =	simm.s32 @!p1 $0x2  }
0x181: {  	_ =	swait.ge @!p1 [sflag:s10], $0x2000  }
0x182: {  	[sflag:s10] =	ssyncset.done @!p1 $0x0  }
0x183: {  	[sflag:s10] =	ssyncadd.s32 @!p1 $0xFFFFE000  }
0x184: {  	v7 =	vld [tilespmem:s25+$0x30];
	_ =	sdelay $0x4  }
0x185: {  	vm14 =	vge.s32 v7, v0;
	vm15 =	vlt.s32 v7, v1  }
0x186: {  	vm0 =	vmand vm14, vm15  }
0x187: {  	v8 =	vsel vm0, $0x1, v4  }
0x188: {  	(xrf0) =	vadd.scan.msk.s32 $0xffff, v8;
	_ =	sdelay $0x2  }
0x189: {  	v8 =	vmov s0  }
0x18a: {  	v8 =	vadd.s32 $0xFFFFFFFF, v8  }
0x18b: {  	v8 =	vbroadcast v8, $0x0  }
0x18c: {  	v59, _, _ =	vpop (xrf0)  }
0x18d: {  	v8 =	vadd.s32 v59, v8  }
0x18e: {  	v60 =	vshra.s32 v8, $0x1F  }
0x18f: {  	(v2sf) =	vpush v59, $0xF;
	v10 =	vshrl.u32 v60, $0x19  }
0x190: {  	v61 =	vadd.s32 v10, v8  }
0x191: {  	v9 =	vshrl.u32 v61, $0x7  }
0x192: {  	v9 =	vshll.u32 v9, $0x7  }
0x193: {  	v8 =	vsub.s32 v8, v9  }
0x194: {  	v9 =	vshll.u32 v8, $0x18  }
0x195: {  	v9 =	vshra.s32 v9, $0x1F  }
0x196: {  	v9 =	vand.u32 $0x3F, v9  }
0x197: {  	v9 =	vadd.s32 v9, v8  }
0x198: {  	v9 =	vand.u32 $0xC0, v9  }
0x199: {  	v9 =	vsub.s32 v8, v9  }
0x19a: {  	v9 =	vshll.u32 v9, $0x18  }
0x19b: {  	v8 =	vshll.u32 v8, $0x1;
	v9 =	vshra.s32 v9, $0x18  }
0x19c: {  	v8 =	vand.u32 $0xFFFFFF80, v8;
	v62 =	vand.u32 $0xFFFFFF80, v9  }
0x19d: {  	v9 =	vand.u32 $0x7F, v9;
	v8 =	vadd.s32 v8, v62  }
0x19e: {  	s30 =	simm.s32 @p1 $0x0;
	s31 =	spop (v2sf);
	v8 =	vor.u32 v9, v8  }
0x19f: {  	s1 =	sadd.s32 s1, s30;
	s30 =	sadd.s32 s0, s31  }
0x1a0: {  	s0 =	ssub.s32 s30, s1  }
0x1a1: {  	s28 =	sadd.s32 $0x70, s28;
	p1 =	slt.s32 s0, $0x40  }
0x1a2: {  	v63 =	vor.u32 s28, v6;
	s0 =	sshll.u32 @!p1 s1, $0x1  }
0x1a3: {  	v7 =	vsub.s32 v7, v0;
	s0 =	sand.u32 @!p1 $0x80, s0;
	[tilespmem:v8+s18+$0x0] =	vst.idx.msk vm0, v63  }
0x1a4: {  	s28 =	simm.s32 @!p1 $0x40;
	s29 =	simm.s32 @!p1 $0x1A340;
	s10 =	sor.u32 @!p1 $0x1C340, s0;
	[tilespmem:v8+s19+$0x0] =	vst.idx.msk vm0, v7  }
0x1a5: {  	[tilespmem:s29], [sflag:$0x1] =	stream.indirect.gather @!p1 [hbm4b:s4+s28], $0x80, s10, s28, $0xb8;
	[tilespmem:$0x1D540] =	vst v63  }
0x1a6: {  	s10 =	simm.s32 @!p1 $0x1  }
0x1a7: {  	_ =	swait.ge @!p1 [sflag:s10], $0x2000  }
0x1a8: {  	[sflag:s10] =	ssyncset.done @!p1 $0x0  }
0x1a9: {  	s0 =	sor.u32 @!p1 $0x1C440, s0;
	[sflag:s10] =	ssyncadd.s32 @!p1 $0xFFFFE000  }
0x1aa: {  	[spmem:s2] =	stream.indirect.scatter.add.f32 @!p1 [tilespmem:s29], [sflag:$0x2], $0x80, s0, s28, $0xb8;
	[tilespmem:$0x1D540] =	vst v63  }
0x1ab: {  	s0 =	simm.s32 @!p1 $0x2  }
0x1ac: {  	_ =	swait.ge @!p1 [sflag:s0], $0x2000  }
0x1ad: {  	s26 =	sadd.s32 $0x80, s26;
	s31 =	rddreg [dreg:$0x3]  }
0x1ae: {  	p2 =	sne.s32 s31, s26  }
.Ltmp6:
0x1af: {  	_ = 	snop;
	(pc) =	sbr.rel @p2 .LBB2_8-.Ltmp6, $3  }
0x1b0: {  	_ =	sdelay $0x1  }
0x1b1: {  	s28 =	simm.s32 @p1 $0x0;
	[sflag:s0] =	ssyncset.done @!p1 $0x0  }
0x1b2: {  	s25 =	sadd.s32 $0x80, s25;
	s29 =	sadd.s32 s1, s28;
	[sflag:s0] =	ssyncadd.s32 @!p1 $0xFFFFE000  }
.Ltmp7:
0x1b3: {  	_ = 	snop;
	(pc) =	sbr.rel .LBB2_9-.Ltmp7, $1  }
0x1b4: {  	_ =	sdelay $0x3  }
.LBB2_10:
0x1b5: {  	s0 =	ssub.s32 s30, s29  }
0x1b6: {  	p1 =	slt.s32 s0, $0x1  }
0x1b7: {  	s1 =	sshll.u32 @!p1 s29, $0x1  }
0x1b8: {  	s1 =	sand.u32 @!p1 $0x80, s1  }
0x1b9: {  	v7 =	vld @!p1 [tilespmem:s1+$0x1C440]  }
0x1ba: {  	v8 =	vld @!p1 [tilespmem:s1+$0x1C450]  }
0x1bb: {  	v9 =	vld @!p1 [tilespmem:s1+$0x1C460]  }
0x1bc: {  	v10 =	vmov @!p1 s0;
	v11 =	vlaneseq.u32 @!p1;
	v12 =	vld @!p1 [tilespmem:s1+$0x1C470]  }
0x1bd: {  	vm0 =	vgt.s32 @!p1 v10, v11;
	v13 =	vor.u32 @!p1 $0x10, v11  }
0x1be: {  	v7 =	vnsel @!p1 vm0, $0x30E0, v7;
	vm0 =	vgt.s32 @!p1 v10, v13;
	v13 =	vor.u32 @!p1 $0x20, v11  }
0x1bf: {  	[tilespmem:s1+$0x1C440] =	vst @!p1 v7;
	v7 =	vnsel @!p1 vm0, $0x30E0, v8;
	vm0 =	vgt.s32 @!p1 v10, v13;
	v8 =	vor.u32 @!p1 $0x30, v11  }
0x1c0: {  	[tilespmem:s1+$0x1C450] =	vst @!p1 v7;
	v7 =	vnsel @!p1 vm0, $0x30E0, v9;
	vm0 =	vgt.s32 @!p1 v10, v8  }
0x1c1: {  	[tilespmem:s1+$0x1C460] =	vst @!p1 v7;
	v7 =	vnsel @!p1 vm0, $0x30E0, v12  }
0x1c2: {  	s10 =	simm.s32 @!p1 $0x40;
	s21 =	simm.s32 @!p1 $0x1A340;
	s0 =	sor.u32 @!p1 $0x1C340, s1;
	[tilespmem:s1+$0x1C470] =	vst @!p1 v7  }
0x1c3: {  	[tilespmem:s21], [sflag:$0x1] =	stream.indirect.gather @!p1 [hbm4b:s4+s10], $0x80, s0, s10, $0xb8;
	[tilespmem:$0x1D540] =	vst v63  }
0x1c4: {  	s0 =	simm.s32 @!p1 $0x1  }
0x1c5: {  	_ =	swait.ge @!p1 [sflag:s0], $0x2000  }
0x1c6: {  	[sflag:s0] =	ssyncset.done @!p1 $0x0  }
0x1c7: {  	s1 =	sor.u32 @!p1 $0x1C440, s1;
	[sflag:s0] =	ssyncadd.s32 @!p1 $0xFFFFE000;
	s0 =	simm.s32 @!p1 $0x2  }
0x1c8: {  	[spmem:s2] =	stream.indirect.scatter.add.f32 @!p1 [tilespmem:s21], [sflag:$0x2], $0x80, s1, s10, $0xb8;
	[tilespmem:$0x1D540] =	vst v63  }
0x1c9: {  	_ =	swait.ge @!p1 [sflag:s0], $0x2000  }
0x1ca: {  	[sflag:s0] =	ssyncset.done @!p1 $0x0  }
0x1cb: {  	[sflag:s0] =	ssyncadd.s32 @!p1 $0xFFFFE000  }
0x1cc: {  	[bflag:$0x0] =	sbarrier.arrive $0xFFFF  }
0x1cd: {  	[tilespmem:s15], [sflag:$0x2] =	stream.linear.gather [spmem:s11], $0x1000, $0x38;
	[tilespmem:$0x1D540] =	vst v63  }
0x1ce: {  	_ =	swait.ge [sflag:s16], $0x1000  }
.Ltmp8:
0x1cf: {  	[sflag:s16] =	ssyncset.done $0x0;
	(pc) =	sbr.rel @!p0 .LBB2_12-.Ltmp8, $4  }
0x1d0: {  	[sflag:s16] =	ssyncadd.s32 $0xFFFFF000  }
0x1d1: {  	[hbm4b:s13+s3] =	stream.linear.scatter [tilespmem:s15], [sflag:$0x2], $0x1000, $0x38;
	[tilespmem:$0x1D540] =	vst v63  }
0x1d2: {  	s22 =	smov.u32 s13;
	_ =	swait.ge [sflag:s16], $0x1000  }
0x1d3: {  	s23 =	smov.u32 s11;
	s21 =	sadd.s32 $0xFFFFFFFF, s8;
	[sflag:s16] =	ssyncset.done $0x0  }
.LBB2_11:
0x1d4: {  	[sflag:s16] =	ssyncadd.s32 $0xFFFFF000;
	s22 =	sadd.s32 $0x200, s22;
	s23 =	sadd.s32 $0x1000, s23  }
0x1d5: {  	[tilespmem:s15], [sflag:$0x2] =	stream.linear.gather [spmem:s23], $0x1000, $0x38;
	[tilespmem:$0x1D540] =	vst v63  }
0x1d6: {  	p1 =	sne.s32 s21, $0x1;
	s21 =	sadd.s32 $0xFFFFFFFF, s21;
	_ =	swait.ge [sflag:s16], $0x1000  }
.Ltmp9:
0x1d7: {  	[sflag:s16] =	ssyncset.done $0x0;
	(pc) =	sbr.rel @p1 .LBB2_11-.Ltmp9, $4  }
0x1d8: {  	[sflag:s16] =	ssyncadd.s32 $0xFFFFF000  }
0x1d9: {  	[hbm4b:s22+s3] =	stream.linear.scatter [tilespmem:s15], [sflag:$0x2], $0x1000, $0x38;
	[tilespmem:$0x1D540] =	vst v63  }
0x1da: {  	_ =	swait.ge [sflag:s16], $0x1000  }
0x1db: {  	[sflag:s16] =	ssyncset.done $0x0  }
.LBB2_12:
0x1dc: {  	[sflag:s16] =	ssyncadd.s32 $0xFFFFF000  }
0x1dd: {  	s21 =	simm.s32 $0x0;
	s22 =	simm.s32 $0x200;
	[bflag:$0x0] =	sbarrier.arrive $0xFFFF  }
.LBB2_13:
0x1de: {  	p1 =	sne.s32 s22, $0x3E00;
	[tilespmem:s21+$0x1C5B0] =	vst v3  }
0x1df: {  	[tilespmem:s21+$0x1C540] =	vst v3  }
0x1e0: {  	[tilespmem:s21+$0x1C550] =	vst v3  }
.Ltmp10:
0x1e1: {  	[tilespmem:s21+$0x1C560] =	vst v3;
	(pc) =	sbr.rel @p1 .LBB2_13-.Ltmp10, $4  }
0x1e2: {  	[tilespmem:s21+$0x1C570] =	vst v3  }
0x1e3: {  	[tilespmem:s21+$0x1C580] =	vst v3  }
0x1e4: {  	[tilespmem:s21+$0x1C590] =	vst v3  }
0x1e5: {  	[tilespmem:s21+$0x1C5A0] =	vst v3;
	s21 =	sshra.s32 s22, $0x2;
	s22 =	sadd.s32 $0x200, s22  }
0x1e6: {  	[tilespmem:s21+$0x1C5B0] =	vst v3  }
0x1e7: {  	[tilespmem:s21+$0x1C540] =	vst v3  }
0x1e8: {  	[tilespmem:s21+$0x1C550] =	vst v3  }
0x1e9: {  	[tilespmem:s21+$0x1C560] =	vst v3  }
0x1ea: {  	[tilespmem:s21+$0x1C570] =	vst v3  }
0x1eb: {  	[tilespmem:s21+$0x1C580] =	vst v3  }
.Ltmp11:
0x1ec: {  	[tilespmem:s21+$0x1C590] =	vst v3;
	(pc) =	sbr.rel @!p0 .LBB2_16-.Ltmp11, $4  }
0x1ed: {  	[tilespmem:s21+$0x1C5A0] =	vst v3  }
0x1ee: {  	[spmem:s11] =	stream.linear.scatter [tilespmem:s15], [sflag:$0x2], $0x1000, $0x38;
	[tilespmem:$0x1D540] =	vst v63  }
0x1ef: {  	_ =	swait.ge [sflag:s16], $0x1000  }
0x1f0: {  	s21 =	sadd.s32 $0xFFFFFFFF, s8;
	s22 =	smov.u32 s11;
	[sflag:s16] =	ssyncset.done $0x0  }
.LBB2_15:
0x1f1: {  	p1 =	sne.s32 s21, $0x1;
	[sflag:s16] =	ssyncadd.s32 $0xFFFFF000;
	s22 =	sadd.s32 $0x1000, s22  }
.Ltmp12:
0x1f2: {  	s21 =	sadd.s32 $0xFFFFFFFF, s21;
	(pc) =	sbr.rel @p1 .LBB2_15-.Ltmp12, $4  }
0x1f3: {  	_ = 	snop  }
0x1f4: {  	[spmem:s22] =	stream.linear.scatter [tilespmem:s15], [sflag:$0x2], $0x1000, $0x38;
	[tilespmem:$0x1D540] =	vst v63  }
0x1f5: {  	_ =	swait.ge [sflag:s16], $0x1000  }
0x1f6: {  	[sflag:s16] =	ssyncset.done $0x0  }
.LBB2_16:
0x1f7: {  	[sflag:s16] =	ssyncadd.s32 $0xFFFFF000  }
0x1f8: {  	[tilespmem:$0x1C340] =	vst v4  }
0x1f9: {  	[tilespmem:$0x1C440] =	vst v5  }
0x1fa: {  	[tilespmem:$0x1C350] =	vst v4  }
0x1fb: {  	[tilespmem:$0x1C450] =	vst v5  }
0x1fc: {  	[tilespmem:$0x1C360] =	vst v4  }
0x1fd: {  	[tilespmem:$0x1C460] =	vst v5  }
0x1fe: {  	[tilespmem:$0x1C370] =	vst v4  }
0x1ff: {  	[tilespmem:$0x1C470] =	vst v5  }
0x200: {  	[tilespmem:$0x1C3C0] =	vst v4  }
0x201: {  	[tilespmem:$0x1C4C0] =	vst v5  }
0x202: {  	[tilespmem:$0x1C3D0] =	vst v4  }
0x203: {  	[tilespmem:$0x1C4D0] =	vst v5  }
0x204: {  	[tilespmem:$0x1C3E0] =	vst v4  }
.Ltmp13:
0x205: {  	[tilespmem:$0x1C4E0] =	vst v5;
	(pc) =	sbr.rel .LBB2_17-.Ltmp13, $4  }
0x206: {  	[tilespmem:$0x1C3F0] =	vst v4  }
0x207: {  	s21 =	simm.s32 $0x0;
	[tilespmem:$0x1C4F0] =	vst v5  }
0x208: {  	s22 =	smov.u32 s12;
	s23 =	smov.u32 s9;
	[bflag:$0x0] =	sbarrier.arrive $0xFFFF  }
0x209: {  	s29 =	simm.s32 $0x0;
	s30 =	simm.s32 $0x0;
	s24 =	simm.s32 $0x0  }
.LBB2_20:
0x20a: {  	s24 =	sadd.s32 $0x1, s24  }
0x20b: {  	p1 =	sne.s32 s24, $0x7  }
.Ltmp14:
0x20c: {  	_ = 	snop;
	(pc) =	sbr.rel @!p1 .LBB2_21-.Ltmp14, $2  }
0x20d: {  	_ =	sdelay $0x2  }
0x20e: {  	s23 =	sadd.s32 $0xFFFFFFC8, s23;
	s22 =	sadd.s32 $0x1C00, s22  }
.LBB2_17:
0x20f: {  	s0 =	smul.u32 $0x38, s24;
	_ =	sdelay $0x1  }
0x210: {  	s1 =	sadd.s32 s6, s0  }
0x211: {  	p1 =	sle.s32 s7, s0;
	s1 =	sshll.u32 s1, $0x4  }
.Ltmp15:
0x212: {  	s1 =	sadd.s32 s5, s1;
	(pc) =	sbr.rel @p1 .LBB2_20-.Ltmp15, $4  }
0x213: {  	[tilespmem:s17], [sflag:$0x2] =	stream.linear.gather [hbm4b:s1+s21], $0x1C00, $0x38;
	[tilespmem:$0x1D540] =	vst v63  }
0x214: {  	_ =	swait.ge [sflag:s16], $0x1C00  }
0x215: {  	[sflag:s16] =	ssyncset.done $0x0  }
0x216: {  	[sflag:s16] =	ssyncadd.s32 $0xFFFFE400  }
0x217: {  	p1 =	sgt.s32 s23, $0x1;
	s0 =	smov.u32 s23  }
0x218: {  	s0 =	simm.s32 @!p1 $0x1  }
0x219: {  	s0 =	smin.u32 s0, $0x38  }
0x21a: {  	s0 =	sshll.u32 s0, $0x7  }
0x21b: {  	s25 =	simm.s32 $0x18780;
	s26 =	simm.s32 $0x0;
	[dreg:$0x4] =	wrdreg s0  }
.LBB2_19:
0x21c: {  	v7 =	vld [tilespmem:s25+$0xFFFFFFC0];
	_ =	sdelay $0x4  }
0x21d: {  	vm0 =	vge.s32 v7, v1;
	vm1 =	vlt.s32 v7, v2  }
0x21e: {  	vm0 =	vmand vm0, vm1  }
0x21f: {  	v8 =	vsel vm0, $0x1, v4  }
0x220: {  	(xrf0) =	vadd.scan.msk.s32 $0xffff, v8;
	_ =	sdelay $0x2  }
0x221: {  	v8 =	vmov s30  }
0x222: {  	v8 =	vadd.s32 $0xFFFFFFFF, v8  }
0x223: {  	v8 =	vbroadcast v8, $0x0  }
0x224: {  	v9, _, _ =	vpop (xrf0)  }
0x225: {  	v8 =	vadd.s32 v9, v8  }
0x226: {  	v10 =	vshra.s32 v8, $0x1F  }
0x227: {  	(v2sf) =	vpush v9, $0xF;
	v10 =	vshrl.u32 v10, $0x19  }
0x228: {  	v26 =	vadd.s32 v10, v8  }
0x229: {  	v9 =	vshrl.u32 v26, $0x7  }
0x22a: {  	v9 =	vshll.u32 v9, $0x7  }
0x22b: {  	v8 =	vsub.s32 v8, v9  }
0x22c: {  	v9 =	vshll.u32 v8, $0x18  }
0x22d: {  	v9 =	vshra.s32 v9, $0x1F  }
0x22e: {  	v9 =	vand.u32 $0x3F, v9  }
0x22f: {  	v9 =	vadd.s32 v9, v8  }
0x230: {  	v9 =	vand.u32 $0xC0, v9  }
0x231: {  	v9 =	vsub.s32 v8, v9  }
0x232: {  	v9 =	vshll.u32 v9, $0x18  }
0x233: {  	v8 =	vshll.u32 v8, $0x1;
	v9 =	vshra.s32 v9, $0x18  }
0x234: {  	v8 =	vand.u32 $0xFFFFFF80, v8;
	v27 =	vand.u32 $0xFFFFFF80, v9  }
0x235: {  	v9 =	vand.u32 $0x7F, v9;
	v8 =	vadd.s32 v8, v27  }
0x236: {  	s0 =	spop (v2sf);
	v8 =	vor.u32 v9, v8  }
0x237: {  	s0 =	sadd.s32 s30, s0  }
0x238: {  	s1 =	ssub.s32 s0, s29  }
0x239: {  	s28 =	sadd.s32 s26, s22;
	p1 =	slt.s32 s1, $0x40  }
0x23a: {  	v28 =	vor.u32 s28, v6;
	s1 =	sshll.u32 @!p1 s29, $0x1  }
0x23b: {  	v7 =	vsub.s32 v7, v1;
	s1 =	sand.u32 @!p1 $0x80, s1;
	[tilespmem:v8+s18+$0x0] =	vst.idx.msk vm0, v28  }
0x23c: {  	s30 =	simm.s32 @!p1 $0x40;
	s31 =	simm.s32 @!p1 $0x1A340;
	s10 =	sor.u32 @!p1 $0x1C340, s1;
	[tilespmem:v8+s19+$0x0] =	vst.idx.msk vm0, v7  }
0x23d: {  	[tilespmem:s31], [sflag:$0x1] =	stream.indirect.gather @!p1 [hbm4b:s4+s30], $0x80, s10, s30, $0xb8;
	[tilespmem:$0x1D540] =	vst v63  }
0x23e: {  	s10 =	simm.s32 @!p1 $0x1  }
0x23f: {  	_ =	swait.ge @!p1 [sflag:s10], $0x2000  }
0x240: {  	[sflag:s10] =	ssyncset.done @!p1 $0x0  }
0x241: {  	s1 =	sor.u32 @!p1 $0x1C440, s1;
	[sflag:s10] =	ssyncadd.s32 @!p1 $0xFFFFE000  }
0x242: {  	[spmem:s2] =	stream.indirect.scatter.add.f32 @!p1 [tilespmem:s31], [sflag:$0x2], $0x80, s1, s30, $0xb8;
	[tilespmem:$0x1D540] =	vst v63  }
0x243: {  	s1 =	simm.s32 @!p1 $0x2  }
0x244: {  	_ =	swait.ge @!p1 [sflag:s1], $0x2000  }
0x245: {  	[sflag:s1] =	ssyncset.done @!p1 $0x0  }
0x246: {  	[sflag:s1] =	ssyncadd.s32 @!p1 $0xFFFFE000  }
0x247: {  	v7 =	vld [tilespmem:s25+$0xFFFFFFD0];
	_ =	sdelay $0x4  }
0x248: {  	vm14 =	vge.s32 v7, v1;
	vm15 =	vlt.s32 v7, v2  }
0x249: {  	vm0 =	vmand vm14, vm15  }
0x24a: {  	v8 =	vsel vm0, $0x1, v4  }
0x24b: {  	(xrf0) =	vadd.scan.msk.s32 $0xffff, v8;
	_ =	sdelay $0x2  }
0x24c: {  	v8 =	vmov s0  }
0x24d: {  	v8 =	vadd.s32 $0xFFFFFFFF, v8  }
0x24e: {  	v8 =	vbroadcast v8, $0x0  }
0x24f: {  	v29, _, _ =	vpop (xrf0)  }
0x250: {  	v8 =	vadd.s32 v29, v8  }
0x251: {  	v30 =	vshra.s32 v8, $0x1F  }
0x252: {  	(v2sf) =	vpush v29, $0xF;
	v10 =	vshrl.u32 v30, $0x19  }
0x253: {  	v31 =	vadd.s32 v10, v8  }
0x254: {  	v9 =	vshrl.u32 v31, $0x7  }
0x255: {  	v9 =	vshll.u32 v9, $0x7  }
0x256: {  	v8 =	vsub.s32 v8, v9  }
0x257: {  	v9 =	vshll.u32 v8, $0x18  }
0x258: {  	v9 =	vshra.s32 v9, $0x1F  }
0x259: {  	v9 =	vand.u32 $0x3F, v9  }
0x25a: {  	v9 =	vadd.s32 v9, v8  }
0x25b: {  	v9 =	vand.u32 $0xC0, v9  }
0x25c: {  	v9 =	vsub.s32 v8, v9  }
0x25d: {  	v9 =	vshll.u32 v9, $0x18  }
0x25e: {  	v8 =	vshll.u32 v8, $0x1;
	v9 =	vshra.s32 v9, $0x18  }
0x25f: {  	v8 =	vand.u32 $0xFFFFFF80, v8;
	v32 =	vand.u32 $0xFFFFFF80, v9  }
0x260: {  	v9 =	vand.u32 $0x7F, v9;
	v8 =	vadd.s32 v8, v32  }
0x261: {  	s30 =	simm.s32 @p1 $0x0;
	s31 =	spop (v2sf);
	v8 =	vor.u32 v9, v8  }
0x262: {  	s10 =	sadd.s32 s29, s30;
	s0 =	sadd.s32 s0, s31  }
0x263: {  	s1 =	ssub.s32 s0, s10  }
0x264: {  	s29 =	sadd.s32 $0x10, s28;
	p1 =	slt.s32 s1, $0x40  }
0x265: {  	v33 =	vor.u32 s29, v6;
	s1 =	sshll.u32 @!p1 s10, $0x1  }
0x266: {  	v7 =	vsub.s32 v7, v1;
	s1 =	sand.u32 @!p1 $0x80, s1;
	[tilespmem:v8+s18+$0x0] =	vst.idx.msk vm0, v33  }
0x267: {  	s30 =	simm.s32 @!p1 $0x40;
	s31 =	simm.s32 @!p1 $0x1A340;
	s29 =	sor.u32 @!p1 $0x1C340, s1;
	[tilespmem:v8+s19+$0x0] =	vst.idx.msk vm0, v7  }
0x268: {  	[tilespmem:s31], [sflag:$0x1] =	stream.indirect.gather @!p1 [hbm4b:s4+s30], $0x80, s29, s30, $0xb8;
	[tilespmem:$0x1D540] =	vst v63  }
0x269: {  	s29 =	simm.s32 @!p1 $0x1  }
0x26a: {  	_ =	swait.ge @!p1 [sflag:s29], $0x2000  }
0x26b: {  	[sflag:s29] =	ssyncset.done @!p1 $0x0  }
0x26c: {  	s1 =	sor.u32 @!p1 $0x1C440, s1;
	[sflag:s29] =	ssyncadd.s32 @!p1 $0xFFFFE000  }
0x26d: {  	[spmem:s2] =	stream.indirect.scatter.add.f32 @!p1 [tilespmem:s31], [sflag:$0x2], $0x80, s1, s30, $0xb8;
	[tilespmem:$0x1D540] =	vst v63  }
0x26e: {  	s1 =	simm.s32 @!p1 $0x2  }
0x26f: {  	_ =	swait.ge @!p1 [sflag:s1], $0x2000  }
0x270: {  	[sflag:s1] =	ssyncset.done @!p1 $0x0  }
0x271: {  	[sflag:s1] =	ssyncadd.s32 @!p1 $0xFFFFE000  }
0x272: {  	v7 =	vld [tilespmem:s25+$0xFFFFFFE0];
	_ =	sdelay $0x4  }
0x273: {  	vm4 =	vge.s32 v7, v1;
	vm5 =	vlt.s32 v7, v2  }
0x274: {  	vm0 =	vmand vm4, vm5  }
0x275: {  	v8 =	vsel vm0, $0x1, v4  }
0x276: {  	(xrf0) =	vadd.scan.msk.s32 $0xffff, v8;
	_ =	sdelay $0x2  }
0x277: {  	v8 =	vmov s0  }
0x278: {  	v8 =	vadd.s32 $0xFFFFFFFF, v8  }
0x279: {  	v8 =	vbroadcast v8, $0x0  }
0x27a: {  	v34, _, _ =	vpop (xrf0)  }
0x27b: {  	v8 =	vadd.s32 v34, v8  }
0x27c: {  	v35 =	vshra.s32 v8, $0x1F  }
0x27d: {  	(v2sf) =	vpush v34, $0xF;
	v10 =	vshrl.u32 v35, $0x19  }
0x27e: {  	v36 =	vadd.s32 v10, v8  }
0x27f: {  	v9 =	vshrl.u32 v36, $0x7  }
0x280: {  	v9 =	vshll.u32 v9, $0x7  }
0x281: {  	v8 =	vsub.s32 v8, v9  }
0x282: {  	v9 =	vshll.u32 v8, $0x18  }
0x283: {  	v9 =	vshra.s32 v9, $0x1F  }
0x284: {  	v9 =	vand.u32 $0x3F, v9  }
0x285: {  	v9 =	vadd.s32 v9, v8  }
0x286: {  	v9 =	vand.u32 $0xC0, v9  }
0x287: {  	v9 =	vsub.s32 v8, v9  }
0x288: {  	v9 =	vshll.u32 v9, $0x18  }
0x289: {  	v8 =	vshll.u32 v8, $0x1;
	v9 =	vshra.s32 v9, $0x18  }
0x28a: {  	v8 =	vand.u32 $0xFFFFFF80, v8;
	v37 =	vand.u32 $0xFFFFFF80, v9  }
0x28b: {  	v9 =	vand.u32 $0x7F, v9;
	v8 =	vadd.s32 v8, v37  }
0x28c: {  	s30 =	simm.s32 @p1 $0x0;
	s31 =	spop (v2sf);
	v8 =	vor.u32 v9, v8  }
0x28d: {  	s10 =	sadd.s32 s10, s30;
	s0 =	sadd.s32 s0, s31  }
0x28e: {  	s1 =	ssub.s32 s0, s10  }
0x28f: {  	s29 =	sadd.s32 $0x20, s28;
	p1 =	slt.s32 s1, $0x40  }
0x290: {  	v38 =	vor.u32 s29, v6;
	s1 =	sshll.u32 @!p1 s10, $0x1  }
0x291: {  	v7 =	vsub.s32 v7, v1;
	s1 =	sand.u32 @!p1 $0x80, s1;
	[tilespmem:v8+s18+$0x0] =	vst.idx.msk vm0, v38  }
0x292: {  	s30 =	simm.s32 @!p1 $0x40;
	s31 =	simm.s32 @!p1 $0x1A340;
	s29 =	sor.u32 @!p1 $0x1C340, s1;
	[tilespmem:v8+s19+$0x0] =	vst.idx.msk vm0, v7  }
0x293: {  	[tilespmem:s31], [sflag:$0x1] =	stream.indirect.gather @!p1 [hbm4b:s4+s30], $0x80, s29, s30, $0xb8;
	[tilespmem:$0x1D540] =	vst v63  }
0x294: {  	s29 =	simm.s32 @!p1 $0x1  }
0x295: {  	_ =	swait.ge @!p1 [sflag:s29], $0x2000  }
0x296: {  	[sflag:s29] =	ssyncset.done @!p1 $0x0  }
0x297: {  	s1 =	sor.u32 @!p1 $0x1C440, s1;
	[sflag:s29] =	ssyncadd.s32 @!p1 $0xFFFFE000  }
0x298: {  	[spmem:s2] =	stream.indirect.scatter.add.f32 @!p1 [tilespmem:s31], [sflag:$0x2], $0x80, s1, s30, $0xb8;
	[tilespmem:$0x1D540] =	vst v63  }
0x299: {  	s1 =	simm.s32 @!p1 $0x2  }
0x29a: {  	_ =	swait.ge @!p1 [sflag:s1], $0x2000  }
0x29b: {  	[sflag:s1] =	ssyncset.done @!p1 $0x0  }
0x29c: {  	[sflag:s1] =	ssyncadd.s32 @!p1 $0xFFFFE000  }
0x29d: {  	v7 =	vld [tilespmem:s25+$0xFFFFFFF0];
	_ =	sdelay $0x4  }
0x29e: {  	vm6 =	vge.s32 v7, v1;
	vm7 =	vlt.s32 v7, v2  }
0x29f: {  	vm0 =	vmand vm6, vm7  }
0x2a0: {  	v8 =	vsel vm0, $0x1, v4  }
0x2a1: {  	(xrf0) =	vadd.scan.msk.s32 $0xffff, v8;
	_ =	sdelay $0x2  }
0x2a2: {  	v8 =	vmov s0  }
0x2a3: {  	v8 =	vadd.s32 $0xFFFFFFFF, v8  }
0x2a4: {  	v8 =	vbroadcast v8, $0x0  }
0x2a5: {  	v39, _, _ =	vpop (xrf0)  }
0x2a6: {  	v8 =	vadd.s32 v39, v8  }
0x2a7: {  	v40 =	vshra.s32 v8, $0x1F  }
0x2a8: {  	(v2sf) =	vpush v39, $0xF;
	v10 =	vshrl.u32 v40, $0x19  }
0x2a9: {  	v41 =	vadd.s32 v10, v8  }
0x2aa: {  	v9 =	vshrl.u32 v41, $0x7  }
0x2ab: {  	v9 =	vshll.u32 v9, $0x7  }
0x2ac: {  	v8 =	vsub.s32 v8, v9  }
0x2ad: {  	v9 =	vshll.u32 v8, $0x18  }
0x2ae: {  	v9 =	vshra.s32 v9, $0x1F  }
0x2af: {  	v9 =	vand.u32 $0x3F, v9  }
0x2b0: {  	v9 =	vadd.s32 v9, v8  }
0x2b1: {  	v9 =	vand.u32 $0xC0, v9  }
0x2b2: {  	v9 =	vsub.s32 v8, v9  }
0x2b3: {  	v9 =	vshll.u32 v9, $0x18  }
0x2b4: {  	v8 =	vshll.u32 v8, $0x1;
	v9 =	vshra.s32 v9, $0x18  }
0x2b5: {  	v8 =	vand.u32 $0xFFFFFF80, v8;
	v42 =	vand.u32 $0xFFFFFF80, v9  }
0x2b6: {  	v9 =	vand.u32 $0x7F, v9;
	v8 =	vadd.s32 v8, v42  }
0x2b7: {  	s30 =	simm.s32 @p1 $0x0;
	s31 =	spop (v2sf);
	v8 =	vor.u32 v9, v8  }
0x2b8: {  	s10 =	sadd.s32 s10, s30;
	s0 =	sadd.s32 s0, s31  }
0x2b9: {  	s1 =	ssub.s32 s0, s10  }
0x2ba: {  	s29 =	sadd.s32 $0x30, s28;
	p1 =	slt.s32 s1, $0x40  }
0x2bb: {  	v43 =	vor.u32 s29, v6;
	s1 =	sshll.u32 @!p1 s10, $0x1  }
0x2bc: {  	v7 =	vsub.s32 v7, v1;
	s1 =	sand.u32 @!p1 $0x80, s1;
	[tilespmem:v8+s18+$0x0] =	vst.idx.msk vm0, v43  }
0x2bd: {  	s30 =	simm.s32 @!p1 $0x40;
	s31 =	simm.s32 @!p1 $0x1A340;
	s29 =	sor.u32 @!p1 $0x1C340, s1;
	[tilespmem:v8+s19+$0x0] =	vst.idx.msk vm0, v7  }
0x2be: {  	[tilespmem:s31], [sflag:$0x1] =	stream.indirect.gather @!p1 [hbm4b:s4+s30], $0x80, s29, s30, $0xb8;
	[tilespmem:$0x1D540] =	vst v63  }
0x2bf: {  	s29 =	simm.s32 @!p1 $0x1  }
0x2c0: {  	_ =	swait.ge @!p1 [sflag:s29], $0x2000  }
0x2c1: {  	[sflag:s29] =	ssyncset.done @!p1 $0x0  }
0x2c2: {  	s1 =	sor.u32 @!p1 $0x1C440, s1;
	[sflag:s29] =	ssyncadd.s32 @!p1 $0xFFFFE000  }
0x2c3: {  	[spmem:s2] =	stream.indirect.scatter.add.f32 @!p1 [tilespmem:s31], [sflag:$0x2], $0x80, s1, s30, $0xb8;
	[tilespmem:$0x1D540] =	vst v63  }
0x2c4: {  	s1 =	simm.s32 @!p1 $0x2  }
0x2c5: {  	_ =	swait.ge @!p1 [sflag:s1], $0x2000  }
0x2c6: {  	[sflag:s1] =	ssyncset.done @!p1 $0x0  }
0x2c7: {  	[sflag:s1] =	ssyncadd.s32 @!p1 $0xFFFFE000  }
0x2c8: {  	v7 =	vld [tilespmem:s25+$0x0];
	_ =	sdelay $0x4  }
0x2c9: {  	vm8 =	vge.s32 v7, v1;
	vm9 =	vlt.s32 v7, v2  }
0x2ca: {  	vm0 =	vmand vm8, vm9  }
0x2cb: {  	v8 =	vsel vm0, $0x1, v4  }
0x2cc: {  	(xrf0) =	vadd.scan.msk.s32 $0xffff, v8;
	_ =	sdelay $0x2  }
0x2cd: {  	v8 =	vmov s0  }
0x2ce: {  	v8 =	vadd.s32 $0xFFFFFFFF, v8  }
0x2cf: {  	v8 =	vbroadcast v8, $0x0  }
0x2d0: {  	v44, _, _ =	vpop (xrf0)  }
0x2d1: {  	v8 =	vadd.s32 v44, v8  }
0x2d2: {  	v45 =	vshra.s32 v8, $0x1F  }
0x2d3: {  	(v2sf) =	vpush v44, $0xF;
	v10 =	vshrl.u32 v45, $0x19  }
0x2d4: {  	v46 =	vadd.s32 v10, v8  }
0x2d5: {  	v9 =	vshrl.u32 v46, $0x7  }
0x2d6: {  	v9 =	vshll.u32 v9, $0x7  }
0x2d7: {  	v8 =	vsub.s32 v8, v9  }
0x2d8: {  	v9 =	vshll.u32 v8, $0x18  }
0x2d9: {  	v9 =	vshra.s32 v9, $0x1F  }
0x2da: {  	v9 =	vand.u32 $0x3F, v9  }
0x2db: {  	v9 =	vadd.s32 v9, v8  }
0x2dc: {  	v9 =	vand.u32 $0xC0, v9  }
0x2dd: {  	v9 =	vsub.s32 v8, v9  }
0x2de: {  	v9 =	vshll.u32 v9, $0x18  }
0x2df: {  	v8 =	vshll.u32 v8, $0x1;
	v9 =	vshra.s32 v9, $0x18  }
0x2e0: {  	v8 =	vand.u32 $0xFFFFFF80, v8;
	v47 =	vand.u32 $0xFFFFFF80, v9  }
0x2e1: {  	v9 =	vand.u32 $0x7F, v9;
	v8 =	vadd.s32 v8, v47  }
0x2e2: {  	s30 =	simm.s32 @p1 $0x0;
	s31 =	spop (v2sf);
	v8 =	vor.u32 v9, v8  }
0x2e3: {  	s10 =	sadd.s32 s10, s30;
	s0 =	sadd.s32 s0, s31  }
0x2e4: {  	s1 =	ssub.s32 s0, s10  }
0x2e5: {  	s29 =	sadd.s32 $0x40, s28;
	p1 =	slt.s32 s1, $0x40  }
0x2e6: {  	v48 =	vor.u32 s29, v6;
	s1 =	sshll.u32 @!p1 s10, $0x1  }
0x2e7: {  	v7 =	vsub.s32 v7, v1;
	s1 =	sand.u32 @!p1 $0x80, s1;
	[tilespmem:v8+s18+$0x0] =	vst.idx.msk vm0, v48  }
0x2e8: {  	s30 =	simm.s32 @!p1 $0x40;
	s31 =	simm.s32 @!p1 $0x1A340;
	s29 =	sor.u32 @!p1 $0x1C340, s1;
	[tilespmem:v8+s19+$0x0] =	vst.idx.msk vm0, v7  }
0x2e9: {  	[tilespmem:s31], [sflag:$0x1] =	stream.indirect.gather @!p1 [hbm4b:s4+s30], $0x80, s29, s30, $0xb8;
	[tilespmem:$0x1D540] =	vst v63  }
0x2ea: {  	s29 =	simm.s32 @!p1 $0x1  }
0x2eb: {  	_ =	swait.ge @!p1 [sflag:s29], $0x2000  }
0x2ec: {  	[sflag:s29] =	ssyncset.done @!p1 $0x0  }
0x2ed: {  	s1 =	sor.u32 @!p1 $0x1C440, s1;
	[sflag:s29] =	ssyncadd.s32 @!p1 $0xFFFFE000  }
0x2ee: {  	[spmem:s2] =	stream.indirect.scatter.add.f32 @!p1 [tilespmem:s31], [sflag:$0x2], $0x80, s1, s30, $0xb8;
	[tilespmem:$0x1D540] =	vst v63  }
0x2ef: {  	s1 =	simm.s32 @!p1 $0x2  }
0x2f0: {  	_ =	swait.ge @!p1 [sflag:s1], $0x2000  }
0x2f1: {  	[sflag:s1] =	ssyncset.done @!p1 $0x0  }
0x2f2: {  	[sflag:s1] =	ssyncadd.s32 @!p1 $0xFFFFE000  }
0x2f3: {  	v7 =	vld [tilespmem:s25+$0x10];
	_ =	sdelay $0x4  }
0x2f4: {  	vm10 =	vge.s32 v7, v1;
	vm11 =	vlt.s32 v7, v2  }
0x2f5: {  	vm0 =	vmand vm10, vm11  }
0x2f6: {  	v8 =	vsel vm0, $0x1, v4  }
0x2f7: {  	(xrf0) =	vadd.scan.msk.s32 $0xffff, v8;
	_ =	sdelay $0x2  }
0x2f8: {  	v8 =	vmov s0  }
0x2f9: {  	v8 =	vadd.s32 $0xFFFFFFFF, v8  }
0x2fa: {  	v8 =	vbroadcast v8, $0x0  }
0x2fb: {  	v49, _, _ =	vpop (xrf0)  }
0x2fc: {  	v8 =	vadd.s32 v49, v8  }
0x2fd: {  	v50 =	vshra.s32 v8, $0x1F  }
0x2fe: {  	(v2sf) =	vpush v49, $0xF;
	v10 =	vshrl.u32 v50, $0x19  }
0x2ff: {  	v51 =	vadd.s32 v10, v8  }
0x300: {  	v9 =	vshrl.u32 v51, $0x7  }
0x301: {  	v9 =	vshll.u32 v9, $0x7  }
0x302: {  	v8 =	vsub.s32 v8, v9  }
0x303: {  	v9 =	vshll.u32 v8, $0x18  }
0x304: {  	v9 =	vshra.s32 v9, $0x1F  }
0x305: {  	v9 =	vand.u32 $0x3F, v9  }
0x306: {  	v9 =	vadd.s32 v9, v8  }
0x307: {  	v9 =	vand.u32 $0xC0, v9  }
0x308: {  	v9 =	vsub.s32 v8, v9  }
0x309: {  	v9 =	vshll.u32 v9, $0x18  }
0x30a: {  	v8 =	vshll.u32 v8, $0x1;
	v9 =	vshra.s32 v9, $0x18  }
0x30b: {  	v8 =	vand.u32 $0xFFFFFF80, v8;
	v52 =	vand.u32 $0xFFFFFF80, v9  }
0x30c: {  	v9 =	vand.u32 $0x7F, v9;
	v8 =	vadd.s32 v8, v52  }
0x30d: {  	s30 =	simm.s32 @p1 $0x0;
	s31 =	spop (v2sf);
	v8 =	vor.u32 v9, v8  }
0x30e: {  	s10 =	sadd.s32 s10, s30;
	s0 =	sadd.s32 s0, s31  }
0x30f: {  	s1 =	ssub.s32 s0, s10  }
0x310: {  	s29 =	sadd.s32 $0x50, s28;
	p1 =	slt.s32 s1, $0x40  }
0x311: {  	v53 =	vor.u32 s29, v6;
	s1 =	sshll.u32 @!p1 s10, $0x1  }
0x312: {  	v7 =	vsub.s32 v7, v1;
	s1 =	sand.u32 @!p1 $0x80, s1;
	[tilespmem:v8+s18+$0x0] =	vst.idx.msk vm0, v53  }
0x313: {  	s30 =	simm.s32 @!p1 $0x40;
	s31 =	simm.s32 @!p1 $0x1A340;
	s29 =	sor.u32 @!p1 $0x1C340, s1;
	[tilespmem:v8+s19+$0x0] =	vst.idx.msk vm0, v7  }
0x314: {  	[tilespmem:s31], [sflag:$0x1] =	stream.indirect.gather @!p1 [hbm4b:s4+s30], $0x80, s29, s30, $0xb8;
	[tilespmem:$0x1D540] =	vst v63  }
0x315: {  	s29 =	simm.s32 @!p1 $0x1  }
0x316: {  	_ =	swait.ge @!p1 [sflag:s29], $0x2000  }
0x317: {  	[sflag:s29] =	ssyncset.done @!p1 $0x0  }
0x318: {  	s1 =	sor.u32 @!p1 $0x1C440, s1;
	[sflag:s29] =	ssyncadd.s32 @!p1 $0xFFFFE000  }
0x319: {  	[spmem:s2] =	stream.indirect.scatter.add.f32 @!p1 [tilespmem:s31], [sflag:$0x2], $0x80, s1, s30, $0xb8;
	[tilespmem:$0x1D540] =	vst v63  }
0x31a: {  	s1 =	simm.s32 @!p1 $0x2  }
0x31b: {  	_ =	swait.ge @!p1 [sflag:s1], $0x2000  }
0x31c: {  	[sflag:s1] =	ssyncset.done @!p1 $0x0  }
0x31d: {  	[sflag:s1] =	ssyncadd.s32 @!p1 $0xFFFFE000  }
0x31e: {  	v7 =	vld [tilespmem:s25+$0x20];
	_ =	sdelay $0x4  }
0x31f: {  	vm12 =	vge.s32 v7, v1;
	vm13 =	vlt.s32 v7, v2  }
0x320: {  	vm0 =	vmand vm12, vm13  }
0x321: {  	v8 =	vsel vm0, $0x1, v4  }
0x322: {  	(xrf0) =	vadd.scan.msk.s32 $0xffff, v8;
	_ =	sdelay $0x2  }
0x323: {  	v8 =	vmov s0  }
0x324: {  	v8 =	vadd.s32 $0xFFFFFFFF, v8  }
0x325: {  	v8 =	vbroadcast v8, $0x0  }
0x326: {  	v54, _, _ =	vpop (xrf0)  }
0x327: {  	v8 =	vadd.s32 v54, v8  }
0x328: {  	v55 =	vshra.s32 v8, $0x1F  }
0x329: {  	(v2sf) =	vpush v54, $0xF;
	v10 =	vshrl.u32 v55, $0x19  }
0x32a: {  	v56 =	vadd.s32 v10, v8  }
0x32b: {  	v9 =	vshrl.u32 v56, $0x7  }
0x32c: {  	v9 =	vshll.u32 v9, $0x7  }
0x32d: {  	v8 =	vsub.s32 v8, v9  }
0x32e: {  	v9 =	vshll.u32 v8, $0x18  }
0x32f: {  	v9 =	vshra.s32 v9, $0x1F  }
0x330: {  	v9 =	vand.u32 $0x3F, v9  }
0x331: {  	v9 =	vadd.s32 v9, v8  }
0x332: {  	v9 =	vand.u32 $0xC0, v9  }
0x333: {  	v9 =	vsub.s32 v8, v9  }
0x334: {  	v9 =	vshll.u32 v9, $0x18  }
0x335: {  	v8 =	vshll.u32 v8, $0x1;
	v9 =	vshra.s32 v9, $0x18  }
0x336: {  	v8 =	vand.u32 $0xFFFFFF80, v8;
	v57 =	vand.u32 $0xFFFFFF80, v9  }
0x337: {  	v9 =	vand.u32 $0x7F, v9;
	v8 =	vadd.s32 v8, v57  }
0x338: {  	s30 =	simm.s32 @p1 $0x0;
	s31 =	spop (v2sf);
	v8 =	vor.u32 v9, v8  }
0x339: {  	s10 =	sadd.s32 s10, s30;
	s0 =	sadd.s32 s0, s31  }
0x33a: {  	s1 =	ssub.s32 s0, s10  }
0x33b: {  	s29 =	sadd.s32 $0x60, s28;
	p1 =	slt.s32 s1, $0x40  }
0x33c: {  	v58 =	vor.u32 s29, v6;
	s1 =	sshll.u32 @!p1 s10, $0x1  }
0x33d: {  	v7 =	vsub.s32 v7, v1;
	s1 =	sand.u32 @!p1 $0x80, s1;
	[tilespmem:v8+s18+$0x0] =	vst.idx.msk vm0, v58  }
0x33e: {  	s30 =	simm.s32 @!p1 $0x40;
	s31 =	simm.s32 @!p1 $0x1A340;
	s29 =	sor.u32 @!p1 $0x1C340, s1;
	[tilespmem:v8+s19+$0x0] =	vst.idx.msk vm0, v7  }
0x33f: {  	[tilespmem:s31], [sflag:$0x1] =	stream.indirect.gather @!p1 [hbm4b:s4+s30], $0x80, s29, s30, $0xb8;
	[tilespmem:$0x1D540] =	vst v63  }
0x340: {  	s29 =	simm.s32 @!p1 $0x1  }
0x341: {  	_ =	swait.ge @!p1 [sflag:s29], $0x2000  }
0x342: {  	[sflag:s29] =	ssyncset.done @!p1 $0x0  }
0x343: {  	s1 =	sor.u32 @!p1 $0x1C440, s1;
	[sflag:s29] =	ssyncadd.s32 @!p1 $0xFFFFE000  }
0x344: {  	[spmem:s2] =	stream.indirect.scatter.add.f32 @!p1 [tilespmem:s31], [sflag:$0x2], $0x80, s1, s30, $0xb8;
	[tilespmem:$0x1D540] =	vst v63  }
0x345: {  	s1 =	simm.s32 @!p1 $0x2  }
0x346: {  	_ =	swait.ge @!p1 [sflag:s1], $0x2000  }
0x347: {  	[sflag:s1] =	ssyncset.done @!p1 $0x0  }
0x348: {  	[sflag:s1] =	ssyncadd.s32 @!p1 $0xFFFFE000  }
0x349: {  	v7 =	vld [tilespmem:s25+$0x30];
	_ =	sdelay $0x4  }
0x34a: {  	vm14 =	vge.s32 v7, v1;
	vm15 =	vlt.s32 v7, v2  }
0x34b: {  	vm0 =	vmand vm14, vm15  }
0x34c: {  	v8 =	vsel vm0, $0x1, v4  }
0x34d: {  	(xrf0) =	vadd.scan.msk.s32 $0xffff, v8;
	_ =	sdelay $0x2  }
0x34e: {  	v8 =	vmov s0  }
0x34f: {  	v8 =	vadd.s32 $0xFFFFFFFF, v8  }
0x350: {  	v8 =	vbroadcast v8, $0x0  }
0x351: {  	v59, _, _ =	vpop (xrf0)  }
0x352: {  	v8 =	vadd.s32 v59, v8  }
0x353: {  	v60 =	vshra.s32 v8, $0x1F  }
0x354: {  	(v2sf) =	vpush v59, $0xF;
	v10 =	vshrl.u32 v60, $0x19  }
0x355: {  	v61 =	vadd.s32 v10, v8  }
0x356: {  	v9 =	vshrl.u32 v61, $0x7  }
0x357: {  	v9 =	vshll.u32 v9, $0x7  }
0x358: {  	v8 =	vsub.s32 v8, v9  }
0x359: {  	v9 =	vshll.u32 v8, $0x18  }
0x35a: {  	v9 =	vshra.s32 v9, $0x1F  }
0x35b: {  	v9 =	vand.u32 $0x3F, v9  }
0x35c: {  	v9 =	vadd.s32 v9, v8  }
0x35d: {  	v9 =	vand.u32 $0xC0, v9  }
0x35e: {  	v9 =	vsub.s32 v8, v9  }
0x35f: {  	v9 =	vshll.u32 v9, $0x18  }
0x360: {  	v8 =	vshll.u32 v8, $0x1;
	v9 =	vshra.s32 v9, $0x18  }
0x361: {  	v8 =	vand.u32 $0xFFFFFF80, v8;
	v62 =	vand.u32 $0xFFFFFF80, v9  }
0x362: {  	v9 =	vand.u32 $0x7F, v9;
	v8 =	vadd.s32 v8, v62  }
0x363: {  	s30 =	simm.s32 @p1 $0x0;
	s31 =	spop (v2sf);
	v8 =	vor.u32 v9, v8  }
0x364: {  	s10 =	sadd.s32 s10, s30;
	s30 =	sadd.s32 s0, s31  }
0x365: {  	s0 =	ssub.s32 s30, s10  }
0x366: {  	s28 =	sadd.s32 $0x70, s28;
	p1 =	slt.s32 s0, $0x40  }
0x367: {  	v63 =	vor.u32 s28, v6;
	s0 =	sshll.u32 @!p1 s10, $0x1  }
0x368: {  	v7 =	vsub.s32 v7, v1;
	s0 =	sand.u32 @!p1 $0x80, s0;
	[tilespmem:v8+s18+$0x0] =	vst.idx.msk vm0, v63  }
0x369: {  	s28 =	simm.s32 @!p1 $0x40;
	s29 =	simm.s32 @!p1 $0x1A340;
	s1 =	sor.u32 @!p1 $0x1C340, s0;
	[tilespmem:v8+s19+$0x0] =	vst.idx.msk vm0, v7  }
0x36a: {  	[tilespmem:s29], [sflag:$0x1] =	stream.indirect.gather @!p1 [hbm4b:s4+s28], $0x80, s1, s28, $0xb8;
	[tilespmem:$0x1D540] =	vst v63  }
0x36b: {  	s1 =	simm.s32 @!p1 $0x1  }
0x36c: {  	_ =	swait.ge @!p1 [sflag:s1], $0x2000  }
0x36d: {  	[sflag:s1] =	ssyncset.done @!p1 $0x0  }
0x36e: {  	s0 =	sor.u32 @!p1 $0x1C440, s0;
	[sflag:s1] =	ssyncadd.s32 @!p1 $0xFFFFE000  }
0x36f: {  	[spmem:s2] =	stream.indirect.scatter.add.f32 @!p1 [tilespmem:s29], [sflag:$0x2], $0x80, s0, s28, $0xb8;
	[tilespmem:$0x1D540] =	vst v63  }
0x370: {  	s0 =	simm.s32 @!p1 $0x2  }
0x371: {  	_ =	swait.ge @!p1 [sflag:s0], $0x2000  }
0x372: {  	s26 =	sadd.s32 $0x80, s26;
	s31 =	rddreg [dreg:$0x4]  }
0x373: {  	p2 =	sne.s32 s31, s26  }
.Ltmp16:
0x374: {  	_ = 	snop;
	(pc) =	sbr.rel @p2 .LBB2_19-.Ltmp16, $3  }
0x375: {  	_ =	sdelay $0x1  }
0x376: {  	s28 =	simm.s32 @p1 $0x0;
	[sflag:s0] =	ssyncset.done @!p1 $0x0  }
0x377: {  	s25 =	sadd.s32 $0x80, s25;
	s29 =	sadd.s32 s10, s28;
	[sflag:s0] =	ssyncadd.s32 @!p1 $0xFFFFE000  }
.Ltmp17:
0x378: {  	_ = 	snop;
	(pc) =	sbr.rel .LBB2_20-.Ltmp17, $1  }
0x379: {  	_ =	sdelay $0x3  }
.LBB2_21:
0x37a: {  	s0 =	ssub.s32 s30, s29  }
0x37b: {  	p1 =	slt.s32 s0, $0x1  }
0x37c: {  	s1 =	sshll.u32 @!p1 s29, $0x1  }
0x37d: {  	s1 =	sand.u32 @!p1 $0x80, s1  }
0x37e: {  	v7 =	vld @!p1 [tilespmem:s1+$0x1C440]  }
0x37f: {  	v8 =	vld @!p1 [tilespmem:s1+$0x1C450]  }
0x380: {  	v9 =	vld @!p1 [tilespmem:s1+$0x1C460]  }
0x381: {  	v10 =	vmov @!p1 s0;
	v11 =	vlaneseq.u32 @!p1;
	v12 =	vld @!p1 [tilespmem:s1+$0x1C470]  }
0x382: {  	vm0 =	vgt.s32 @!p1 v10, v11;
	v13 =	vor.u32 @!p1 $0x10, v11  }
0x383: {  	v7 =	vnsel @!p1 vm0, $0x30E0, v7;
	vm0 =	vgt.s32 @!p1 v10, v13;
	v13 =	vor.u32 @!p1 $0x20, v11  }
0x384: {  	[tilespmem:s1+$0x1C440] =	vst @!p1 v7;
	v7 =	vnsel @!p1 vm0, $0x30E0, v8;
	vm0 =	vgt.s32 @!p1 v10, v13;
	v8 =	vor.u32 @!p1 $0x30, v11  }
0x385: {  	[tilespmem:s1+$0x1C450] =	vst @!p1 v7;
	v7 =	vnsel @!p1 vm0, $0x30E0, v9;
	vm0 =	vgt.s32 @!p1 v10, v8  }
0x386: {  	[tilespmem:s1+$0x1C460] =	vst @!p1 v7;
	v7 =	vnsel @!p1 vm0, $0x30E0, v12  }
0x387: {  	s10 =	simm.s32 @!p1 $0x40;
	s21 =	simm.s32 @!p1 $0x1A340;
	s0 =	sor.u32 @!p1 $0x1C340, s1;
	[tilespmem:s1+$0x1C470] =	vst @!p1 v7  }
0x388: {  	[tilespmem:s21], [sflag:$0x1] =	stream.indirect.gather @!p1 [hbm4b:s4+s10], $0x80, s0, s10, $0xb8;
	[tilespmem:$0x1D540] =	vst v63  }
0x389: {  	s0 =	simm.s32 @!p1 $0x1  }
0x38a: {  	_ =	swait.ge @!p1 [sflag:s0], $0x2000  }
0x38b: {  	[sflag:s0] =	ssyncset.done @!p1 $0x0  }
0x38c: {  	s1 =	sor.u32 @!p1 $0x1C440, s1;
	[sflag:s0] =	ssyncadd.s32 @!p1 $0xFFFFE000;
	s0 =	simm.s32 @!p1 $0x2  }
0x38d: {  	[spmem:s2] =	stream.indirect.scatter.add.f32 @!p1 [tilespmem:s21], [sflag:$0x2], $0x80, s1, s10, $0xb8;
	[tilespmem:$0x1D540] =	vst v63  }
0x38e: {  	_ =	swait.ge @!p1 [sflag:s0], $0x2000  }
0x38f: {  	[sflag:s0] =	ssyncset.done @!p1 $0x0  }
0x390: {  	[sflag:s0] =	ssyncadd.s32 @!p1 $0xFFFFE000  }
0x391: {  	[bflag:$0x0] =	sbarrier.arrive $0xFFFF  }
0x392: {  	[tilespmem:s15], [sflag:$0x2] =	stream.linear.gather [spmem:s11], $0x1000, $0x38;
	[tilespmem:$0x1D540] =	vst v63  }
0x393: {  	_ =	swait.ge [sflag:s16], $0x1000  }
.Ltmp18:
0x394: {  	[sflag:s16] =	ssyncset.done $0x0;
	(pc) =	sbr.rel @!p0 .LBB2_23-.Ltmp18, $4  }
0x395: {  	[sflag:s16] =	ssyncadd.s32 $0xFFFFF000  }
0x396: {  	[hbm4b:s14+s3] =	stream.linear.scatter [tilespmem:s15], [sflag:$0x2], $0x1000, $0x38;
	[tilespmem:$0x1D540] =	vst v63  }
0x397: {  	s22 =	smov.u32 s14;
	_ =	swait.ge [sflag:s16], $0x1000  }
0x398: {  	s23 =	smov.u32 s11;
	s21 =	sadd.s32 $0xFFFFFFFF, s8;
	[sflag:s16] =	ssyncset.done $0x0  }
.LBB2_22:
0x399: {  	[sflag:s16] =	ssyncadd.s32 $0xFFFFF000;
	s22 =	sadd.s32 $0x200, s22;
	s23 =	sadd.s32 $0x1000, s23  }
0x39a: {  	[tilespmem:s15], [sflag:$0x2] =	stream.linear.gather [spmem:s23], $0x1000, $0x38;
	[tilespmem:$0x1D540] =	vst v63  }
0x39b: {  	p0 =	sne.s32 s21, $0x1;
	s21 =	sadd.s32 $0xFFFFFFFF, s21;
	_ =	swait.ge [sflag:s16], $0x1000  }
.Ltmp19:
0x39c: {  	[sflag:s16] =	ssyncset.done $0x0;
	(pc) =	sbr.rel @p0 .LBB2_22-.Ltmp19, $4  }
0x39d: {  	[sflag:s16] =	ssyncadd.s32 $0xFFFFF000  }
0x39e: {  	[hbm4b:s22+s3] =	stream.linear.scatter [tilespmem:s15], [sflag:$0x2], $0x1000, $0x38;
	[tilespmem:$0x1D540] =	vst v63  }
0x39f: {  	_ =	swait.ge [sflag:s16], $0x1000  }
0x3a0: {  	[sflag:s16] =	ssyncset.done $0x0  }
.LBB2_23:
0x3a1: {  	s20 =	sadd.s32 $0x1, s20;
	s0 =	rddreg [dreg:$0x5]  }
0x3a2: {  	p0 =	sne.s32 s20, s0  }
.Ltmp20:
0x3a3: {  	_ = 	snop;
	(pc) =	sbr.rel @p0 .LBB2_1-.Ltmp20, $3  }
0x3a4: {  	_ = 	snop  }
0x3a5: {  	[sflag:s16] =	ssyncadd.s32 $0xFFFFF000  }
0x3a6: {  	[bflag:$0x0] =	sbarrier.arrive $0xFFFF;
	_ =	sdelay $0x1  }
0x3a7: {  	_ =	sfence.sel $0x180000  }
0x3a8: {  	[bflag:$0x0] =	sbarrier.arrive $0xFFFF  }
0x3a9: {  	_ =	strace $0x9000004A  }
0x3aa: {  	s0 =	stileid.u32;
	[bflag:$0x2] =	sbarrier.arrive $0xFFFF  }
0x3ab: {  	p0 =	sne.s32 s0, $0x0;
	s0 =	rddreg [dreg:$0x2]  }
0x3ac: {  	s0 =	sadd.s32 @!p0 $0x100000, s0  }
0x3ad: {  	[sflag:s0] =	ssyncadd.tile.s32 @!p0 $0x1;
	_ =	shalt  }
.Lfunc_end2:
_tile_overlayer_lowered:
.L_overlay_start_2:
0x3ae: {  	(tag) =	ssettag $0x2  }
0x3af: {  	s0 =	rddreg [dreg:$0x0];
	s2 =	stileid.u32  }
0x3b0: {  	s1 =	rddreg [dreg:$0x1];
	p0 =	sne.s32 s2, $0x0  }
0x3b1: {  	s3 =	rddreg [dreg:$0x2];
	[bflag:$0x3] =	sbarrier.arrive $0xFFFF;
	s2 =	simm.s32 @!p0 $0x1C02  }
0x3b2: {  	[timem:s3], [sflag:s2] =	dma.local @!p0 [hbm:s0], s1  }
0x3b3: {  	s0 =	simm.s32 @!p0 $0x2  }
0x3b4: {  	_ =	swait.ge @!p0 [sflag:s0], s1  }
0x3b5: {  	s1 =	ssub.s32 @!p0 $0x0, s1;
	[sflag:s0] =	ssyncset.done @!p0 $0x0  }
0x3b6: {  	[sflag:s0] =	ssyncadd.s32 @!p0 s1  }
0x3b7: {  	[bflag:$0x3] =	sbarrier.arrive $0xFFFF  }
0x3b8: {  	_ =	shalt  }

</sc_bundles>
